<compile_context>
chip_gen: v7x
topology: tpu7x:2x2x1
jax: 0.10.2.dev20260603
libtpu: 0.0.44.dev20260713+nightly
codegen_flags: <defaults>
</compile_context>

<pallas_src>
import functools

import jax
import jax.numpy as jnp
from jax import lax
from jax.experimental import pallas as pl
from jax.experimental.pallas import tpu as pltpu
from jax.experimental.pallas import tpu_sc as plsc

N = 10000
E = 320000
IN_DIM = 128
HID_DIM = 128
Z_DIM = 64

NC = 2
NS = 16
NW = NC * NS
NP = 10240
RPT = NP // NS
EPW = E // NW
CH = 80
ZR = 64
CAP16 = 752
CAP = CAP16 * 16
ACH = 128
CAPG = CAP // ACH
SCH = 1600
EPC = E // NC

BR = 512
GRID = NP // BR

_mesh = plsc.VectorSubcoreMesh(
    core_axis_name="c", subcore_axis_name="s", num_cores=NC, num_subcores=NS)


@functools.partial(
    pl.kernel,
    out_type=(jax.ShapeDtypeStruct((NC, NP), jnp.float32),
              jax.ShapeDtypeStruct((NC, NP), jnp.float32)),
    mesh=_mesh,
    scratch_types=[
        pltpu.VMEM((CH,), jnp.int32),
        pltpu.VMEM((CH,), jnp.int32),
        pltpu.VMEM((CH,), jnp.float32),
        pltpu.VMEM((RPT,), jnp.float32),
        pltpu.VMEM_SHARED((NP,), jnp.float32),
        pltpu.VMEM_SHARED((NP,), jnp.float32),
    ],
)
def _sc_degrees(src_hbm, dst_hbm, ones_hbm, zrow_hbm,
                dego_hbm, degi_hbm,
                src_v, dst_v, ones_v, wb_v, acco_sh, acci_sh):
    c = lax.axis_index("c")
    s = lax.axis_index("s")
    pltpu.sync_copy(ones_hbm, ones_v)
    r0 = s * RPT
    pltpu.sync_copy(zrow_hbm, acco_sh.at[pl.ds(r0, RPT)])
    pltpu.sync_copy(zrow_hbm, acci_sh.at[pl.ds(r0, RPT)])
    plsc.subcore_barrier()

    base = (c * NS + s) * EPW

    def body(g, carry):
        off = base + g * CH
        pltpu.sync_copy(src_hbm.at[pl.ds(off, CH)], src_v)
        pltpu.sync_copy(dst_hbm.at[pl.ds(off, CH)], dst_v)
        pltpu.sync_copy(ones_v, acco_sh.at[src_v], add=True)
        pltpu.sync_copy(ones_v, acci_sh.at[dst_v], add=True)
        return carry

    lax.fori_loop(0, EPW // CH, body, 0)
    plsc.subcore_barrier()

    pltpu.sync_copy(acco_sh.at[pl.ds(r0, RPT)], wb_v)
    pltpu.sync_copy(wb_v, dego_hbm.at[c, pl.ds(r0, RPT)])
    pltpu.sync_copy(acci_sh.at[pl.ds(r0, RPT)], wb_v)
    pltpu.sync_copy(wb_v, degi_hbm.at[c, pl.ds(r0, RPT)])


@functools.partial(
    pl.kernel,
    out_type=(jax.ShapeDtypeStruct((NW * CAP,), jnp.int32),
              jax.ShapeDtypeStruct((NW * CAP,), jnp.int32)),
    mesh=_mesh,
    scratch_types=[
        pltpu.VMEM((SCH,), jnp.int32),
        pltpu.VMEM((SCH,), jnp.int32),
        pltpu.VMEM((CAP,), jnp.int32),
        pltpu.VMEM((CAP,), jnp.int32),
    ],
    compiler_params=pltpu.CompilerParams(needs_layout_passes=False),
)
def _sc_partition(src_hbm, dst_hbm, trash_hbm, srcp_hbm, dstp_hbm,
                  srcc, dstc, srcbuf, dstbuf):
    c = lax.axis_index("c")
    s = lax.axis_index("s")
    wid = c * NS + s
    base = c * EPC
    pltpu.sync_copy(trash_hbm.at[pl.ds(s * CAP, CAP)], srcbuf)
    pltpu.sync_copy(trash_hbm.at[pl.ds(s * CAP, CAP)], dstbuf)

    bases = lax.iota(jnp.int32, 16) * CAP16

    def outer(k, count):
        off = base + k * SCH
        pltpu.sync_copy(src_hbm.at[pl.ds(off, SCH)], srcc)
        pltpu.sync_copy(dst_hbm.at[pl.ds(off, SCH)], dstc)

        def inner(i, cnt):
            for j in range(4):
                d = dstc[pl.ds((i * 4 + j) * 16, 16)]
                sv = srcc[pl.ds((i * 4 + j) * 16, 16)]
                x = jnp.bitwise_xor(jnp.bitwise_and(d, NS - 1), s)
                m = jnp.equal(x, 0)
                mi = 1 - jnp.minimum(x, 1)
                pos = bases + cnt
                plsc.store_scatter(dstbuf, [pos], d, mask=m)
                plsc.store_scatter(srcbuf, [pos], sv, mask=m)
                cnt = jnp.minimum(cnt + mi, CAP16 - 1)
            return cnt

        return lax.fori_loop(0, SCH // 64, inner, count)

    lax.fori_loop(0, EPC // SCH, outer, jnp.zeros((16,), jnp.int32))


    pltpu.sync_copy(srcbuf, srcp_hbm.at[pl.ds(wid * CAP, CAP)])
    pltpu.sync_copy(dstbuf, dstp_hbm.at[pl.ds(wid * CAP, CAP)])


def _make_sc_agg(D):
    @functools.partial(
        pl.kernel,
        out_type=jax.ShapeDtypeStruct((NC, NP, D), jnp.float32),
        mesh=_mesh,
        scratch_types=[
            pltpu.VMEM((ACH,), jnp.int32),
            pltpu.VMEM((ACH,), jnp.int32),
            pltpu.VMEM((ACH,), jnp.int32),
            pltpu.VMEM((ACH,), jnp.int32),
            pltpu.VMEM((ACH, D), jnp.float32),
            pltpu.VMEM((ACH, D), jnp.float32),
            pltpu.VMEM((ZR, D), jnp.float32),
            pltpu.VMEM_SHARED((NP, D), jnp.float32),
            pltpu.SemaphoreType.DMA,
            pltpu.SemaphoreType.DMA,
            pltpu.SemaphoreType.DMA,
            pltpu.SemaphoreType.DMA,
            pltpu.SemaphoreType.DMA,
            pltpu.SemaphoreType.DMA,
            pltpu.SemaphoreType.DMA,
        ],
    )
    def agg(xn_hbm, srcp_hbm, dstp_hbm, zeros_hbm, out_hbm,
            src0, src1, dst0, dst1, rows0, rows1, wb_v, acc_sh,
            sg0, sg1, si0, si1, sj0, sj1, sz):
        c = lax.axis_index("c")
        s = lax.axis_index("s")
        wid = c * NS + s
        base = wid * CAP
        srcs = (src0, src1)
        dsts = (dst0, dst1)
        rows = (rows0, rows1)
        sgs = (sg0, sg1)
        sis = (si0, si1)
        sjs = (sj0, sj1)

        for t in range(RPT // ZR):
            pltpu.async_copy(
                zeros_hbm, acc_sh.at[pl.ds(s * RPT + t * ZR, ZR)], sz)
        for t in range(RPT // ZR):
            pltpu.make_async_copy(
                zeros_hbm, acc_sh.at[pl.ds(s * RPT + t * ZR, ZR)], sz).wait()
        plsc.subcore_barrier()

        pltpu.sync_copy(srcp_hbm.at[pl.ds(base, ACH)], src0)
        pltpu.sync_copy(dstp_hbm.at[pl.ds(base, ACH)], dst0)
        pltpu.async_copy(xn_hbm.at[src0], rows0, sg0)
        pltpu.async_copy(srcp_hbm.at[pl.ds(base + ACH, ACH)], src1, si1)
        pltpu.async_copy(dstp_hbm.at[pl.ds(base + ACH, ACH)], dst1, sj1)

        def pair(t, carry):
            for b in range(2):
                g = 2 * t + b
                p, q = b, 1 - b

                @pl.when(g + 1 < CAPG)
                def _():
                    pltpu.make_async_copy(
                        srcp_hbm.at[pl.ds(base + (g + 1) * ACH, ACH)],
                        srcs[q], sis[q]).wait()
                    pltpu.make_async_copy(
                        dstp_hbm.at[pl.ds(base + (g + 1) * ACH, ACH)],
                        dsts[q], sjs[q]).wait()
                    pltpu.async_copy(xn_hbm.at[srcs[q]], rows[q], sgs[q])

                pltpu.make_async_copy(
                    xn_hbm.at[srcs[p]], rows[p], sgs[p]).wait()
                pltpu.sync_copy(rows[p], acc_sh.at[dsts[p]], add=True)

                @pl.when(g + 2 < CAPG)
                def _():
                    pltpu.async_copy(
                        srcp_hbm.at[pl.ds(base + (g + 2) * ACH, ACH)],
                        srcs[p], sis[p])
                    pltpu.async_copy(
                        dstp_hbm.at[pl.ds(base + (g + 2) * ACH, ACH)],
                        dsts[p], sjs[p])
            return carry

        lax.fori_loop(0, CAPG // 2, pair, 0)
        plsc.subcore_barrier()

        def wbody(t, carry):
            r0 = s * RPT + t * ZR
            pltpu.sync_copy(acc_sh.at[pl.ds(r0, ZR)], wb_v)
            pltpu.sync_copy(wb_v, out_hbm.at[c, pl.ds(r0, ZR)])
            return carry

        lax.fori_loop(0, RPT // ZR, wbody, 0)

    return agg


_sc_agg_128 = _make_sc_agg(128)


@functools.partial(
    pl.kernel,
    out_type=jax.ShapeDtypeStruct((E, 128), jnp.float32),
    mesh=_mesh,
    scratch_types=[
        pltpu.VMEM((CH,), jnp.int32),
        pltpu.VMEM((CH, 128), jnp.float32),
        pltpu.SemaphoreType.DMA,
    ],
)
def _sc_gather_probe(xn_hbm, src_hbm, out_hbm, src_v, rows_v, sem):
    c = lax.axis_index("c")
    s = lax.axis_index("s")
    base = (c * NS + s) * EPW

    def body(g, carry):
        off = base + g * CH
        pltpu.sync_copy(src_hbm.at[pl.ds(off, CH)], src_v)
        pltpu.async_copy(xn_hbm.at[src_v], rows_v, sem).wait()
        pltpu.sync_copy(rows_v, out_hbm.at[pl.ds(off, CH)])
        return carry

    lax.fori_loop(0, EPW // CH, body, 0)


def _row_spec(d):
    return pl.BlockSpec((BR, d), lambda i: (i, 0))


def _norm_spec():
    return pl.BlockSpec((BR, 1), lambda i: (i, 0))


def _part_spec(d):
    return pl.BlockSpec((NC, BR, d), lambda i: (0, i, 0))


def _w_spec(k, d):
    return pl.BlockSpec((k, d), lambda i: (0, 0))


def _prep_body(feat_ref, dgo_ref, dgi_ref, xn_ref, no_ref, ni_ref):
    dgo = (dgo_ref[0] + dgo_ref[1])[:, None]
    dgi = (dgi_ref[0] + dgi_ref[1])[:, None]
    no = lax.rsqrt(jnp.maximum(dgo, 1.0))
    ni = lax.rsqrt(jnp.maximum(dgi, 1.0))
    no_ref[...] = no
    ni_ref[...] = ni
    xn_ref[...] = feat_ref[...] * no


_tc_prep = pl.pallas_call(
    _prep_body,
    grid=(GRID,),
    in_specs=[_row_spec(IN_DIM),
              pl.BlockSpec((NC, BR), lambda i: (0, i)),
              pl.BlockSpec((NC, BR), lambda i: (0, i))],
    out_specs=[_row_spec(IN_DIM), _norm_spec(), _norm_spec()],
    out_shape=[jax.ShapeDtypeStruct((NP, IN_DIM), jnp.float32),
               jax.ShapeDtypeStruct((NP, 1), jnp.float32),
               jax.ShapeDtypeStruct((NP, 1), jnp.float32)],
)


def _layer1_body(p_ref, ni_ref, no_ref, w_ref, b_ref, hn_ref):
    agg = (p_ref[0] + p_ref[1]) * ni_ref[...]
    h = jnp.dot(agg, w_ref[...], preferred_element_type=jnp.float32)
    h = jnp.maximum(h + b_ref[...], 0.0)
    hn_ref[...] = h * no_ref[...]


_tc_layer1 = pl.pallas_call(
    _layer1_body,
    grid=(GRID,),
    in_specs=[_part_spec(HID_DIM), _norm_spec(), _norm_spec(),
              _w_spec(IN_DIM, HID_DIM), _w_spec(1, HID_DIM)],
    out_specs=_row_spec(HID_DIM),
    out_shape=jax.ShapeDtypeStruct((NP, HID_DIM), jnp.float32),
)


def _layer2_body(p_ref, ni_ref, no_ref, w_ref, b_ref, wd_ref, noise_ref,
                 mean_ref, lv_ref, zw_ref):
    agg = (p_ref[0] + p_ref[1]) * ni_ref[...]
    ml = jnp.dot(agg, w_ref[...], preferred_element_type=jnp.float32)
    ml = ml + b_ref[...]
    mean = ml[:, :Z_DIM]
    lv = ml[:, Z_DIM:]
    z = noise_ref[...] * jnp.exp(0.5 * lv) + mean
    mean_ref[...] = mean
    lv_ref[...] = lv
    zw_ref[...] = jnp.dot(z * no_ref[...], wd_ref[...],
                          preferred_element_type=jnp.float32)


_tc_layer2 = pl.pallas_call(
    _layer2_body,
    grid=(GRID,),
    in_specs=[_part_spec(HID_DIM), _norm_spec(), _norm_spec(),
              _w_spec(HID_DIM, 2 * Z_DIM), _w_spec(1, 2 * Z_DIM),
              _w_spec(Z_DIM, IN_DIM), _row_spec(Z_DIM)],
    out_specs=[_row_spec(Z_DIM), _row_spec(Z_DIM), _row_spec(IN_DIM)],
    out_shape=[jax.ShapeDtypeStruct((NP, Z_DIM), jnp.float32),
               jax.ShapeDtypeStruct((NP, Z_DIM), jnp.float32),
               jax.ShapeDtypeStruct((NP, IN_DIM), jnp.float32)],
)


def _layer3_body(p_ref, ni_ref, b_ref, recon_ref):
    recon_ref[...] = (p_ref[0] + p_ref[1]) * ni_ref[...] + b_ref[...]


_tc_layer3 = pl.pallas_call(
    _layer3_body,
    grid=(GRID,),
    in_specs=[_part_spec(IN_DIM), _norm_spec(), _w_spec(1, IN_DIM)],
    out_specs=_row_spec(IN_DIM),
    out_shape=jax.ShapeDtypeStruct((NP, IN_DIM), jnp.float32),
)


def kernel(features, edge_index, W1, b1, W2, b2, Wd, bd, noise):
    src = edge_index[0]
    dst = edge_index[1]
    ones_c = jnp.ones((CH,), jnp.float32)
    zrow_c = jnp.zeros((RPT,), jnp.float32)

    zeros128 = jnp.zeros((ZR, HID_DIM), jnp.float32)
    trash = jnp.broadcast_to(
        (N + jnp.arange(NS, dtype=jnp.int32))[:, None], (NS, CAP)).reshape(-1)
    feat_p = jnp.pad(features, ((0, NP - N), (0, 0)))
    noise_p = jnp.pad(noise, ((0, NP - N), (0, 0)))

    dego, degi = _sc_degrees(src, dst, ones_c, zrow_c)
    srcp, dstp = _sc_partition(src, dst, trash)
    xn, norm_out, norm_in = _tc_prep(feat_p, dego, degi)

    p1 = _sc_agg_128(xn, srcp, dstp, zeros128)
    hn = _tc_layer1(p1, norm_in, norm_out, W1, b1.reshape(1, HID_DIM))

    p2 = _sc_agg_128(hn, srcp, dstp, zeros128)
    mean, log_var, zw = _tc_layer2(p2, norm_in, norm_out, W2,
                                   b2.reshape(1, 2 * Z_DIM), Wd, noise_p)

    p3 = _sc_agg_128(zw, srcp, dstp, zeros128)
    recon = _tc_layer3(p3, norm_in, bd.reshape(1, IN_DIM))

    return (recon[:N], mean[:N], log_var[:N])

# --- scband reference (transcript-rebuilt; emitter-appended) ---
"""Pipeline reference for scband-gvae-70291434766876 (READ-ONLY COPY).

The authoritative reference and input builder live on the scoring server;
editing this copy changes nothing except your own understanding.
"""

import jax, jax.numpy as jnp
import numpy as np

N = 10000
E = 320000
IN_DIM = 128
HID_DIM = 128
Z_DIM = 64


def graph_conv(x, src, dst, W, b, n):
    # DGL GraphConv with norm='both': D_out^{-1/2} on source, sum-aggregate, D_in^{-1/2} on dest, then linear
    deg_out = jnp.clip(jnp.bincount(src, length=n).astype(jnp.float32), 1.0, None)
    deg_in = jnp.clip(jnp.bincount(dst, length=n).astype(jnp.float32), 1.0, None)
    norm_out = deg_out ** -0.5
    norm_in = deg_in ** -0.5
    feat = x * norm_out[:, None]
    agg = jnp.zeros((n, x.shape[1]), dtype=x.dtype).at[dst].add(feat[src])
    agg = agg * norm_in[:, None]
    return agg @ W + b


def setup_inputs(seed: int = 0) -> dict:
    key = jax.random.key(seed)
    ks = jax.random.split(key, 10)
    features = jax.random.normal(ks[0], (N, IN_DIM), dtype=jnp.float32)
    edge_index = jax.random.randint(ks[1], (2, E), 0, N, dtype=jnp.int64 if jax.config.read('jax_enable_x64') else jnp.int32)
    W1 = jax.random.normal(ks[2], (IN_DIM, HID_DIM), dtype=jnp.float32) * (1.0 / np.sqrt(IN_DIM))
    b1 = jnp.zeros((HID_DIM,), dtype=jnp.float32)
    W2 = jax.random.normal(ks[3], (HID_DIM, Z_DIM * 2), dtype=jnp.float32) * (1.0 / np.sqrt(HID_DIM))
    b2 = jnp.zeros((Z_DIM * 2,), dtype=jnp.float32)
    Wd = jax.random.normal(ks[4], (Z_DIM, IN_DIM), dtype=jnp.float32) * (1.0 / np.sqrt(Z_DIM))
    bd = jnp.zeros((IN_DIM,), dtype=jnp.float32)
    noise = jax.random.normal(ks[5], (N, Z_DIM), dtype=jnp.float32)
    return {"features": features, "edge_index": edge_index, "W1": W1, "b1": b1, "W2": W2, "b2": b2, "Wd": Wd, "bd": bd, "noise": noise}


def reference(features, edge_index, W1, b1, W2, b2, Wd, bd, noise):
    src = edge_index[0]
    dst = edge_index[1]
    h = jax.nn.relu(graph_conv(features, src, dst, W1, b1, N))
    mean_logvar = graph_conv(h, src, dst, W2, b2, N)
    mean = mean_logvar[:, :Z_DIM]
    log_var = mean_logvar[:, Z_DIM:]
    std = jnp.exp(0.5 * log_var)
    z = noise * std + mean
    recon = graph_conv(z, src, dst, Wd, bd, N)
    return (recon, mean, log_var)

if __name__ == "__main__":
    import jax
    _d = setup_inputs()
    print(jax.jit(kernel)(*tuple(_d.values())))

</pallas_src>

<mosaic_0001>
#map = affine_map<(d0, d1) -> (0, 0)>
#map1 = affine_map<(d0, d1) -> (0)>
#map2 = affine_map<(d0, d1) -> (0, 0, 0)>
module attributes {stable_mosaic.version = 14 : i64} {
  func.func @agg(%arg0: i32, %arg1: i32, %arg2: memref<10240x128xf32, #tpu.memory_space<hbm>>, %arg3: memref<385024xi32, #tpu.memory_space<hbm>>, %arg4: memref<385024xi32, #tpu.memory_space<hbm>>, %arg5: memref<64x128xf32, #tpu.memory_space<hbm>>, %arg6: memref<2x10240x128xf32, #tpu.memory_space<hbm>>, %arg7: memref<128xi32, #tpu.memory_space<vmem>>, %arg8: memref<128xi32, #tpu.memory_space<vmem>>, %arg9: memref<128xi32, #tpu.memory_space<vmem>>, %arg10: memref<128xi32, #tpu.memory_space<vmem>>, %arg11: memref<128x128xf32, #tpu.memory_space<vmem>>, %arg12: memref<128x128xf32, #tpu.memory_space<vmem>>, %arg13: memref<64x128xf32, #tpu.memory_space<vmem>>, %arg14: memref<10240x128xf32, #tpu.memory_space<vmem_shared>>, %arg15: memref<!tpu.dma_semaphore, #tpu.memory_space<semaphore_mem>>, %arg16: memref<!tpu.dma_semaphore, #tpu.memory_space<semaphore_mem>>, %arg17: memref<!tpu.dma_semaphore, #tpu.memory_space<semaphore_mem>>, %arg18: memref<!tpu.dma_semaphore, #tpu.memory_space<semaphore_mem>>, %arg19: memref<!tpu.dma_semaphore, #tpu.memory_space<semaphore_mem>>, %arg20: memref<!tpu.dma_semaphore, #tpu.memory_space<semaphore_mem>>, %arg21: memref<!tpu.dma_semaphore, #tpu.memory_space<semaphore_mem>>) attributes {dimension_semantics = [#tpu.dimension_semantics<core_parallel>, #tpu.dimension_semantics<subcore_parallel>], iteration_bounds = array<i64: 2, 16>, scalar_prefetch = 0 : i64, scratch_operands = 15 : i64, tpu.core_type = #tpu.core_type<sc_vector_subcore>, window_params = [{transform_indices = #map}, {transform_indices = #map1}, {transform_indices = #map1}, {transform_indices = #map}, {transform_indices = #map2}]} {
    %mul3A = arith.constant 16 : i32
    %mul3A_0 = arith.muli %arg0, %mul3A : i32
    %add3A = arith.addi %mul3A_0, %arg1 : i32
    %mul3A_1 = arith.constant 12032 : i32
    %mul3A_2 = arith.muli %add3A, %mul3A_1 : i32
    %mul3A_3 = arith.constant 640 : i32
    %mul3A_4 = arith.muli %arg1, %mul3A_3 : i32
    %add3A_5 = arith.constant 0 : i32
    %add3A_6 = arith.addi %mul3A_4, %add3A_5 : i32
    %dma_start3A = arith.constant 0 : i32
    %dma_start3A_7 = tpu.memref_slice %arg14[%add3A_6, %dma_start3A] : memref<10240x128xf32, #tpu.memory_space<vmem_shared>> -> memref<64x128xf32, #tpu.memory_space<vmem_shared>>
    tpu.enqueue_dma source(%arg5 : memref<64x128xf32, #tpu.memory_space<hbm>>) target(%dma_start3A_7 : memref<64x128xf32, #tpu.memory_space<vmem_shared>>) target_semaphore(%arg21 : memref<!tpu.dma_semaphore, #tpu.memory_space<semaphore_mem>>)
    %mul3A_8 = arith.constant 640 : i32
    %mul3A_9 = arith.muli %arg1, %mul3A_8 : i32
    %add3A_10 = arith.constant 64 : i32
    %add3A_11 = arith.addi %mul3A_9, %add3A_10 : i32
    %dma_start3A_12 = arith.constant 0 : i32
    %dma_start3A_13 = tpu.memref_slice %arg14[%add3A_11, %dma_start3A_12] : memref<10240x128xf32, #tpu.memory_space<vmem_shared>> -> memref<64x128xf32, #tpu.memory_space<vmem_shared>>
    tpu.enqueue_dma source(%arg5 : memref<64x128xf32, #tpu.memory_space<hbm>>) target(%dma_start3A_13 : memref<64x128xf32, #tpu.memory_space<vmem_shared>>) target_semaphore(%arg21 : memref<!tpu.dma_semaphore, #tpu.memory_space<semaphore_mem>>)
    %mul3A_14 = arith.constant 640 : i32
    %mul3A_15 = arith.muli %arg1, %mul3A_14 : i32
    %add3A_16 = arith.constant 128 : i32
    %add3A_17 = arith.addi %mul3A_15, %add3A_16 : i32
    %dma_start3A_18 = arith.constant 0 : i32
    %dma_start3A_19 = tpu.memref_slice %arg14[%add3A_17, %dma_start3A_18] : memref<10240x128xf32, #tpu.memory_space<vmem_shared>> -> memref<64x128xf32, #tpu.memory_space<vmem_shared>>
    tpu.enqueue_dma source(%arg5 : memref<64x128xf32, #tpu.memory_space<hbm>>) target(%dma_start3A_19 : memref<64x128xf32, #tpu.memory_space<vmem_shared>>) target_semaphore(%arg21 : memref<!tpu.dma_semaphore, #tpu.memory_space<semaphore_mem>>)
    %mul3A_20 = arith.constant 640 : i32
    %mul3A_21 = arith.muli %arg1, %mul3A_20 : i32
    %add3A_22 = arith.constant 192 : i32
    %add3A_23 = arith.addi %mul3A_21, %add3A_22 : i32
    %dma_start3A_24 = arith.constant 0 : i32
    %dma_start3A_25 = tpu.memref_slice %arg14[%add3A_23, %dma_start3A_24] : memref<10240x128xf32, #tpu.memory_space<vmem_shared>> -> memref<64x128xf32, #tpu.memory_space<vmem_shared>>
    tpu.enqueue_dma source(%arg5 : memref<64x128xf32, #tpu.memory_space<hbm>>) target(%dma_start3A_25 : memref<64x128xf32, #tpu.memory_space<vmem_shared>>) target_semaphore(%arg21 : memref<!tpu.dma_semaphore, #tpu.memory_space<semaphore_mem>>)
    %mul3A_26 = arith.constant 640 : i32
    %mul3A_27 = arith.muli %arg1, %mul3A_26 : i32
    %add3A_28 = arith.constant 256 : i32
    %add3A_29 = arith.addi %mul3A_27, %add3A_28 : i32
    %dma_start3A_30 = arith.constant 0 : i32
    %dma_start3A_31 = tpu.memref_slice %arg14[%add3A_29, %dma_start3A_30] : memref<10240x128xf32, #tpu.memory_space<vmem_shared>> -> memref<64x128xf32, #tpu.memory_space<vmem_shared>>
    tpu.enqueue_dma source(%arg5 : memref<64x128xf32, #tpu.memory_space<hbm>>) target(%dma_start3A_31 : memref<64x128xf32, #tpu.memory_space<vmem_shared>>) target_semaphore(%arg21 : memref<!tpu.dma_semaphore, #tpu.memory_space<semaphore_mem>>)
    %mul3A_32 = arith.constant 640 : i32
    %mul3A_33 = arith.muli %arg1, %mul3A_32 : i32
    %add3A_34 = arith.constant 320 : i32
    %add3A_35 = arith.addi %mul3A_33, %add3A_34 : i32
    %dma_start3A_36 = arith.constant 0 : i32
    %dma_start3A_37 = tpu.memref_slice %arg14[%add3A_35, %dma_start3A_36] : memref<10240x128xf32, #tpu.memory_space<vmem_shared>> -> memref<64x128xf32, #tpu.memory_space<vmem_shared>>
    tpu.enqueue_dma source(%arg5 : memref<64x128xf32, #tpu.memory_space<hbm>>) target(%dma_start3A_37 : memref<64x128xf32, #tpu.memory_space<vmem_shared>>) target_semaphore(%arg21 : memref<!tpu.dma_semaphore, #tpu.memory_space<semaphore_mem>>)
    %mul3A_38 = arith.constant 640 : i32
    %mul3A_39 = arith.muli %arg1, %mul3A_38 : i32
    %add3A_40 = arith.constant 384 : i32
    %add3A_41 = arith.addi %mul3A_39, %add3A_40 : i32
    %dma_start3A_42 = arith.constant 0 : i32
    %dma_start3A_43 = tpu.memref_slice %arg14[%add3A_41, %dma_start3A_42] : memref<10240x128xf32, #tpu.memory_space<vmem_shared>> -> memref<64x128xf32, #tpu.memory_space<vmem_shared>>
    tpu.enqueue_dma source(%arg5 : memref<64x128xf32, #tpu.memory_space<hbm>>) target(%dma_start3A_43 : memref<64x128xf32, #tpu.memory_space<vmem_shared>>) target_semaphore(%arg21 : memref<!tpu.dma_semaphore, #tpu.memory_space<semaphore_mem>>)
    %mul3A_44 = arith.constant 640 : i32
    %mul3A_45 = arith.muli %arg1, %mul3A_44 : i32
    %add3A_46 = arith.constant 448 : i32
    %add3A_47 = arith.addi %mul3A_45, %add3A_46 : i32
    %dma_start3A_48 = arith.constant 0 : i32
    %dma_start3A_49 = tpu.memref_slice %arg14[%add3A_47, %dma_start3A_48] : memref<10240x128xf32, #tpu.memory_space<vmem_shared>> -> memref<64x128xf32, #tpu.memory_space<vmem_shared>>
    tpu.enqueue_dma source(%arg5 : memref<64x128xf32, #tpu.memory_space<hbm>>) target(%dma_start3A_49 : memref<64x128xf32, #tpu.memory_space<vmem_shared>>) target_semaphore(%arg21 : memref<!tpu.dma_semaphore, #tpu.memory_space<semaphore_mem>>)
    %mul3A_50 = arith.constant 640 : i32
    %mul3A_51 = arith.muli %arg1, %mul3A_50 : i32
    %add3A_52 = arith.constant 512 : i32
    %add3A_53 = arith.addi %mul3A_51, %add3A_52 : i32
    %dma_start3A_54 = arith.constant 0 : i32
    %dma_start3A_55 = tpu.memref_slice %arg14[%add3A_53, %dma_start3A_54] : memref<10240x128xf32, #tpu.memory_space<vmem_shared>> -> memref<64x128xf32, #tpu.memory_space<vmem_shared>>
    tpu.enqueue_dma source(%arg5 : memref<64x128xf32, #tpu.memory_space<hbm>>) target(%dma_start3A_55 : memref<64x128xf32, #tpu.memory_space<vmem_shared>>) target_semaphore(%arg21 : memref<!tpu.dma_semaphore, #tpu.memory_space<semaphore_mem>>)
    %mul3A_56 = arith.constant 640 : i32
    %mul3A_57 = arith.muli %arg1, %mul3A_56 : i32
    %add3A_58 = arith.constant 576 : i32
    %add3A_59 = arith.addi %mul3A_57, %add3A_58 : i32
    %dma_start3A_60 = arith.constant 0 : i32
    %dma_start3A_61 = tpu.memref_slice %arg14[%add3A_59, %dma_start3A_60] : memref<10240x128xf32, #tpu.memory_space<vmem_shared>> -> memref<64x128xf32, #tpu.memory_space<vmem_shared>>
    tpu.enqueue_dma source(%arg5 : memref<64x128xf32, #tpu.memory_space<hbm>>) target(%dma_start3A_61 : memref<64x128xf32, #tpu.memory_space<vmem_shared>>) target_semaphore(%arg21 : memref<!tpu.dma_semaphore, #tpu.memory_space<semaphore_mem>>)
    %mul3A_62 = arith.constant 640 : i32
    %mul3A_63 = arith.muli %arg1, %mul3A_62 : i32
    %add3A_64 = arith.constant 0 : i32
    %add3A_65 = arith.addi %mul3A_63, %add3A_64 : i32
    %dma_wait3A = arith.constant 0 : i32
    %dma_wait3A_66 = tpu.memref_slice %arg14[%add3A_65, %dma_wait3A] : memref<10240x128xf32, #tpu.memory_space<vmem_shared>> -> memref<64x128xf32, #tpu.memory_space<vmem_shared>>
    tpu.wait_dma2 semaphore(%arg21 : memref<!tpu.dma_semaphore, #tpu.memory_space<semaphore_mem>>) src(%arg5 : memref<64x128xf32, #tpu.memory_space<hbm>>) dst(%dma_wait3A_66 : memref<64x128xf32, #tpu.memory_space<vmem_shared>>)
    %mul3A_67 = arith.constant 640 : i32
    %mul3A_68 = arith.muli %arg1, %mul3A_67 : i32
    %add3A_69 = arith.constant 64 : i32
    %add3A_70 = arith.addi %mul3A_68, %add3A_69 : i32
    %dma_wait3A_71 = arith.constant 0 : i32
    %dma_wait3A_72 = tpu.memref_slice %arg14[%add3A_70, %dma_wait3A_71] : memref<10240x128xf32, #tpu.memory_space<vmem_shared>> -> memref<64x128xf32, #tpu.memory_space<vmem_shared>>
    tpu.wait_dma2 semaphore(%arg21 : memref<!tpu.dma_semaphore, #tpu.memory_space<semaphore_mem>>) src(%arg5 : memref<64x128xf32, #tpu.memory_space<hbm>>) dst(%dma_wait3A_72 : memref<64x128xf32, #tpu.memory_space<vmem_shared>>)
    %mul3A_73 = arith.constant 640 : i32
    %mul3A_74 = arith.muli %arg1, %mul3A_73 : i32
    %add3A_75 = arith.constant 128 : i32
    %add3A_76 = arith.addi %mul3A_74, %add3A_75 : i32
    %dma_wait3A_77 = arith.constant 0 : i32
    %dma_wait3A_78 = tpu.memref_slice %arg14[%add3A_76, %dma_wait3A_77] : memref<10240x128xf32, #tpu.memory_space<vmem_shared>> -> memref<64x128xf32, #tpu.memory_space<vmem_shared>>
    tpu.wait_dma2 semaphore(%arg21 : memref<!tpu.dma_semaphore, #tpu.memory_space<semaphore_mem>>) src(%arg5 : memref<64x128xf32, #tpu.memory_space<hbm>>) dst(%dma_wait3A_78 : memref<64x128xf32, #tpu.memory_space<vmem_shared>>)
    %mul3A_79 = arith.constant 640 : i32
    %mul3A_80 = arith.muli %arg1, %mul3A_79 : i32
    %add3A_81 = arith.constant 192 : i32
    %add3A_82 = arith.addi %mul3A_80, %add3A_81 : i32
    %dma_wait3A_83 = arith.constant 0 : i32
    %dma_wait3A_84 = tpu.memref_slice %arg14[%add3A_82, %dma_wait3A_83] : memref<10240x128xf32, #tpu.memory_space<vmem_shared>> -> memref<64x128xf32, #tpu.memory_space<vmem_shared>>
    tpu.wait_dma2 semaphore(%arg21 : memref<!tpu.dma_semaphore, #tpu.memory_space<semaphore_mem>>) src(%arg5 : memref<64x128xf32, #tpu.memory_space<hbm>>) dst(%dma_wait3A_84 : memref<64x128xf32, #tpu.memory_space<vmem_shared>>)
    %mul3A_85 = arith.constant 640 : i32
    %mul3A_86 = arith.muli %arg1, %mul3A_85 : i32
    %add3A_87 = arith.constant 256 : i32
    %add3A_88 = arith.addi %mul3A_86, %add3A_87 : i32
    %dma_wait3A_89 = arith.constant 0 : i32
    %dma_wait3A_90 = tpu.memref_slice %arg14[%add3A_88, %dma_wait3A_89] : memref<10240x128xf32, #tpu.memory_space<vmem_shared>> -> memref<64x128xf32, #tpu.memory_space<vmem_shared>>
    tpu.wait_dma2 semaphore(%arg21 : memref<!tpu.dma_semaphore, #tpu.memory_space<semaphore_mem>>) src(%arg5 : memref<64x128xf32, #tpu.memory_space<hbm>>) dst(%dma_wait3A_90 : memref<64x128xf32, #tpu.memory_space<vmem_shared>>)
    %mul3A_91 = arith.constant 640 : i32
    %mul3A_92 = arith.muli %arg1, %mul3A_91 : i32
    %add3A_93 = arith.constant 320 : i32
    %add3A_94 = arith.addi %mul3A_92, %add3A_93 : i32
    %dma_wait3A_95 = arith.constant 0 : i32
    %dma_wait3A_96 = tpu.memref_slice %arg14[%add3A_94, %dma_wait3A_95] : memref<10240x128xf32, #tpu.memory_space<vmem_shared>> -> memref<64x128xf32, #tpu.memory_space<vmem_shared>>
    tpu.wait_dma2 semaphore(%arg21 : memref<!tpu.dma_semaphore, #tpu.memory_space<semaphore_mem>>) src(%arg5 : memref<64x128xf32, #tpu.memory_space<hbm>>) dst(%dma_wait3A_96 : memref<64x128xf32, #tpu.memory_space<vmem_shared>>)
    %mul3A_97 = arith.constant 640 : i32
    %mul3A_98 = arith.muli %arg1, %mul3A_97 : i32
    %add3A_99 = arith.constant 384 : i32
    %add3A_100 = arith.addi %mul3A_98, %add3A_99 : i32
    %dma_wait3A_101 = arith.constant 0 : i32
    %dma_wait3A_102 = tpu.memref_slice %arg14[%add3A_100, %dma_wait3A_101] : memref<10240x128xf32, #tpu.memory_space<vmem_shared>> -> memref<64x128xf32, #tpu.memory_space<vmem_shared>>
    tpu.wait_dma2 semaphore(%arg21 : memref<!tpu.dma_semaphore, #tpu.memory_space<semaphore_mem>>) src(%arg5 : memref<64x128xf32, #tpu.memory_space<hbm>>) dst(%dma_wait3A_102 : memref<64x128xf32, #tpu.memory_space<vmem_shared>>)
    %mul3A_103 = arith.constant 640 : i32
    %mul3A_104 = arith.muli %arg1, %mul3A_103 : i32
    %add3A_105 = arith.constant 448 : i32
    %add3A_106 = arith.addi %mul3A_104, %add3A_105 : i32
    %dma_wait3A_107 = arith.constant 0 : i32
    %dma_wait3A_108 = tpu.memref_slice %arg14[%add3A_106, %dma_wait3A_107] : memref<10240x128xf32, #tpu.memory_space<vmem_shared>> -> memref<64x128xf32, #tpu.memory_space<vmem_shared>>
    tpu.wait_dma2 semaphore(%arg21 : memref<!tpu.dma_semaphore, #tpu.memory_space<semaphore_mem>>) src(%arg5 : memref<64x128xf32, #tpu.memory_space<hbm>>) dst(%dma_wait3A_108 : memref<64x128xf32, #tpu.memory_space<vmem_shared>>)
    %mul3A_109 = arith.constant 640 : i32
    %mul3A_110 = arith.muli %arg1, %mul3A_109 : i32
    %add3A_111 = arith.constant 512 : i32
    %add3A_112 = arith.addi %mul3A_110, %add3A_111 : i32
    %dma_wait3A_113 = arith.constant 0 : i32
    %dma_wait3A_114 = tpu.memref_slice %arg14[%add3A_112, %dma_wait3A_113] : memref<10240x128xf32, #tpu.memory_space<vmem_shared>> -> memref<64x128xf32, #tpu.memory_space<vmem_shared>>
    tpu.wait_dma2 semaphore(%arg21 : memref<!tpu.dma_semaphore, #tpu.memory_space<semaphore_mem>>) src(%arg5 : memref<64x128xf32, #tpu.memory_space<hbm>>) dst(%dma_wait3A_114 : memref<64x128xf32, #tpu.memory_space<vmem_shared>>)
    %mul3A_115 = arith.constant 640 : i32
    %mul3A_116 = arith.muli %arg1, %mul3A_115 : i32
    %add3A_117 = arith.constant 576 : i32
    %add3A_118 = arith.addi %mul3A_116, %add3A_117 : i32
    %dma_wait3A_119 = arith.constant 0 : i32
    %dma_wait3A_120 = tpu.memref_slice %arg14[%add3A_118, %dma_wait3A_119] : memref<10240x128xf32, #tpu.memory_space<vmem_shared>> -> memref<64x128xf32, #tpu.memory_space<vmem_shared>>
    tpu.wait_dma2 semaphore(%arg21 : memref<!tpu.dma_semaphore, #tpu.memory_space<semaphore_mem>>) src(%arg5 : memref<64x128xf32, #tpu.memory_space<hbm>>) dst(%dma_wait3A_120 : memref<64x128xf32, #tpu.memory_space<vmem_shared>>)
    %barrier3A = arith.constant 0 : index
    tpu.barrier barrier_id(%barrier3A)
    "tpu.region"() ({
      %run_scoped3A = tpu.sem_alloc : memref<!tpu.dma_semaphore, #tpu.memory_space<semaphore_mem>>
      %dma_start3A_144 = tpu.memref_slice %arg3[%mul3A_2] : memref<385024xi32, #tpu.memory_space<hbm>> -> memref<128xi32, #tpu.memory_space<hbm>>
      %dma_start3A_145 = tpu.memref_slice %arg3[%mul3A_2] : memref<385024xi32, #tpu.memory_space<hbm>> -> memref<128xi32, #tpu.memory_space<hbm>>
      tpu.enqueue_dma source(%dma_start3A_145 : memref<128xi32, #tpu.memory_space<hbm>>) target(%arg7 : memref<128xi32, #tpu.memory_space<vmem>>) target_semaphore(%run_scoped3A : memref<!tpu.dma_semaphore, #tpu.memory_space<semaphore_mem>>)
      %dma_wait3A_146 = tpu.memref_slice %arg3[%mul3A_2] : memref<385024xi32, #tpu.memory_space<hbm>> -> memref<128xi32, #tpu.memory_space<hbm>>
      %dma_wait3A_147 = tpu.memref_slice %arg3[%mul3A_2] : memref<385024xi32, #tpu.memory_space<hbm>> -> memref<128xi32, #tpu.memory_space<hbm>>
      tpu.wait_dma2 semaphore(%run_scoped3A : memref<!tpu.dma_semaphore, #tpu.memory_space<semaphore_mem>>) src(%dma_wait3A_147 : memref<128xi32, #tpu.memory_space<hbm>>) dst(%arg7 : memref<128xi32, #tpu.memory_space<vmem>>)
      tpu.yield
    }) : () -> ()
    "tpu.region"() ({
      %run_scoped3A = tpu.sem_alloc : memref<!tpu.dma_semaphore, #tpu.memory_space<semaphore_mem>>
      %dma_start3A_144 = tpu.memref_slice %arg4[%mul3A_2] : memref<385024xi32, #tpu.memory_space<hbm>> -> memref<128xi32, #tpu.memory_space<hbm>>
      %dma_start3A_145 = tpu.memref_slice %arg4[%mul3A_2] : memref<385024xi32, #tpu.memory_space<hbm>> -> memref<128xi32, #tpu.memory_space<hbm>>
      tpu.enqueue_dma source(%dma_start3A_145 : memref<128xi32, #tpu.memory_space<hbm>>) target(%arg9 : memref<128xi32, #tpu.memory_space<vmem>>) target_semaphore(%run_scoped3A : memref<!tpu.dma_semaphore, #tpu.memory_space<semaphore_mem>>)
      %dma_wait3A_146 = tpu.memref_slice %arg4[%mul3A_2] : memref<385024xi32, #tpu.memory_space<hbm>> -> memref<128xi32, #tpu.memory_space<hbm>>
      %dma_wait3A_147 = tpu.memref_slice %arg4[%mul3A_2] : memref<385024xi32, #tpu.memory_space<hbm>> -> memref<128xi32, #tpu.memory_space<hbm>>
      tpu.wait_dma2 semaphore(%run_scoped3A : memref<!tpu.dma_semaphore, #tpu.memory_space<semaphore_mem>>) src(%dma_wait3A_147 : memref<128xi32, #tpu.memory_space<hbm>>) dst(%arg9 : memref<128xi32, #tpu.memory_space<vmem>>)
      tpu.yield
    }) : () -> ()
    %dma_start3A_121 = arith.constant 0 : i32
    %dma_start3A_122 = arith.constant 0 : i32
    %dma_start3A_123 = tpu.memref_slice %arg2[%dma_start3A_121, %dma_start3A_122] : memref<10240x128xf32, #tpu.memory_space<hbm>> -> memref<10240x128xf32, #tpu.memory_space<hbm>>
    tpu.enqueue_indirect_dma source(%dma_start3A_123 : memref<10240x128xf32, #tpu.memory_space<hbm>>) target(%arg11 : memref<128x128xf32, #tpu.memory_space<vmem>>) offsets(%arg7 : memref<128xi32, #tpu.memory_space<vmem>>) semaphore(%arg15 : memref<!tpu.dma_semaphore, #tpu.memory_space<semaphore_mem>>)
    %add3A_124 = arith.constant 128 : i32
    %add3A_125 = arith.addi %mul3A_2, %add3A_124 : i32
    %dma_start3A_126 = tpu.memref_slice %arg3[%add3A_125] : memref<385024xi32, #tpu.memory_space<hbm>> -> memref<128xi32, #tpu.memory_space<hbm>>
    %dma_start3A_127 = tpu.memref_slice %arg3[%add3A_125] : memref<385024xi32, #tpu.memory_space<hbm>> -> memref<128xi32, #tpu.memory_space<hbm>>
    tpu.enqueue_dma source(%dma_start3A_127 : memref<128xi32, #tpu.memory_space<hbm>>) target(%arg8 : memref<128xi32, #tpu.memory_space<vmem>>) target_semaphore(%arg18 : memref<!tpu.dma_semaphore, #tpu.memory_space<semaphore_mem>>)
    %add3A_128 = arith.constant 128 : i32
    %add3A_129 = arith.addi %mul3A_2, %add3A_128 : i32
    %dma_start3A_130 = tpu.memref_slice %arg4[%add3A_129] : memref<385024xi32, #tpu.memory_space<hbm>> -> memref<128xi32, #tpu.memory_space<hbm>>
    %dma_start3A_131 = tpu.memref_slice %arg4[%add3A_129] : memref<385024xi32, #tpu.memory_space<hbm>> -> memref<128xi32, #tpu.memory_space<hbm>>
    tpu.enqueue_dma source(%dma_start3A_131 : memref<128xi32, #tpu.memory_space<hbm>>) target(%arg10 : memref<128xi32, #tpu.memory_space<vmem>>) target_semaphore(%arg20 : memref<!tpu.dma_semaphore, #tpu.memory_space<semaphore_mem>>)
    %scan3A = arith.constant 0 : i32
    %scan3A_132 = arith.constant 0 : i32
    %scan3A_133 = arith.constant 47 : i32
    %scan3A_134 = arith.addi %scan3A_132, %scan3A_133 : i32
    %scan3A_135 = arith.constant 1 : i32
    scf.for %scan3A_144 = %scan3A_132 to %scan3A_134 step %scan3A_135  : i32 {
      %mul3A_145 = arith.constant 2 : i32
      %mul3A_146 = arith.muli %mul3A_145, %scan3A_144 : i32
      %add3A_147 = arith.constant 0 : i32
      %add3A_148 = arith.addi %mul3A_146, %add3A_147 : i32
      %add3A_149 = arith.constant 1 : i32
      %add3A_150 = arith.addi %add3A_148, %add3A_149 : i32
      %lt3A = arith.constant 94 : i32
      %lt3A_151 = arith.cmpi slt, %add3A_150, %lt3A : i32
      %convert_element_type3A = arith.extui %lt3A_151 : i1 to i32
      %cond3A = arith.constant 0 : i32
      %cond3A_152 = arith.cmpi ne, %convert_element_type3A, %cond3A : i32
      scf.if %cond3A_152 {
        %add3A_184 = arith.constant 1 : i32
        %add3A_185 = arith.addi %add3A_148, %add3A_184 : i32
        %mul3A_186 = arith.constant 128 : i32
        %mul3A_187 = arith.muli %add3A_185, %mul3A_186 : i32
        %add3A_188 = arith.addi %mul3A_2, %mul3A_187 : i32
        %dma_wait3A_189 = tpu.memref_slice %arg3[%add3A_188] : memref<385024xi32, #tpu.memory_space<hbm>> -> memref<128xi32, #tpu.memory_space<hbm>>
        %dma_wait3A_190 = tpu.memref_slice %arg3[%add3A_188] : memref<385024xi32, #tpu.memory_space<hbm>> -> memref<128xi32, #tpu.memory_space<hbm>>
        tpu.wait_dma2 semaphore(%arg18 : memref<!tpu.dma_semaphore, #tpu.memory_space<semaphore_mem>>) src(%dma_wait3A_190 : memref<128xi32, #tpu.memory_space<hbm>>) dst(%arg8 : memref<128xi32, #tpu.memory_space<vmem>>)
        %add3A_191 = arith.constant 1 : i32
        %add3A_192 = arith.addi %add3A_148, %add3A_191 : i32
        %mul3A_193 = arith.constant 128 : i32
        %mul3A_194 = arith.muli %add3A_192, %mul3A_193 : i32
        %add3A_195 = arith.addi %mul3A_2, %mul3A_194 : i32
        %dma_wait3A_196 = tpu.memref_slice %arg4[%add3A_195] : memref<385024xi32, #tpu.memory_space<hbm>> -> memref<128xi32, #tpu.memory_space<hbm>>
        %dma_wait3A_197 = tpu.memref_slice %arg4[%add3A_195] : memref<385024xi32, #tpu.memory_space<hbm>> -> memref<128xi32, #tpu.memory_space<hbm>>
        tpu.wait_dma2 semaphore(%arg20 : memref<!tpu.dma_semaphore, #tpu.memory_space<semaphore_mem>>) src(%dma_wait3A_197 : memref<128xi32, #tpu.memory_space<hbm>>) dst(%arg10 : memref<128xi32, #tpu.memory_space<vmem>>)
        %dma_start3A_198 = arith.constant 0 : i32
        %dma_start3A_199 = arith.constant 0 : i32
        %dma_start3A_200 = tpu.memref_slice %arg2[%dma_start3A_198, %dma_start3A_199] : memref<10240x128xf32, #tpu.memory_space<hbm>> -> memref<10240x128xf32, #tpu.memory_space<hbm>>
        tpu.enqueue_indirect_dma source(%dma_start3A_200 : memref<10240x128xf32, #tpu.memory_space<hbm>>) target(%arg12 : memref<128x128xf32, #tpu.memory_space<vmem>>) offsets(%arg8 : memref<128xi32, #tpu.memory_space<vmem>>) semaphore(%arg16 : memref<!tpu.dma_semaphore, #tpu.memory_space<semaphore_mem>>)
      } else {
      }
      %dma_wait3A_153 = arith.constant 0 : i32
      %dma_wait3A_154 = arith.constant 0 : i32
      %dma_wait3A_155 = tpu.memref_slice %arg2[%dma_wait3A_153, %dma_wait3A_154] : memref<10240x128xf32, #tpu.memory_space<hbm>> -> memref<10240x128xf32, #tpu.memory_space<hbm>>
      tpu.wait_indirect_dma semaphore(%arg15 : memref<!tpu.dma_semaphore, #tpu.memory_space<semaphore_mem>>) src(%dma_wait3A_155 : memref<10240x128xf32, #tpu.memory_space<hbm>>) dst(%arg11 : memref<128x128xf32, #tpu.memory_space<vmem>>)
      "tpu.region"() ({
        %run_scoped3A = tpu.sem_alloc : memref<!tpu.dma_semaphore, #tpu.memory_space<semaphore_mem>>
        %dma_start3A_184 = arith.constant 0 : i32
        %dma_start3A_185 = arith.constant 0 : i32
        %dma_start3A_186 = tpu.memref_slice %arg14[%dma_start3A_184, %dma_start3A_185] : memref<10240x128xf32, #tpu.memory_space<vmem_shared>> -> memref<10240x128xf32, #tpu.memory_space<vmem_shared>>
        tpu.enqueue_indirect_dma source(%arg11 : memref<128x128xf32, #tpu.memory_space<vmem>>) target(%dma_start3A_186 : memref<10240x128xf32, #tpu.memory_space<vmem_shared>>) offsets(%arg9 : memref<128xi32, #tpu.memory_space<vmem>>) semaphore(%run_scoped3A : memref<!tpu.dma_semaphore, #tpu.memory_space<semaphore_mem>>) {add = true}
        %dma_wait3A_187 = arith.constant 0 : i32
        %dma_wait3A_188 = arith.constant 0 : i32
        %dma_wait3A_189 = tpu.memref_slice %arg14[%dma_wait3A_187, %dma_wait3A_188] : memref<10240x128xf32, #tpu.memory_space<vmem_shared>> -> memref<10240x128xf32, #tpu.memory_space<vmem_shared>>
        tpu.wait_indirect_dma semaphore(%run_scoped3A : memref<!tpu.dma_semaphore, #tpu.memory_space<semaphore_mem>>) src(%arg11 : memref<128x128xf32, #tpu.memory_space<vmem>>) dst(%dma_wait3A_189 : memref<10240x128xf32, #tpu.memory_space<vmem_shared>>)
        tpu.yield
      }) : () -> ()
      %add3A_156 = arith.constant 2 : i32
      %add3A_157 = arith.addi %add3A_148, %add3A_156 : i32
      %lt3A_158 = arith.constant 94 : i32
      %lt3A_159 = arith.cmpi slt, %add3A_157, %lt3A_158 : i32
      %convert_element_type3A_160 = arith.extui %lt3A_159 : i1 to i32
      %cond3A_161 = arith.constant 0 : i32
      %cond3A_162 = arith.cmpi ne, %convert_element_type3A_160, %cond3A_161 : i32
      scf.if %cond3A_162 {
        %add3A_184 = arith.constant 2 : i32
        %add3A_185 = arith.addi %add3A_148, %add3A_184 : i32
        %mul3A_186 = arith.constant 128 : i32
        %mul3A_187 = arith.muli %add3A_185, %mul3A_186 : i32
        %add3A_188 = arith.addi %mul3A_2, %mul3A_187 : i32
        %dma_start3A_189 = tpu.memref_slice %arg3[%add3A_188] : memref<385024xi32, #tpu.memory_space<hbm>> -> memref<128xi32, #tpu.memory_space<hbm>>
        %dma_start3A_190 = tpu.memref_slice %arg3[%add3A_188] : memref<385024xi32, #tpu.memory_space<hbm>> -> memref<128xi32, #tpu.memory_space<hbm>>
        tpu.enqueue_dma source(%dma_start3A_190 : memref<128xi32, #tpu.memory_space<hbm>>) target(%arg7 : memref<128xi32, #tpu.memory_space<vmem>>) target_semaphore(%arg17 : memref<!tpu.dma_semaphore, #tpu.memory_space<semaphore_mem>>)
        %add3A_191 = arith.constant 2 : i32
        %add3A_192 = arith.addi %add3A_148, %add3A_191 : i32
        %mul3A_193 = arith.constant 128 : i32
        %mul3A_194 = arith.muli %add3A_192, %mul3A_193 : i32
        %add3A_195 = arith.addi %mul3A_2, %mul3A_194 : i32
        %dma_start3A_196 = tpu.memref_slice %arg4[%add3A_195] : memref<385024xi32, #tpu.memory_space<hbm>> -> memref<128xi32, #tpu.memory_space<hbm>>
        %dma_start3A_197 = tpu.memref_slice %arg4[%add3A_195] : memref<385024xi32, #tpu.memory_space<hbm>> -> memref<128xi32, #tpu.memory_space<hbm>>
        tpu.enqueue_dma source(%dma_start3A_197 : memref<128xi32, #tpu.memory_space<hbm>>) target(%arg9 : memref<128xi32, #tpu.memory_space<vmem>>) target_semaphore(%arg19 : memref<!tpu.dma_semaphore, #tpu.memory_space<semaphore_mem>>)
      } else {
      }
      %mul3A_163 = arith.constant 2 : i32
      %mul3A_164 = arith.muli %mul3A_163, %scan3A_144 : i32
      %add3A_165 = arith.constant 1 : i32
      %add3A_166 = arith.addi %mul3A_164, %add3A_165 : i32
      %add3A_167 = arith.constant 1 : i32
      %add3A_168 = arith.addi %add3A_166, %add3A_167 : i32
      %lt3A_169 = arith.constant 94 : i32
      %lt3A_170 = arith.cmpi slt, %add3A_168, %lt3A_169 : i32
      %convert_element_type3A_171 = arith.extui %lt3A_170 : i1 to i32
      %cond3A_172 = arith.constant 0 : i32
      %cond3A_173 = arith.cmpi ne, %convert_element_type3A_171, %cond3A_172 : i32
      scf.if %cond3A_173 {
        %add3A_184 = arith.constant 1 : i32
        %add3A_185 = arith.addi %add3A_166, %add3A_184 : i32
        %mul3A_186 = arith.constant 128 : i32
        %mul3A_187 = arith.muli %add3A_185, %mul3A_186 : i32
        %add3A_188 = arith.addi %mul3A_2, %mul3A_187 : i32
        %dma_wait3A_189 = tpu.memref_slice %arg3[%add3A_188] : memref<385024xi32, #tpu.memory_space<hbm>> -> memref<128xi32, #tpu.memory_space<hbm>>
        %dma_wait3A_190 = tpu.memref_slice %arg3[%add3A_188] : memref<385024xi32, #tpu.memory_space<hbm>> -> memref<128xi32, #tpu.memory_space<hbm>>
        tpu.wait_dma2 semaphore(%arg17 : memref<!tpu.dma_semaphore, #tpu.memory_space<semaphore_mem>>) src(%dma_wait3A_190 : memref<128xi32, #tpu.memory_space<hbm>>) dst(%arg7 : memref<128xi32, #tpu.memory_space<vmem>>)
        %add3A_191 = arith.constant 1 : i32
        %add3A_192 = arith.addi %add3A_166, %add3A_191 : i32
        %mul3A_193 = arith.constant 128 : i32
        %mul3A_194 = arith.muli %add3A_192, %mul3A_193 : i32
        %add3A_195 = arith.addi %mul3A_2, %mul3A_194 : i32
        %dma_wait3A_196 = tpu.memref_slice %arg4[%add3A_195] : memref<385024xi32, #tpu.memory_space<hbm>> -> memref<128xi32, #tpu.memory_space<hbm>>
        %dma_wait3A_197 = tpu.memref_slice %arg4[%add3A_195] : memref<385024xi32, #tpu.memory_space<hbm>> -> memref<128xi32, #tpu.memory_space<hbm>>
        tpu.wait_dma2 semaphore(%arg19 : memref<!tpu.dma_semaphore, #tpu.memory_space<semaphore_mem>>) src(%dma_wait3A_197 : memref<128xi32, #tpu.memory_space<hbm>>) dst(%arg9 : memref<128xi32, #tpu.memory_space<vmem>>)
        %dma_start3A_198 = arith.constant 0 : i32
        %dma_start3A_199 = arith.constant 0 : i32
        %dma_start3A_200 = tpu.memref_slice %arg2[%dma_start3A_198, %dma_start3A_199] : memref<10240x128xf32, #tpu.memory_space<hbm>> -> memref<10240x128xf32, #tpu.memory_space<hbm>>
        tpu.enqueue_indirect_dma source(%dma_start3A_200 : memref<10240x128xf32, #tpu.memory_space<hbm>>) target(%arg11 : memref<128x128xf32, #tpu.memory_space<vmem>>) offsets(%arg7 : memref<128xi32, #tpu.memory_space<vmem>>) semaphore(%arg15 : memref<!tpu.dma_semaphore, #tpu.memory_space<semaphore_mem>>)
      } else {
      }
      %dma_wait3A_174 = arith.constant 0 : i32
      %dma_wait3A_175 = arith.constant 0 : i32
      %dma_wait3A_176 = tpu.memref_slice %arg2[%dma_wait3A_174, %dma_wait3A_175] : memref<10240x128xf32, #tpu.memory_space<hbm>> -> memref<10240x128xf32, #tpu.memory_space<hbm>>
      tpu.wait_indirect_dma semaphore(%arg16 : memref<!tpu.dma_semaphore, #tpu.memory_space<semaphore_mem>>) src(%dma_wait3A_176 : memref<10240x128xf32, #tpu.memory_space<hbm>>) dst(%arg12 : memref<128x128xf32, #tpu.memory_space<vmem>>)
      "tpu.region"() ({
        %run_scoped3A = tpu.sem_alloc : memref<!tpu.dma_semaphore, #tpu.memory_space<semaphore_mem>>
        %dma_start3A_184 = arith.constant 0 : i32
        %dma_start3A_185 = arith.constant 0 : i32
        %dma_start3A_186 = tpu.memref_slice %arg14[%dma_start3A_184, %dma_start3A_185] : memref<10240x128xf32, #tpu.memory_space<vmem_shared>> -> memref<10240x128xf32, #tpu.memory_space<vmem_shared>>
        tpu.enqueue_indirect_dma source(%arg12 : memref<128x128xf32, #tpu.memory_space<vmem>>) target(%dma_start3A_186 : memref<10240x128xf32, #tpu.memory_space<vmem_shared>>) offsets(%arg10 : memref<128xi32, #tpu.memory_space<vmem>>) semaphore(%run_scoped3A : memref<!tpu.dma_semaphore, #tpu.memory_space<semaphore_mem>>) {add = true}
        %dma_wait3A_187 = arith.constant 0 : i32
        %dma_wait3A_188 = arith.constant 0 : i32
        %dma_wait3A_189 = tpu.memref_slice %arg14[%dma_wait3A_187, %dma_wait3A_188] : memref<10240x128xf32, #tpu.memory_space<vmem_shared>> -> memref<10240x128xf32, #tpu.memory_space<vmem_shared>>
        tpu.wait_indirect_dma semaphore(%run_scoped3A : memref<!tpu.dma_semaphore, #tpu.memory_space<semaphore_mem>>) src(%arg12 : memref<128x128xf32, #tpu.memory_space<vmem>>) dst(%dma_wait3A_189 : memref<10240x128xf32, #tpu.memory_space<vmem_shared>>)
        tpu.yield
      }) : () -> ()
      %add3A_177 = arith.constant 2 : i32
      %add3A_178 = arith.addi %add3A_166, %add3A_177 : i32
      %lt3A_179 = arith.constant 94 : i32
      %lt3A_180 = arith.cmpi slt, %add3A_178, %lt3A_179 : i32
      %convert_element_type3A_181 = arith.extui %lt3A_180 : i1 to i32
      %cond3A_182 = arith.constant 0 : i32
      %cond3A_183 = arith.cmpi ne, %convert_element_type3A_181, %cond3A_182 : i32
      scf.if %cond3A_183 {
        %add3A_184 = arith.constant 2 : i32
        %add3A_185 = arith.addi %add3A_166, %add3A_184 : i32
        %mul3A_186 = arith.constant 128 : i32
        %mul3A_187 = arith.muli %add3A_185, %mul3A_186 : i32
        %add3A_188 = arith.addi %mul3A_2, %mul3A_187 : i32
        %dma_start3A_189 = tpu.memref_slice %arg3[%add3A_188] : memref<385024xi32, #tpu.memory_space<hbm>> -> memref<128xi32, #tpu.memory_space<hbm>>
        %dma_start3A_190 = tpu.memref_slice %arg3[%add3A_188] : memref<385024xi32, #tpu.memory_space<hbm>> -> memref<128xi32, #tpu.memory_space<hbm>>
        tpu.enqueue_dma source(%dma_start3A_190 : memref<128xi32, #tpu.memory_space<hbm>>) target(%arg8 : memref<128xi32, #tpu.memory_space<vmem>>) target_semaphore(%arg18 : memref<!tpu.dma_semaphore, #tpu.memory_space<semaphore_mem>>)
        %add3A_191 = arith.constant 2 : i32
        %add3A_192 = arith.addi %add3A_166, %add3A_191 : i32
        %mul3A_193 = arith.constant 128 : i32
        %mul3A_194 = arith.muli %add3A_192, %mul3A_193 : i32
        %add3A_195 = arith.addi %mul3A_2, %mul3A_194 : i32
        %dma_start3A_196 = tpu.memref_slice %arg4[%add3A_195] : memref<385024xi32, #tpu.memory_space<hbm>> -> memref<128xi32, #tpu.memory_space<hbm>>
        %dma_start3A_197 = tpu.memref_slice %arg4[%add3A_195] : memref<385024xi32, #tpu.memory_space<hbm>> -> memref<128xi32, #tpu.memory_space<hbm>>
        tpu.enqueue_dma source(%dma_start3A_197 : memref<128xi32, #tpu.memory_space<hbm>>) target(%arg10 : memref<128xi32, #tpu.memory_space<vmem>>) target_semaphore(%arg20 : memref<!tpu.dma_semaphore, #tpu.memory_space<semaphore_mem>>)
      } else {
      }
    }
    %scan3A_136 = arith.constant 47 : i32
    %barrier3A_137 = arith.constant 0 : index
    tpu.barrier barrier_id(%barrier3A_137)
    %scan3A_138 = arith.constant 0 : i32
    %scan3A_139 = arith.constant 0 : i32
    %scan3A_140 = arith.constant 10 : i32
    %scan3A_141 = arith.addi %scan3A_139, %scan3A_140 : i32
    %scan3A_142 = arith.constant 1 : i32
    scf.for %scan3A_144 = %scan3A_139 to %scan3A_141 step %scan3A_142  : i32 {
      %mul3A_145 = arith.constant 640 : i32
      %mul3A_146 = arith.muli %arg1, %mul3A_145 : i32
      %mul3A_147 = arith.constant 64 : i32
      %mul3A_148 = arith.muli %scan3A_144, %mul3A_147 : i32
      %add3A_149 = arith.addi %mul3A_146, %mul3A_148 : i32
      "tpu.region"() ({
        %run_scoped3A = tpu.sem_alloc : memref<!tpu.dma_semaphore, #tpu.memory_space<semaphore_mem>>
        %dma_start3A_150 = arith.constant 0 : i32
        %dma_start3A_151 = tpu.memref_slice %arg14[%add3A_149, %dma_start3A_150] : memref<10240x128xf32, #tpu.memory_space<vmem_shared>> -> memref<64x128xf32, #tpu.memory_space<vmem_shared>>
        %dma_start3A_152 = arith.constant 0 : i32
        %dma_start3A_153 = tpu.memref_slice %arg14[%add3A_149, %dma_start3A_152] : memref<10240x128xf32, #tpu.memory_space<vmem_shared>> -> memref<64x128xf32, #tpu.memory_space<vmem_shared>>
        tpu.enqueue_dma source(%dma_start3A_153 : memref<64x128xf32, #tpu.memory_space<vmem_shared>>) target(%arg13 : memref<64x128xf32, #tpu.memory_space<vmem>>) target_semaphore(%run_scoped3A : memref<!tpu.dma_semaphore, #tpu.memory_space<semaphore_mem>>)
        %dma_wait3A_154 = arith.constant 0 : i32
        %dma_wait3A_155 = tpu.memref_slice %arg14[%add3A_149, %dma_wait3A_154] : memref<10240x128xf32, #tpu.memory_space<vmem_shared>> -> memref<64x128xf32, #tpu.memory_space<vmem_shared>>
        %dma_wait3A_156 = arith.constant 0 : i32
        %dma_wait3A_157 = tpu.memref_slice %arg14[%add3A_149, %dma_wait3A_156] : memref<10240x128xf32, #tpu.memory_space<vmem_shared>> -> memref<64x128xf32, #tpu.memory_space<vmem_shared>>
        tpu.wait_dma2 semaphore(%run_scoped3A : memref<!tpu.dma_semaphore, #tpu.memory_space<semaphore_mem>>) src(%dma_wait3A_157 : memref<64x128xf32, #tpu.memory_space<vmem_shared>>) dst(%arg13 : memref<64x128xf32, #tpu.memory_space<vmem>>)
        tpu.yield
      }) : () -> ()
      "tpu.region"() ({
        %run_scoped3A = tpu.sem_alloc : memref<!tpu.dma_semaphore, #tpu.memory_space<semaphore_mem>>
        %dma_start3A_150 = arith.constant 0 : i32
        %dma_start3A_151 = tpu.memref_slice %arg6[%arg0, %add3A_149, %dma_start3A_150] : memref<2x10240x128xf32, #tpu.memory_space<hbm>> -> memref<1x64x128xf32, #tpu.memory_space<hbm>>
        %dma_start3A_152 = tpu.memref_squeeze %dma_start3A_151 : memref<1x64x128xf32, #tpu.memory_space<hbm>> -> memref<64x128xf32, #tpu.memory_space<hbm>>
        %dma_start3A_153 = arith.constant 0 : i32
        %dma_start3A_154 = tpu.memref_slice %arg6[%arg0, %add3A_149, %dma_start3A_153] : memref<2x10240x128xf32, #tpu.memory_space<hbm>> -> memref<1x64x128xf32, #tpu.memory_space<hbm>>
        %dma_start3A_155 = tpu.memref_squeeze %dma_start3A_154 : memref<1x64x128xf32, #tpu.memory_space<hbm>> -> memref<64x128xf32, #tpu.memory_space<hbm>>
        tpu.enqueue_dma source(%arg13 : memref<64x128xf32, #tpu.memory_space<vmem>>) target(%dma_start3A_155 : memref<64x128xf32, #tpu.memory_space<hbm>>) target_semaphore(%run_scoped3A : memref<!tpu.dma_semaphore, #tpu.memory_space<semaphore_mem>>)
        %dma_wait3A_156 = arith.constant 0 : i32
        %dma_wait3A_157 = tpu.memref_slice %arg6[%arg0, %add3A_149, %dma_wait3A_156] : memref<2x10240x128xf32, #tpu.memory_space<hbm>> -> memref<1x64x128xf32, #tpu.memory_space<hbm>>
        %dma_wait3A_158 = tpu.memref_squeeze %dma_wait3A_157 : memref<1x64x128xf32, #tpu.memory_space<hbm>> -> memref<64x128xf32, #tpu.memory_space<hbm>>
        %dma_wait3A_159 = arith.constant 0 : i32
        %dma_wait3A_160 = tpu.memref_slice %arg6[%arg0, %add3A_149, %dma_wait3A_159] : memref<2x10240x128xf32, #tpu.memory_space<hbm>> -> memref<1x64x128xf32, #tpu.memory_space<hbm>>
        %dma_wait3A_161 = tpu.memref_squeeze %dma_wait3A_160 : memref<1x64x128xf32, #tpu.memory_space<hbm>> -> memref<64x128xf32, #tpu.memory_space<hbm>>
        tpu.wait_dma2 semaphore(%run_scoped3A : memref<!tpu.dma_semaphore, #tpu.memory_space<semaphore_mem>>) src(%arg13 : memref<64x128xf32, #tpu.memory_space<vmem>>) dst(%dma_wait3A_161 : memref<64x128xf32, #tpu.memory_space<hbm>>)
        tpu.yield
      }) : () -> ()
    }
    %scan3A_143 = arith.constant 10 : i32
    return
  }
}

#map = affine_map<(d0, d1) -> (0)>
#map1 = affine_map<(d0, d1) -> (0, 0)>
module attributes {stable_mosaic.version = 14 : i64} {
  func.func @_sc_degrees(%arg0: i32, %arg1: i32, %arg2: memref<320000xi32, #tpu.memory_space<hbm>>, %arg3: memref<320000xi32, #tpu.memory_space<hbm>>, %arg4: memref<80xf32, #tpu.memory_space<hbm>>, %arg5: memref<640xf32, #tpu.memory_space<hbm>>, %arg6: memref<2x10240xf32, #tpu.memory_space<hbm>>, %arg7: memref<2x10240xf32, #tpu.memory_space<hbm>>, %arg8: memref<80xi32, #tpu.memory_space<vmem>>, %arg9: memref<80xi32, #tpu.memory_space<vmem>>, %arg10: memref<80xf32, #tpu.memory_space<vmem>>, %arg11: memref<640xf32, #tpu.memory_space<vmem>>, %arg12: memref<10240xf32, #tpu.memory_space<vmem_shared>>, %arg13: memref<10240xf32, #tpu.memory_space<vmem_shared>>) attributes {dimension_semantics = [#tpu.dimension_semantics<core_parallel>, #tpu.dimension_semantics<subcore_parallel>], iteration_bounds = array<i64: 2, 16>, scalar_prefetch = 0 : i64, scratch_operands = 6 : i64, tpu.core_type = #tpu.core_type<sc_vector_subcore>, window_params = [{transform_indices = #map}, {transform_indices = #map}, {transform_indices = #map}, {transform_indices = #map}, {transform_indices = #map1}, {transform_indices = #map1}]} {
    "tpu.region"() ({
      %run_scoped3A = tpu.sem_alloc : memref<!tpu.dma_semaphore, #tpu.memory_space<semaphore_mem>>
      tpu.enqueue_dma source(%arg4 : memref<80xf32, #tpu.memory_space<hbm>>) target(%arg10 : memref<80xf32, #tpu.memory_space<vmem>>) target_semaphore(%run_scoped3A : memref<!tpu.dma_semaphore, #tpu.memory_space<semaphore_mem>>)
      tpu.wait_dma2 semaphore(%run_scoped3A : memref<!tpu.dma_semaphore, #tpu.memory_space<semaphore_mem>>) src(%arg4 : memref<80xf32, #tpu.memory_space<hbm>>) dst(%arg10 : memref<80xf32, #tpu.memory_space<vmem>>)
      tpu.yield
    }) : () -> ()
    %mul3A = arith.constant 640 : i32
    %mul3A_0 = arith.muli %arg1, %mul3A : i32
    "tpu.region"() ({
      %run_scoped3A = tpu.sem_alloc : memref<!tpu.dma_semaphore, #tpu.memory_space<semaphore_mem>>
      %dma_start3A = tpu.memref_slice %arg12[%mul3A_0] : memref<10240xf32, #tpu.memory_space<vmem_shared>> -> memref<640xf32, #tpu.memory_space<vmem_shared>>
      tpu.enqueue_dma source(%arg5 : memref<640xf32, #tpu.memory_space<hbm>>) target(%dma_start3A : memref<640xf32, #tpu.memory_space<vmem_shared>>) target_semaphore(%run_scoped3A : memref<!tpu.dma_semaphore, #tpu.memory_space<semaphore_mem>>)
      %dma_wait3A = tpu.memref_slice %arg12[%mul3A_0] : memref<10240xf32, #tpu.memory_space<vmem_shared>> -> memref<640xf32, #tpu.memory_space<vmem_shared>>
      tpu.wait_dma2 semaphore(%run_scoped3A : memref<!tpu.dma_semaphore, #tpu.memory_space<semaphore_mem>>) src(%arg5 : memref<640xf32, #tpu.memory_space<hbm>>) dst(%dma_wait3A : memref<640xf32, #tpu.memory_space<vmem_shared>>)
      tpu.yield
    }) : () -> ()
    "tpu.region"() ({
      %run_scoped3A = tpu.sem_alloc : memref<!tpu.dma_semaphore, #tpu.memory_space<semaphore_mem>>
      %dma_start3A = tpu.memref_slice %arg13[%mul3A_0] : memref<10240xf32, #tpu.memory_space<vmem_shared>> -> memref<640xf32, #tpu.memory_space<vmem_shared>>
      tpu.enqueue_dma source(%arg5 : memref<640xf32, #tpu.memory_space<hbm>>) target(%dma_start3A : memref<640xf32, #tpu.memory_space<vmem_shared>>) target_semaphore(%run_scoped3A : memref<!tpu.dma_semaphore, #tpu.memory_space<semaphore_mem>>)
      %dma_wait3A = tpu.memref_slice %arg13[%mul3A_0] : memref<10240xf32, #tpu.memory_space<vmem_shared>> -> memref<640xf32, #tpu.memory_space<vmem_shared>>
      tpu.wait_dma2 semaphore(%run_scoped3A : memref<!tpu.dma_semaphore, #tpu.memory_space<semaphore_mem>>) src(%arg5 : memref<640xf32, #tpu.memory_space<hbm>>) dst(%dma_wait3A : memref<640xf32, #tpu.memory_space<vmem_shared>>)
      tpu.yield
    }) : () -> ()
    %barrier3A = arith.constant 0 : index
    tpu.barrier barrier_id(%barrier3A)
    %mul3A_1 = arith.constant 16 : i32
    %mul3A_2 = arith.muli %arg0, %mul3A_1 : i32
    %add3A = arith.addi %mul3A_2, %arg1 : i32
    %mul3A_3 = arith.constant 10000 : i32
    %mul3A_4 = arith.muli %add3A, %mul3A_3 : i32
    %scan3A = arith.constant 0 : i32
    %scan3A_5 = arith.constant 0 : i32
    %scan3A_6 = arith.constant 125 : i32
    %scan3A_7 = arith.addi %scan3A_5, %scan3A_6 : i32
    %scan3A_8 = arith.constant 1 : i32
    scf.for %scan3A_11 = %scan3A_5 to %scan3A_7 step %scan3A_8  : i32 {
      %mul3A_12 = arith.constant 80 : i32
      %mul3A_13 = arith.muli %scan3A_11, %mul3A_12 : i32
      %add3A_14 = arith.addi %mul3A_4, %mul3A_13 : i32
      "tpu.region"() ({
        %run_scoped3A = tpu.sem_alloc : memref<!tpu.dma_semaphore, #tpu.memory_space<semaphore_mem>>
        %dma_start3A = tpu.memref_slice %arg2[%add3A_14] : memref<320000xi32, #tpu.memory_space<hbm>> -> memref<80xi32, #tpu.memory_space<hbm>>
        %dma_start3A_15 = tpu.memref_slice %arg2[%add3A_14] : memref<320000xi32, #tpu.memory_space<hbm>> -> memref<80xi32, #tpu.memory_space<hbm>>
        tpu.enqueue_dma source(%dma_start3A_15 : memref<80xi32, #tpu.memory_space<hbm>>) target(%arg8 : memref<80xi32, #tpu.memory_space<vmem>>) target_semaphore(%run_scoped3A : memref<!tpu.dma_semaphore, #tpu.memory_space<semaphore_mem>>)
        %dma_wait3A = tpu.memref_slice %arg2[%add3A_14] : memref<320000xi32, #tpu.memory_space<hbm>> -> memref<80xi32, #tpu.memory_space<hbm>>
        %dma_wait3A_16 = tpu.memref_slice %arg2[%add3A_14] : memref<320000xi32, #tpu.memory_space<hbm>> -> memref<80xi32, #tpu.memory_space<hbm>>
        tpu.wait_dma2 semaphore(%run_scoped3A : memref<!tpu.dma_semaphore, #tpu.memory_space<semaphore_mem>>) src(%dma_wait3A_16 : memref<80xi32, #tpu.memory_space<hbm>>) dst(%arg8 : memref<80xi32, #tpu.memory_space<vmem>>)
        tpu.yield
      }) : () -> ()
      "tpu.region"() ({
        %run_scoped3A = tpu.sem_alloc : memref<!tpu.dma_semaphore, #tpu.memory_space<semaphore_mem>>
        %dma_start3A = tpu.memref_slice %arg3[%add3A_14] : memref<320000xi32, #tpu.memory_space<hbm>> -> memref<80xi32, #tpu.memory_space<hbm>>
        %dma_start3A_15 = tpu.memref_slice %arg3[%add3A_14] : memref<320000xi32, #tpu.memory_space<hbm>> -> memref<80xi32, #tpu.memory_space<hbm>>
        tpu.enqueue_dma source(%dma_start3A_15 : memref<80xi32, #tpu.memory_space<hbm>>) target(%arg9 : memref<80xi32, #tpu.memory_space<vmem>>) target_semaphore(%run_scoped3A : memref<!tpu.dma_semaphore, #tpu.memory_space<semaphore_mem>>)
        %dma_wait3A = tpu.memref_slice %arg3[%add3A_14] : memref<320000xi32, #tpu.memory_space<hbm>> -> memref<80xi32, #tpu.memory_space<hbm>>
        %dma_wait3A_16 = tpu.memref_slice %arg3[%add3A_14] : memref<320000xi32, #tpu.memory_space<hbm>> -> memref<80xi32, #tpu.memory_space<hbm>>
        tpu.wait_dma2 semaphore(%run_scoped3A : memref<!tpu.dma_semaphore, #tpu.memory_space<semaphore_mem>>) src(%dma_wait3A_16 : memref<80xi32, #tpu.memory_space<hbm>>) dst(%arg9 : memref<80xi32, #tpu.memory_space<vmem>>)
        tpu.yield
      }) : () -> ()
      "tpu.region"() ({
        %run_scoped3A = tpu.sem_alloc : memref<!tpu.dma_semaphore, #tpu.memory_space<semaphore_mem>>
        %dma_start3A = arith.constant 0 : i32
        %dma_start3A_15 = tpu.memref_slice %arg12[%dma_start3A] : memref<10240xf32, #tpu.memory_space<vmem_shared>> -> memref<10240xf32, #tpu.memory_space<vmem_shared>>
        tpu.enqueue_indirect_dma source(%arg10 : memref<80xf32, #tpu.memory_space<vmem>>) target(%dma_start3A_15 : memref<10240xf32, #tpu.memory_space<vmem_shared>>) offsets(%arg8 : memref<80xi32, #tpu.memory_space<vmem>>) semaphore(%run_scoped3A : memref<!tpu.dma_semaphore, #tpu.memory_space<semaphore_mem>>) {add = true}
        %dma_wait3A = arith.constant 0 : i32
        %dma_wait3A_16 = tpu.memref_slice %arg12[%dma_wait3A] : memref<10240xf32, #tpu.memory_space<vmem_shared>> -> memref<10240xf32, #tpu.memory_space<vmem_shared>>
        tpu.wait_indirect_dma semaphore(%run_scoped3A : memref<!tpu.dma_semaphore, #tpu.memory_space<semaphore_mem>>) src(%arg10 : memref<80xf32, #tpu.memory_space<vmem>>) dst(%dma_wait3A_16 : memref<10240xf32, #tpu.memory_space<vmem_shared>>)
        tpu.yield
      }) : () -> ()
      "tpu.region"() ({
        %run_scoped3A = tpu.sem_alloc : memref<!tpu.dma_semaphore, #tpu.memory_space<semaphore_mem>>
        %dma_start3A = arith.constant 0 : i32
        %dma_start3A_15 = tpu.memref_slice %arg13[%dma_start3A] : memref<10240xf32, #tpu.memory_space<vmem_shared>> -> memref<10240xf32, #tpu.memory_space<vmem_shared>>
        tpu.enqueue_indirect_dma source(%arg10 : memref<80xf32, #tpu.memory_space<vmem>>) target(%dma_start3A_15 : memref<10240xf32, #tpu.memory_space<vmem_shared>>) offsets(%arg9 : memref<80xi32, #tpu.memory_space<vmem>>) semaphore(%run_scoped3A : memref<!tpu.dma_semaphore, #tpu.memory_space<semaphore_mem>>) {add = true}
        %dma_wait3A = arith.constant 0 : i32
        %dma_wait3A_16 = tpu.memref_slice %arg13[%dma_wait3A] : memref<10240xf32, #tpu.memory_space<vmem_shared>> -> memref<10240xf32, #tpu.memory_space<vmem_shared>>
        tpu.wait_indirect_dma semaphore(%run_scoped3A : memref<!tpu.dma_semaphore, #tpu.memory_space<semaphore_mem>>) src(%arg10 : memref<80xf32, #tpu.memory_space<vmem>>) dst(%dma_wait3A_16 : memref<10240xf32, #tpu.memory_space<vmem_shared>>)
        tpu.yield
      }) : () -> ()
    }
    %scan3A_9 = arith.constant 125 : i32
    %barrier3A_10 = arith.constant 0 : index
    tpu.barrier barrier_id(%barrier3A_10)
    "tpu.region"() ({
      %run_scoped3A = tpu.sem_alloc : memref<!tpu.dma_semaphore, #tpu.memory_space<semaphore_mem>>
      %dma_start3A = tpu.memref_slice %arg12[%mul3A_0] : memref<10240xf32, #tpu.memory_space<vmem_shared>> -> memref<640xf32, #tpu.memory_space<vmem_shared>>
      %dma_start3A_11 = tpu.memref_slice %arg12[%mul3A_0] : memref<10240xf32, #tpu.memory_space<vmem_shared>> -> memref<640xf32, #tpu.memory_space<vmem_shared>>
      tpu.enqueue_dma source(%dma_start3A_11 : memref<640xf32, #tpu.memory_space<vmem_shared>>) target(%arg11 : memref<640xf32, #tpu.memory_space<vmem>>) target_semaphore(%run_scoped3A : memref<!tpu.dma_semaphore, #tpu.memory_space<semaphore_mem>>)
      %dma_wait3A = tpu.memref_slice %arg12[%mul3A_0] : memref<10240xf32, #tpu.memory_space<vmem_shared>> -> memref<640xf32, #tpu.memory_space<vmem_shared>>
      %dma_wait3A_12 = tpu.memref_slice %arg12[%mul3A_0] : memref<10240xf32, #tpu.memory_space<vmem_shared>> -> memref<640xf32, #tpu.memory_space<vmem_shared>>
      tpu.wait_dma2 semaphore(%run_scoped3A : memref<!tpu.dma_semaphore, #tpu.memory_space<semaphore_mem>>) src(%dma_wait3A_12 : memref<640xf32, #tpu.memory_space<vmem_shared>>) dst(%arg11 : memref<640xf32, #tpu.memory_space<vmem>>)
      tpu.yield
    }) : () -> ()
    "tpu.region"() ({
      %run_scoped3A = tpu.sem_alloc : memref<!tpu.dma_semaphore, #tpu.memory_space<semaphore_mem>>
      %dma_start3A = tpu.memref_slice %arg6[%arg0, %mul3A_0] : memref<2x10240xf32, #tpu.memory_space<hbm>> -> memref<1x640xf32, #tpu.memory_space<hbm>>
      %dma_start3A_11 = tpu.memref_squeeze %dma_start3A : memref<1x640xf32, #tpu.memory_space<hbm>> -> memref<640xf32, #tpu.memory_space<hbm>>
      %dma_start3A_12 = tpu.memref_slice %arg6[%arg0, %mul3A_0] : memref<2x10240xf32, #tpu.memory_space<hbm>> -> memref<1x640xf32, #tpu.memory_space<hbm>>
      %dma_start3A_13 = tpu.memref_squeeze %dma_start3A_12 : memref<1x640xf32, #tpu.memory_space<hbm>> -> memref<640xf32, #tpu.memory_space<hbm>>
      tpu.enqueue_dma source(%arg11 : memref<640xf32, #tpu.memory_space<vmem>>) target(%dma_start3A_13 : memref<640xf32, #tpu.memory_space<hbm>>) target_semaphore(%run_scoped3A : memref<!tpu.dma_semaphore, #tpu.memory_space<semaphore_mem>>)
      %dma_wait3A = tpu.memref_slice %arg6[%arg0, %mul3A_0] : memref<2x10240xf32, #tpu.memory_space<hbm>> -> memref<1x640xf32, #tpu.memory_space<hbm>>
      %dma_wait3A_14 = tpu.memref_squeeze %dma_wait3A : memref<1x640xf32, #tpu.memory_space<hbm>> -> memref<640xf32, #tpu.memory_space<hbm>>
      %dma_wait3A_15 = tpu.memref_slice %arg6[%arg0, %mul3A_0] : memref<2x10240xf32, #tpu.memory_space<hbm>> -> memref<1x640xf32, #tpu.memory_space<hbm>>
      %dma_wait3A_16 = tpu.memref_squeeze %dma_wait3A_15 : memref<1x640xf32, #tpu.memory_space<hbm>> -> memref<640xf32, #tpu.memory_space<hbm>>
      tpu.wait_dma2 semaphore(%run_scoped3A : memref<!tpu.dma_semaphore, #tpu.memory_space<semaphore_mem>>) src(%arg11 : memref<640xf32, #tpu.memory_space<vmem>>) dst(%dma_wait3A_16 : memref<640xf32, #tpu.memory_space<hbm>>)
      tpu.yield
    }) : () -> ()
    "tpu.region"() ({
      %run_scoped3A = tpu.sem_alloc : memref<!tpu.dma_semaphore, #tpu.memory_space<semaphore_mem>>
      %dma_start3A = tpu.memref_slice %arg13[%mul3A_0] : memref<10240xf32, #tpu.memory_space<vmem_shared>> -> memref<640xf32, #tpu.memory_space<vmem_shared>>
      %dma_start3A_11 = tpu.memref_slice %arg13[%mul3A_0] : memref<10240xf32, #tpu.memory_space<vmem_shared>> -> memref<640xf32, #tpu.memory_space<vmem_shared>>
      tpu.enqueue_dma source(%dma_start3A_11 : memref<640xf32, #tpu.memory_space<vmem_shared>>) target(%arg11 : memref<640xf32, #tpu.memory_space<vmem>>) target_semaphore(%run_scoped3A : memref<!tpu.dma_semaphore, #tpu.memory_space<semaphore_mem>>)
      %dma_wait3A = tpu.memref_slice %arg13[%mul3A_0] : memref<10240xf32, #tpu.memory_space<vmem_shared>> -> memref<640xf32, #tpu.memory_space<vmem_shared>>
      %dma_wait3A_12 = tpu.memref_slice %arg13[%mul3A_0] : memref<10240xf32, #tpu.memory_space<vmem_shared>> -> memref<640xf32, #tpu.memory_space<vmem_shared>>
      tpu.wait_dma2 semaphore(%run_scoped3A : memref<!tpu.dma_semaphore, #tpu.memory_space<semaphore_mem>>) src(%dma_wait3A_12 : memref<640xf32, #tpu.memory_space<vmem_shared>>) dst(%arg11 : memref<640xf32, #tpu.memory_space<vmem>>)
      tpu.yield
    }) : () -> ()
    "tpu.region"() ({
      %run_scoped3A = tpu.sem_alloc : memref<!tpu.dma_semaphore, #tpu.memory_space<semaphore_mem>>
      %dma_start3A = tpu.memref_slice %arg7[%arg0, %mul3A_0] : memref<2x10240xf32, #tpu.memory_space<hbm>> -> memref<1x640xf32, #tpu.memory_space<hbm>>
      %dma_start3A_11 = tpu.memref_squeeze %dma_start3A : memref<1x640xf32, #tpu.memory_space<hbm>> -> memref<640xf32, #tpu.memory_space<hbm>>
      %dma_start3A_12 = tpu.memref_slice %arg7[%arg0, %mul3A_0] : memref<2x10240xf32, #tpu.memory_space<hbm>> -> memref<1x640xf32, #tpu.memory_space<hbm>>
      %dma_start3A_13 = tpu.memref_squeeze %dma_start3A_12 : memref<1x640xf32, #tpu.memory_space<hbm>> -> memref<640xf32, #tpu.memory_space<hbm>>
      tpu.enqueue_dma source(%arg11 : memref<640xf32, #tpu.memory_space<vmem>>) target(%dma_start3A_13 : memref<640xf32, #tpu.memory_space<hbm>>) target_semaphore(%run_scoped3A : memref<!tpu.dma_semaphore, #tpu.memory_space<semaphore_mem>>)
      %dma_wait3A = tpu.memref_slice %arg7[%arg0, %mul3A_0] : memref<2x10240xf32, #tpu.memory_space<hbm>> -> memref<1x640xf32, #tpu.memory_space<hbm>>
      %dma_wait3A_14 = tpu.memref_squeeze %dma_wait3A : memref<1x640xf32, #tpu.memory_space<hbm>> -> memref<640xf32, #tpu.memory_space<hbm>>
      %dma_wait3A_15 = tpu.memref_slice %arg7[%arg0, %mul3A_0] : memref<2x10240xf32, #tpu.memory_space<hbm>> -> memref<1x640xf32, #tpu.memory_space<hbm>>
      %dma_wait3A_16 = tpu.memref_squeeze %dma_wait3A_15 : memref<1x640xf32, #tpu.memory_space<hbm>> -> memref<640xf32, #tpu.memory_space<hbm>>
      tpu.wait_dma2 semaphore(%run_scoped3A : memref<!tpu.dma_semaphore, #tpu.memory_space<semaphore_mem>>) src(%arg11 : memref<640xf32, #tpu.memory_space<vmem>>) dst(%dma_wait3A_16 : memref<640xf32, #tpu.memory_space<hbm>>)
      tpu.yield
    }) : () -> ()
    return
  }
}

#map = affine_map<(d0, d1) -> (0)>
module attributes {stable_mosaic.version = 14 : i64} {
  func.func @_sc_partition(%arg0: i32, %arg1: i32, %arg2: memref<320000xi32, #tpu.memory_space<hbm>>, %arg3: memref<320000xi32, #tpu.memory_space<hbm>>, %arg4: memref<192512xi32, #tpu.memory_space<hbm>>, %arg5: memref<385024xi32, #tpu.memory_space<hbm>>, %arg6: memref<385024xi32, #tpu.memory_space<hbm>>, %arg7: memref<1600xi32, #tpu.memory_space<vmem>>, %arg8: memref<1600xi32, #tpu.memory_space<vmem>>, %arg9: memref<12032xi32, #tpu.memory_space<vmem>>, %arg10: memref<12032xi32, #tpu.memory_space<vmem>>) attributes {dimension_semantics = [#tpu.dimension_semantics<core_parallel>, #tpu.dimension_semantics<subcore_parallel>], iteration_bounds = array<i64: 2, 16>, scalar_prefetch = 0 : i64, scratch_operands = 4 : i64, tpu.core_type = #tpu.core_type<sc_vector_subcore>, window_params = [{transform_indices = #map}, {transform_indices = #map}, {transform_indices = #map}, {transform_indices = #map}, {transform_indices = #map}]} {
    %mul3A = arith.constant 16 : i32
    %mul3A_0 = arith.muli %arg0, %mul3A : i32
    %add3A = arith.addi %mul3A_0, %arg1 : i32
    %mul3A_1 = arith.constant 160000 : i32
    %mul3A_2 = arith.muli %arg0, %mul3A_1 : i32
    %mul3A_3 = arith.constant 12032 : i32
    %mul3A_4 = arith.muli %arg1, %mul3A_3 : i32
    "tpu.region"() ({
      %run_scoped3A = tpu.sem_alloc : memref<!tpu.dma_semaphore, #tpu.memory_space<semaphore_mem>>
      %dma_start3A = tpu.memref_slice %arg4[%mul3A_4] : memref<192512xi32, #tpu.memory_space<hbm>> -> memref<12032xi32, #tpu.memory_space<hbm>>
      %dma_start3A_20 = tpu.memref_slice %arg4[%mul3A_4] : memref<192512xi32, #tpu.memory_space<hbm>> -> memref<12032xi32, #tpu.memory_space<hbm>>
      tpu.enqueue_dma source(%dma_start3A_20 : memref<12032xi32, #tpu.memory_space<hbm>>) target(%arg9 : memref<12032xi32, #tpu.memory_space<vmem>>) target_semaphore(%run_scoped3A : memref<!tpu.dma_semaphore, #tpu.memory_space<semaphore_mem>>)
      %dma_wait3A = tpu.memref_slice %arg4[%mul3A_4] : memref<192512xi32, #tpu.memory_space<hbm>> -> memref<12032xi32, #tpu.memory_space<hbm>>
      %dma_wait3A_21 = tpu.memref_slice %arg4[%mul3A_4] : memref<192512xi32, #tpu.memory_space<hbm>> -> memref<12032xi32, #tpu.memory_space<hbm>>
      tpu.wait_dma2 semaphore(%run_scoped3A : memref<!tpu.dma_semaphore, #tpu.memory_space<semaphore_mem>>) src(%dma_wait3A_21 : memref<12032xi32, #tpu.memory_space<hbm>>) dst(%arg9 : memref<12032xi32, #tpu.memory_space<vmem>>)
      tpu.yield
    }) : () -> ()
    %mul3A_5 = arith.constant 12032 : i32
    %mul3A_6 = arith.muli %arg1, %mul3A_5 : i32
    "tpu.region"() ({
      %run_scoped3A = tpu.sem_alloc : memref<!tpu.dma_semaphore, #tpu.memory_space<semaphore_mem>>
      %dma_start3A = tpu.memref_slice %arg4[%mul3A_6] : memref<192512xi32, #tpu.memory_space<hbm>> -> memref<12032xi32, #tpu.memory_space<hbm>>
      %dma_start3A_20 = tpu.memref_slice %arg4[%mul3A_6] : memref<192512xi32, #tpu.memory_space<hbm>> -> memref<12032xi32, #tpu.memory_space<hbm>>
      tpu.enqueue_dma source(%dma_start3A_20 : memref<12032xi32, #tpu.memory_space<hbm>>) target(%arg10 : memref<12032xi32, #tpu.memory_space<vmem>>) target_semaphore(%run_scoped3A : memref<!tpu.dma_semaphore, #tpu.memory_space<semaphore_mem>>)
      %dma_wait3A = tpu.memref_slice %arg4[%mul3A_6] : memref<192512xi32, #tpu.memory_space<hbm>> -> memref<12032xi32, #tpu.memory_space<hbm>>
      %dma_wait3A_21 = tpu.memref_slice %arg4[%mul3A_6] : memref<192512xi32, #tpu.memory_space<hbm>> -> memref<12032xi32, #tpu.memory_space<hbm>>
      tpu.wait_dma2 semaphore(%run_scoped3A : memref<!tpu.dma_semaphore, #tpu.memory_space<semaphore_mem>>) src(%dma_wait3A_21 : memref<12032xi32, #tpu.memory_space<hbm>>) dst(%arg10 : memref<12032xi32, #tpu.memory_space<vmem>>)
      tpu.yield
    }) : () -> ()
    %iota3A = tpu.iota {dimensions = array<i32: 0>} : vector<16xi32>
    %mul3A_7 = arith.constant 752 : i32
    %mul3A_8 = vector.broadcast %mul3A_7 : i32 to vector<16xi32>
    %mul3A_9 = arith.muli %iota3A, %mul3A_8 : vector<16xi32>
    %broadcast_in_dim3A = arith.constant 0 : i32
    %broadcast_in_dim3A_10 = vector.broadcast %broadcast_in_dim3A : i32 to vector<16xi32>
    %scan3A = arith.constant 0 : i32
    %scan3A_11 = arith.constant 100 : i32
    %scan3A_12 = arith.addi %scan3A, %scan3A_11 : i32
    %scan3A_13 = arith.constant 1 : i32
    %scan3A_14 = scf.for %scan3A_20 = %scan3A to %scan3A_12 step %scan3A_13 iter_args(%scan3A_21 = %broadcast_in_dim3A_10) -> (vector<16xi32>)  : i32 {
      %mul3A_22 = arith.constant 1600 : i32
      %mul3A_23 = arith.muli %scan3A_20, %mul3A_22 : i32
      %add3A_24 = arith.addi %mul3A_2, %mul3A_23 : i32
      "tpu.region"() ({
        %run_scoped3A = tpu.sem_alloc : memref<!tpu.dma_semaphore, #tpu.memory_space<semaphore_mem>>
        %dma_start3A = tpu.memref_slice %arg2[%add3A_24] : memref<320000xi32, #tpu.memory_space<hbm>> -> memref<1600xi32, #tpu.memory_space<hbm>>
        %dma_start3A_31 = tpu.memref_slice %arg2[%add3A_24] : memref<320000xi32, #tpu.memory_space<hbm>> -> memref<1600xi32, #tpu.memory_space<hbm>>
        tpu.enqueue_dma source(%dma_start3A_31 : memref<1600xi32, #tpu.memory_space<hbm>>) target(%arg7 : memref<1600xi32, #tpu.memory_space<vmem>>) target_semaphore(%run_scoped3A : memref<!tpu.dma_semaphore, #tpu.memory_space<semaphore_mem>>)
        %dma_wait3A = tpu.memref_slice %arg2[%add3A_24] : memref<320000xi32, #tpu.memory_space<hbm>> -> memref<1600xi32, #tpu.memory_space<hbm>>
        %dma_wait3A_32 = tpu.memref_slice %arg2[%add3A_24] : memref<320000xi32, #tpu.memory_space<hbm>> -> memref<1600xi32, #tpu.memory_space<hbm>>
        tpu.wait_dma2 semaphore(%run_scoped3A : memref<!tpu.dma_semaphore, #tpu.memory_space<semaphore_mem>>) src(%dma_wait3A_32 : memref<1600xi32, #tpu.memory_space<hbm>>) dst(%arg7 : memref<1600xi32, #tpu.memory_space<vmem>>)
        tpu.yield
      }) : () -> ()
      "tpu.region"() ({
        %run_scoped3A = tpu.sem_alloc : memref<!tpu.dma_semaphore, #tpu.memory_space<semaphore_mem>>
        %dma_start3A = tpu.memref_slice %arg3[%add3A_24] : memref<320000xi32, #tpu.memory_space<hbm>> -> memref<1600xi32, #tpu.memory_space<hbm>>
        %dma_start3A_31 = tpu.memref_slice %arg3[%add3A_24] : memref<320000xi32, #tpu.memory_space<hbm>> -> memref<1600xi32, #tpu.memory_space<hbm>>
        tpu.enqueue_dma source(%dma_start3A_31 : memref<1600xi32, #tpu.memory_space<hbm>>) target(%arg8 : memref<1600xi32, #tpu.memory_space<vmem>>) target_semaphore(%run_scoped3A : memref<!tpu.dma_semaphore, #tpu.memory_space<semaphore_mem>>)
        %dma_wait3A = tpu.memref_slice %arg3[%add3A_24] : memref<320000xi32, #tpu.memory_space<hbm>> -> memref<1600xi32, #tpu.memory_space<hbm>>
        %dma_wait3A_32 = tpu.memref_slice %arg3[%add3A_24] : memref<320000xi32, #tpu.memory_space<hbm>> -> memref<1600xi32, #tpu.memory_space<hbm>>
        tpu.wait_dma2 semaphore(%run_scoped3A : memref<!tpu.dma_semaphore, #tpu.memory_space<semaphore_mem>>) src(%dma_wait3A_32 : memref<1600xi32, #tpu.memory_space<hbm>>) dst(%arg8 : memref<1600xi32, #tpu.memory_space<vmem>>)
        tpu.yield
      }) : () -> ()
      %scan3A_25 = arith.constant 0 : i32
      %scan3A_26 = arith.constant 25 : i32
      %scan3A_27 = arith.addi %scan3A_25, %scan3A_26 : i32
      %scan3A_28 = arith.constant 1 : i32
      %scan3A_29 = scf.for %scan3A_31 = %scan3A_25 to %scan3A_27 step %scan3A_28 iter_args(%scan3A_32 = %scan3A_21) -> (vector<16xi32>)  : i32 {
        %mul3A_33 = arith.constant 4 : i32
        %mul3A_34 = arith.muli %scan3A_31, %mul3A_33 : i32
        %add3A_35 = arith.constant 0 : i32
        %add3A_36 = arith.addi %mul3A_34, %add3A_35 : i32
        %mul3A_37 = arith.constant 16 : i32
        %mul3A_38 = arith.muli %add3A_36, %mul3A_37 : i32
        %get3A = arith.index_cast %mul3A_38 : i32 to index
        %get3A_39 = tpu.vector_load %arg8[%get3A] {strides = array<i32>} : memref<1600xi32, #tpu.memory_space<vmem>>, vector<16xi32>,
        %mul3A_40 = arith.constant 4 : i32
        %mul3A_41 = arith.muli %scan3A_31, %mul3A_40 : i32
        %add3A_42 = arith.constant 0 : i32
        %add3A_43 = arith.addi %mul3A_41, %add3A_42 : i32
        %mul3A_44 = arith.constant 16 : i32
        %mul3A_45 = arith.muli %add3A_43, %mul3A_44 : i32
        %get3A_46 = arith.index_cast %mul3A_45 : i32 to index
        %get3A_47 = tpu.vector_load %arg7[%get3A_46] {strides = array<i32>} : memref<1600xi32, #tpu.memory_space<vmem>>, vector<16xi32>,
        %and3A = arith.constant 15 : i32
        %and3A_48 = vector.broadcast %and3A : i32 to vector<16xi32>
        %and3A_49 = arith.andi %get3A_39, %and3A_48 : vector<16xi32>
        %xor3A = vector.broadcast %arg1 : i32 to vector<16xi32>
        %xor3A_50 = arith.xori %and3A_49, %xor3A : vector<16xi32>
        %eq3A = arith.constant 0 : i32
        %eq3A_51 = vector.broadcast %eq3A : i32 to vector<16xi32>
        %eq3A_52 = arith.cmpi eq, %xor3A_50, %eq3A_51 : vector<16xi32>
        %min3A = arith.constant 1 : i32
        %min3A_53 = vector.broadcast %min3A : i32 to vector<16xi32>
        %min3A_54 = arith.minsi %xor3A_50, %min3A_53 : vector<16xi32>
        %sub3A = arith.constant 1 : i32
        %sub3A_55 = vector.broadcast %sub3A : i32 to vector<16xi32>
        %sub3A_56 = arith.subi %sub3A_55, %min3A_54 : vector<16xi32>
        %add3A_57 = arith.addi %mul3A_9, %scan3A_32 : vector<16xi32>
        tpu.vector_store_idx %arg10[%add3A_57], %get3A_39 masked %eq3A_52 : memref<12032xi32, #tpu.memory_space<vmem>>[vector<16xi32>], vector<16xi32>, vector<16xi1>
        tpu.vector_store_idx %arg9[%add3A_57], %get3A_47 masked %eq3A_52 : memref<12032xi32, #tpu.memory_space<vmem>>[vector<16xi32>], vector<16xi32>, vector<16xi1>
        %add3A_58 = arith.addi %scan3A_32, %sub3A_56 : vector<16xi32>
        %min3A_59 = arith.constant 751 : i32
        %min3A_60 = vector.broadcast %min3A_59 : i32 to vector<16xi32>
        %min3A_61 = arith.minsi %add3A_58, %min3A_60 : vector<16xi32>
        %mul3A_62 = arith.constant 4 : i32
        %mul3A_63 = arith.muli %scan3A_31, %mul3A_62 : i32
        %add3A_64 = arith.constant 1 : i32
        %add3A_65 = arith.addi %mul3A_63, %add3A_64 : i32
        %mul3A_66 = arith.constant 16 : i32
        %mul3A_67 = arith.muli %add3A_65, %mul3A_66 : i32
        %get3A_68 = arith.index_cast %mul3A_67 : i32 to index
        %get3A_69 = tpu.vector_load %arg8[%get3A_68] {strides = array<i32>} : memref<1600xi32, #tpu.memory_space<vmem>>, vector<16xi32>,
        %mul3A_70 = arith.constant 4 : i32
        %mul3A_71 = arith.muli %scan3A_31, %mul3A_70 : i32
        %add3A_72 = arith.constant 1 : i32
        %add3A_73 = arith.addi %mul3A_71, %add3A_72 : i32
        %mul3A_74 = arith.constant 16 : i32
        %mul3A_75 = arith.muli %add3A_73, %mul3A_74 : i32
        %get3A_76 = arith.index_cast %mul3A_75 : i32 to index
        %get3A_77 = tpu.vector_load %arg7[%get3A_76] {strides = array<i32>} : memref<1600xi32, #tpu.memory_space<vmem>>, vector<16xi32>,
        %and3A_78 = arith.constant 15 : i32
        %and3A_79 = vector.broadcast %and3A_78 : i32 to vector<16xi32>
        %and3A_80 = arith.andi %get3A_69, %and3A_79 : vector<16xi32>
        %xor3A_81 = vector.broadcast %arg1 : i32 to vector<16xi32>
        %xor3A_82 = arith.xori %and3A_80, %xor3A_81 : vector<16xi32>
        %eq3A_83 = arith.constant 0 : i32
        %eq3A_84 = vector.broadcast %eq3A_83 : i32 to vector<16xi32>
        %eq3A_85 = arith.cmpi eq, %xor3A_82, %eq3A_84 : vector<16xi32>
        %min3A_86 = arith.constant 1 : i32
        %min3A_87 = vector.broadcast %min3A_86 : i32 to vector<16xi32>
        %min3A_88 = arith.minsi %xor3A_82, %min3A_87 : vector<16xi32>
        %sub3A_89 = arith.constant 1 : i32
        %sub3A_90 = vector.broadcast %sub3A_89 : i32 to vector<16xi32>
        %sub3A_91 = arith.subi %sub3A_90, %min3A_88 : vector<16xi32>
        %add3A_92 = arith.addi %mul3A_9, %min3A_61 : vector<16xi32>
        tpu.vector_store_idx %arg10[%add3A_92], %get3A_69 masked %eq3A_85 : memref<12032xi32, #tpu.memory_space<vmem>>[vector<16xi32>], vector<16xi32>, vector<16xi1>
        tpu.vector_store_idx %arg9[%add3A_92], %get3A_77 masked %eq3A_85 : memref<12032xi32, #tpu.memory_space<vmem>>[vector<16xi32>], vector<16xi32>, vector<16xi1>
        %add3A_93 = arith.addi %min3A_61, %sub3A_91 : vector<16xi32>
        %min3A_94 = arith.constant 751 : i32
        %min3A_95 = vector.broadcast %min3A_94 : i32 to vector<16xi32>
        %min3A_96 = arith.minsi %add3A_93, %min3A_95 : vector<16xi32>
        %mul3A_97 = arith.constant 4 : i32
        %mul3A_98 = arith.muli %scan3A_31, %mul3A_97 : i32
        %add3A_99 = arith.constant 2 : i32
        %add3A_100 = arith.addi %mul3A_98, %add3A_99 : i32
        %mul3A_101 = arith.constant 16 : i32
        %mul3A_102 = arith.muli %add3A_100, %mul3A_101 : i32
        %get3A_103 = arith.index_cast %mul3A_102 : i32 to index
        %get3A_104 = tpu.vector_load %arg8[%get3A_103] {strides = array<i32>} : memref<1600xi32, #tpu.memory_space<vmem>>, vector<16xi32>,
        %mul3A_105 = arith.constant 4 : i32
        %mul3A_106 = arith.muli %scan3A_31, %mul3A_105 : i32
        %add3A_107 = arith.constant 2 : i32
        %add3A_108 = arith.addi %mul3A_106, %add3A_107 : i32
        %mul3A_109 = arith.constant 16 : i32
        %mul3A_110 = arith.muli %add3A_108, %mul3A_109 : i32
        %get3A_111 = arith.index_cast %mul3A_110 : i32 to index
        %get3A_112 = tpu.vector_load %arg7[%get3A_111] {strides = array<i32>} : memref<1600xi32, #tpu.memory_space<vmem>>, vector<16xi32>,
        %and3A_113 = arith.constant 15 : i32
        %and3A_114 = vector.broadcast %and3A_113 : i32 to vector<16xi32>
        %and3A_115 = arith.andi %get3A_104, %and3A_114 : vector<16xi32>
        %xor3A_116 = vector.broadcast %arg1 : i32 to vector<16xi32>
        %xor3A_117 = arith.xori %and3A_115, %xor3A_116 : vector<16xi32>
        %eq3A_118 = arith.constant 0 : i32
        %eq3A_119 = vector.broadcast %eq3A_118 : i32 to vector<16xi32>
        %eq3A_120 = arith.cmpi eq, %xor3A_117, %eq3A_119 : vector<16xi32>
        %min3A_121 = arith.constant 1 : i32
        %min3A_122 = vector.broadcast %min3A_121 : i32 to vector<16xi32>
        %min3A_123 = arith.minsi %xor3A_117, %min3A_122 : vector<16xi32>
        %sub3A_124 = arith.constant 1 : i32
        %sub3A_125 = vector.broadcast %sub3A_124 : i32 to vector<16xi32>
        %sub3A_126 = arith.subi %sub3A_125, %min3A_123 : vector<16xi32>
        %add3A_127 = arith.addi %mul3A_9, %min3A_96 : vector<16xi32>
        tpu.vector_store_idx %arg10[%add3A_127], %get3A_104 masked %eq3A_120 : memref<12032xi32, #tpu.memory_space<vmem>>[vector<16xi32>], vector<16xi32>, vector<16xi1>
        tpu.vector_store_idx %arg9[%add3A_127], %get3A_112 masked %eq3A_120 : memref<12032xi32, #tpu.memory_space<vmem>>[vector<16xi32>], vector<16xi32>, vector<16xi1>
        %add3A_128 = arith.addi %min3A_96, %sub3A_126 : vector<16xi32>
        %min3A_129 = arith.constant 751 : i32
        %min3A_130 = vector.broadcast %min3A_129 : i32 to vector<16xi32>
        %min3A_131 = arith.minsi %add3A_128, %min3A_130 : vector<16xi32>
        %mul3A_132 = arith.constant 4 : i32
        %mul3A_133 = arith.muli %scan3A_31, %mul3A_132 : i32
        %add3A_134 = arith.constant 3 : i32
        %add3A_135 = arith.addi %mul3A_133, %add3A_134 : i32
        %mul3A_136 = arith.constant 16 : i32
        %mul3A_137 = arith.muli %add3A_135, %mul3A_136 : i32
        %get3A_138 = arith.index_cast %mul3A_137 : i32 to index
        %get3A_139 = tpu.vector_load %arg8[%get3A_138] {strides = array<i32>} : memref<1600xi32, #tpu.memory_space<vmem>>, vector<16xi32>,
        %mul3A_140 = arith.constant 4 : i32
        %mul3A_141 = arith.muli %scan3A_31, %mul3A_140 : i32
        %add3A_142 = arith.constant 3 : i32
        %add3A_143 = arith.addi %mul3A_141, %add3A_142 : i32
        %mul3A_144 = arith.constant 16 : i32
        %mul3A_145 = arith.muli %add3A_143, %mul3A_144 : i32
        %get3A_146 = arith.index_cast %mul3A_145 : i32 to index
        %get3A_147 = tpu.vector_load %arg7[%get3A_146] {strides = array<i32>} : memref<1600xi32, #tpu.memory_space<vmem>>, vector<16xi32>,
        %and3A_148 = arith.constant 15 : i32
        %and3A_149 = vector.broadcast %and3A_148 : i32 to vector<16xi32>
        %and3A_150 = arith.andi %get3A_139, %and3A_149 : vector<16xi32>
        %xor3A_151 = vector.broadcast %arg1 : i32 to vector<16xi32>
        %xor3A_152 = arith.xori %and3A_150, %xor3A_151 : vector<16xi32>
        %eq3A_153 = arith.constant 0 : i32
        %eq3A_154 = vector.broadcast %eq3A_153 : i32 to vector<16xi32>
        %eq3A_155 = arith.cmpi eq, %xor3A_152, %eq3A_154 : vector<16xi32>
        %min3A_156 = arith.constant 1 : i32
        %min3A_157 = vector.broadcast %min3A_156 : i32 to vector<16xi32>
        %min3A_158 = arith.minsi %xor3A_152, %min3A_157 : vector<16xi32>
        %sub3A_159 = arith.constant 1 : i32
        %sub3A_160 = vector.broadcast %sub3A_159 : i32 to vector<16xi32>
        %sub3A_161 = arith.subi %sub3A_160, %min3A_158 : vector<16xi32>
        %add3A_162 = arith.addi %mul3A_9, %min3A_131 : vector<16xi32>
        tpu.vector_store_idx %arg10[%add3A_162], %get3A_139 masked %eq3A_155 : memref<12032xi32, #tpu.memory_space<vmem>>[vector<16xi32>], vector<16xi32>, vector<16xi1>
        tpu.vector_store_idx %arg9[%add3A_162], %get3A_147 masked %eq3A_155 : memref<12032xi32, #tpu.memory_space<vmem>>[vector<16xi32>], vector<16xi32>, vector<16xi1>
        %add3A_163 = arith.addi %min3A_131, %sub3A_161 : vector<16xi32>
        %min3A_164 = arith.constant 751 : i32
        %min3A_165 = vector.broadcast %min3A_164 : i32 to vector<16xi32>
        %min3A_166 = arith.minsi %add3A_163, %min3A_165 : vector<16xi32>
        scf.yield %min3A_166 : vector<16xi32>
      }
      %scan3A_30 = arith.constant 25 : i32
      scf.yield %scan3A_29 : vector<16xi32>
    }
    %scan3A_15 = arith.constant 100 : i32
    %mul3A_16 = arith.constant 12032 : i32
    %mul3A_17 = arith.muli %add3A, %mul3A_16 : i32
    "tpu.region"() ({
      %run_scoped3A = tpu.sem_alloc : memref<!tpu.dma_semaphore, #tpu.memory_space<semaphore_mem>>
      %dma_start3A = tpu.memref_slice %arg5[%mul3A_17] : memref<385024xi32, #tpu.memory_space<hbm>> -> memref<12032xi32, #tpu.memory_space<hbm>>
      %dma_start3A_20 = tpu.memref_slice %arg5[%mul3A_17] : memref<385024xi32, #tpu.memory_space<hbm>> -> memref<12032xi32, #tpu.memory_space<hbm>>
      tpu.enqueue_dma source(%arg9 : memref<12032xi32, #tpu.memory_space<vmem>>) target(%dma_start3A_20 : memref<12032xi32, #tpu.memory_space<hbm>>) target_semaphore(%run_scoped3A : memref<!tpu.dma_semaphore, #tpu.memory_space<semaphore_mem>>)
      %dma_wait3A = tpu.memref_slice %arg5[%mul3A_17] : memref<385024xi32, #tpu.memory_space<hbm>> -> memref<12032xi32, #tpu.memory_space<hbm>>
      %dma_wait3A_21 = tpu.memref_slice %arg5[%mul3A_17] : memref<385024xi32, #tpu.memory_space<hbm>> -> memref<12032xi32, #tpu.memory_space<hbm>>
      tpu.wait_dma2 semaphore(%run_scoped3A : memref<!tpu.dma_semaphore, #tpu.memory_space<semaphore_mem>>) src(%arg9 : memref<12032xi32, #tpu.memory_space<vmem>>) dst(%dma_wait3A_21 : memref<12032xi32, #tpu.memory_space<hbm>>)
      tpu.yield
    }) : () -> ()
    %mul3A_18 = arith.constant 12032 : i32
    %mul3A_19 = arith.muli %add3A, %mul3A_18 : i32
    "tpu.region"() ({
      %run_scoped3A = tpu.sem_alloc : memref<!tpu.dma_semaphore, #tpu.memory_space<semaphore_mem>>
      %dma_start3A = tpu.memref_slice %arg6[%mul3A_19] : memref<385024xi32, #tpu.memory_space<hbm>> -> memref<12032xi32, #tpu.memory_space<hbm>>
      %dma_start3A_20 = tpu.memref_slice %arg6[%mul3A_19] : memref<385024xi32, #tpu.memory_space<hbm>> -> memref<12032xi32, #tpu.memory_space<hbm>>
      tpu.enqueue_dma source(%arg10 : memref<12032xi32, #tpu.memory_space<vmem>>) target(%dma_start3A_20 : memref<12032xi32, #tpu.memory_space<hbm>>) target_semaphore(%run_scoped3A : memref<!tpu.dma_semaphore, #tpu.memory_space<semaphore_mem>>)
      %dma_wait3A = tpu.memref_slice %arg6[%mul3A_19] : memref<385024xi32, #tpu.memory_space<hbm>> -> memref<12032xi32, #tpu.memory_space<hbm>>
      %dma_wait3A_21 = tpu.memref_slice %arg6[%mul3A_19] : memref<385024xi32, #tpu.memory_space<hbm>> -> memref<12032xi32, #tpu.memory_space<hbm>>
      tpu.wait_dma2 semaphore(%run_scoped3A : memref<!tpu.dma_semaphore, #tpu.memory_space<semaphore_mem>>) src(%arg10 : memref<12032xi32, #tpu.memory_space<vmem>>) dst(%dma_wait3A_21 : memref<12032xi32, #tpu.memory_space<hbm>>)
      tpu.yield
    }) : () -> ()
    return
  }
}

#map = affine_map<(d0, d1) -> (0, 0)>
#map1 = affine_map<(d0, d1) -> (0)>
#map2 = affine_map<(d0, d1) -> (0, 0, 0)>
module attributes {stable_mosaic.version = 14 : i64} {
  func.func @agg(%arg0: i32, %arg1: i32, %arg2: memref<10240x128xf32, #tpu.memory_space<hbm>>, %arg3: memref<385024xi32, #tpu.memory_space<hbm>>, %arg4: memref<385024xi32, #tpu.memory_space<hbm>>, %arg5: memref<64x128xf32, #tpu.memory_space<hbm>>, %arg6: memref<2x10240x128xf32, #tpu.memory_space<hbm>>, %arg7: memref<128xi32, #tpu.memory_space<vmem>>, %arg8: memref<128xi32, #tpu.memory_space<vmem>>, %arg9: memref<128xi32, #tpu.memory_space<vmem>>, %arg10: memref<128xi32, #tpu.memory_space<vmem>>, %arg11: memref<128x128xf32, #tpu.memory_space<vmem>>, %arg12: memref<128x128xf32, #tpu.memory_space<vmem>>, %arg13: memref<64x128xf32, #tpu.memory_space<vmem>>, %arg14: memref<10240x128xf32, #tpu.memory_space<vmem_shared>>, %arg15: memref<!tpu.dma_semaphore, #tpu.memory_space<semaphore_mem>>, %arg16: memref<!tpu.dma_semaphore, #tpu.memory_space<semaphore_mem>>, %arg17: memref<!tpu.dma_semaphore, #tpu.memory_space<semaphore_mem>>, %arg18: memref<!tpu.dma_semaphore, #tpu.memory_space<semaphore_mem>>, %arg19: memref<!tpu.dma_semaphore, #tpu.memory_space<semaphore_mem>>, %arg20: memref<!tpu.dma_semaphore, #tpu.memory_space<semaphore_mem>>, %arg21: memref<!tpu.dma_semaphore, #tpu.memory_space<semaphore_mem>>) attributes {dimension_semantics = [#tpu.dimension_semantics<core_parallel>, #tpu.dimension_semantics<subcore_parallel>], iteration_bounds = array<i64: 2, 16>, scalar_prefetch = 0 : i64, scratch_operands = 15 : i64, tpu.core_type = #tpu.core_type<sc_vector_subcore>, window_params = [{transform_indices = #map}, {transform_indices = #map1}, {transform_indices = #map1}, {transform_indices = #map}, {transform_indices = #map2}]} {
    %mul3A = arith.constant 16 : i32
    %mul3A_0 = arith.muli %arg0, %mul3A : i32
    %add3A = arith.addi %mul3A_0, %arg1 : i32
    %mul3A_1 = arith.constant 12032 : i32
    %mul3A_2 = arith.muli %add3A, %mul3A_1 : i32
    %mul3A_3 = arith.constant 640 : i32
    %mul3A_4 = arith.muli %arg1, %mul3A_3 : i32
    %add3A_5 = arith.constant 0 : i32
    %add3A_6 = arith.addi %mul3A_4, %add3A_5 : i32
    %dma_start3A = arith.constant 0 : i32
    %dma_start3A_7 = tpu.memref_slice %arg14[%add3A_6, %dma_start3A] : memref<10240x128xf32, #tpu.memory_space<vmem_shared>> -> memref<64x128xf32, #tpu.memory_space<vmem_shared>>
    tpu.enqueue_dma source(%arg5 : memref<64x128xf32, #tpu.memory_space<hbm>>) target(%dma_start3A_7 : memref<64x128xf32, #tpu.memory_space<vmem_shared>>) target_semaphore(%arg21 : memref<!tpu.dma_semaphore, #tpu.memory_space<semaphore_mem>>)
    %mul3A_8 = arith.constant 640 : i32
    %mul3A_9 = arith.muli %arg1, %mul3A_8 : i32
    %add3A_10 = arith.constant 64 : i32
    %add3A_11 = arith.addi %mul3A_9, %add3A_10 : i32
    %dma_start3A_12 = arith.constant 0 : i32
    %dma_start3A_13 = tpu.memref_slice %arg14[%add3A_11, %dma_start3A_12] : memref<10240x128xf32, #tpu.memory_space<vmem_shared>> -> memref<64x128xf32, #tpu.memory_space<vmem_shared>>
    tpu.enqueue_dma source(%arg5 : memref<64x128xf32, #tpu.memory_space<hbm>>) target(%dma_start3A_13 : memref<64x128xf32, #tpu.memory_space<vmem_shared>>) target_semaphore(%arg21 : memref<!tpu.dma_semaphore, #tpu.memory_space<semaphore_mem>>)
    %mul3A_14 = arith.constant 640 : i32
    %mul3A_15 = arith.muli %arg1, %mul3A_14 : i32
    %add3A_16 = arith.constant 128 : i32
    %add3A_17 = arith.addi %mul3A_15, %add3A_16 : i32
    %dma_start3A_18 = arith.constant 0 : i32
    %dma_start3A_19 = tpu.memref_slice %arg14[%add3A_17, %dma_start3A_18] : memref<10240x128xf32, #tpu.memory_space<vmem_shared>> -> memref<64x128xf32, #tpu.memory_space<vmem_shared>>
    tpu.enqueue_dma source(%arg5 : memref<64x128xf32, #tpu.memory_space<hbm>>) target(%dma_start3A_19 : memref<64x128xf32, #tpu.memory_space<vmem_shared>>) target_semaphore(%arg21 : memref<!tpu.dma_semaphore, #tpu.memory_space<semaphore_mem>>)
    %mul3A_20 = arith.constant 640 : i32
    %mul3A_21 = arith.muli %arg1, %mul3A_20 : i32
    %add3A_22 = arith.constant 192 : i32
    %add3A_23 = arith.addi %mul3A_21, %add3A_22 : i32
    %dma_start3A_24 = arith.constant 0 : i32
    %dma_start3A_25 = tpu.memref_slice %arg14[%add3A_23, %dma_start3A_24] : memref<10240x128xf32, #tpu.memory_space<vmem_shared>> -> memref<64x128xf32, #tpu.memory_space<vmem_shared>>
    tpu.enqueue_dma source(%arg5 : memref<64x128xf32, #tpu.memory_space<hbm>>) target(%dma_start3A_25 : memref<64x128xf32, #tpu.memory_space<vmem_shared>>) target_semaphore(%arg21 : memref<!tpu.dma_semaphore, #tpu.memory_space<semaphore_mem>>)
    %mul3A_26 = arith.constant 640 : i32
    %mul3A_27 = arith.muli %arg1, %mul3A_26 : i32
    %add3A_28 = arith.constant 256 : i32
    %add3A_29 = arith.addi %mul3A_27, %add3A_28 : i32
    %dma_start3A_30 = arith.constant 0 : i32
    %dma_start3A_31 = tpu.memref_slice %arg14[%add3A_29, %dma_start3A_30] : memref<10240x128xf32, #tpu.memory_space<vmem_shared>> -> memref<64x128xf32, #tpu.memory_space<vmem_shared>>
    tpu.enqueue_dma source(%arg5 : memref<64x128xf32, #tpu.memory_space<hbm>>) target(%dma_start3A_31 : memref<64x128xf32, #tpu.memory_space<vmem_shared>>) target_semaphore(%arg21 : memref<!tpu.dma_semaphore, #tpu.memory_space<semaphore_mem>>)
    %mul3A_32 = arith.constant 640 : i32
    %mul3A_33 = arith.muli %arg1, %mul3A_32 : i32
    %add3A_34 = arith.constant 320 : i32
    %add3A_35 = arith.addi %mul3A_33, %add3A_34 : i32
    %dma_start3A_36 = arith.constant 0 : i32
    %dma_start3A_37 = tpu.memref_slice %arg14[%add3A_35, %dma_start3A_36] : memref<10240x128xf32, #tpu.memory_space<vmem_shared>> -> memref<64x128xf32, #tpu.memory_space<vmem_shared>>
    tpu.enqueue_dma source(%arg5 : memref<64x128xf32, #tpu.memory_space<hbm>>) target(%dma_start3A_37 : memref<64x128xf32, #tpu.memory_space<vmem_shared>>) target_semaphore(%arg21 : memref<!tpu.dma_semaphore, #tpu.memory_space<semaphore_mem>>)
    %mul3A_38 = arith.constant 640 : i32
    %mul3A_39 = arith.muli %arg1, %mul3A_38 : i32
    %add3A_40 = arith.constant 384 : i32
    %add3A_41 = arith.addi %mul3A_39, %add3A_40 : i32
    %dma_start3A_42 = arith.constant 0 : i32
    %dma_start3A_43 = tpu.memref_slice %arg14[%add3A_41, %dma_start3A_42] : memref<10240x128xf32, #tpu.memory_space<vmem_shared>> -> memref<64x128xf32, #tpu.memory_space<vmem_shared>>
    tpu.enqueue_dma source(%arg5 : memref<64x128xf32, #tpu.memory_space<hbm>>) target(%dma_start3A_43 : memref<64x128xf32, #tpu.memory_space<vmem_shared>>) target_semaphore(%arg21 : memref<!tpu.dma_semaphore, #tpu.memory_space<semaphore_mem>>)
    %mul3A_44 = arith.constant 640 : i32
    %mul3A_45 = arith.muli %arg1, %mul3A_44 : i32
    %add3A_46 = arith.constant 448 : i32
    %add3A_47 = arith.addi %mul3A_45, %add3A_46 : i32
    %dma_start3A_48 = arith.constant 0 : i32
    %dma_start3A_49 = tpu.memref_slice %arg14[%add3A_47, %dma_start3A_48] : memref<10240x128xf32, #tpu.memory_space<vmem_shared>> -> memref<64x128xf32, #tpu.memory_space<vmem_shared>>
    tpu.enqueue_dma source(%arg5 : memref<64x128xf32, #tpu.memory_space<hbm>>) target(%dma_start3A_49 : memref<64x128xf32, #tpu.memory_space<vmem_shared>>) target_semaphore(%arg21 : memref<!tpu.dma_semaphore, #tpu.memory_space<semaphore_mem>>)
    %mul3A_50 = arith.constant 640 : i32
    %mul3A_51 = arith.muli %arg1, %mul3A_50 : i32
    %add3A_52 = arith.constant 512 : i32
    %add3A_53 = arith.addi %mul3A_51, %add3A_52 : i32
    %dma_start3A_54 = arith.constant 0 : i32
    %dma_start3A_55 = tpu.memref_slice %arg14[%add3A_53, %dma_start3A_54] : memref<10240x128xf32, #tpu.memory_space<vmem_shared>> -> memref<64x128xf32, #tpu.memory_space<vmem_shared>>
    tpu.enqueue_dma source(%arg5 : memref<64x128xf32, #tpu.memory_space<hbm>>) target(%dma_start3A_55 : memref<64x128xf32, #tpu.memory_space<vmem_shared>>) target_semaphore(%arg21 : memref<!tpu.dma_semaphore, #tpu.memory_space<semaphore_mem>>)
    %mul3A_56 = arith.constant 640 : i32
    %mul3A_57 = arith.muli %arg1, %mul3A_56 : i32
    %add3A_58 = arith.constant 576 : i32
    %add3A_59 = arith.addi %mul3A_57, %add3A_58 : i32
    %dma_start3A_60 = arith.constant 0 : i32
    %dma_start3A_61 = tpu.memref_slice %arg14[%add3A_59, %dma_start3A_60] : memref<10240x128xf32, #tpu.memory_space<vmem_shared>> -> memref<64x128xf32, #tpu.memory_space<vmem_shared>>
    tpu.enqueue_dma source(%arg5 : memref<64x128xf32, #tpu.memory_space<hbm>>) target(%dma_start3A_61 : memref<64x128xf32, #tpu.memory_space<vmem_shared>>) target_semaphore(%arg21 : memref<!tpu.dma_semaphore, #tpu.memory_space<semaphore_mem>>)
    %mul3A_62 = arith.constant 640 : i32
    %mul3A_63 = arith.muli %arg1, %mul3A_62 : i32
    %add3A_64 = arith.constant 0 : i32
    %add3A_65 = arith.addi %mul3A_63, %add3A_64 : i32
    %dma_wait3A = arith.constant 0 : i32
    %dma_wait3A_66 = tpu.memref_slice %arg14[%add3A_65, %dma_wait3A] : memref<10240x128xf32, #tpu.memory_space<vmem_shared>> -> memref<64x128xf32, #tpu.memory_space<vmem_shared>>
    tpu.wait_dma2 semaphore(%arg21 : memref<!tpu.dma_semaphore, #tpu.memory_space<semaphore_mem>>) src(%arg5 : memref<64x128xf32, #tpu.memory_space<hbm>>) dst(%dma_wait3A_66 : memref<64x128xf32, #tpu.memory_space<vmem_shared>>)
    %mul3A_67 = arith.constant 640 : i32
    %mul3A_68 = arith.muli %arg1, %mul3A_67 : i32
    %add3A_69 = arith.constant 64 : i32
    %add3A_70 = arith.addi %mul3A_68, %add3A_69 : i32
    %dma_wait3A_71 = arith.constant 0 : i32
    %dma_wait3A_72 = tpu.memref_slice %arg14[%add3A_70, %dma_wait3A_71] : memref<10240x128xf32, #tpu.memory_space<vmem_shared>> -> memref<64x128xf32, #tpu.memory_space<vmem_shared>>
    tpu.wait_dma2 semaphore(%arg21 : memref<!tpu.dma_semaphore, #tpu.memory_space<semaphore_mem>>) src(%arg5 : memref<64x128xf32, #tpu.memory_space<hbm>>) dst(%dma_wait3A_72 : memref<64x128xf32, #tpu.memory_space<vmem_shared>>)
    %mul3A_73 = arith.constant 640 : i32
    %mul3A_74 = arith.muli %arg1, %mul3A_73 : i32
    %add3A_75 = arith.constant 128 : i32
    %add3A_76 = arith.addi %mul3A_74, %add3A_75 : i32
    %dma_wait3A_77 = arith.constant 0 : i32
    %dma_wait3A_78 = tpu.memref_slice %arg14[%add3A_76, %dma_wait3A_77] : memref<10240x128xf32, #tpu.memory_space<vmem_shared>> -> memref<64x128xf32, #tpu.memory_space<vmem_shared>>
    tpu.wait_dma2 semaphore(%arg21 : memref<!tpu.dma_semaphore, #tpu.memory_space<semaphore_mem>>) src(%arg5 : memref<64x128xf32, #tpu.memory_space<hbm>>) dst(%dma_wait3A_78 : memref<64x128xf32, #tpu.memory_space<vmem_shared>>)
    %mul3A_79 = arith.constant 640 : i32
    %mul3A_80 = arith.muli %arg1, %mul3A_79 : i32
    %add3A_81 = arith.constant 192 : i32
    %add3A_82 = arith.addi %mul3A_80, %add3A_81 : i32
    %dma_wait3A_83 = arith.constant 0 : i32
    %dma_wait3A_84 = tpu.memref_slice %arg14[%add3A_82, %dma_wait3A_83] : memref<10240x128xf32, #tpu.memory_space<vmem_shared>> -> memref<64x128xf32, #tpu.memory_space<vmem_shared>>
    tpu.wait_dma2 semaphore(%arg21 : memref<!tpu.dma_semaphore, #tpu.memory_space<semaphore_mem>>) src(%arg5 : memref<64x128xf32, #tpu.memory_space<hbm>>) dst(%dma_wait3A_84 : memref<64x128xf32, #tpu.memory_space<vmem_shared>>)
    %mul3A_85 = arith.constant 640 : i32
    %mul3A_86 = arith.muli %arg1, %mul3A_85 : i32
    %add3A_87 = arith.constant 256 : i32
    %add3A_88 = arith.addi %mul3A_86, %add3A_87 : i32
    %dma_wait3A_89 = arith.constant 0 : i32
    %dma_wait3A_90 = tpu.memref_slice %arg14[%add3A_88, %dma_wait3A_89] : memref<10240x128xf32, #tpu.memory_space<vmem_shared>> -> memref<64x128xf32, #tpu.memory_space<vmem_shared>>
    tpu.wait_dma2 semaphore(%arg21 : memref<!tpu.dma_semaphore, #tpu.memory_space<semaphore_mem>>) src(%arg5 : memref<64x128xf32, #tpu.memory_space<hbm>>) dst(%dma_wait3A_90 : memref<64x128xf32, #tpu.memory_space<vmem_shared>>)
    %mul3A_91 = arith.constant 640 : i32
    %mul3A_92 = arith.muli %arg1, %mul3A_91 : i32
    %add3A_93 = arith.constant 320 : i32
    %add3A_94 = arith.addi %mul3A_92, %add3A_93 : i32
    %dma_wait3A_95 = arith.constant 0 : i32
    %dma_wait3A_96 = tpu.memref_slice %arg14[%add3A_94, %dma_wait3A_95] : memref<10240x128xf32, #tpu.memory_space<vmem_shared>> -> memref<64x128xf32, #tpu.memory_space<vmem_shared>>
    tpu.wait_dma2 semaphore(%arg21 : memref<!tpu.dma_semaphore, #tpu.memory_space<semaphore_mem>>) src(%arg5 : memref<64x128xf32, #tpu.memory_space<hbm>>) dst(%dma_wait3A_96 : memref<64x128xf32, #tpu.memory_space<vmem_shared>>)
    %mul3A_97 = arith.constant 640 : i32
    %mul3A_98 = arith.muli %arg1, %mul3A_97 : i32
    %add3A_99 = arith.constant 384 : i32
    %add3A_100 = arith.addi %mul3A_98, %add3A_99 : i32
    %dma_wait3A_101 = arith.constant 0 : i32
    %dma_wait3A_102 = tpu.memref_slice %arg14[%add3A_100, %dma_wait3A_101] : memref<10240x128xf32, #tpu.memory_space<vmem_shared>> -> memref<64x128xf32, #tpu.memory_space<vmem_shared>>
    tpu.wait_dma2 semaphore(%arg21 : memref<!tpu.dma_semaphore, #tpu.memory_space<semaphore_mem>>) src(%arg5 : memref<64x128xf32, #tpu.memory_space<hbm>>) dst(%dma_wait3A_102 : memref<64x128xf32, #tpu.memory_space<vmem_shared>>)
    %mul3A_103 = arith.constant 640 : i32
    %mul3A_104 = arith.muli %arg1, %mul3A_103 : i32
    %add3A_105 = arith.constant 448 : i32
    %add3A_106 = arith.addi %mul3A_104, %add3A_105 : i32
    %dma_wait3A_107 = arith.constant 0 : i32
    %dma_wait3A_108 = tpu.memref_slice %arg14[%add3A_106, %dma_wait3A_107] : memref<10240x128xf32, #tpu.memory_space<vmem_shared>> -> memref<64x128xf32, #tpu.memory_space<vmem_shared>>
    tpu.wait_dma2 semaphore(%arg21 : memref<!tpu.dma_semaphore, #tpu.memory_space<semaphore_mem>>) src(%arg5 : memref<64x128xf32, #tpu.memory_space<hbm>>) dst(%dma_wait3A_108 : memref<64x128xf32, #tpu.memory_space<vmem_shared>>)
    %mul3A_109 = arith.constant 640 : i32
    %mul3A_110 = arith.muli %arg1, %mul3A_109 : i32
    %add3A_111 = arith.constant 512 : i32
    %add3A_112 = arith.addi %mul3A_110, %add3A_111 : i32
    %dma_wait3A_113 = arith.constant 0 : i32
    %dma_wait3A_114 = tpu.memref_slice %arg14[%add3A_112, %dma_wait3A_113] : memref<10240x128xf32, #tpu.memory_space<vmem_shared>> -> memref<64x128xf32, #tpu.memory_space<vmem_shared>>
    tpu.wait_dma2 semaphore(%arg21 : memref<!tpu.dma_semaphore, #tpu.memory_space<semaphore_mem>>) src(%arg5 : memref<64x128xf32, #tpu.memory_space<hbm>>) dst(%dma_wait3A_114 : memref<64x128xf32, #tpu.memory_space<vmem_shared>>)
    %mul3A_115 = arith.constant 640 : i32
    %mul3A_116 = arith.muli %arg1, %mul3A_115 : i32
    %add3A_117 = arith.constant 576 : i32
    %add3A_118 = arith.addi %mul3A_116, %add3A_117 : i32
    %dma_wait3A_119 = arith.constant 0 : i32
    %dma_wait3A_120 = tpu.memref_slice %arg14[%add3A_118, %dma_wait3A_119] : memref<10240x128xf32, #tpu.memory_space<vmem_shared>> -> memref<64x128xf32, #tpu.memory_space<vmem_shared>>
    tpu.wait_dma2 semaphore(%arg21 : memref<!tpu.dma_semaphore, #tpu.memory_space<semaphore_mem>>) src(%arg5 : memref<64x128xf32, #tpu.memory_space<hbm>>) dst(%dma_wait3A_120 : memref<64x128xf32, #tpu.memory_space<vmem_shared>>)
    %barrier3A = arith.constant 0 : index
    tpu.barrier barrier_id(%barrier3A)
    "tpu.region"() ({
      %run_scoped3A = tpu.sem_alloc : memref<!tpu.dma_semaphore, #tpu.memory_space<semaphore_mem>>
      %dma_start3A_144 = tpu.memref_slice %arg3[%mul3A_2] : memref<385024xi32, #tpu.memory_space<hbm>> -> memref<128xi32, #tpu.memory_space<hbm>>
      %dma_start3A_145 = tpu.memref_slice %arg3[%mul3A_2] : memref<385024xi32, #tpu.memory_space<hbm>> -> memref<128xi32, #tpu.memory_space<hbm>>
      tpu.enqueue_dma source(%dma_start3A_145 : memref<128xi32, #tpu.memory_space<hbm>>) target(%arg7 : memref<128xi32, #tpu.memory_space<vmem>>) target_semaphore(%run_scoped3A : memref<!tpu.dma_semaphore, #tpu.memory_space<semaphore_mem>>)
      %dma_wait3A_146 = tpu.memref_slice %arg3[%mul3A_2] : memref<385024xi32, #tpu.memory_space<hbm>> -> memref<128xi32, #tpu.memory_space<hbm>>
      %dma_wait3A_147 = tpu.memref_slice %arg3[%mul3A_2] : memref<385024xi32, #tpu.memory_space<hbm>> -> memref<128xi32, #tpu.memory_space<hbm>>
      tpu.wait_dma2 semaphore(%run_scoped3A : memref<!tpu.dma_semaphore, #tpu.memory_space<semaphore_mem>>) src(%dma_wait3A_147 : memref<128xi32, #tpu.memory_space<hbm>>) dst(%arg7 : memref<128xi32, #tpu.memory_space<vmem>>)
      tpu.yield
    }) : () -> ()
    "tpu.region"() ({
      %run_scoped3A = tpu.sem_alloc : memref<!tpu.dma_semaphore, #tpu.memory_space<semaphore_mem>>
      %dma_start3A_144 = tpu.memref_slice %arg4[%mul3A_2] : memref<385024xi32, #tpu.memory_space<hbm>> -> memref<128xi32, #tpu.memory_space<hbm>>
      %dma_start3A_145 = tpu.memref_slice %arg4[%mul3A_2] : memref<385024xi32, #tpu.memory_space<hbm>> -> memref<128xi32, #tpu.memory_space<hbm>>
      tpu.enqueue_dma source(%dma_start3A_145 : memref<128xi32, #tpu.memory_space<hbm>>) target(%arg9 : memref<128xi32, #tpu.memory_space<vmem>>) target_semaphore(%run_scoped3A : memref<!tpu.dma_semaphore, #tpu.memory_space<semaphore_mem>>)
      %dma_wait3A_146 = tpu.memref_slice %arg4[%mul3A_2] : memref<385024xi32, #tpu.memory_space<hbm>> -> memref<128xi32, #tpu.memory_space<hbm>>
      %dma_wait3A_147 = tpu.memref_slice %arg4[%mul3A_2] : memref<385024xi32, #tpu.memory_space<hbm>> -> memref<128xi32, #tpu.memory_space<hbm>>
      tpu.wait_dma2 semaphore(%run_scoped3A : memref<!tpu.dma_semaphore, #tpu.memory_space<semaphore_mem>>) src(%dma_wait3A_147 : memref<128xi32, #tpu.memory_space<hbm>>) dst(%arg9 : memref<128xi32, #tpu.memory_space<vmem>>)
      tpu.yield
    }) : () -> ()
    %dma_start3A_121 = arith.constant 0 : i32
    %dma_start3A_122 = arith.constant 0 : i32
    %dma_start3A_123 = tpu.memref_slice %arg2[%dma_start3A_121, %dma_start3A_122] : memref<10240x128xf32, #tpu.memory_space<hbm>> -> memref<10240x128xf32, #tpu.memory_space<hbm>>
    tpu.enqueue_indirect_dma source(%dma_start3A_123 : memref<10240x128xf32, #tpu.memory_space<hbm>>) target(%arg11 : memref<128x128xf32, #tpu.memory_space<vmem>>) offsets(%arg7 : memref<128xi32, #tpu.memory_space<vmem>>) semaphore(%arg15 : memref<!tpu.dma_semaphore, #tpu.memory_space<semaphore_mem>>)
    %add3A_124 = arith.constant 128 : i32
    %add3A_125 = arith.addi %mul3A_2, %add3A_124 : i32
    %dma_start3A_126 = tpu.memref_slice %arg3[%add3A_125] : memref<385024xi32, #tpu.memory_space<hbm>> -> memref<128xi32, #tpu.memory_space<hbm>>
    %dma_start3A_127 = tpu.memref_slice %arg3[%add3A_125] : memref<385024xi32, #tpu.memory_space<hbm>> -> memref<128xi32, #tpu.memory_space<hbm>>
    tpu.enqueue_dma source(%dma_start3A_127 : memref<128xi32, #tpu.memory_space<hbm>>) target(%arg8 : memref<128xi32, #tpu.memory_space<vmem>>) target_semaphore(%arg18 : memref<!tpu.dma_semaphore, #tpu.memory_space<semaphore_mem>>)
    %add3A_128 = arith.constant 128 : i32
    %add3A_129 = arith.addi %mul3A_2, %add3A_128 : i32
    %dma_start3A_130 = tpu.memref_slice %arg4[%add3A_129] : memref<385024xi32, #tpu.memory_space<hbm>> -> memref<128xi32, #tpu.memory_space<hbm>>
    %dma_start3A_131 = tpu.memref_slice %arg4[%add3A_129] : memref<385024xi32, #tpu.memory_space<hbm>> -> memref<128xi32, #tpu.memory_space<hbm>>
    tpu.enqueue_dma source(%dma_start3A_131 : memref<128xi32, #tpu.memory_space<hbm>>) target(%arg10 : memref<128xi32, #tpu.memory_space<vmem>>) target_semaphore(%arg20 : memref<!tpu.dma_semaphore, #tpu.memory_space<semaphore_mem>>)
    %scan3A = arith.constant 0 : i32
    %scan3A_132 = arith.constant 0 : i32
    %scan3A_133 = arith.constant 47 : i32
    %scan3A_134 = arith.addi %scan3A_132, %scan3A_133 : i32
    %scan3A_135 = arith.constant 1 : i32
    scf.for %scan3A_144 = %scan3A_132 to %scan3A_134 step %scan3A_135  : i32 {
      %mul3A_145 = arith.constant 2 : i32
      %mul3A_146 = arith.muli %mul3A_145, %scan3A_144 : i32
      %add3A_147 = arith.constant 0 : i32
      %add3A_148 = arith.addi %mul3A_146, %add3A_147 : i32
      %add3A_149 = arith.constant 1 : i32
      %add3A_150 = arith.addi %add3A_148, %add3A_149 : i32
      %lt3A = arith.constant 94 : i32
      %lt3A_151 = arith.cmpi slt, %add3A_150, %lt3A : i32
      %convert_element_type3A = arith.extui %lt3A_151 : i1 to i32
      %cond3A = arith.constant 0 : i32
      %cond3A_152 = arith.cmpi ne, %convert_element_type3A, %cond3A : i32
      scf.if %cond3A_152 {
        %add3A_184 = arith.constant 1 : i32
        %add3A_185 = arith.addi %add3A_148, %add3A_184 : i32
        %mul3A_186 = arith.constant 128 : i32
        %mul3A_187 = arith.muli %add3A_185, %mul3A_186 : i32
        %add3A_188 = arith.addi %mul3A_2, %mul3A_187 : i32
        %dma_wait3A_189 = tpu.memref_slice %arg3[%add3A_188] : memref<385024xi32, #tpu.memory_space<hbm>> -> memref<128xi32, #tpu.memory_space<hbm>>
        %dma_wait3A_190 = tpu.memref_slice %arg3[%add3A_188] : memref<385024xi32, #tpu.memory_space<hbm>> -> memref<128xi32, #tpu.memory_space<hbm>>
        tpu.wait_dma2 semaphore(%arg18 : memref<!tpu.dma_semaphore, #tpu.memory_space<semaphore_mem>>) src(%dma_wait3A_190 : memref<128xi32, #tpu.memory_space<hbm>>) dst(%arg8 : memref<128xi32, #tpu.memory_space<vmem>>)
        %add3A_191 = arith.constant 1 : i32
        %add3A_192 = arith.addi %add3A_148, %add3A_191 : i32
        %mul3A_193 = arith.constant 128 : i32
        %mul3A_194 = arith.muli %add3A_192, %mul3A_193 : i32
        %add3A_195 = arith.addi %mul3A_2, %mul3A_194 : i32
        %dma_wait3A_196 = tpu.memref_slice %arg4[%add3A_195] : memref<385024xi32, #tpu.memory_space<hbm>> -> memref<128xi32, #tpu.memory_space<hbm>>
        %dma_wait3A_197 = tpu.memref_slice %arg4[%add3A_195] : memref<385024xi32, #tpu.memory_space<hbm>> -> memref<128xi32, #tpu.memory_space<hbm>>
        tpu.wait_dma2 semaphore(%arg20 : memref<!tpu.dma_semaphore, #tpu.memory_space<semaphore_mem>>) src(%dma_wait3A_197 : memref<128xi32, #tpu.memory_space<hbm>>) dst(%arg10 : memref<128xi32, #tpu.memory_space<vmem>>)
        %dma_start3A_198 = arith.constant 0 : i32
        %dma_start3A_199 = arith.constant 0 : i32
        %dma_start3A_200 = tpu.memref_slice %arg2[%dma_start3A_198, %dma_start3A_199] : memref<10240x128xf32, #tpu.memory_space<hbm>> -> memref<10240x128xf32, #tpu.memory_space<hbm>>
        tpu.enqueue_indirect_dma source(%dma_start3A_200 : memref<10240x128xf32, #tpu.memory_space<hbm>>) target(%arg12 : memref<128x128xf32, #tpu.memory_space<vmem>>) offsets(%arg8 : memref<128xi32, #tpu.memory_space<vmem>>) semaphore(%arg16 : memref<!tpu.dma_semaphore, #tpu.memory_space<semaphore_mem>>)
      } else {
      }
      %dma_wait3A_153 = arith.constant 0 : i32
      %dma_wait3A_154 = arith.constant 0 : i32
      %dma_wait3A_155 = tpu.memref_slice %arg2[%dma_wait3A_153, %dma_wait3A_154] : memref<10240x128xf32, #tpu.memory_space<hbm>> -> memref<10240x128xf32, #tpu.memory_space<hbm>>
      tpu.wait_indirect_dma semaphore(%arg15 : memref<!tpu.dma_semaphore, #tpu.memory_space<semaphore_mem>>) src(%dma_wait3A_155 : memref<10240x128xf32, #tpu.memory_space<hbm>>) dst(%arg11 : memref<128x128xf32, #tpu.memory_space<vmem>>)
      "tpu.region"() ({
        %run_scoped3A = tpu.sem_alloc : memref<!tpu.dma_semaphore, #tpu.memory_space<semaphore_mem>>
        %dma_start3A_184 = arith.constant 0 : i32
        %dma_start3A_185 = arith.constant 0 : i32
        %dma_start3A_186 = tpu.memref_slice %arg14[%dma_start3A_184, %dma_start3A_185] : memref<10240x128xf32, #tpu.memory_space<vmem_shared>> -> memref<10240x128xf32, #tpu.memory_space<vmem_shared>>
        tpu.enqueue_indirect_dma source(%arg11 : memref<128x128xf32, #tpu.memory_space<vmem>>) target(%dma_start3A_186 : memref<10240x128xf32, #tpu.memory_space<vmem_shared>>) offsets(%arg9 : memref<128xi32, #tpu.memory_space<vmem>>) semaphore(%run_scoped3A : memref<!tpu.dma_semaphore, #tpu.memory_space<semaphore_mem>>) {add = true}
        %dma_wait3A_187 = arith.constant 0 : i32
        %dma_wait3A_188 = arith.constant 0 : i32
        %dma_wait3A_189 = tpu.memref_slice %arg14[%dma_wait3A_187, %dma_wait3A_188] : memref<10240x128xf32, #tpu.memory_space<vmem_shared>> -> memref<10240x128xf32, #tpu.memory_space<vmem_shared>>
        tpu.wait_indirect_dma semaphore(%run_scoped3A : memref<!tpu.dma_semaphore, #tpu.memory_space<semaphore_mem>>) src(%arg11 : memref<128x128xf32, #tpu.memory_space<vmem>>) dst(%dma_wait3A_189 : memref<10240x128xf32, #tpu.memory_space<vmem_shared>>)
        tpu.yield
      }) : () -> ()
      %add3A_156 = arith.constant 2 : i32
      %add3A_157 = arith.addi %add3A_148, %add3A_156 : i32
      %lt3A_158 = arith.constant 94 : i32
      %lt3A_159 = arith.cmpi slt, %add3A_157, %lt3A_158 : i32
      %convert_element_type3A_160 = arith.extui %lt3A_159 : i1 to i32
      %cond3A_161 = arith.constant 0 : i32
      %cond3A_162 = arith.cmpi ne, %convert_element_type3A_160, %cond3A_161 : i32
      scf.if %cond3A_162 {
        %add3A_184 = arith.constant 2 : i32
        %add3A_185 = arith.addi %add3A_148, %add3A_184 : i32
        %mul3A_186 = arith.constant 128 : i32
        %mul3A_187 = arith.muli %add3A_185, %mul3A_186 : i32
        %add3A_188 = arith.addi %mul3A_2, %mul3A_187 : i32
        %dma_start3A_189 = tpu.memref_slice %arg3[%add3A_188] : memref<385024xi32, #tpu.memory_space<hbm>> -> memref<128xi32, #tpu.memory_space<hbm>>
        %dma_start3A_190 = tpu.memref_slice %arg3[%add3A_188] : memref<385024xi32, #tpu.memory_space<hbm>> -> memref<128xi32, #tpu.memory_space<hbm>>
        tpu.enqueue_dma source(%dma_start3A_190 : memref<128xi32, #tpu.memory_space<hbm>>) target(%arg7 : memref<128xi32, #tpu.memory_space<vmem>>) target_semaphore(%arg17 : memref<!tpu.dma_semaphore, #tpu.memory_space<semaphore_mem>>)
        %add3A_191 = arith.constant 2 : i32
        %add3A_192 = arith.addi %add3A_148, %add3A_191 : i32
        %mul3A_193 = arith.constant 128 : i32
        %mul3A_194 = arith.muli %add3A_192, %mul3A_193 : i32
        %add3A_195 = arith.addi %mul3A_2, %mul3A_194 : i32
        %dma_start3A_196 = tpu.memref_slice %arg4[%add3A_195] : memref<385024xi32, #tpu.memory_space<hbm>> -> memref<128xi32, #tpu.memory_space<hbm>>
        %dma_start3A_197 = tpu.memref_slice %arg4[%add3A_195] : memref<385024xi32, #tpu.memory_space<hbm>> -> memref<128xi32, #tpu.memory_space<hbm>>
        tpu.enqueue_dma source(%dma_start3A_197 : memref<128xi32, #tpu.memory_space<hbm>>) target(%arg9 : memref<128xi32, #tpu.memory_space<vmem>>) target_semaphore(%arg19 : memref<!tpu.dma_semaphore, #tpu.memory_space<semaphore_mem>>)
      } else {
      }
      %mul3A_163 = arith.constant 2 : i32
      %mul3A_164 = arith.muli %mul3A_163, %scan3A_144 : i32
      %add3A_165 = arith.constant 1 : i32
      %add3A_166 = arith.addi %mul3A_164, %add3A_165 : i32
      %add3A_167 = arith.constant 1 : i32
      %add3A_168 = arith.addi %add3A_166, %add3A_167 : i32
      %lt3A_169 = arith.constant 94 : i32
      %lt3A_170 = arith.cmpi slt, %add3A_168, %lt3A_169 : i32
      %convert_element_type3A_171 = arith.extui %lt3A_170 : i1 to i32
      %cond3A_172 = arith.constant 0 : i32
      %cond3A_173 = arith.cmpi ne, %convert_element_type3A_171, %cond3A_172 : i32
      scf.if %cond3A_173 {
        %add3A_184 = arith.constant 1 : i32
        %add3A_185 = arith.addi %add3A_166, %add3A_184 : i32
        %mul3A_186 = arith.constant 128 : i32
        %mul3A_187 = arith.muli %add3A_185, %mul3A_186 : i32
        %add3A_188 = arith.addi %mul3A_2, %mul3A_187 : i32
        %dma_wait3A_189 = tpu.memref_slice %arg3[%add3A_188] : memref<385024xi32, #tpu.memory_space<hbm>> -> memref<128xi32, #tpu.memory_space<hbm>>
        %dma_wait3A_190 = tpu.memref_slice %arg3[%add3A_188] : memref<385024xi32, #tpu.memory_space<hbm>> -> memref<128xi32, #tpu.memory_space<hbm>>
        tpu.wait_dma2 semaphore(%arg17 : memref<!tpu.dma_semaphore, #tpu.memory_space<semaphore_mem>>) src(%dma_wait3A_190 : memref<128xi32, #tpu.memory_space<hbm>>) dst(%arg7 : memref<128xi32, #tpu.memory_space<vmem>>)
        %add3A_191 = arith.constant 1 : i32
        %add3A_192 = arith.addi %add3A_166, %add3A_191 : i32
        %mul3A_193 = arith.constant 128 : i32
        %mul3A_194 = arith.muli %add3A_192, %mul3A_193 : i32
        %add3A_195 = arith.addi %mul3A_2, %mul3A_194 : i32
        %dma_wait3A_196 = tpu.memref_slice %arg4[%add3A_195] : memref<385024xi32, #tpu.memory_space<hbm>> -> memref<128xi32, #tpu.memory_space<hbm>>
        %dma_wait3A_197 = tpu.memref_slice %arg4[%add3A_195] : memref<385024xi32, #tpu.memory_space<hbm>> -> memref<128xi32, #tpu.memory_space<hbm>>
        tpu.wait_dma2 semaphore(%arg19 : memref<!tpu.dma_semaphore, #tpu.memory_space<semaphore_mem>>) src(%dma_wait3A_197 : memref<128xi32, #tpu.memory_space<hbm>>) dst(%arg9 : memref<128xi32, #tpu.memory_space<vmem>>)
        %dma_start3A_198 = arith.constant 0 : i32
        %dma_start3A_199 = arith.constant 0 : i32
        %dma_start3A_200 = tpu.memref_slice %arg2[%dma_start3A_198, %dma_start3A_199] : memref<10240x128xf32, #tpu.memory_space<hbm>> -> memref<10240x128xf32, #tpu.memory_space<hbm>>
        tpu.enqueue_indirect_dma source(%dma_start3A_200 : memref<10240x128xf32, #tpu.memory_space<hbm>>) target(%arg11 : memref<128x128xf32, #tpu.memory_space<vmem>>) offsets(%arg7 : memref<128xi32, #tpu.memory_space<vmem>>) semaphore(%arg15 : memref<!tpu.dma_semaphore, #tpu.memory_space<semaphore_mem>>)
      } else {
      }
      %dma_wait3A_174 = arith.constant 0 : i32
      %dma_wait3A_175 = arith.constant 0 : i32
      %dma_wait3A_176 = tpu.memref_slice %arg2[%dma_wait3A_174, %dma_wait3A_175] : memref<10240x128xf32, #tpu.memory_space<hbm>> -> memref<10240x128xf32, #tpu.memory_space<hbm>>
      tpu.wait_indirect_dma semaphore(%arg16 : memref<!tpu.dma_semaphore, #tpu.memory_space<semaphore_mem>>) src(%dma_wait3A_176 : memref<10240x128xf32, #tpu.memory_space<hbm>>) dst(%arg12 : memref<128x128xf32, #tpu.memory_space<vmem>>)
      "tpu.region"() ({
        %run_scoped3A = tpu.sem_alloc : memref<!tpu.dma_semaphore, #tpu.memory_space<semaphore_mem>>
        %dma_start3A_184 = arith.constant 0 : i32
        %dma_start3A_185 = arith.constant 0 : i32
        %dma_start3A_186 = tpu.memref_slice %arg14[%dma_start3A_184, %dma_start3A_185] : memref<10240x128xf32, #tpu.memory_space<vmem_shared>> -> memref<10240x128xf32, #tpu.memory_space<vmem_shared>>
        tpu.enqueue_indirect_dma source(%arg12 : memref<128x128xf32, #tpu.memory_space<vmem>>) target(%dma_start3A_186 : memref<10240x128xf32, #tpu.memory_space<vmem_shared>>) offsets(%arg10 : memref<128xi32, #tpu.memory_space<vmem>>) semaphore(%run_scoped3A : memref<!tpu.dma_semaphore, #tpu.memory_space<semaphore_mem>>) {add = true}
        %dma_wait3A_187 = arith.constant 0 : i32
        %dma_wait3A_188 = arith.constant 0 : i32
        %dma_wait3A_189 = tpu.memref_slice %arg14[%dma_wait3A_187, %dma_wait3A_188] : memref<10240x128xf32, #tpu.memory_space<vmem_shared>> -> memref<10240x128xf32, #tpu.memory_space<vmem_shared>>
        tpu.wait_indirect_dma semaphore(%run_scoped3A : memref<!tpu.dma_semaphore, #tpu.memory_space<semaphore_mem>>) src(%arg12 : memref<128x128xf32, #tpu.memory_space<vmem>>) dst(%dma_wait3A_189 : memref<10240x128xf32, #tpu.memory_space<vmem_shared>>)
        tpu.yield
      }) : () -> ()
      %add3A_177 = arith.constant 2 : i32
      %add3A_178 = arith.addi %add3A_166, %add3A_177 : i32
      %lt3A_179 = arith.constant 94 : i32
      %lt3A_180 = arith.cmpi slt, %add3A_178, %lt3A_179 : i32
      %convert_element_type3A_181 = arith.extui %lt3A_180 : i1 to i32
      %cond3A_182 = arith.constant 0 : i32
      %cond3A_183 = arith.cmpi ne, %convert_element_type3A_181, %cond3A_182 : i32
      scf.if %cond3A_183 {
        %add3A_184 = arith.constant 2 : i32
        %add3A_185 = arith.addi %add3A_166, %add3A_184 : i32
        %mul3A_186 = arith.constant 128 : i32
        %mul3A_187 = arith.muli %add3A_185, %mul3A_186 : i32
        %add3A_188 = arith.addi %mul3A_2, %mul3A_187 : i32
        %dma_start3A_189 = tpu.memref_slice %arg3[%add3A_188] : memref<385024xi32, #tpu.memory_space<hbm>> -> memref<128xi32, #tpu.memory_space<hbm>>
        %dma_start3A_190 = tpu.memref_slice %arg3[%add3A_188] : memref<385024xi32, #tpu.memory_space<hbm>> -> memref<128xi32, #tpu.memory_space<hbm>>
        tpu.enqueue_dma source(%dma_start3A_190 : memref<128xi32, #tpu.memory_space<hbm>>) target(%arg8 : memref<128xi32, #tpu.memory_space<vmem>>) target_semaphore(%arg18 : memref<!tpu.dma_semaphore, #tpu.memory_space<semaphore_mem>>)
        %add3A_191 = arith.constant 2 : i32
        %add3A_192 = arith.addi %add3A_166, %add3A_191 : i32
        %mul3A_193 = arith.constant 128 : i32
        %mul3A_194 = arith.muli %add3A_192, %mul3A_193 : i32
        %add3A_195 = arith.addi %mul3A_2, %mul3A_194 : i32
        %dma_start3A_196 = tpu.memref_slice %arg4[%add3A_195] : memref<385024xi32, #tpu.memory_space<hbm>> -> memref<128xi32, #tpu.memory_space<hbm>>
        %dma_start3A_197 = tpu.memref_slice %arg4[%add3A_195] : memref<385024xi32, #tpu.memory_space<hbm>> -> memref<128xi32, #tpu.memory_space<hbm>>
        tpu.enqueue_dma source(%dma_start3A_197 : memref<128xi32, #tpu.memory_space<hbm>>) target(%arg10 : memref<128xi32, #tpu.memory_space<vmem>>) target_semaphore(%arg20 : memref<!tpu.dma_semaphore, #tpu.memory_space<semaphore_mem>>)
      } else {
      }
    }
    %scan3A_136 = arith.constant 47 : i32
    %barrier3A_137 = arith.constant 0 : index
    tpu.barrier barrier_id(%barrier3A_137)
    %scan3A_138 = arith.constant 0 : i32
    %scan3A_139 = arith.constant 0 : i32
    %scan3A_140 = arith.constant 10 : i32
    %scan3A_141 = arith.addi %scan3A_139, %scan3A_140 : i32
    %scan3A_142 = arith.constant 1 : i32
    scf.for %scan3A_144 = %scan3A_139 to %scan3A_141 step %scan3A_142  : i32 {
      %mul3A_145 = arith.constant 640 : i32
      %mul3A_146 = arith.muli %arg1, %mul3A_145 : i32
      %mul3A_147 = arith.constant 64 : i32
      %mul3A_148 = arith.muli %scan3A_144, %mul3A_147 : i32
      %add3A_149 = arith.addi %mul3A_146, %mul3A_148 : i32
      "tpu.region"() ({
        %run_scoped3A = tpu.sem_alloc : memref<!tpu.dma_semaphore, #tpu.memory_space<semaphore_mem>>
        %dma_start3A_150 = arith.constant 0 : i32
        %dma_start3A_151 = tpu.memref_slice %arg14[%add3A_149, %dma_start3A_150] : memref<10240x128xf32, #tpu.memory_space<vmem_shared>> -> memref<64x128xf32, #tpu.memory_space<vmem_shared>>
        %dma_start3A_152 = arith.constant 0 : i32
        %dma_start3A_153 = tpu.memref_slice %arg14[%add3A_149, %dma_start3A_152] : memref<10240x128xf32, #tpu.memory_space<vmem_shared>> -> memref<64x128xf32, #tpu.memory_space<vmem_shared>>
        tpu.enqueue_dma source(%dma_start3A_153 : memref<64x128xf32, #tpu.memory_space<vmem_shared>>) target(%arg13 : memref<64x128xf32, #tpu.memory_space<vmem>>) target_semaphore(%run_scoped3A : memref<!tpu.dma_semaphore, #tpu.memory_space<semaphore_mem>>)
        %dma_wait3A_154 = arith.constant 0 : i32
        %dma_wait3A_155 = tpu.memref_slice %arg14[%add3A_149, %dma_wait3A_154] : memref<10240x128xf32, #tpu.memory_space<vmem_shared>> -> memref<64x128xf32, #tpu.memory_space<vmem_shared>>
        %dma_wait3A_156 = arith.constant 0 : i32
        %dma_wait3A_157 = tpu.memref_slice %arg14[%add3A_149, %dma_wait3A_156] : memref<10240x128xf32, #tpu.memory_space<vmem_shared>> -> memref<64x128xf32, #tpu.memory_space<vmem_shared>>
        tpu.wait_dma2 semaphore(%run_scoped3A : memref<!tpu.dma_semaphore, #tpu.memory_space<semaphore_mem>>) src(%dma_wait3A_157 : memref<64x128xf32, #tpu.memory_space<vmem_shared>>) dst(%arg13 : memref<64x128xf32, #tpu.memory_space<vmem>>)
        tpu.yield
      }) : () -> ()
      "tpu.region"() ({
        %run_scoped3A = tpu.sem_alloc : memref<!tpu.dma_semaphore, #tpu.memory_space<semaphore_mem>>
        %dma_start3A_150 = arith.constant 0 : i32
        %dma_start3A_151 = tpu.memref_slice %arg6[%arg0, %add3A_149, %dma_start3A_150] : memref<2x10240x128xf32, #tpu.memory_space<hbm>> -> memref<1x64x128xf32, #tpu.memory_space<hbm>>
        %dma_start3A_152 = tpu.memref_squeeze %dma_start3A_151 : memref<1x64x128xf32, #tpu.memory_space<hbm>> -> memref<64x128xf32, #tpu.memory_space<hbm>>
        %dma_start3A_153 = arith.constant 0 : i32
        %dma_start3A_154 = tpu.memref_slice %arg6[%arg0, %add3A_149, %dma_start3A_153] : memref<2x10240x128xf32, #tpu.memory_space<hbm>> -> memref<1x64x128xf32, #tpu.memory_space<hbm>>
        %dma_start3A_155 = tpu.memref_squeeze %dma_start3A_154 : memref<1x64x128xf32, #tpu.memory_space<hbm>> -> memref<64x128xf32, #tpu.memory_space<hbm>>
        tpu.enqueue_dma source(%arg13 : memref<64x128xf32, #tpu.memory_space<vmem>>) target(%dma_start3A_155 : memref<64x128xf32, #tpu.memory_space<hbm>>) target_semaphore(%run_scoped3A : memref<!tpu.dma_semaphore, #tpu.memory_space<semaphore_mem>>)
        %dma_wait3A_156 = arith.constant 0 : i32
        %dma_wait3A_157 = tpu.memref_slice %arg6[%arg0, %add3A_149, %dma_wait3A_156] : memref<2x10240x128xf32, #tpu.memory_space<hbm>> -> memref<1x64x128xf32, #tpu.memory_space<hbm>>
        %dma_wait3A_158 = tpu.memref_squeeze %dma_wait3A_157 : memref<1x64x128xf32, #tpu.memory_space<hbm>> -> memref<64x128xf32, #tpu.memory_space<hbm>>
        %dma_wait3A_159 = arith.constant 0 : i32
        %dma_wait3A_160 = tpu.memref_slice %arg6[%arg0, %add3A_149, %dma_wait3A_159] : memref<2x10240x128xf32, #tpu.memory_space<hbm>> -> memref<1x64x128xf32, #tpu.memory_space<hbm>>
        %dma_wait3A_161 = tpu.memref_squeeze %dma_wait3A_160 : memref<1x64x128xf32, #tpu.memory_space<hbm>> -> memref<64x128xf32, #tpu.memory_space<hbm>>
        tpu.wait_dma2 semaphore(%run_scoped3A : memref<!tpu.dma_semaphore, #tpu.memory_space<semaphore_mem>>) src(%arg13 : memref<64x128xf32, #tpu.memory_space<vmem>>) dst(%dma_wait3A_161 : memref<64x128xf32, #tpu.memory_space<hbm>>)
        tpu.yield
      }) : () -> ()
    }
    %scan3A_143 = arith.constant 10 : i32
    return
  }
}

#map = affine_map<(d0, d1) -> (0, 0)>
#map1 = affine_map<(d0, d1) -> (0)>
#map2 = affine_map<(d0, d1) -> (0, 0, 0)>
module attributes {stable_mosaic.version = 14 : i64} {
  func.func @agg(%arg0: i32, %arg1: i32, %arg2: memref<10240x128xf32, #tpu.memory_space<hbm>>, %arg3: memref<385024xi32, #tpu.memory_space<hbm>>, %arg4: memref<385024xi32, #tpu.memory_space<hbm>>, %arg5: memref<64x128xf32, #tpu.memory_space<hbm>>, %arg6: memref<2x10240x128xf32, #tpu.memory_space<hbm>>, %arg7: memref<128xi32, #tpu.memory_space<vmem>>, %arg8: memref<128xi32, #tpu.memory_space<vmem>>, %arg9: memref<128xi32, #tpu.memory_space<vmem>>, %arg10: memref<128xi32, #tpu.memory_space<vmem>>, %arg11: memref<128x128xf32, #tpu.memory_space<vmem>>, %arg12: memref<128x128xf32, #tpu.memory_space<vmem>>, %arg13: memref<64x128xf32, #tpu.memory_space<vmem>>, %arg14: memref<10240x128xf32, #tpu.memory_space<vmem_shared>>, %arg15: memref<!tpu.dma_semaphore, #tpu.memory_space<semaphore_mem>>, %arg16: memref<!tpu.dma_semaphore, #tpu.memory_space<semaphore_mem>>, %arg17: memref<!tpu.dma_semaphore, #tpu.memory_space<semaphore_mem>>, %arg18: memref<!tpu.dma_semaphore, #tpu.memory_space<semaphore_mem>>, %arg19: memref<!tpu.dma_semaphore, #tpu.memory_space<semaphore_mem>>, %arg20: memref<!tpu.dma_semaphore, #tpu.memory_space<semaphore_mem>>, %arg21: memref<!tpu.dma_semaphore, #tpu.memory_space<semaphore_mem>>) attributes {dimension_semantics = [#tpu.dimension_semantics<core_parallel>, #tpu.dimension_semantics<subcore_parallel>], iteration_bounds = array<i64: 2, 16>, scalar_prefetch = 0 : i64, scratch_operands = 15 : i64, tpu.core_type = #tpu.core_type<sc_vector_subcore>, window_params = [{transform_indices = #map}, {transform_indices = #map1}, {transform_indices = #map1}, {transform_indices = #map}, {transform_indices = #map2}]} {
    %mul3A = arith.constant 16 : i32
    %mul3A_0 = arith.muli %arg0, %mul3A : i32
    %add3A = arith.addi %mul3A_0, %arg1 : i32
    %mul3A_1 = arith.constant 12032 : i32
    %mul3A_2 = arith.muli %add3A, %mul3A_1 : i32
    %mul3A_3 = arith.constant 640 : i32
    %mul3A_4 = arith.muli %arg1, %mul3A_3 : i32
    %add3A_5 = arith.constant 0 : i32
    %add3A_6 = arith.addi %mul3A_4, %add3A_5 : i32
    %dma_start3A = arith.constant 0 : i32
    %dma_start3A_7 = tpu.memref_slice %arg14[%add3A_6, %dma_start3A] : memref<10240x128xf32, #tpu.memory_space<vmem_shared>> -> memref<64x128xf32, #tpu.memory_space<vmem_shared>>
    tpu.enqueue_dma source(%arg5 : memref<64x128xf32, #tpu.memory_space<hbm>>) target(%dma_start3A_7 : memref<64x128xf32, #tpu.memory_space<vmem_shared>>) target_semaphore(%arg21 : memref<!tpu.dma_semaphore, #tpu.memory_space<semaphore_mem>>)
    %mul3A_8 = arith.constant 640 : i32
    %mul3A_9 = arith.muli %arg1, %mul3A_8 : i32
    %add3A_10 = arith.constant 64 : i32
    %add3A_11 = arith.addi %mul3A_9, %add3A_10 : i32
    %dma_start3A_12 = arith.constant 0 : i32
    %dma_start3A_13 = tpu.memref_slice %arg14[%add3A_11, %dma_start3A_12] : memref<10240x128xf32, #tpu.memory_space<vmem_shared>> -> memref<64x128xf32, #tpu.memory_space<vmem_shared>>
    tpu.enqueue_dma source(%arg5 : memref<64x128xf32, #tpu.memory_space<hbm>>) target(%dma_start3A_13 : memref<64x128xf32, #tpu.memory_space<vmem_shared>>) target_semaphore(%arg21 : memref<!tpu.dma_semaphore, #tpu.memory_space<semaphore_mem>>)
    %mul3A_14 = arith.constant 640 : i32
    %mul3A_15 = arith.muli %arg1, %mul3A_14 : i32
    %add3A_16 = arith.constant 128 : i32
    %add3A_17 = arith.addi %mul3A_15, %add3A_16 : i32
    %dma_start3A_18 = arith.constant 0 : i32
    %dma_start3A_19 = tpu.memref_slice %arg14[%add3A_17, %dma_start3A_18] : memref<10240x128xf32, #tpu.memory_space<vmem_shared>> -> memref<64x128xf32, #tpu.memory_space<vmem_shared>>
    tpu.enqueue_dma source(%arg5 : memref<64x128xf32, #tpu.memory_space<hbm>>) target(%dma_start3A_19 : memref<64x128xf32, #tpu.memory_space<vmem_shared>>) target_semaphore(%arg21 : memref<!tpu.dma_semaphore, #tpu.memory_space<semaphore_mem>>)
    %mul3A_20 = arith.constant 640 : i32
    %mul3A_21 = arith.muli %arg1, %mul3A_20 : i32
    %add3A_22 = arith.constant 192 : i32
    %add3A_23 = arith.addi %mul3A_21, %add3A_22 : i32
    %dma_start3A_24 = arith.constant 0 : i32
    %dma_start3A_25 = tpu.memref_slice %arg14[%add3A_23, %dma_start3A_24] : memref<10240x128xf32, #tpu.memory_space<vmem_shared>> -> memref<64x128xf32, #tpu.memory_space<vmem_shared>>
    tpu.enqueue_dma source(%arg5 : memref<64x128xf32, #tpu.memory_space<hbm>>) target(%dma_start3A_25 : memref<64x128xf32, #tpu.memory_space<vmem_shared>>) target_semaphore(%arg21 : memref<!tpu.dma_semaphore, #tpu.memory_space<semaphore_mem>>)
    %mul3A_26 = arith.constant 640 : i32
    %mul3A_27 = arith.muli %arg1, %mul3A_26 : i32
    %add3A_28 = arith.constant 256 : i32
    %add3A_29 = arith.addi %mul3A_27, %add3A_28 : i32
    %dma_start3A_30 = arith.constant 0 : i32
    %dma_start3A_31 = tpu.memref_slice %arg14[%add3A_29, %dma_start3A_30] : memref<10240x128xf32, #tpu.memory_space<vmem_shared>> -> memref<64x128xf32, #tpu.memory_space<vmem_shared>>
    tpu.enqueue_dma source(%arg5 : memref<64x128xf32, #tpu.memory_space<hbm>>) target(%dma_start3A_31 : memref<64x128xf32, #tpu.memory_space<vmem_shared>>) target_semaphore(%arg21 : memref<!tpu.dma_semaphore, #tpu.memory_space<semaphore_mem>>)
    %mul3A_32 = arith.constant 640 : i32
    %mul3A_33 = arith.muli %arg1, %mul3A_32 : i32
    %add3A_34 = arith.constant 320 : i32
    %add3A_35 = arith.addi %mul3A_33, %add3A_34 : i32
    %dma_start3A_36 = arith.constant 0 : i32
    %dma_start3A_37 = tpu.memref_slice %arg14[%add3A_35, %dma_start3A_36] : memref<10240x128xf32, #tpu.memory_space<vmem_shared>> -> memref<64x128xf32, #tpu.memory_space<vmem_shared>>
    tpu.enqueue_dma source(%arg5 : memref<64x128xf32, #tpu.memory_space<hbm>>) target(%dma_start3A_37 : memref<64x128xf32, #tpu.memory_space<vmem_shared>>) target_semaphore(%arg21 : memref<!tpu.dma_semaphore, #tpu.memory_space<semaphore_mem>>)
    %mul3A_38 = arith.constant 640 : i32
    %mul3A_39 = arith.muli %arg1, %mul3A_38 : i32
    %add3A_40 = arith.constant 384 : i32
    %add3A_41 = arith.addi %mul3A_39, %add3A_40 : i32
    %dma_start3A_42 = arith.constant 0 : i32
    %dma_start3A_43 = tpu.memref_slice %arg14[%add3A_41, %dma_start3A_42] : memref<10240x128xf32, #tpu.memory_space<vmem_shared>> -> memref<64x128xf32, #tpu.memory_space<vmem_shared>>
    tpu.enqueue_dma source(%arg5 : memref<64x128xf32, #tpu.memory_space<hbm>>) target(%dma_start3A_43 : memref<64x128xf32, #tpu.memory_space<vmem_shared>>) target_semaphore(%arg21 : memref<!tpu.dma_semaphore, #tpu.memory_space<semaphore_mem>>)
    %mul3A_44 = arith.constant 640 : i32
    %mul3A_45 = arith.muli %arg1, %mul3A_44 : i32
    %add3A_46 = arith.constant 448 : i32
    %add3A_47 = arith.addi %mul3A_45, %add3A_46 : i32
    %dma_start3A_48 = arith.constant 0 : i32
    %dma_start3A_49 = tpu.memref_slice %arg14[%add3A_47, %dma_start3A_48] : memref<10240x128xf32, #tpu.memory_space<vmem_shared>> -> memref<64x128xf32, #tpu.memory_space<vmem_shared>>
    tpu.enqueue_dma source(%arg5 : memref<64x128xf32, #tpu.memory_space<hbm>>) target(%dma_start3A_49 : memref<64x128xf32, #tpu.memory_space<vmem_shared>>) target_semaphore(%arg21 : memref<!tpu.dma_semaphore, #tpu.memory_space<semaphore_mem>>)
    %mul3A_50 = arith.constant 640 : i32
    %mul3A_51 = arith.muli %arg1, %mul3A_50 : i32
    %add3A_52 = arith.constant 512 : i32
    %add3A_53 = arith.addi %mul3A_51, %add3A_52 : i32
    %dma_start3A_54 = arith.constant 0 : i32
    %dma_start3A_55 = tpu.memref_slice %arg14[%add3A_53, %dma_start3A_54] : memref<10240x128xf32, #tpu.memory_space<vmem_shared>> -> memref<64x128xf32, #tpu.memory_space<vmem_shared>>
    tpu.enqueue_dma source(%arg5 : memref<64x128xf32, #tpu.memory_space<hbm>>) target(%dma_start3A_55 : memref<64x128xf32, #tpu.memory_space<vmem_shared>>) target_semaphore(%arg21 : memref<!tpu.dma_semaphore, #tpu.memory_space<semaphore_mem>>)
    %mul3A_56 = arith.constant 640 : i32
    %mul3A_57 = arith.muli %arg1, %mul3A_56 : i32
    %add3A_58 = arith.constant 576 : i32
    %add3A_59 = arith.addi %mul3A_57, %add3A_58 : i32
    %dma_start3A_60 = arith.constant 0 : i32
    %dma_start3A_61 = tpu.memref_slice %arg14[%add3A_59, %dma_start3A_60] : memref<10240x128xf32, #tpu.memory_space<vmem_shared>> -> memref<64x128xf32, #tpu.memory_space<vmem_shared>>
    tpu.enqueue_dma source(%arg5 : memref<64x128xf32, #tpu.memory_space<hbm>>) target(%dma_start3A_61 : memref<64x128xf32, #tpu.memory_space<vmem_shared>>) target_semaphore(%arg21 : memref<!tpu.dma_semaphore, #tpu.memory_space<semaphore_mem>>)
    %mul3A_62 = arith.constant 640 : i32
    %mul3A_63 = arith.muli %arg1, %mul3A_62 : i32
    %add3A_64 = arith.constant 0 : i32
    %add3A_65 = arith.addi %mul3A_63, %add3A_64 : i32
    %dma_wait3A = arith.constant 0 : i32
    %dma_wait3A_66 = tpu.memref_slice %arg14[%add3A_65, %dma_wait3A] : memref<10240x128xf32, #tpu.memory_space<vmem_shared>> -> memref<64x128xf32, #tpu.memory_space<vmem_shared>>
    tpu.wait_dma2 semaphore(%arg21 : memref<!tpu.dma_semaphore, #tpu.memory_space<semaphore_mem>>) src(%arg5 : memref<64x128xf32, #tpu.memory_space<hbm>>) dst(%dma_wait3A_66 : memref<64x128xf32, #tpu.memory_space<vmem_shared>>)
    %mul3A_67 = arith.constant 640 : i32
    %mul3A_68 = arith.muli %arg1, %mul3A_67 : i32
    %add3A_69 = arith.constant 64 : i32
    %add3A_70 = arith.addi %mul3A_68, %add3A_69 : i32
    %dma_wait3A_71 = arith.constant 0 : i32
    %dma_wait3A_72 = tpu.memref_slice %arg14[%add3A_70, %dma_wait3A_71] : memref<10240x128xf32, #tpu.memory_space<vmem_shared>> -> memref<64x128xf32, #tpu.memory_space<vmem_shared>>
    tpu.wait_dma2 semaphore(%arg21 : memref<!tpu.dma_semaphore, #tpu.memory_space<semaphore_mem>>) src(%arg5 : memref<64x128xf32, #tpu.memory_space<hbm>>) dst(%dma_wait3A_72 : memref<64x128xf32, #tpu.memory_space<vmem_shared>>)
    %mul3A_73 = arith.constant 640 : i32
    %mul3A_74 = arith.muli %arg1, %mul3A_73 : i32
    %add3A_75 = arith.constant 128 : i32
    %add3A_76 = arith.addi %mul3A_74, %add3A_75 : i32
    %dma_wait3A_77 = arith.constant 0 : i32
    %dma_wait3A_78 = tpu.memref_slice %arg14[%add3A_76, %dma_wait3A_77] : memref<10240x128xf32, #tpu.memory_space<vmem_shared>> -> memref<64x128xf32, #tpu.memory_space<vmem_shared>>
    tpu.wait_dma2 semaphore(%arg21 : memref<!tpu.dma_semaphore, #tpu.memory_space<semaphore_mem>>) src(%arg5 : memref<64x128xf32, #tpu.memory_space<hbm>>) dst(%dma_wait3A_78 : memref<64x128xf32, #tpu.memory_space<vmem_shared>>)
    %mul3A_79 = arith.constant 640 : i32
    %mul3A_80 = arith.muli %arg1, %mul3A_79 : i32
    %add3A_81 = arith.constant 192 : i32
    %add3A_82 = arith.addi %mul3A_80, %add3A_81 : i32
    %dma_wait3A_83 = arith.constant 0 : i32
    %dma_wait3A_84 = tpu.memref_slice %arg14[%add3A_82, %dma_wait3A_83] : memref<10240x128xf32, #tpu.memory_space<vmem_shared>> -> memref<64x128xf32, #tpu.memory_space<vmem_shared>>
    tpu.wait_dma2 semaphore(%arg21 : memref<!tpu.dma_semaphore, #tpu.memory_space<semaphore_mem>>) src(%arg5 : memref<64x128xf32, #tpu.memory_space<hbm>>) dst(%dma_wait3A_84 : memref<64x128xf32, #tpu.memory_space<vmem_shared>>)
    %mul3A_85 = arith.constant 640 : i32
    %mul3A_86 = arith.muli %arg1, %mul3A_85 : i32
    %add3A_87 = arith.constant 256 : i32
    %add3A_88 = arith.addi %mul3A_86, %add3A_87 : i32
    %dma_wait3A_89 = arith.constant 0 : i32
    %dma_wait3A_90 = tpu.memref_slice %arg14[%add3A_88, %dma_wait3A_89] : memref<10240x128xf32, #tpu.memory_space<vmem_shared>> -> memref<64x128xf32, #tpu.memory_space<vmem_shared>>
    tpu.wait_dma2 semaphore(%arg21 : memref<!tpu.dma_semaphore, #tpu.memory_space<semaphore_mem>>) src(%arg5 : memref<64x128xf32, #tpu.memory_space<hbm>>) dst(%dma_wait3A_90 : memref<64x128xf32, #tpu.memory_space<vmem_shared>>)
    %mul3A_91 = arith.constant 640 : i32
    %mul3A_92 = arith.muli %arg1, %mul3A_91 : i32
    %add3A_93 = arith.constant 320 : i32
    %add3A_94 = arith.addi %mul3A_92, %add3A_93 : i32
    %dma_wait3A_95 = arith.constant 0 : i32
    %dma_wait3A_96 = tpu.memref_slice %arg14[%add3A_94, %dma_wait3A_95] : memref<10240x128xf32, #tpu.memory_space<vmem_shared>> -> memref<64x128xf32, #tpu.memory_space<vmem_shared>>
    tpu.wait_dma2 semaphore(%arg21 : memref<!tpu.dma_semaphore, #tpu.memory_space<semaphore_mem>>) src(%arg5 : memref<64x128xf32, #tpu.memory_space<hbm>>) dst(%dma_wait3A_96 : memref<64x128xf32, #tpu.memory_space<vmem_shared>>)
    %mul3A_97 = arith.constant 640 : i32
    %mul3A_98 = arith.muli %arg1, %mul3A_97 : i32
    %add3A_99 = arith.constant 384 : i32
    %add3A_100 = arith.addi %mul3A_98, %add3A_99 : i32
    %dma_wait3A_101 = arith.constant 0 : i32
    %dma_wait3A_102 = tpu.memref_slice %arg14[%add3A_100, %dma_wait3A_101] : memref<10240x128xf32, #tpu.memory_space<vmem_shared>> -> memref<64x128xf32, #tpu.memory_space<vmem_shared>>
    tpu.wait_dma2 semaphore(%arg21 : memref<!tpu.dma_semaphore, #tpu.memory_space<semaphore_mem>>) src(%arg5 : memref<64x128xf32, #tpu.memory_space<hbm>>) dst(%dma_wait3A_102 : memref<64x128xf32, #tpu.memory_space<vmem_shared>>)
    %mul3A_103 = arith.constant 640 : i32
    %mul3A_104 = arith.muli %arg1, %mul3A_103 : i32
    %add3A_105 = arith.constant 448 : i32
    %add3A_106 = arith.addi %mul3A_104, %add3A_105 : i32
    %dma_wait3A_107 = arith.constant 0 : i32
    %dma_wait3A_108 = tpu.memref_slice %arg14[%add3A_106, %dma_wait3A_107] : memref<10240x128xf32, #tpu.memory_space<vmem_shared>> -> memref<64x128xf32, #tpu.memory_space<vmem_shared>>
    tpu.wait_dma2 semaphore(%arg21 : memref<!tpu.dma_semaphore, #tpu.memory_space<semaphore_mem>>) src(%arg5 : memref<64x128xf32, #tpu.memory_space<hbm>>) dst(%dma_wait3A_108 : memref<64x128xf32, #tpu.memory_space<vmem_shared>>)
    %mul3A_109 = arith.constant 640 : i32
    %mul3A_110 = arith.muli %arg1, %mul3A_109 : i32
    %add3A_111 = arith.constant 512 : i32
    %add3A_112 = arith.addi %mul3A_110, %add3A_111 : i32
    %dma_wait3A_113 = arith.constant 0 : i32
    %dma_wait3A_114 = tpu.memref_slice %arg14[%add3A_112, %dma_wait3A_113] : memref<10240x128xf32, #tpu.memory_space<vmem_shared>> -> memref<64x128xf32, #tpu.memory_space<vmem_shared>>
    tpu.wait_dma2 semaphore(%arg21 : memref<!tpu.dma_semaphore, #tpu.memory_space<semaphore_mem>>) src(%arg5 : memref<64x128xf32, #tpu.memory_space<hbm>>) dst(%dma_wait3A_114 : memref<64x128xf32, #tpu.memory_space<vmem_shared>>)
    %mul3A_115 = arith.constant 640 : i32
    %mul3A_116 = arith.muli %arg1, %mul3A_115 : i32
    %add3A_117 = arith.constant 576 : i32
    %add3A_118 = arith.addi %mul3A_116, %add3A_117 : i32
    %dma_wait3A_119 = arith.constant 0 : i32
    %dma_wait3A_120 = tpu.memref_slice %arg14[%add3A_118, %dma_wait3A_119] : memref<10240x128xf32, #tpu.memory_space<vmem_shared>> -> memref<64x128xf32, #tpu.memory_space<vmem_shared>>
    tpu.wait_dma2 semaphore(%arg21 : memref<!tpu.dma_semaphore, #tpu.memory_space<semaphore_mem>>) src(%arg5 : memref<64x128xf32, #tpu.memory_space<hbm>>) dst(%dma_wait3A_120 : memref<64x128xf32, #tpu.memory_space<vmem_shared>>)
    %barrier3A = arith.constant 0 : index
    tpu.barrier barrier_id(%barrier3A)
    "tpu.region"() ({
      %run_scoped3A = tpu.sem_alloc : memref<!tpu.dma_semaphore, #tpu.memory_space<semaphore_mem>>
      %dma_start3A_144 = tpu.memref_slice %arg3[%mul3A_2] : memref<385024xi32, #tpu.memory_space<hbm>> -> memref<128xi32, #tpu.memory_space<hbm>>
      %dma_start3A_145 = tpu.memref_slice %arg3[%mul3A_2] : memref<385024xi32, #tpu.memory_space<hbm>> -> memref<128xi32, #tpu.memory_space<hbm>>
      tpu.enqueue_dma source(%dma_start3A_145 : memref<128xi32, #tpu.memory_space<hbm>>) target(%arg7 : memref<128xi32, #tpu.memory_space<vmem>>) target_semaphore(%run_scoped3A : memref<!tpu.dma_semaphore, #tpu.memory_space<semaphore_mem>>)
      %dma_wait3A_146 = tpu.memref_slice %arg3[%mul3A_2] : memref<385024xi32, #tpu.memory_space<hbm>> -> memref<128xi32, #tpu.memory_space<hbm>>
      %dma_wait3A_147 = tpu.memref_slice %arg3[%mul3A_2] : memref<385024xi32, #tpu.memory_space<hbm>> -> memref<128xi32, #tpu.memory_space<hbm>>
      tpu.wait_dma2 semaphore(%run_scoped3A : memref<!tpu.dma_semaphore, #tpu.memory_space<semaphore_mem>>) src(%dma_wait3A_147 : memref<128xi32, #tpu.memory_space<hbm>>) dst(%arg7 : memref<128xi32, #tpu.memory_space<vmem>>)
      tpu.yield
    }) : () -> ()
    "tpu.region"() ({
      %run_scoped3A = tpu.sem_alloc : memref<!tpu.dma_semaphore, #tpu.memory_space<semaphore_mem>>
      %dma_start3A_144 = tpu.memref_slice %arg4[%mul3A_2] : memref<385024xi32, #tpu.memory_space<hbm>> -> memref<128xi32, #tpu.memory_space<hbm>>
      %dma_start3A_145 = tpu.memref_slice %arg4[%mul3A_2] : memref<385024xi32, #tpu.memory_space<hbm>> -> memref<128xi32, #tpu.memory_space<hbm>>
      tpu.enqueue_dma source(%dma_start3A_145 : memref<128xi32, #tpu.memory_space<hbm>>) target(%arg9 : memref<128xi32, #tpu.memory_space<vmem>>) target_semaphore(%run_scoped3A : memref<!tpu.dma_semaphore, #tpu.memory_space<semaphore_mem>>)
      %dma_wait3A_146 = tpu.memref_slice %arg4[%mul3A_2] : memref<385024xi32, #tpu.memory_space<hbm>> -> memref<128xi32, #tpu.memory_space<hbm>>
      %dma_wait3A_147 = tpu.memref_slice %arg4[%mul3A_2] : memref<385024xi32, #tpu.memory_space<hbm>> -> memref<128xi32, #tpu.memory_space<hbm>>
      tpu.wait_dma2 semaphore(%run_scoped3A : memref<!tpu.dma_semaphore, #tpu.memory_space<semaphore_mem>>) src(%dma_wait3A_147 : memref<128xi32, #tpu.memory_space<hbm>>) dst(%arg9 : memref<128xi32, #tpu.memory_space<vmem>>)
      tpu.yield
    }) : () -> ()
    %dma_start3A_121 = arith.constant 0 : i32
    %dma_start3A_122 = arith.constant 0 : i32
    %dma_start3A_123 = tpu.memref_slice %arg2[%dma_start3A_121, %dma_start3A_122] : memref<10240x128xf32, #tpu.memory_space<hbm>> -> memref<10240x128xf32, #tpu.memory_space<hbm>>
    tpu.enqueue_indirect_dma source(%dma_start3A_123 : memref<10240x128xf32, #tpu.memory_space<hbm>>) target(%arg11 : memref<128x128xf32, #tpu.memory_space<vmem>>) offsets(%arg7 : memref<128xi32, #tpu.memory_space<vmem>>) semaphore(%arg15 : memref<!tpu.dma_semaphore, #tpu.memory_space<semaphore_mem>>)
    %add3A_124 = arith.constant 128 : i32
    %add3A_125 = arith.addi %mul3A_2, %add3A_124 : i32
    %dma_start3A_126 = tpu.memref_slice %arg3[%add3A_125] : memref<385024xi32, #tpu.memory_space<hbm>> -> memref<128xi32, #tpu.memory_space<hbm>>
    %dma_start3A_127 = tpu.memref_slice %arg3[%add3A_125] : memref<385024xi32, #tpu.memory_space<hbm>> -> memref<128xi32, #tpu.memory_space<hbm>>
    tpu.enqueue_dma source(%dma_start3A_127 : memref<128xi32, #tpu.memory_space<hbm>>) target(%arg8 : memref<128xi32, #tpu.memory_space<vmem>>) target_semaphore(%arg18 : memref<!tpu.dma_semaphore, #tpu.memory_space<semaphore_mem>>)
    %add3A_128 = arith.constant 128 : i32
    %add3A_129 = arith.addi %mul3A_2, %add3A_128 : i32
    %dma_start3A_130 = tpu.memref_slice %arg4[%add3A_129] : memref<385024xi32, #tpu.memory_space<hbm>> -> memref<128xi32, #tpu.memory_space<hbm>>
    %dma_start3A_131 = tpu.memref_slice %arg4[%add3A_129] : memref<385024xi32, #tpu.memory_space<hbm>> -> memref<128xi32, #tpu.memory_space<hbm>>
    tpu.enqueue_dma source(%dma_start3A_131 : memref<128xi32, #tpu.memory_space<hbm>>) target(%arg10 : memref<128xi32, #tpu.memory_space<vmem>>) target_semaphore(%arg20 : memref<!tpu.dma_semaphore, #tpu.memory_space<semaphore_mem>>)
    %scan3A = arith.constant 0 : i32
    %scan3A_132 = arith.constant 0 : i32
    %scan3A_133 = arith.constant 47 : i32
    %scan3A_134 = arith.addi %scan3A_132, %scan3A_133 : i32
    %scan3A_135 = arith.constant 1 : i32
    scf.for %scan3A_144 = %scan3A_132 to %scan3A_134 step %scan3A_135  : i32 {
      %mul3A_145 = arith.constant 2 : i32
      %mul3A_146 = arith.muli %mul3A_145, %scan3A_144 : i32
      %add3A_147 = arith.constant 0 : i32
      %add3A_148 = arith.addi %mul3A_146, %add3A_147 : i32
      %add3A_149 = arith.constant 1 : i32
      %add3A_150 = arith.addi %add3A_148, %add3A_149 : i32
      %lt3A = arith.constant 94 : i32
      %lt3A_151 = arith.cmpi slt, %add3A_150, %lt3A : i32
      %convert_element_type3A = arith.extui %lt3A_151 : i1 to i32
      %cond3A = arith.constant 0 : i32
      %cond3A_152 = arith.cmpi ne, %convert_element_type3A, %cond3A : i32
      scf.if %cond3A_152 {
        %add3A_184 = arith.constant 1 : i32
        %add3A_185 = arith.addi %add3A_148, %add3A_184 : i32
        %mul3A_186 = arith.constant 128 : i32
        %mul3A_187 = arith.muli %add3A_185, %mul3A_186 : i32
        %add3A_188 = arith.addi %mul3A_2, %mul3A_187 : i32
        %dma_wait3A_189 = tpu.memref_slice %arg3[%add3A_188] : memref<385024xi32, #tpu.memory_space<hbm>> -> memref<128xi32, #tpu.memory_space<hbm>>
        %dma_wait3A_190 = tpu.memref_slice %arg3[%add3A_188] : memref<385024xi32, #tpu.memory_space<hbm>> -> memref<128xi32, #tpu.memory_space<hbm>>
        tpu.wait_dma2 semaphore(%arg18 : memref<!tpu.dma_semaphore, #tpu.memory_space<semaphore_mem>>) src(%dma_wait3A_190 : memref<128xi32, #tpu.memory_space<hbm>>) dst(%arg8 : memref<128xi32, #tpu.memory_space<vmem>>)
        %add3A_191 = arith.constant 1 : i32
        %add3A_192 = arith.addi %add3A_148, %add3A_191 : i32
        %mul3A_193 = arith.constant 128 : i32
        %mul3A_194 = arith.muli %add3A_192, %mul3A_193 : i32
        %add3A_195 = arith.addi %mul3A_2, %mul3A_194 : i32
        %dma_wait3A_196 = tpu.memref_slice %arg4[%add3A_195] : memref<385024xi32, #tpu.memory_space<hbm>> -> memref<128xi32, #tpu.memory_space<hbm>>
        %dma_wait3A_197 = tpu.memref_slice %arg4[%add3A_195] : memref<385024xi32, #tpu.memory_space<hbm>> -> memref<128xi32, #tpu.memory_space<hbm>>
        tpu.wait_dma2 semaphore(%arg20 : memref<!tpu.dma_semaphore, #tpu.memory_space<semaphore_mem>>) src(%dma_wait3A_197 : memref<128xi32, #tpu.memory_space<hbm>>) dst(%arg10 : memref<128xi32, #tpu.memory_space<vmem>>)
        %dma_start3A_198 = arith.constant 0 : i32
        %dma_start3A_199 = arith.constant 0 : i32
        %dma_start3A_200 = tpu.memref_slice %arg2[%dma_start3A_198, %dma_start3A_199] : memref<10240x128xf32, #tpu.memory_space<hbm>> -> memref<10240x128xf32, #tpu.memory_space<hbm>>
        tpu.enqueue_indirect_dma source(%dma_start3A_200 : memref<10240x128xf32, #tpu.memory_space<hbm>>) target(%arg12 : memref<128x128xf32, #tpu.memory_space<vmem>>) offsets(%arg8 : memref<128xi32, #tpu.memory_space<vmem>>) semaphore(%arg16 : memref<!tpu.dma_semaphore, #tpu.memory_space<semaphore_mem>>)
      } else {
      }
      %dma_wait3A_153 = arith.constant 0 : i32
      %dma_wait3A_154 = arith.constant 0 : i32
      %dma_wait3A_155 = tpu.memref_slice %arg2[%dma_wait3A_153, %dma_wait3A_154] : memref<10240x128xf32, #tpu.memory_space<hbm>> -> memref<10240x128xf32, #tpu.memory_space<hbm>>
      tpu.wait_indirect_dma semaphore(%arg15 : memref<!tpu.dma_semaphore, #tpu.memory_space<semaphore_mem>>) src(%dma_wait3A_155 : memref<10240x128xf32, #tpu.memory_space<hbm>>) dst(%arg11 : memref<128x128xf32, #tpu.memory_space<vmem>>)
      "tpu.region"() ({
        %run_scoped3A = tpu.sem_alloc : memref<!tpu.dma_semaphore, #tpu.memory_space<semaphore_mem>>
        %dma_start3A_184 = arith.constant 0 : i32
        %dma_start3A_185 = arith.constant 0 : i32
        %dma_start3A_186 = tpu.memref_slice %arg14[%dma_start3A_184, %dma_start3A_185] : memref<10240x128xf32, #tpu.memory_space<vmem_shared>> -> memref<10240x128xf32, #tpu.memory_space<vmem_shared>>
        tpu.enqueue_indirect_dma source(%arg11 : memref<128x128xf32, #tpu.memory_space<vmem>>) target(%dma_start3A_186 : memref<10240x128xf32, #tpu.memory_space<vmem_shared>>) offsets(%arg9 : memref<128xi32, #tpu.memory_space<vmem>>) semaphore(%run_scoped3A : memref<!tpu.dma_semaphore, #tpu.memory_space<semaphore_mem>>) {add = true}
        %dma_wait3A_187 = arith.constant 0 : i32
        %dma_wait3A_188 = arith.constant 0 : i32
        %dma_wait3A_189 = tpu.memref_slice %arg14[%dma_wait3A_187, %dma_wait3A_188] : memref<10240x128xf32, #tpu.memory_space<vmem_shared>> -> memref<10240x128xf32, #tpu.memory_space<vmem_shared>>
        tpu.wait_indirect_dma semaphore(%run_scoped3A : memref<!tpu.dma_semaphore, #tpu.memory_space<semaphore_mem>>) src(%arg11 : memref<128x128xf32, #tpu.memory_space<vmem>>) dst(%dma_wait3A_189 : memref<10240x128xf32, #tpu.memory_space<vmem_shared>>)
        tpu.yield
      }) : () -> ()
      %add3A_156 = arith.constant 2 : i32
      %add3A_157 = arith.addi %add3A_148, %add3A_156 : i32
      %lt3A_158 = arith.constant 94 : i32
      %lt3A_159 = arith.cmpi slt, %add3A_157, %lt3A_158 : i32
      %convert_element_type3A_160 = arith.extui %lt3A_159 : i1 to i32
      %cond3A_161 = arith.constant 0 : i32
      %cond3A_162 = arith.cmpi ne, %convert_element_type3A_160, %cond3A_161 : i32
      scf.if %cond3A_162 {
        %add3A_184 = arith.constant 2 : i32
        %add3A_185 = arith.addi %add3A_148, %add3A_184 : i32
        %mul3A_186 = arith.constant 128 : i32
        %mul3A_187 = arith.muli %add3A_185, %mul3A_186 : i32
        %add3A_188 = arith.addi %mul3A_2, %mul3A_187 : i32
        %dma_start3A_189 = tpu.memref_slice %arg3[%add3A_188] : memref<385024xi32, #tpu.memory_space<hbm>> -> memref<128xi32, #tpu.memory_space<hbm>>
        %dma_start3A_190 = tpu.memref_slice %arg3[%add3A_188] : memref<385024xi32, #tpu.memory_space<hbm>> -> memref<128xi32, #tpu.memory_space<hbm>>
        tpu.enqueue_dma source(%dma_start3A_190 : memref<128xi32, #tpu.memory_space<hbm>>) target(%arg7 : memref<128xi32, #tpu.memory_space<vmem>>) target_semaphore(%arg17 : memref<!tpu.dma_semaphore, #tpu.memory_space<semaphore_mem>>)
        %add3A_191 = arith.constant 2 : i32
        %add3A_192 = arith.addi %add3A_148, %add3A_191 : i32
        %mul3A_193 = arith.constant 128 : i32
        %mul3A_194 = arith.muli %add3A_192, %mul3A_193 : i32
        %add3A_195 = arith.addi %mul3A_2, %mul3A_194 : i32
        %dma_start3A_196 = tpu.memref_slice %arg4[%add3A_195] : memref<385024xi32, #tpu.memory_space<hbm>> -> memref<128xi32, #tpu.memory_space<hbm>>
        %dma_start3A_197 = tpu.memref_slice %arg4[%add3A_195] : memref<385024xi32, #tpu.memory_space<hbm>> -> memref<128xi32, #tpu.memory_space<hbm>>
        tpu.enqueue_dma source(%dma_start3A_197 : memref<128xi32, #tpu.memory_space<hbm>>) target(%arg9 : memref<128xi32, #tpu.memory_space<vmem>>) target_semaphore(%arg19 : memref<!tpu.dma_semaphore, #tpu.memory_space<semaphore_mem>>)
      } else {
      }
      %mul3A_163 = arith.constant 2 : i32
      %mul3A_164 = arith.muli %mul3A_163, %scan3A_144 : i32
      %add3A_165 = arith.constant 1 : i32
      %add3A_166 = arith.addi %mul3A_164, %add3A_165 : i32
      %add3A_167 = arith.constant 1 : i32
      %add3A_168 = arith.addi %add3A_166, %add3A_167 : i32
      %lt3A_169 = arith.constant 94 : i32
      %lt3A_170 = arith.cmpi slt, %add3A_168, %lt3A_169 : i32
      %convert_element_type3A_171 = arith.extui %lt3A_170 : i1 to i32
      %cond3A_172 = arith.constant 0 : i32
      %cond3A_173 = arith.cmpi ne, %convert_element_type3A_171, %cond3A_172 : i32
      scf.if %cond3A_173 {
        %add3A_184 = arith.constant 1 : i32
        %add3A_185 = arith.addi %add3A_166, %add3A_184 : i32
        %mul3A_186 = arith.constant 128 : i32
        %mul3A_187 = arith.muli %add3A_185, %mul3A_186 : i32
        %add3A_188 = arith.addi %mul3A_2, %mul3A_187 : i32
        %dma_wait3A_189 = tpu.memref_slice %arg3[%add3A_188] : memref<385024xi32, #tpu.memory_space<hbm>> -> memref<128xi32, #tpu.memory_space<hbm>>
        %dma_wait3A_190 = tpu.memref_slice %arg3[%add3A_188] : memref<385024xi32, #tpu.memory_space<hbm>> -> memref<128xi32, #tpu.memory_space<hbm>>
        tpu.wait_dma2 semaphore(%arg17 : memref<!tpu.dma_semaphore, #tpu.memory_space<semaphore_mem>>) src(%dma_wait3A_190 : memref<128xi32, #tpu.memory_space<hbm>>) dst(%arg7 : memref<128xi32, #tpu.memory_space<vmem>>)
        %add3A_191 = arith.constant 1 : i32
        %add3A_192 = arith.addi %add3A_166, %add3A_191 : i32
        %mul3A_193 = arith.constant 128 : i32
        %mul3A_194 = arith.muli %add3A_192, %mul3A_193 : i32
        %add3A_195 = arith.addi %mul3A_2, %mul3A_194 : i32
        %dma_wait3A_196 = tpu.memref_slice %arg4[%add3A_195] : memref<385024xi32, #tpu.memory_space<hbm>> -> memref<128xi32, #tpu.memory_space<hbm>>
        %dma_wait3A_197 = tpu.memref_slice %arg4[%add3A_195] : memref<385024xi32, #tpu.memory_space<hbm>> -> memref<128xi32, #tpu.memory_space<hbm>>
        tpu.wait_dma2 semaphore(%arg19 : memref<!tpu.dma_semaphore, #tpu.memory_space<semaphore_mem>>) src(%dma_wait3A_197 : memref<128xi32, #tpu.memory_space<hbm>>) dst(%arg9 : memref<128xi32, #tpu.memory_space<vmem>>)
        %dma_start3A_198 = arith.constant 0 : i32
        %dma_start3A_199 = arith.constant 0 : i32
        %dma_start3A_200 = tpu.memref_slice %arg2[%dma_start3A_198, %dma_start3A_199] : memref<10240x128xf32, #tpu.memory_space<hbm>> -> memref<10240x128xf32, #tpu.memory_space<hbm>>
        tpu.enqueue_indirect_dma source(%dma_start3A_200 : memref<10240x128xf32, #tpu.memory_space<hbm>>) target(%arg11 : memref<128x128xf32, #tpu.memory_space<vmem>>) offsets(%arg7 : memref<128xi32, #tpu.memory_space<vmem>>) semaphore(%arg15 : memref<!tpu.dma_semaphore, #tpu.memory_space<semaphore_mem>>)
      } else {
      }
      %dma_wait3A_174 = arith.constant 0 : i32
      %dma_wait3A_175 = arith.constant 0 : i32
      %dma_wait3A_176 = tpu.memref_slice %arg2[%dma_wait3A_174, %dma_wait3A_175] : memref<10240x128xf32, #tpu.memory_space<hbm>> -> memref<10240x128xf32, #tpu.memory_space<hbm>>
      tpu.wait_indirect_dma semaphore(%arg16 : memref<!tpu.dma_semaphore, #tpu.memory_space<semaphore_mem>>) src(%dma_wait3A_176 : memref<10240x128xf32, #tpu.memory_space<hbm>>) dst(%arg12 : memref<128x128xf32, #tpu.memory_space<vmem>>)
      "tpu.region"() ({
        %run_scoped3A = tpu.sem_alloc : memref<!tpu.dma_semaphore, #tpu.memory_space<semaphore_mem>>
        %dma_start3A_184 = arith.constant 0 : i32
        %dma_start3A_185 = arith.constant 0 : i32
        %dma_start3A_186 = tpu.memref_slice %arg14[%dma_start3A_184, %dma_start3A_185] : memref<10240x128xf32, #tpu.memory_space<vmem_shared>> -> memref<10240x128xf32, #tpu.memory_space<vmem_shared>>
        tpu.enqueue_indirect_dma source(%arg12 : memref<128x128xf32, #tpu.memory_space<vmem>>) target(%dma_start3A_186 : memref<10240x128xf32, #tpu.memory_space<vmem_shared>>) offsets(%arg10 : memref<128xi32, #tpu.memory_space<vmem>>) semaphore(%run_scoped3A : memref<!tpu.dma_semaphore, #tpu.memory_space<semaphore_mem>>) {add = true}
        %dma_wait3A_187 = arith.constant 0 : i32
        %dma_wait3A_188 = arith.constant 0 : i32
        %dma_wait3A_189 = tpu.memref_slice %arg14[%dma_wait3A_187, %dma_wait3A_188] : memref<10240x128xf32, #tpu.memory_space<vmem_shared>> -> memref<10240x128xf32, #tpu.memory_space<vmem_shared>>
        tpu.wait_indirect_dma semaphore(%run_scoped3A : memref<!tpu.dma_semaphore, #tpu.memory_space<semaphore_mem>>) src(%arg12 : memref<128x128xf32, #tpu.memory_space<vmem>>) dst(%dma_wait3A_189 : memref<10240x128xf32, #tpu.memory_space<vmem_shared>>)
        tpu.yield
      }) : () -> ()
      %add3A_177 = arith.constant 2 : i32
      %add3A_178 = arith.addi %add3A_166, %add3A_177 : i32
      %lt3A_179 = arith.constant 94 : i32
      %lt3A_180 = arith.cmpi slt, %add3A_178, %lt3A_179 : i32
      %convert_element_type3A_181 = arith.extui %lt3A_180 : i1 to i32
      %cond3A_182 = arith.constant 0 : i32
      %cond3A_183 = arith.cmpi ne, %convert_element_type3A_181, %cond3A_182 : i32
      scf.if %cond3A_183 {
        %add3A_184 = arith.constant 2 : i32
        %add3A_185 = arith.addi %add3A_166, %add3A_184 : i32
        %mul3A_186 = arith.constant 128 : i32
        %mul3A_187 = arith.muli %add3A_185, %mul3A_186 : i32
        %add3A_188 = arith.addi %mul3A_2, %mul3A_187 : i32
        %dma_start3A_189 = tpu.memref_slice %arg3[%add3A_188] : memref<385024xi32, #tpu.memory_space<hbm>> -> memref<128xi32, #tpu.memory_space<hbm>>
        %dma_start3A_190 = tpu.memref_slice %arg3[%add3A_188] : memref<385024xi32, #tpu.memory_space<hbm>> -> memref<128xi32, #tpu.memory_space<hbm>>
        tpu.enqueue_dma source(%dma_start3A_190 : memref<128xi32, #tpu.memory_space<hbm>>) target(%arg8 : memref<128xi32, #tpu.memory_space<vmem>>) target_semaphore(%arg18 : memref<!tpu.dma_semaphore, #tpu.memory_space<semaphore_mem>>)
        %add3A_191 = arith.constant 2 : i32
        %add3A_192 = arith.addi %add3A_166, %add3A_191 : i32
        %mul3A_193 = arith.constant 128 : i32
        %mul3A_194 = arith.muli %add3A_192, %mul3A_193 : i32
        %add3A_195 = arith.addi %mul3A_2, %mul3A_194 : i32
        %dma_start3A_196 = tpu.memref_slice %arg4[%add3A_195] : memref<385024xi32, #tpu.memory_space<hbm>> -> memref<128xi32, #tpu.memory_space<hbm>>
        %dma_start3A_197 = tpu.memref_slice %arg4[%add3A_195] : memref<385024xi32, #tpu.memory_space<hbm>> -> memref<128xi32, #tpu.memory_space<hbm>>
        tpu.enqueue_dma source(%dma_start3A_197 : memref<128xi32, #tpu.memory_space<hbm>>) target(%arg10 : memref<128xi32, #tpu.memory_space<vmem>>) target_semaphore(%arg20 : memref<!tpu.dma_semaphore, #tpu.memory_space<semaphore_mem>>)
      } else {
      }
    }
    %scan3A_136 = arith.constant 47 : i32
    %barrier3A_137 = arith.constant 0 : index
    tpu.barrier barrier_id(%barrier3A_137)
    %scan3A_138 = arith.constant 0 : i32
    %scan3A_139 = arith.constant 0 : i32
    %scan3A_140 = arith.constant 10 : i32
    %scan3A_141 = arith.addi %scan3A_139, %scan3A_140 : i32
    %scan3A_142 = arith.constant 1 : i32
    scf.for %scan3A_144 = %scan3A_139 to %scan3A_141 step %scan3A_142  : i32 {
      %mul3A_145 = arith.constant 640 : i32
      %mul3A_146 = arith.muli %arg1, %mul3A_145 : i32
      %mul3A_147 = arith.constant 64 : i32
      %mul3A_148 = arith.muli %scan3A_144, %mul3A_147 : i32
      %add3A_149 = arith.addi %mul3A_146, %mul3A_148 : i32
      "tpu.region"() ({
        %run_scoped3A = tpu.sem_alloc : memref<!tpu.dma_semaphore, #tpu.memory_space<semaphore_mem>>
        %dma_start3A_150 = arith.constant 0 : i32
        %dma_start3A_151 = tpu.memref_slice %arg14[%add3A_149, %dma_start3A_150] : memref<10240x128xf32, #tpu.memory_space<vmem_shared>> -> memref<64x128xf32, #tpu.memory_space<vmem_shared>>
        %dma_start3A_152 = arith.constant 0 : i32
        %dma_start3A_153 = tpu.memref_slice %arg14[%add3A_149, %dma_start3A_152] : memref<10240x128xf32, #tpu.memory_space<vmem_shared>> -> memref<64x128xf32, #tpu.memory_space<vmem_shared>>
        tpu.enqueue_dma source(%dma_start3A_153 : memref<64x128xf32, #tpu.memory_space<vmem_shared>>) target(%arg13 : memref<64x128xf32, #tpu.memory_space<vmem>>) target_semaphore(%run_scoped3A : memref<!tpu.dma_semaphore, #tpu.memory_space<semaphore_mem>>)
        %dma_wait3A_154 = arith.constant 0 : i32
        %dma_wait3A_155 = tpu.memref_slice %arg14[%add3A_149, %dma_wait3A_154] : memref<10240x128xf32, #tpu.memory_space<vmem_shared>> -> memref<64x128xf32, #tpu.memory_space<vmem_shared>>
        %dma_wait3A_156 = arith.constant 0 : i32
        %dma_wait3A_157 = tpu.memref_slice %arg14[%add3A_149, %dma_wait3A_156] : memref<10240x128xf32, #tpu.memory_space<vmem_shared>> -> memref<64x128xf32, #tpu.memory_space<vmem_shared>>
        tpu.wait_dma2 semaphore(%run_scoped3A : memref<!tpu.dma_semaphore, #tpu.memory_space<semaphore_mem>>) src(%dma_wait3A_157 : memref<64x128xf32, #tpu.memory_space<vmem_shared>>) dst(%arg13 : memref<64x128xf32, #tpu.memory_space<vmem>>)
        tpu.yield
      }) : () -> ()
      "tpu.region"() ({
        %run_scoped3A = tpu.sem_alloc : memref<!tpu.dma_semaphore, #tpu.memory_space<semaphore_mem>>
        %dma_start3A_150 = arith.constant 0 : i32
        %dma_start3A_151 = tpu.memref_slice %arg6[%arg0, %add3A_149, %dma_start3A_150] : memref<2x10240x128xf32, #tpu.memory_space<hbm>> -> memref<1x64x128xf32, #tpu.memory_space<hbm>>
        %dma_start3A_152 = tpu.memref_squeeze %dma_start3A_151 : memref<1x64x128xf32, #tpu.memory_space<hbm>> -> memref<64x128xf32, #tpu.memory_space<hbm>>
        %dma_start3A_153 = arith.constant 0 : i32
        %dma_start3A_154 = tpu.memref_slice %arg6[%arg0, %add3A_149, %dma_start3A_153] : memref<2x10240x128xf32, #tpu.memory_space<hbm>> -> memref<1x64x128xf32, #tpu.memory_space<hbm>>
        %dma_start3A_155 = tpu.memref_squeeze %dma_start3A_154 : memref<1x64x128xf32, #tpu.memory_space<hbm>> -> memref<64x128xf32, #tpu.memory_space<hbm>>
        tpu.enqueue_dma source(%arg13 : memref<64x128xf32, #tpu.memory_space<vmem>>) target(%dma_start3A_155 : memref<64x128xf32, #tpu.memory_space<hbm>>) target_semaphore(%run_scoped3A : memref<!tpu.dma_semaphore, #tpu.memory_space<semaphore_mem>>)
        %dma_wait3A_156 = arith.constant 0 : i32
        %dma_wait3A_157 = tpu.memref_slice %arg6[%arg0, %add3A_149, %dma_wait3A_156] : memref<2x10240x128xf32, #tpu.memory_space<hbm>> -> memref<1x64x128xf32, #tpu.memory_space<hbm>>
        %dma_wait3A_158 = tpu.memref_squeeze %dma_wait3A_157 : memref<1x64x128xf32, #tpu.memory_space<hbm>> -> memref<64x128xf32, #tpu.memory_space<hbm>>
        %dma_wait3A_159 = arith.constant 0 : i32
        %dma_wait3A_160 = tpu.memref_slice %arg6[%arg0, %add3A_149, %dma_wait3A_159] : memref<2x10240x128xf32, #tpu.memory_space<hbm>> -> memref<1x64x128xf32, #tpu.memory_space<hbm>>
        %dma_wait3A_161 = tpu.memref_squeeze %dma_wait3A_160 : memref<1x64x128xf32, #tpu.memory_space<hbm>> -> memref<64x128xf32, #tpu.memory_space<hbm>>
        tpu.wait_dma2 semaphore(%run_scoped3A : memref<!tpu.dma_semaphore, #tpu.memory_space<semaphore_mem>>) src(%arg13 : memref<64x128xf32, #tpu.memory_space<vmem>>) dst(%dma_wait3A_161 : memref<64x128xf32, #tpu.memory_space<hbm>>)
        tpu.yield
      }) : () -> ()
    }
    %scan3A_143 = arith.constant 10 : i32
    return
  }
}

module attributes {stable_mosaic.version = 14 : i64} {
  func.func @_prep_body(%arg0: i32, %arg1: memref<512x128xf32, #tpu.memory_space<vmem>>, %arg2: memref<2x512xf32, #tpu.memory_space<vmem>>, %arg3: memref<2x512xf32, #tpu.memory_space<vmem>>, %arg4: memref<512x128xf32, #tpu.memory_space<vmem>>, %arg5: memref<512x1xf32, #tpu.memory_space<vmem>>, %arg6: memref<512x1xf32, #tpu.memory_space<vmem>>) attributes {dimension_semantics = [#tpu.dimension_semantics<arbitrary>], iteration_bounds = array<i64: 20>, scalar_prefetch = 0 : i64, scratch_operands = 0 : i64, tpu.core_type = #tpu.core_type<tc>, window_params = [{transform_indices = @transform_0, window_bounds = array<i64: 512, 128>}, {transform_indices = @transform_1, window_bounds = array<i64: 2, 512>}, {transform_indices = @transform_2, window_bounds = array<i64: 2, 512>}, {transform_indices = @transform_3, window_bounds = array<i64: 512, 128>}, {transform_indices = @transform_4, window_bounds = array<i64: 512, 1>}, {transform_indices = @transform_5, window_bounds = array<i64: 512, 1>}]} {
    %get3A = arith.constant 0 : index
    %get3A_0 = arith.constant 0 : index
    %get3A_1 = vector.load %arg2[%get3A, %get3A_0] : memref<2x512xf32, #tpu.memory_space<vmem>>, vector<1x512xf32>
    %get3A_2 = vector.shape_cast %get3A_1 : vector<1x512xf32> to vector<512xf32>
    %get3A_3 = arith.constant 1 : index
    %get3A_4 = arith.constant 0 : index
    %get3A_5 = vector.load %arg2[%get3A_3, %get3A_4] : memref<2x512xf32, #tpu.memory_space<vmem>>, vector<1x512xf32>
    %get3A_6 = vector.shape_cast %get3A_5 : vector<1x512xf32> to vector<512xf32>
    %add3A = arith.addf %get3A_2, %get3A_6 : vector<512xf32>
    %broadcast_in_dim3A = vector.shape_cast %add3A : vector<512xf32> to vector<512x1xf32>
    %get3A_7 = arith.constant 0 : index
    %get3A_8 = arith.constant 0 : index
    %get3A_9 = vector.load %arg3[%get3A_7, %get3A_8] : memref<2x512xf32, #tpu.memory_space<vmem>>, vector<1x512xf32>
    %get3A_10 = vector.shape_cast %get3A_9 : vector<1x512xf32> to vector<512xf32>
    %get3A_11 = arith.constant 1 : index
    %get3A_12 = arith.constant 0 : index
    %get3A_13 = vector.load %arg3[%get3A_11, %get3A_12] : memref<2x512xf32, #tpu.memory_space<vmem>>, vector<1x512xf32>
    %get3A_14 = vector.shape_cast %get3A_13 : vector<1x512xf32> to vector<512xf32>
    %add3A_15 = arith.addf %get3A_10, %get3A_14 : vector<512xf32>
    %broadcast_in_dim3A_16 = vector.shape_cast %add3A_15 : vector<512xf32> to vector<512x1xf32>
    %max3A = arith.constant 1.000000e+00 : f32
    %max3A_17 = vector.broadcast %max3A : f32 to vector<512x1xf32>
    %max3A_18 = arith.maximumf %broadcast_in_dim3A, %max3A_17 : vector<512x1xf32>
    %rsqrt3A = math.rsqrt %max3A_18 : vector<512x1xf32>
    %max3A_19 = arith.constant 1.000000e+00 : f32
    %max3A_20 = vector.broadcast %max3A_19 : f32 to vector<512x1xf32>
    %max3A_21 = arith.maximumf %broadcast_in_dim3A_16, %max3A_20 : vector<512x1xf32>
    %rsqrt3A_22 = math.rsqrt %max3A_21 : vector<512x1xf32>
    %swap3A = arith.constant 0 : index
    %swap3A_23 = arith.constant 0 : index
    %swap3A_24 = vector.load %arg5[%swap3A, %swap3A_23] : memref<512x1xf32, #tpu.memory_space<vmem>>, vector<512x1xf32>
    tpu.vector_store %arg5[%swap3A, %swap3A_23], %rsqrt3A {strides = array<i32>} : memref<512x1xf32, #tpu.memory_space<vmem>>, vector<512x1xf32>,
    %swap3A_25 = arith.constant 0 : index
    %swap3A_26 = arith.constant 0 : index
    %swap3A_27 = vector.load %arg6[%swap3A_25, %swap3A_26] : memref<512x1xf32, #tpu.memory_space<vmem>>, vector<512x1xf32>
    tpu.vector_store %arg6[%swap3A_25, %swap3A_26], %rsqrt3A_22 {strides = array<i32>} : memref<512x1xf32, #tpu.memory_space<vmem>>, vector<512x1xf32>,
    %get3A_28 = arith.constant 0 : index
    %get3A_29 = arith.constant 0 : index
    %get3A_30 = vector.load %arg1[%get3A_28, %get3A_29] : memref<512x128xf32, #tpu.memory_space<vmem>>, vector<512x128xf32>
    %mul3A = vector.broadcast %rsqrt3A : vector<512x1xf32> to vector<512x128xf32>
    %mul3A_31 = arith.mulf %get3A_30, %mul3A : vector<512x128xf32>
    %swap3A_32 = arith.constant 0 : index
    %swap3A_33 = arith.constant 0 : index
    %swap3A_34 = vector.load %arg4[%swap3A_32, %swap3A_33] : memref<512x128xf32, #tpu.memory_space<vmem>>, vector<512x128xf32>
    tpu.vector_store %arg4[%swap3A_32, %swap3A_33], %mul3A_31 {strides = array<i32>} : memref<512x128xf32, #tpu.memory_space<vmem>>, vector<512x128xf32>,
    return
  }
  func.func @transform_0(%arg0: i32) -> (i32, i32) {
    %c0_i32 = arith.constant 0 : i32
    %c0_i32_0 = arith.constant 0 : i32
    return %arg0, %c0_i32 : i32, i32
  }
  func.func @transform_1(%arg0: i32) -> (i32, i32) {
    %c0_i32 = arith.constant 0 : i32
    %c0_i32_0 = arith.constant 0 : i32
    return %c0_i32, %arg0 : i32, i32
  }
  func.func @transform_2(%arg0: i32) -> (i32, i32) {
    %c0_i32 = arith.constant 0 : i32
    %c0_i32_0 = arith.constant 0 : i32
    return %c0_i32, %arg0 : i32, i32
  }
  func.func @transform_3(%arg0: i32) -> (i32, i32) {
    %c0_i32 = arith.constant 0 : i32
    %c0_i32_0 = arith.constant 0 : i32
    return %arg0, %c0_i32 : i32, i32
  }
  func.func @transform_4(%arg0: i32) -> (i32, i32) {
    %c0_i32 = arith.constant 0 : i32
    %c0_i32_0 = arith.constant 0 : i32
    return %arg0, %c0_i32 : i32, i32
  }
  func.func @transform_5(%arg0: i32) -> (i32, i32) {
    %c0_i32 = arith.constant 0 : i32
    %c0_i32_0 = arith.constant 0 : i32
    return %arg0, %c0_i32 : i32, i32
  }
}

module attributes {stable_mosaic.version = 14 : i64} {
  func.func @_layer1_body(%arg0: i32, %arg1: memref<2x512x128xf32, #tpu.memory_space<vmem>>, %arg2: memref<512x1xf32, #tpu.memory_space<vmem>>, %arg3: memref<512x1xf32, #tpu.memory_space<vmem>>, %arg4: memref<128x128xf32, #tpu.memory_space<vmem>>, %arg5: memref<1x128xf32, #tpu.memory_space<vmem>>, %arg6: memref<512x128xf32, #tpu.memory_space<vmem>>) attributes {dimension_semantics = [#tpu.dimension_semantics<arbitrary>], iteration_bounds = array<i64: 20>, scalar_prefetch = 0 : i64, scratch_operands = 0 : i64, tpu.core_type = #tpu.core_type<tc>, window_params = [{transform_indices = @transform_0, window_bounds = array<i64: 2, 512, 128>}, {transform_indices = @transform_1, window_bounds = array<i64: 512, 1>}, {transform_indices = @transform_2, window_bounds = array<i64: 512, 1>}, {pipeline_mode = #tpu.pipeline_mode<synchronous>, transform_indices = @transform_3, window_bounds = array<i64: 128, 128>}, {pipeline_mode = #tpu.pipeline_mode<synchronous>, transform_indices = @transform_4, window_bounds = array<i64: 1, 128>}, {transform_indices = @transform_5, window_bounds = array<i64: 512, 128>}]} {
    %get3A = arith.constant 0 : index
    %get3A_0 = arith.constant 0 : index
    %get3A_1 = arith.constant 0 : index
    %get3A_2 = vector.load %arg1[%get3A, %get3A_0, %get3A_1] : memref<2x512x128xf32, #tpu.memory_space<vmem>>, vector<1x512x128xf32>
    %get3A_3 = vector.shape_cast %get3A_2 : vector<1x512x128xf32> to vector<512x128xf32>
    %get3A_4 = arith.constant 1 : index
    %get3A_5 = arith.constant 0 : index
    %get3A_6 = arith.constant 0 : index
    %get3A_7 = vector.load %arg1[%get3A_4, %get3A_5, %get3A_6] : memref<2x512x128xf32, #tpu.memory_space<vmem>>, vector<1x512x128xf32>
    %get3A_8 = vector.shape_cast %get3A_7 : vector<1x512x128xf32> to vector<512x128xf32>
    %add3A = arith.addf %get3A_3, %get3A_8 : vector<512x128xf32>
    %get3A_9 = arith.constant 0 : index
    %get3A_10 = arith.constant 0 : index
    %get3A_11 = vector.load %arg2[%get3A_9, %get3A_10] : memref<512x1xf32, #tpu.memory_space<vmem>>, vector<512x1xf32>
    %mul3A = vector.broadcast %get3A_11 : vector<512x1xf32> to vector<512x128xf32>
    %mul3A_12 = arith.mulf %add3A, %mul3A : vector<512x128xf32>
    %get3A_13 = arith.constant 0 : index
    %get3A_14 = arith.constant 0 : index
    %get3A_15 = vector.load %arg4[%get3A_13, %get3A_14] : memref<128x128xf32, #tpu.memory_space<vmem>>, vector<128x128xf32>
    %dot_general3A = arith.constant dense<0.000000e+00> : vector<512x128xf32>
    %dot_general3A_16 = tpu.matmul %mul3A_12, %get3A_15, %dot_general3A {dimension_numbers = #tpu.dot_dimension_numbers<[1], [0], [0], [1], [0, 0, 1, 1], [], []>, transpose_lhs_hint = false} : vector<512x128xf32>, vector<128x128xf32>, vector<512x128xf32> -> vector<512x128xf32>
    %get3A_17 = arith.constant 0 : index
    %get3A_18 = arith.constant 0 : index
    %get3A_19 = vector.load %arg5[%get3A_17, %get3A_18] : memref<1x128xf32, #tpu.memory_space<vmem>>, vector<1x128xf32>
    %add3A_20 = vector.broadcast %get3A_19 : vector<1x128xf32> to vector<512x128xf32>
    %add3A_21 = arith.addf %dot_general3A_16, %add3A_20 : vector<512x128xf32>
    %max3A = arith.constant 0.000000e+00 : f32
    %max3A_22 = vector.broadcast %max3A : f32 to vector<512x128xf32>
    %max3A_23 = arith.maximumf %add3A_21, %max3A_22 : vector<512x128xf32>
    %get3A_24 = arith.constant 0 : index
    %get3A_25 = arith.constant 0 : index
    %get3A_26 = vector.load %arg3[%get3A_24, %get3A_25] : memref<512x1xf32, #tpu.memory_space<vmem>>, vector<512x1xf32>
    %mul3A_27 = vector.broadcast %get3A_26 : vector<512x1xf32> to vector<512x128xf32>
    %mul3A_28 = arith.mulf %max3A_23, %mul3A_27 : vector<512x128xf32>
    %swap3A = arith.constant 0 : index
    %swap3A_29 = arith.constant 0 : index
    %swap3A_30 = vector.load %arg6[%swap3A, %swap3A_29] : memref<512x128xf32, #tpu.memory_space<vmem>>, vector<512x128xf32>
    tpu.vector_store %arg6[%swap3A, %swap3A_29], %mul3A_28 {strides = array<i32>} : memref<512x128xf32, #tpu.memory_space<vmem>>, vector<512x128xf32>,
    return
  }
  func.func @transform_0(%arg0: i32) -> (i32, i32, i32) {
    %c0_i32 = arith.constant 0 : i32
    %c0_i32_0 = arith.constant 0 : i32
    %c0_i32_1 = arith.constant 0 : i32
    return %c0_i32, %arg0, %c0_i32_0 : i32, i32, i32
  }
  func.func @transform_1(%arg0: i32) -> (i32, i32) {
    %c0_i32 = arith.constant 0 : i32
    %c0_i32_0 = arith.constant 0 : i32
    return %arg0, %c0_i32 : i32, i32
  }
  func.func @transform_2(%arg0: i32) -> (i32, i32) {
    %c0_i32 = arith.constant 0 : i32
    %c0_i32_0 = arith.constant 0 : i32
    return %arg0, %c0_i32 : i32, i32
  }
  func.func @transform_3(%arg0: i32) -> (i32, i32) {
    %c0_i32 = arith.constant 0 : i32
    %c0_i32_0 = arith.constant 0 : i32
    %c0_i32_1 = arith.constant 0 : i32
    return %c0_i32, %c0_i32_0 : i32, i32
  }
  func.func @transform_4(%arg0: i32) -> (i32, i32) {
    %c0_i32 = arith.constant 0 : i32
    %c0_i32_0 = arith.constant 0 : i32
    %c0_i32_1 = arith.constant 0 : i32
    return %c0_i32, %c0_i32_0 : i32, i32
  }
  func.func @transform_5(%arg0: i32) -> (i32, i32) {
    %c0_i32 = arith.constant 0 : i32
    %c0_i32_0 = arith.constant 0 : i32
    return %arg0, %c0_i32 : i32, i32
  }
}

module attributes {stable_mosaic.version = 14 : i64} {
  func.func @_layer2_body(%arg0: i32, %arg1: memref<2x512x128xf32, #tpu.memory_space<vmem>>, %arg2: memref<512x1xf32, #tpu.memory_space<vmem>>, %arg3: memref<512x1xf32, #tpu.memory_space<vmem>>, %arg4: memref<128x128xf32, #tpu.memory_space<vmem>>, %arg5: memref<1x128xf32, #tpu.memory_space<vmem>>, %arg6: memref<64x128xf32, #tpu.memory_space<vmem>>, %arg7: memref<512x64xf32, #tpu.memory_space<vmem>>, %arg8: memref<512x64xf32, #tpu.memory_space<vmem>>, %arg9: memref<512x64xf32, #tpu.memory_space<vmem>>, %arg10: memref<512x128xf32, #tpu.memory_space<vmem>>) attributes {dimension_semantics = [#tpu.dimension_semantics<arbitrary>], iteration_bounds = array<i64: 20>, scalar_prefetch = 0 : i64, scratch_operands = 0 : i64, tpu.core_type = #tpu.core_type<tc>, window_params = [{transform_indices = @transform_0, window_bounds = array<i64: 2, 512, 128>}, {transform_indices = @transform_1, window_bounds = array<i64: 512, 1>}, {transform_indices = @transform_2, window_bounds = array<i64: 512, 1>}, {pipeline_mode = #tpu.pipeline_mode<synchronous>, transform_indices = @transform_3, window_bounds = array<i64: 128, 128>}, {pipeline_mode = #tpu.pipeline_mode<synchronous>, transform_indices = @transform_4, window_bounds = array<i64: 1, 128>}, {pipeline_mode = #tpu.pipeline_mode<synchronous>, transform_indices = @transform_5, window_bounds = array<i64: 64, 128>}, {transform_indices = @transform_6, window_bounds = array<i64: 512, 64>}, {transform_indices = @transform_7, window_bounds = array<i64: 512, 64>}, {transform_indices = @transform_8, window_bounds = array<i64: 512, 64>}, {transform_indices = @transform_9, window_bounds = array<i64: 512, 128>}]} {
    %get3A = arith.constant 0 : index
    %get3A_0 = arith.constant 0 : index
    %get3A_1 = arith.constant 0 : index
    %get3A_2 = vector.load %arg1[%get3A, %get3A_0, %get3A_1] : memref<2x512x128xf32, #tpu.memory_space<vmem>>, vector<1x512x128xf32>
    %get3A_3 = vector.shape_cast %get3A_2 : vector<1x512x128xf32> to vector<512x128xf32>
    %get3A_4 = arith.constant 1 : index
    %get3A_5 = arith.constant 0 : index
    %get3A_6 = arith.constant 0 : index
    %get3A_7 = vector.load %arg1[%get3A_4, %get3A_5, %get3A_6] : memref<2x512x128xf32, #tpu.memory_space<vmem>>, vector<1x512x128xf32>
    %get3A_8 = vector.shape_cast %get3A_7 : vector<1x512x128xf32> to vector<512x128xf32>
    %add3A = arith.addf %get3A_3, %get3A_8 : vector<512x128xf32>
    %get3A_9 = arith.constant 0 : index
    %get3A_10 = arith.constant 0 : index
    %get3A_11 = vector.load %arg2[%get3A_9, %get3A_10] : memref<512x1xf32, #tpu.memory_space<vmem>>, vector<512x1xf32>
    %mul3A = vector.broadcast %get3A_11 : vector<512x1xf32> to vector<512x128xf32>
    %mul3A_12 = arith.mulf %add3A, %mul3A : vector<512x128xf32>
    %get3A_13 = arith.constant 0 : index
    %get3A_14 = arith.constant 0 : index
    %get3A_15 = vector.load %arg4[%get3A_13, %get3A_14] : memref<128x128xf32, #tpu.memory_space<vmem>>, vector<128x128xf32>
    %dot_general3A = arith.constant dense<0.000000e+00> : vector<512x128xf32>
    %dot_general3A_16 = tpu.matmul %mul3A_12, %get3A_15, %dot_general3A {dimension_numbers = #tpu.dot_dimension_numbers<[1], [0], [0], [1], [0, 0, 1, 1], [], []>, transpose_lhs_hint = false} : vector<512x128xf32>, vector<128x128xf32>, vector<512x128xf32> -> vector<512x128xf32>
    %get3A_17 = arith.constant 0 : index
    %get3A_18 = arith.constant 0 : index
    %get3A_19 = vector.load %arg5[%get3A_17, %get3A_18] : memref<1x128xf32, #tpu.memory_space<vmem>>, vector<1x128xf32>
    %add3A_20 = vector.broadcast %get3A_19 : vector<1x128xf32> to vector<512x128xf32>
    %add3A_21 = arith.addf %dot_general3A_16, %add3A_20 : vector<512x128xf32>
    %slice3A = vector.extract_strided_slice %add3A_21 {offsets = [0, 0], sizes = [512, 64], strides = [1, 1]} : vector<512x128xf32> to vector<512x64xf32>
    %slice3A_22 = vector.extract_strided_slice %add3A_21 {offsets = [0, 64], sizes = [512, 64], strides = [1, 1]} : vector<512x128xf32> to vector<512x64xf32>
    %get3A_23 = arith.constant 0 : index
    %get3A_24 = arith.constant 0 : index
    %get3A_25 = vector.load %arg7[%get3A_23, %get3A_24] : memref<512x64xf32, #tpu.memory_space<vmem>>, vector<512x64xf32>
    %mul3A_26 = arith.constant 5.000000e-01 : f32
    %mul3A_27 = vector.broadcast %mul3A_26 : f32 to vector<512x64xf32>
    %mul3A_28 = arith.mulf %mul3A_27, %slice3A_22 : vector<512x64xf32>
    %exp3A = math.exp %mul3A_28 : vector<512x64xf32>
    %mul3A_29 = arith.mulf %get3A_25, %exp3A : vector<512x64xf32>
    %add3A_30 = arith.addf %mul3A_29, %slice3A : vector<512x64xf32>
    %swap3A = arith.constant 0 : index
    %swap3A_31 = arith.constant 0 : index
    %swap3A_32 = vector.load %arg8[%swap3A, %swap3A_31] : memref<512x64xf32, #tpu.memory_space<vmem>>, vector<512x64xf32>
    tpu.vector_store %arg8[%swap3A, %swap3A_31], %slice3A {strides = array<i32>} : memref<512x64xf32, #tpu.memory_space<vmem>>, vector<512x64xf32>,
    %swap3A_33 = arith.constant 0 : index
    %swap3A_34 = arith.constant 0 : index
    %swap3A_35 = vector.load %arg9[%swap3A_33, %swap3A_34] : memref<512x64xf32, #tpu.memory_space<vmem>>, vector<512x64xf32>
    tpu.vector_store %arg9[%swap3A_33, %swap3A_34], %slice3A_22 {strides = array<i32>} : memref<512x64xf32, #tpu.memory_space<vmem>>, vector<512x64xf32>,
    %get3A_36 = arith.constant 0 : index
    %get3A_37 = arith.constant 0 : index
    %get3A_38 = vector.load %arg3[%get3A_36, %get3A_37] : memref<512x1xf32, #tpu.memory_space<vmem>>, vector<512x1xf32>
    %mul3A_39 = vector.broadcast %get3A_38 : vector<512x1xf32> to vector<512x64xf32>
    %mul3A_40 = arith.mulf %add3A_30, %mul3A_39 : vector<512x64xf32>
    %get3A_41 = arith.constant 0 : index
    %get3A_42 = arith.constant 0 : index
    %get3A_43 = vector.load %arg6[%get3A_41, %get3A_42] : memref<64x128xf32, #tpu.memory_space<vmem>>, vector<64x128xf32>
    %dot_general3A_44 = arith.constant dense<0.000000e+00> : vector<512x128xf32>
    %dot_general3A_45 = tpu.matmul %mul3A_40, %get3A_43, %dot_general3A_44 {dimension_numbers = #tpu.dot_dimension_numbers<[1], [0], [0], [1], [0, 0, 1, 1], [], []>, transpose_lhs_hint = false} : vector<512x64xf32>, vector<64x128xf32>, vector<512x128xf32> -> vector<512x128xf32>
    %swap3A_46 = arith.constant 0 : index
    %swap3A_47 = arith.constant 0 : index
    %swap3A_48 = vector.load %arg10[%swap3A_46, %swap3A_47] : memref<512x128xf32, #tpu.memory_space<vmem>>, vector<512x128xf32>
    tpu.vector_store %arg10[%swap3A_46, %swap3A_47], %dot_general3A_45 {strides = array<i32>} : memref<512x128xf32, #tpu.memory_space<vmem>>, vector<512x128xf32>,
    return
  }
  func.func @transform_0(%arg0: i32) -> (i32, i32, i32) {
    %c0_i32 = arith.constant 0 : i32
    %c0_i32_0 = arith.constant 0 : i32
    %c0_i32_1 = arith.constant 0 : i32
    return %c0_i32, %arg0, %c0_i32_0 : i32, i32, i32
  }
  func.func @transform_1(%arg0: i32) -> (i32, i32) {
    %c0_i32 = arith.constant 0 : i32
    %c0_i32_0 = arith.constant 0 : i32
    return %arg0, %c0_i32 : i32, i32
  }
  func.func @transform_2(%arg0: i32) -> (i32, i32) {
    %c0_i32 = arith.constant 0 : i32
    %c0_i32_0 = arith.constant 0 : i32
    return %arg0, %c0_i32 : i32, i32
  }
  func.func @transform_3(%arg0: i32) -> (i32, i32) {
    %c0_i32 = arith.constant 0 : i32
    %c0_i32_0 = arith.constant 0 : i32
    %c0_i32_1 = arith.constant 0 : i32
    return %c0_i32, %c0_i32_0 : i32, i32
  }
  func.func @transform_4(%arg0: i32) -> (i32, i32) {
    %c0_i32 = arith.constant 0 : i32
    %c0_i32_0 = arith.constant 0 : i32
    %c0_i32_1 = arith.constant 0 : i32
    return %c0_i32, %c0_i32_0 : i32, i32
  }
  func.func @transform_5(%arg0: i32) -> (i32, i32) {
    %c0_i32 = arith.constant 0 : i32
    %c0_i32_0 = arith.constant 0 : i32
    %c0_i32_1 = arith.constant 0 : i32
    return %c0_i32, %c0_i32_0 : i32, i32
  }
  func.func @transform_6(%arg0: i32) -> (i32, i32) {
    %c0_i32 = arith.constant 0 : i32
    %c0_i32_0 = arith.constant 0 : i32
    return %arg0, %c0_i32 : i32, i32
  }
  func.func @transform_7(%arg0: i32) -> (i32, i32) {
    %c0_i32 = arith.constant 0 : i32
    %c0_i32_0 = arith.constant 0 : i32
    return %arg0, %c0_i32 : i32, i32
  }
  func.func @transform_8(%arg0: i32) -> (i32, i32) {
    %c0_i32 = arith.constant 0 : i32
    %c0_i32_0 = arith.constant 0 : i32
    return %arg0, %c0_i32 : i32, i32
  }
  func.func @transform_9(%arg0: i32) -> (i32, i32) {
    %c0_i32 = arith.constant 0 : i32
    %c0_i32_0 = arith.constant 0 : i32
    return %arg0, %c0_i32 : i32, i32
  }
}

module attributes {stable_mosaic.version = 14 : i64} {
  func.func @_layer3_body(%arg0: i32, %arg1: memref<2x512x128xf32, #tpu.memory_space<vmem>>, %arg2: memref<512x1xf32, #tpu.memory_space<vmem>>, %arg3: memref<1x128xf32, #tpu.memory_space<vmem>>, %arg4: memref<512x128xf32, #tpu.memory_space<vmem>>) attributes {dimension_semantics = [#tpu.dimension_semantics<arbitrary>], iteration_bounds = array<i64: 20>, scalar_prefetch = 0 : i64, scratch_operands = 0 : i64, tpu.core_type = #tpu.core_type<tc>, window_params = [{transform_indices = @transform_0, window_bounds = array<i64: 2, 512, 128>}, {transform_indices = @transform_1, window_bounds = array<i64: 512, 1>}, {pipeline_mode = #tpu.pipeline_mode<synchronous>, transform_indices = @transform_2, window_bounds = array<i64: 1, 128>}, {transform_indices = @transform_3, window_bounds = array<i64: 512, 128>}]} {
    %get3A = arith.constant 0 : index
    %get3A_0 = arith.constant 0 : index
    %get3A_1 = arith.constant 0 : index
    %get3A_2 = vector.load %arg1[%get3A, %get3A_0, %get3A_1] : memref<2x512x128xf32, #tpu.memory_space<vmem>>, vector<1x512x128xf32>
    %get3A_3 = vector.shape_cast %get3A_2 : vector<1x512x128xf32> to vector<512x128xf32>
    %get3A_4 = arith.constant 1 : index
    %get3A_5 = arith.constant 0 : index
    %get3A_6 = arith.constant 0 : index
    %get3A_7 = vector.load %arg1[%get3A_4, %get3A_5, %get3A_6] : memref<2x512x128xf32, #tpu.memory_space<vmem>>, vector<1x512x128xf32>
    %get3A_8 = vector.shape_cast %get3A_7 : vector<1x512x128xf32> to vector<512x128xf32>
    %add3A = arith.addf %get3A_3, %get3A_8 : vector<512x128xf32>
    %get3A_9 = arith.constant 0 : index
    %get3A_10 = arith.constant 0 : index
    %get3A_11 = vector.load %arg2[%get3A_9, %get3A_10] : memref<512x1xf32, #tpu.memory_space<vmem>>, vector<512x1xf32>
    %mul3A = vector.broadcast %get3A_11 : vector<512x1xf32> to vector<512x128xf32>
    %mul3A_12 = arith.mulf %add3A, %mul3A : vector<512x128xf32>
    %get3A_13 = arith.constant 0 : index
    %get3A_14 = arith.constant 0 : index
    %get3A_15 = vector.load %arg3[%get3A_13, %get3A_14] : memref<1x128xf32, #tpu.memory_space<vmem>>, vector<1x128xf32>
    %add3A_16 = vector.broadcast %get3A_15 : vector<1x128xf32> to vector<512x128xf32>
    %add3A_17 = arith.addf %mul3A_12, %add3A_16 : vector<512x128xf32>
    %swap3A = arith.constant 0 : index
    %swap3A_18 = arith.constant 0 : index
    %swap3A_19 = vector.load %arg4[%swap3A, %swap3A_18] : memref<512x128xf32, #tpu.memory_space<vmem>>, vector<512x128xf32>
    tpu.vector_store %arg4[%swap3A, %swap3A_18], %add3A_17 {strides = array<i32>} : memref<512x128xf32, #tpu.memory_space<vmem>>, vector<512x128xf32>,
    return
  }
  func.func @transform_0(%arg0: i32) -> (i32, i32, i32) {
    %c0_i32 = arith.constant 0 : i32
    %c0_i32_0 = arith.constant 0 : i32
    %c0_i32_1 = arith.constant 0 : i32
    return %c0_i32, %arg0, %c0_i32_0 : i32, i32, i32
  }
  func.func @transform_1(%arg0: i32) -> (i32, i32) {
    %c0_i32 = arith.constant 0 : i32
    %c0_i32_0 = arith.constant 0 : i32
    return %arg0, %c0_i32 : i32, i32
  }
  func.func @transform_2(%arg0: i32) -> (i32, i32) {
    %c0_i32 = arith.constant 0 : i32
    %c0_i32_0 = arith.constant 0 : i32
    %c0_i32_1 = arith.constant 0 : i32
    return %c0_i32, %c0_i32_0 : i32, i32
  }
  func.func @transform_3(%arg0: i32) -> (i32, i32) {
    %c0_i32 = arith.constant 0 : i32
    %c0_i32_0 = arith.constant 0 : i32
    return %arg0, %c0_i32 : i32, i32
  }
}

</mosaic_0001>

<sc_bundles>
// kernel: kernel.11.cloned.1.call-start
scs
__scs_entry_jumppad:
0x0: {  	(pc) =	sbr.rel $0x88, $3  }
0x1: {  	(tag) =	ssettag $0x0;
	lr =	simm.s32 $0x1  }
0x2: {  	[smem:$0x3F98] =	sst lr;
	_ =	strace $0xD0000000  }
0x3: {  	_ = 	snop  }
0x4: {  	_ = 	snop  }
0x5: {  	_ = 	snop  }
0x6: {  	_ = 	snop  }
0x7: {  	_ = 	snop  }
__scs_overlays_trampoline_lowered:
0x8: {  	[smem:$0x3FA7] =	sst s0  }
0x9: {  	[smem:$0x3FA8] =	sst s1  }
0xa: {  	[smem:$0x3FA9] =	sst s2  }
0xb: {  	[smem:$0x3FAA] =	sst s3  }
0xc: {  	[smem:$0x3FAB] =	sst s4  }
0xd: {  	[smem:$0x3FAC] =	sst s5  }
0xe: {  	[smem:$0x3FAD] =	sst s6  }
0xf: {  	[smem:$0x3FAE] =	sst s7  }
0x10: {  	[smem:$0x3FAF] =	sst s8  }
0x11: {  	[smem:$0x3FB0] =	sst s9;
	s0 =	simm.s32 @!p0 $0x0  }
0x12: {  	s1 =	sld [smem:$0x3F96];
	s0 =	simm.s32 @p0 $0x1  }
0x13: {  	[smem:$0x3FB1] =	sst s0;
	s0 =	simm.s32 @!p1 $0x0  }
0x14: {  	s2 =	sld [smem:$0x3F95];
	s0 =	simm.s32 @p1 $0x1  }
0x15: {  	[smem:$0x3FB2] =	sst s0;
	s0 =	simm.s32 @!p2 $0x0  }
0x16: {  	s3 =	sld [smem:$0x3FDB];
	s0 =	simm.s32 @p2 $0x1  }
0x17: {  	s4 =	simm.s32 $0x1BF5;
	[smem:$0x3FB4] =	sst s0  }
0x18: {  	s0 =	sld [smem:$0x3F97];
	_ =	swait.ge [sflag:s4], $0x0  }
0x19: {  	s7 =	sld [smem:$0x3F98]  }
0x1a: {  	s8 =	sadd.s32 $0xFFFFE003, lr  }
0x1b: {  	s9 =	sadd.s32 $0xFFFFFEF7, lr;
	s5 =	simm.s32 $0xFFFFFFFF;
	p2 =	slt.u32 s8, $0xFFFFF086  }
0x1c: {  	p1 =	slt.u32 s9, $0xF7A;
	s5 =	simm.s32 @!p2 $0x0  }
0x1d: {  	s5 =	simm.s32 @p1 $0x1;
	p0 =	seq.s32 s7, s2  }
0x1e: {  	s7 =	smul.u32 @!p0 $0xF7A, s2;
	p2 =	seq.s32 @!p0 s5, $0x0  }
0x1f: {  	s9 =	smul.u32 $0xF7A, s1;
	s8 =	simm.s32 @!p0 $0x1BF5;
	p2 =	por !p2, p0  }
0x20: {  	[sflag:s8] =	ssyncset.s32 @!p0 $0xFFFFF086;
	s6 =	sadd.s32 @!p0 s3, s7;
	s7 =	simm.s32 @!p0 $0x108  }
0x21: {  	s3 =	sadd.s32 s3, s9;
	s6 =	sadd.s32 @!p0 $0x88, s6;
	s7 =	simm.s32 @p2 $0x1082  }
0x22: {  	[simem:s7], [sflag:s8] =	dma.local @!p0 [hbm:s6], $0xF7A  }
0x23: {  	s9 =	sor.u32 $0xD0000000, s2;
	s6 =	simm.s32 $0x108;
	_ =	swait.ge @!p0 [sflag:s8], $0x0  }
0x24: {  	s3 =	sadd.s32 $0x88, s3;
	s6 =	simm.s32 @!p1 $0x1082;
	[sflag:s4] =	ssyncset.s32 $0xFFFFF086  }
0x25: {  	[simem:s6], [sflag:s4] =	dma.local [hbm:s3], $0xF7A  }
0x26: {  	[smem:$0x3F98] =	sst s1;
	(tag) =	ssettag s2;
	_ =	strace s9  }
0x27: {  	s1 =	sld [smem:$0x3FA8]  }
0x28: {  	s2 =	sld [smem:$0x3FA9]  }
0x29: {  	s4 =	sld [smem:$0x3FAB]  }
0x2a: {  	p0 =	seq.s32 s5, $0x0;
	s5 =	sld [smem:$0x3FAC]  }
0x2b: {  	s6 =	sld [smem:$0x3FAD]  }
0x2c: {  	s7 =	sld [smem:$0x3FAE]  }
0x2d: {  	s3 =	simm.s32 $0x108;
	s8 =	sld [smem:$0x3FAF]  }
0x2e: {  	s3 =	simm.s32 @!p0 $0x1082;
	s9 =	sld [smem:$0x3FB0]  }
0x2f: {  	lr =	sadd.s32 s0, s3;
	s0 =	sld [smem:$0x3FA7]  }
0x30: {  	s3 =	sld [smem:$0x3FAA]  }
0x31: {  	[smem:$0x3FB3] =	sst s10  }
0x32: {  	s10 =	sld [smem:$0x3FB1];
	_ =	sdelay $0x3  }
0x33: {  	p0 =	seq.s32 s10, $0x1;
	s10 =	sld [smem:$0x3FB3];
	_ =	sdelay $0x3  }
0x34: {  	[smem:$0x3FB3] =	sst s10  }
0x35: {  	s10 =	sld [smem:$0x3FB2];
	_ =	sdelay $0x3  }
0x36: {  	p1 =	seq.s32 s10, $0x1;
	s10 =	sld [smem:$0x3FB3];
	_ =	sdelay $0x3  }
0x37: {  	[smem:$0x3FB3] =	sst s10  }
0x38: {  	s10 =	sld [smem:$0x3FB4]  }
0x39: {  	_ = 	snop;
	(pc) =	sbr.ind lr, $3  }
0x3a: {  	_ = 	snop  }
0x3b: {  	_ = 	snop  }
0x3c: {  	p2 =	seq.s32 s10, $0x1;
	s10 =	sld [smem:$0x3FB3]  }
0x3d: {  	_ =	shalt  }
0x3e: {  	_ =	shalt  }
0x3f: {  	_ =	shalt  }
0x40: {  	_ =	shalt  }
0x41: {  	_ =	shalt  }
0x42: {  	_ =	shalt  }
0x43: {  	_ =	shalt  }
0x44: {  	_ =	shalt  }
0x45: {  	_ =	shalt  }
0x46: {  	_ =	shalt  }
0x47: {  	_ =	shalt  }
0x48: {  	_ =	shalt  }
0x49: {  	_ =	shalt  }
0x4a: {  	_ =	shalt  }
0x4b: {  	_ =	shalt  }
0x4c: {  	_ =	shalt  }
0x4d: {  	_ =	shalt  }
0x4e: {  	_ =	shalt  }
0x4f: {  	_ =	shalt  }
0x50: {  	_ =	shalt  }
0x51: {  	_ =	shalt  }
0x52: {  	_ =	shalt  }
0x53: {  	_ =	shalt  }
0x54: {  	_ =	shalt  }
0x55: {  	_ =	shalt  }
0x56: {  	_ =	shalt  }
0x57: {  	_ =	shalt  }
0x58: {  	_ =	shalt  }
0x59: {  	_ =	shalt  }
0x5a: {  	_ =	shalt  }
0x5b: {  	_ =	shalt  }
0x5c: {  	_ =	shalt  }
0x5d: {  	_ =	shalt  }
0x5e: {  	_ =	shalt  }
0x5f: {  	_ =	shalt  }
0x60: {  	_ =	shalt  }
0x61: {  	_ =	shalt  }
0x62: {  	_ =	shalt  }
0x63: {  	_ =	shalt  }
0x64: {  	_ =	shalt  }
0x65: {  	_ =	shalt  }
0x66: {  	_ =	shalt  }
0x67: {  	_ =	shalt  }
0x68: {  	_ =	shalt  }
0x69: {  	_ =	shalt  }
0x6a: {  	_ =	shalt  }
0x6b: {  	_ =	shalt  }
0x6c: {  	_ =	shalt  }
0x6d: {  	_ =	shalt  }
0x6e: {  	_ =	shalt  }
0x6f: {  	_ =	shalt  }
0x70: {  	_ =	shalt  }
0x71: {  	_ =	shalt  }
0x72: {  	_ =	shalt  }
0x73: {  	_ =	shalt  }
0x74: {  	_ =	shalt  }
0x75: {  	_ =	shalt  }
0x76: {  	_ =	shalt  }
0x77: {  	_ =	shalt  }
0x78: {  	_ =	shalt  }
0x79: {  	_ =	shalt  }
0x7a: {  	_ =	shalt  }
0x7b: {  	_ =	shalt  }
0x7c: {  	_ =	shalt  }
0x7d: {  	_ =	shalt  }
0x7e: {  	_ =	shalt  }
0x7f: {  	_ =	shalt  }
0x80: {  	_ =	shalt  }
0x81: {  	_ =	shalt  }
0x82: {  	_ =	shalt  }
0x83: {  	_ =	shalt  }
0x84: {  	_ =	shalt  }
0x85: {  	_ =	shalt  }
0x86: {  	_ =	shalt  }
0x87: {  	_ =	shalt  }
.Lfunc_end0:
.L_simem_size_0:
called_computation_lowered:
.L_overlay_start_0:
0x88: {  	s2 =	sld [smem:$0x3FD9]  }
0x89: {  	s3 =	sld [smem:$0x3FFE];
	_ =	sdelay $0x1  }
0x8a: {  	s1 =	srdreg.scid  }
0x8b: {  	s0 =	sand.u32 $0x1, s1  }
0x8c: {  	s14 =	sshll.u32 s0, $0xA;
	s2 =	sadd.s32 s3, s2  }
0x8d: {  	s2 =	sadd.s32 s2, s14  }
0x8e: {  	[smem:$0x3FBF] =	sst s2  }
0x8f: {  	_ = 	snop  }
0x90: {  	s2 =	sld [smem:$0x3FD0];
	_ =	sdelay $0x2  }
0x91: {  	s15 =	simm.s32 $0xB;
	s4 =	simm.s32 $0x10  }
0x92: {  	[smem:s4], [sflag:s15] =	dma.local [hbm:s2], $0x1  }
0x93: {  	_ =	swait.eq [sflag:s15], $0x1  }
0x94: {  	[sflag:s15] =	ssyncset.done $0x0  }
0x95: {  	s16 =	sld [smem:$0x11];
	[sflag:s15] =	ssyncadd.s32 $0xFFFFFFFF  }
0x96: {  	s17 =	sld [smem:$0x12];
	(tm) =	ssettm $0x1  }
0x97: {  	s18 =	sld [smem:$0x3FFB];
	_ =	sdelay $0x3  }
0x98: {  	_ =	strace s18  }
0x99: {  	s4 =	sld [smem:$0x3FFC];
	_ =	sdelay $0x3  }
0x9a: {  	_ =	strace s4  }
0x9b: {  	s4 =	sld [smem:$0x3FFD];
	_ =	sdelay $0x3  }
0x9c: {  	_ =	strace s4  }
0x9d: {  	_ =	strace $0x8FFFFFFF  }
0x9e: {  	s19 =	sld [smem:$0x3FDB];
	_ =	sdelay $0x1  }
0x9f: {  	s5 =	simm.s32 $_scs_section_size  }
0xa0: {  	s6 =	simm.s32 $_size__tile_overlayer_lowered;
	s7 =	simm.s32 $_tile_overlayer_lowered  }
0xa1: {  	s22 =	simm.s32 $0x1BFF;
	s21 =	sshll.u32 s7, $0x1;
	s4 =	sadd.s32 s5, s19  }
0xa2: {  	s8 =	simm.s32 $0x0;
	s20 =	sshll.u32 s6, $0x1;
	s6 =	sadd.s32 s21, s4  }
0xa3: {  	[timem:s8], [sflag:s22] =	dma.local [hbm:s6], s20  }
0xa4: {  	_ =	swait.ge [sflag:s22], s20  }
0xa5: {  	s5 =	ssub.s32 $0x0, s20;
	[sflag:s22] =	ssyncset.done $0x0  }
0xa6: {  	[sflag:s22] =	ssyncadd.s32 s5;
	_ =	sdelay $0x1  }
0xa7: {  	s23 =	simm.s32 $0x1B8B  }
0xa8: {  	_ =	swait.ge [sflag:s23], $0x1  }
0xa9: {  	[sflag:s23] =	ssyncset.done $0x0  }
0xaa: {  	s25 =	simm.s32 $0x1B8E;
	s24 =	sld [smem:$0x3FFE];
	[sflag:s23] =	ssyncadd.s32 $0xFFFFFFFF  }
0xab: {  	s26 =	simm.s32 $execute0_lowered;
	[smem:$0x3FD2] =	sst s25  }
0xac: {  	s6 =	sshll.u32 s26, $0x1;
	_ =	strace $0x80000046;
	[dreg:$0x1] =	wrdreg $0xFFFFFFFF  }
0xad: {  	s28 =	simm.s32 $_size_execute0_lowered;
	s4 =	sadd.s32 s4, s6;
	[dreg:$0x0] =	wrdreg $0x0  }
0xae: {  	s6 =	sshll.u32 s28, $0x1;
	[dreg:$0x2] =	wrdreg s4  }
0xaf: {  	[dreg:$0x3] =	wrdreg s6  }
0xb0: {  	[dreg:$0x4] =	wrdreg $0xC0  }
0xb1: {  	_ =	task [dreg:s8], $0x5FFFF  }
0xb2: {  	[dreg:$0x1] =	wrdreg $0xFFFFFFFF  }
0xb3: {  	[dreg:$0x0] =	wrdreg $0x60  }
0xb4: {  	[dreg:$0x2] =	wrdreg s16  }
0xb5: {  	[dreg:$0x3] =	wrdreg s17  }
0xb6: {  	[dreg:$0x4] =	wrdreg s24  }
0xb7: {  	[dreg:$0x5] =	wrdreg $0x4000  }
0xb8: {  	[dreg:$0x6] =	wrdreg $0x6800  }
0xb9: {  	[dreg:$0x7] =	wrdreg $0x9  }
0xba: {  	_ =	task.clear_ibuf [dreg:s8], $0x8FFFF;
	_ =	strace $0x90000046  }
0xbb: {  	s29 =	simm.s32 $0x9;
	_ =	strace $0x80000048  }
0xbc: {  	_ =	swait.ge [sflag:s29], $0x1  }
0xbd: {  	[sflag:s29] =	ssyncadd.s32 $0xFFFFFFFF  }
0xbe: {  	_ =	strace $0x90000048  }
0xbf: {  	_ =	sfence  }
0xc0: {  	s30 =	sld [smem:$0x0];
	_ =	sdelay $0x2  }
0xc1: {  	s31 =	sshll.u32 s1, $0xD;
	s1 =	sshrl.u32 s1, $0x2  }
0xc2: {  	s3 =	sand.u32 $0x4000, s31;
	s1 =	sadd.s32 s1, s30  }
0xc3: {  	s0 =	sor.u32 s3, s0;
	s1 =	sshll.u32 s1, $0x11  }
0xc4: {  	s0 =	sor.u32 s1, s0  }
0xc5: {  	s0 =	sadd.s32 $0x8F2B, s0  }
0xc6: {  	[sflag:s0] =	ssyncadd.remote.s32 $0x1  }
0xc7: {  	_ =	sfence.sel $0xFFFF  }
0xc8: {  	[dreg:$0x0] =	wrdreg $0xFFFFFFFF;
	(pc) =	sbr.abs _section_cstart, $3  }
0xc9: {  	[dreg:$0x1] =	wrdreg $0xFFFFFFFF  }
0xca: {  	_ =	task.clear_ibuf [dreg:s8], $0x2FFFF;
	_ =	strace $0x9FFFFFFF  }
0xcb: {  	(tm) =	ssettm $0x7FFFFFFF  }
tec
execute0_lowered:
.L_overlay_start_1:
0x0: {  	(tag) =	ssettag $0x1  }
0x1: {  	s13 =	rddreg [dreg:$0x0]  }
0x2: {  	s12 =	rddreg [dreg:$0x1]  }
0x3: {  	s7 =	rddreg [dreg:$0x2]  }
0x4: {  	s1 =	rddreg [dreg:$0x3]  }
0x5: {  	s2 =	rddreg [dreg:$0x4]  }
0x6: {  	s0 =	rddreg [dreg:$0x5];
	s4 =	simm.s32 $0x0;
	s6 =	srdreg.scid  }
0x7: {  	s3 =	stileid.u32;
	s19 =	simm.s32 $0x80;
	s20 =	simm.s32 $0x50  }
0x8: {  	s21 =	simm.s32 $0x180;
	s22 =	simm.s32 $0x0;
	s9 =	smul.u32 $0x500, s3  }
0x9: {  	[smem:$0x7FF] =	sst s4;
	s5 =	sadd.s32 $0x3C00, s7;
	s11 =	smul.u32 $0x280, s3  }
0xa: {  	s8 =	sand.u32 $0x1, s6;
	s6 =	sadd.s32 $0x3E00, s7;
	s15 =	smul.u32 $0x2710, s3  }
0xb: {  	s31 =	sshll.u32 s3, $0x6;
	_ =	strace $0x80000047;
	s10 =	sshll.u32 s8, $0x7  }
0xc: {  	s28 =	ssub.s32 $0x2, s8;
	s14 =	smul.u32 $0x27100, s8;
	s9 =	sor.u32 s10, s9  }
0xd: {  	s30 =	sshrl.u32 s28, $0x1;
	s8 =	sadd.s32 s11, s2;
	s29 =	sshrl.u32 s9, $0x3  }
0xe: {  	s17 =	ssub.s32 s28, s30;
	s14 =	sadd.s32 s15, s14;
	s15 =	simm.s32 $0x1  }
0xf: {  	s18 =	sshrl.u32 s8, $0x3;
	s16 =	sadd.s32 s29, s7;
	s7 =	sadd.s32 s11, s1  }
0x10: {  	s11 =	smax.u32 s17, $0x1;
	s14 =	sshrl.u32 s14, $0x3;
	s9 =	sadd.s32 $0x4000, s16  }
0x11: {  	s10 =	sadd.s32 $0x4A00, s16;
	s12 =	sadd.s32 s14, s12;
	s13 =	sadd.s32 s14, s13  }
0x12: {  	s14 =	simm.s32 $0x100;
	s16 =	sor.u32 $0x1C01, s31;
	s17 =	sshrl.u32 s7, $0x3  }
.LBB2_1:
0x13: {  	[tilespmem:s14], [sflag:$0x1] =	stream.linear.gather [hbm4b:s5+s4], $0x80, $0x38;
	[tilespmem:$0x900] =	vst v63  }
0x14: {  	_ =	swait.ge [sflag:s15], $0x80  }
0x15: {  	[sflag:s15] =	ssyncset.done $0x0  }
0x16: {  	[sflag:s15] =	ssyncadd.s32 $0xFFFFFF80  }
0x17: {  	[spmem:s17], [sflag:s16] =	dma.local [hbm:s6], $0x50  }
0x18: {  	_ =	swait.ge [sflag:s15], $0x50  }
0x19: {  	[sflag:s15] =	ssyncset.done $0x0  }
0x1a: {  	[sflag:s15] =	ssyncadd.s32 $0xFFFFFFB0  }
0x1b: {  	[spmem:s18], [sflag:s16] =	dma.local [hbm:s6], $0x50  }
0x1c: {  	_ =	swait.ge [sflag:s15], $0x50  }
0x1d: {  	[sflag:s15] =	ssyncset.done $0x0  }
0x1e: {  	[sflag:s15] =	ssyncadd.s32 $0xFFFFFFB0  }
0x1f: {  	s23 =	sadd.s32 $0x0, s13;
	[bflag:$0x0] =	sbarrier.arrive $0xFFFF  }
0x20: {  	[tilespmem:s4], [sflag:$0x1] =	stream.linear.gather [hbm4b:s23+s4], $0x50, $0x38;
	[tilespmem:$0x900] =	vst v63  }
0x21: {  	_ =	swait.ge [sflag:s15], $0x50  }
0x22: {  	[sflag:s15] =	ssyncset.done $0x0  }
0x23: {  	s31 =	sadd.s32 $0x0, s12;
	[sflag:s15] =	ssyncadd.s32 $0xFFFFFFB0  }
0x24: {  	[tilespmem:s19], [sflag:$0x1] =	stream.linear.gather [hbm4b:s31+s4], $0x50, $0x38;
	[tilespmem:$0x900] =	vst v63  }
0x25: {  	_ =	swait.ge [sflag:s15], $0x50  }
0x26: {  	[sflag:s15] =	ssyncset.done $0x0  }
0x27: {  	[sflag:s15] =	ssyncadd.s32 $0xFFFFFFB0  }
0x28: {  	[spmem:s1] =	stream.indirect.scatter.add.f32 [tilespmem:s14], [sflag:$0x1], $0x1, s4, s20, $0xb8;
	[tilespmem:$0x900] =	vst v63  }
0x29: {  	_ =	swait.ge [sflag:s15], $0x50  }
0x2a: {  	[sflag:s15] =	ssyncset.done $0x0  }
0x2b: {  	[sflag:s15] =	ssyncadd.s32 $0xFFFFFFB0  }
0x2c: {  	[spmem:s2] =	stream.indirect.scatter.add.f32 [tilespmem:s14], [sflag:$0x1], $0x1, s19, s20, $0xb8;
	[tilespmem:$0x900] =	vst v63  }
0x2d: {  	_ =	swait.ge [sflag:s15], $0x50  }
0x2e: {  	s24 =	simm.s32 $0x14;
	s23 =	simm.s32 $0xA;
	[sflag:s15] =	ssyncset.done $0x0  }
.LBB2_2:
0x2f: {  	s25 =	sadd.s32 s23, s13  }
0x30: {  	[sflag:s15] =	ssyncadd.s32 $0xFFFFFFB0;
	s26 =	smov.u32 s24;
	s28 =	sadd.s32 $0xA, s24  }
0x31: {  	[tilespmem:s4], [sflag:$0x1] =	stream.linear.gather [hbm4b:s25+s4], $0x50, $0x38;
	[tilespmem:$0x900] =	vst v63  }
0x32: {  	p0 =	sne.s32 s24, $0x4D8;
	_ =	swait.ge [sflag:s15], $0x50  }
0x33: {  	[sflag:s15] =	ssyncset.done $0x0  }
0x34: {  	s24 =	sadd.s32 s23, s12;
	s23 =	smov.u32 s26;
	[sflag:s15] =	ssyncadd.s32 $0xFFFFFFB0  }
0x35: {  	[tilespmem:s19], [sflag:$0x1] =	stream.linear.gather [hbm4b:s24+s4], $0x50, $0x38;
	[tilespmem:$0x900] =	vst v63  }
0x36: {  	_ =	swait.ge [sflag:s15], $0x50  }
0x37: {  	[sflag:s15] =	ssyncset.done $0x0  }
0x38: {  	[sflag:s15] =	ssyncadd.s32 $0xFFFFFFB0  }
0x39: {  	[spmem:s1] =	stream.indirect.scatter.add.f32 [tilespmem:s14], [sflag:$0x1], $0x1, s4, s20, $0xb8;
	[tilespmem:$0x900] =	vst v63  }
0x3a: {  	_ =	swait.ge [sflag:s15], $0x50  }
.Ltmp0:
0x3b: {  	[sflag:s15] =	ssyncset.done $0x0;
	(pc) =	sbr.rel @p0 .LBB2_2-.Ltmp0, $4  }
0x3c: {  	[sflag:s15] =	ssyncadd.s32 $0xFFFFFFB0  }
0x3d: {  	[spmem:s2] =	stream.indirect.scatter.add.f32 [tilespmem:s14], [sflag:$0x1], $0x1, s19, s20, $0xb8;
	[tilespmem:$0x900] =	vst v63  }
0x3e: {  	_ =	swait.ge [sflag:s15], $0x50  }
0x3f: {  	s24 =	smov.u32 s28;
	[sflag:s15] =	ssyncset.done $0x0  }
0x40: {  	s24 =	sadd.s32 s23, s13;
	[sflag:s15] =	ssyncadd.s32 $0xFFFFFFB0  }
0x41: {  	[tilespmem:s4], [sflag:$0x1] =	stream.linear.gather [hbm4b:s24+s4], $0x50, $0x38;
	[tilespmem:$0x900] =	vst v63  }
0x42: {  	_ =	swait.ge [sflag:s15], $0x50  }
0x43: {  	[sflag:s15] =	ssyncset.done $0x0  }
0x44: {  	s31 =	sadd.s32 s23, s12;
	[sflag:s15] =	ssyncadd.s32 $0xFFFFFFB0  }
0x45: {  	[tilespmem:s19], [sflag:$0x1] =	stream.linear.gather [hbm4b:s31+s4], $0x50, $0x38;
	[tilespmem:$0x900] =	vst v63  }
0x46: {  	_ =	swait.ge [sflag:s15], $0x50  }
0x47: {  	[sflag:s15] =	ssyncset.done $0x0  }
0x48: {  	[sflag:s15] =	ssyncadd.s32 $0xFFFFFFB0  }
0x49: {  	[spmem:s1] =	stream.indirect.scatter.add.f32 [tilespmem:s14], [sflag:$0x1], $0x1, s4, s20, $0xb8;
	[tilespmem:$0x900] =	vst v63  }
0x4a: {  	_ =	swait.ge [sflag:s15], $0x50  }
0x4b: {  	[sflag:s15] =	ssyncset.done $0x0  }
0x4c: {  	[sflag:s15] =	ssyncadd.s32 $0xFFFFFFB0  }
0x4d: {  	[spmem:s2] =	stream.indirect.scatter.add.f32 [tilespmem:s14], [sflag:$0x1], $0x1, s19, s20, $0xb8;
	[tilespmem:$0x900] =	vst v63  }
0x4e: {  	_ =	swait.ge [sflag:s15], $0x50  }
0x4f: {  	[sflag:s15] =	ssyncset.done $0x0  }
0x50: {  	[sflag:s15] =	ssyncadd.s32 $0xFFFFFFB0  }
0x51: {  	[bflag:$0x0] =	sbarrier.arrive $0xFFFF  }
0x52: {  	[tilespmem:s21], [sflag:$0x1] =	stream.linear.gather [spmem:s7], $0x280, $0x38;
	[tilespmem:$0x900] =	vst v63  }
0x53: {  	_ =	swait.ge [sflag:s15], $0x280  }
0x54: {  	[sflag:s15] =	ssyncset.done $0x0  }
0x55: {  	[sflag:s15] =	ssyncadd.s32 $0xFFFFFD80  }
0x56: {  	[hbm4b:s9+s19] =	stream.strided.scatter [tilespmem:s21], [sflag:$0x1], $0x280, s14, s19, $0x38;
	[tilespmem:$0x900] =	vst v63  }
0x57: {  	_ =	swait.ge [sflag:s15], $0x280  }
0x58: {  	[sflag:s15] =	ssyncset.done $0x0  }
0x59: {  	[sflag:s15] =	ssyncadd.s32 $0xFFFFFD80  }
0x5a: {  	[tilespmem:s21], [sflag:$0x1] =	stream.linear.gather [spmem:s8], $0x280, $0x38;
	[tilespmem:$0x900] =	vst v63  }
0x5b: {  	s22 =	sadd.s32 $0x1, s22;
	_ =	swait.ge [sflag:s15], $0x280  }
0x5c: {  	p0 =	sne.s32 s22, s11;
	[sflag:s15] =	ssyncset.done $0x0  }
.Ltmp1:
0x5d: {  	[sflag:s15] =	ssyncadd.s32 $0xFFFFFD80;
	(pc) =	sbr.rel @p0 .LBB2_1-.Ltmp1, $4  }
0x5e: {  	[hbm4b:s10+s19] =	stream.strided.scatter [tilespmem:s21], [sflag:$0x1], $0x280, s14, s19, $0x38;
	[tilespmem:$0x900] =	vst v63  }
0x5f: {  	_ =	swait.ge [sflag:s15], $0x280  }
0x60: {  	[sflag:s15] =	ssyncset.done $0x0  }
0x61: {  	[sflag:s15] =	ssyncadd.s32 $0xFFFFFD80  }
0x62: {  	_ =	sfence.sel $0x180000  }
0x63: {  	[bflag:$0x0] =	sbarrier.arrive $0xFFFF  }
0x64: {  	p0 =	sne.s32 s3, $0x0;
	_ =	strace $0x90000047  }
0x65: {  	s0 =	sadd.s32 @!p0 $0x100000, s0;
	[bflag:$0x2] =	sbarrier.arrive $0xFFFF  }
0x66: {  	[sflag:s0] =	ssyncadd.tile.s32 @!p0 $0x1;
	_ =	shalt  }
.Lfunc_end2:
_tile_overlayer_lowered:
.L_overlay_start_2:
0x67: {  	(tag) =	ssettag $0x2  }
0x68: {  	s0 =	rddreg [dreg:$0x0];
	s2 =	stileid.u32  }
0x69: {  	s1 =	rddreg [dreg:$0x1];
	p0 =	sne.s32 s2, $0x0  }
0x6a: {  	s3 =	rddreg [dreg:$0x2];
	[bflag:$0x3] =	sbarrier.arrive $0xFFFF;
	s2 =	simm.s32 @!p0 $0x1C01  }
0x6b: {  	[timem:s3], [sflag:s2] =	dma.local @!p0 [hbm:s0], s1  }
0x6c: {  	s0 =	simm.s32 @!p0 $0x1  }
0x6d: {  	_ =	swait.ge @!p0 [sflag:s0], s1  }
0x6e: {  	s1 =	ssub.s32 @!p0 $0x0, s1;
	[sflag:s0] =	ssyncset.done @!p0 $0x0  }
0x6f: {  	[sflag:s0] =	ssyncadd.s32 @!p0 s1  }
0x70: {  	[bflag:$0x3] =	sbarrier.arrive $0xFFFF  }
0x71: {  	_ =	shalt  }

// kernel: kernel.14.cloned.1.call-start
scs
__scs_entry_jumppad:
0x0: {  	(pc) =	sbr.rel $0x88, $3  }
0x1: {  	(tag) =	ssettag $0x0;
	lr =	simm.s32 $0x1  }
0x2: {  	[smem:$0x3F98] =	sst lr;
	_ =	strace $0xD0000000  }
0x3: {  	_ = 	snop  }
0x4: {  	_ = 	snop  }
0x5: {  	_ = 	snop  }
0x6: {  	_ = 	snop  }
0x7: {  	_ = 	snop  }
__scs_overlays_trampoline_lowered:
0x8: {  	[smem:$0x3FA7] =	sst s0  }
0x9: {  	[smem:$0x3FA8] =	sst s1  }
0xa: {  	[smem:$0x3FA9] =	sst s2  }
0xb: {  	[smem:$0x3FAA] =	sst s3  }
0xc: {  	[smem:$0x3FAB] =	sst s4  }
0xd: {  	[smem:$0x3FAC] =	sst s5  }
0xe: {  	[smem:$0x3FAD] =	sst s6  }
0xf: {  	[smem:$0x3FAE] =	sst s7  }
0x10: {  	[smem:$0x3FAF] =	sst s8  }
0x11: {  	[smem:$0x3FB0] =	sst s9;
	s0 =	simm.s32 @!p0 $0x0  }
0x12: {  	s1 =	sld [smem:$0x3F96];
	s0 =	simm.s32 @p0 $0x1  }
0x13: {  	[smem:$0x3FB1] =	sst s0;
	s0 =	simm.s32 @!p1 $0x0  }
0x14: {  	s2 =	sld [smem:$0x3F95];
	s0 =	simm.s32 @p1 $0x1  }
0x15: {  	[smem:$0x3FB2] =	sst s0;
	s0 =	simm.s32 @!p2 $0x0  }
0x16: {  	s3 =	sld [smem:$0x3FDB];
	s0 =	simm.s32 @p2 $0x1  }
0x17: {  	s4 =	simm.s32 $0x1BF5;
	[smem:$0x3FB4] =	sst s0  }
0x18: {  	s0 =	sld [smem:$0x3F97];
	_ =	swait.ge [sflag:s4], $0x0  }
0x19: {  	s7 =	sld [smem:$0x3F98]  }
0x1a: {  	s8 =	sadd.s32 $0xFFFFE003, lr  }
0x1b: {  	s9 =	sadd.s32 $0xFFFFFEF7, lr;
	s5 =	simm.s32 $0xFFFFFFFF;
	p2 =	slt.u32 s8, $0xFFFFF086  }
0x1c: {  	p1 =	slt.u32 s9, $0xF7A;
	s5 =	simm.s32 @!p2 $0x0  }
0x1d: {  	s5 =	simm.s32 @p1 $0x1;
	p0 =	seq.s32 s7, s2  }
0x1e: {  	s7 =	smul.u32 @!p0 $0xF7A, s2;
	p2 =	seq.s32 @!p0 s5, $0x0  }
0x1f: {  	s9 =	smul.u32 $0xF7A, s1;
	s8 =	simm.s32 @!p0 $0x1BF5;
	p2 =	por !p2, p0  }
0x20: {  	[sflag:s8] =	ssyncset.s32 @!p0 $0xFFFFF086;
	s6 =	sadd.s32 @!p0 s3, s7;
	s7 =	simm.s32 @!p0 $0x108  }
0x21: {  	s3 =	sadd.s32 s3, s9;
	s6 =	sadd.s32 @!p0 $0x88, s6;
	s7 =	simm.s32 @p2 $0x1082  }
0x22: {  	[simem:s7], [sflag:s8] =	dma.local @!p0 [hbm:s6], $0xF7A  }
0x23: {  	s9 =	sor.u32 $0xD0000000, s2;
	s6 =	simm.s32 $0x108;
	_ =	swait.ge @!p0 [sflag:s8], $0x0  }
0x24: {  	s3 =	sadd.s32 $0x88, s3;
	s6 =	simm.s32 @!p1 $0x1082;
	[sflag:s4] =	ssyncset.s32 $0xFFFFF086  }
0x25: {  	[simem:s6], [sflag:s4] =	dma.local [hbm:s3], $0xF7A  }
0x26: {  	[smem:$0x3F98] =	sst s1;
	(tag) =	ssettag s2;
	_ =	strace s9  }
0x27: {  	s1 =	sld [smem:$0x3FA8]  }
0x28: {  	s2 =	sld [smem:$0x3FA9]  }
0x29: {  	s4 =	sld [smem:$0x3FAB]  }
0x2a: {  	p0 =	seq.s32 s5, $0x0;
	s5 =	sld [smem:$0x3FAC]  }
0x2b: {  	s6 =	sld [smem:$0x3FAD]  }
0x2c: {  	s7 =	sld [smem:$0x3FAE]  }
0x2d: {  	s3 =	simm.s32 $0x108;
	s8 =	sld [smem:$0x3FAF]  }
0x2e: {  	s3 =	simm.s32 @!p0 $0x1082;
	s9 =	sld [smem:$0x3FB0]  }
0x2f: {  	lr =	sadd.s32 s0, s3;
	s0 =	sld [smem:$0x3FA7]  }
0x30: {  	s3 =	sld [smem:$0x3FAA]  }
0x31: {  	[smem:$0x3FB3] =	sst s10  }
0x32: {  	s10 =	sld [smem:$0x3FB1];
	_ =	sdelay $0x3  }
0x33: {  	p0 =	seq.s32 s10, $0x1;
	s10 =	sld [smem:$0x3FB3];
	_ =	sdelay $0x3  }
0x34: {  	[smem:$0x3FB3] =	sst s10  }
0x35: {  	s10 =	sld [smem:$0x3FB2];
	_ =	sdelay $0x3  }
0x36: {  	p1 =	seq.s32 s10, $0x1;
	s10 =	sld [smem:$0x3FB3];
	_ =	sdelay $0x3  }
0x37: {  	[smem:$0x3FB3] =	sst s10  }
0x38: {  	s10 =	sld [smem:$0x3FB4]  }
0x39: {  	_ = 	snop;
	(pc) =	sbr.ind lr, $3  }
0x3a: {  	_ = 	snop  }
0x3b: {  	_ = 	snop  }
0x3c: {  	p2 =	seq.s32 s10, $0x1;
	s10 =	sld [smem:$0x3FB3]  }
0x3d: {  	_ =	shalt  }
0x3e: {  	_ =	shalt  }
0x3f: {  	_ =	shalt  }
0x40: {  	_ =	shalt  }
0x41: {  	_ =	shalt  }
0x42: {  	_ =	shalt  }
0x43: {  	_ =	shalt  }
0x44: {  	_ =	shalt  }
0x45: {  	_ =	shalt  }
0x46: {  	_ =	shalt  }
0x47: {  	_ =	shalt  }
0x48: {  	_ =	shalt  }
0x49: {  	_ =	shalt  }
0x4a: {  	_ =	shalt  }
0x4b: {  	_ =	shalt  }
0x4c: {  	_ =	shalt  }
0x4d: {  	_ =	shalt  }
0x4e: {  	_ =	shalt  }
0x4f: {  	_ =	shalt  }
0x50: {  	_ =	shalt  }
0x51: {  	_ =	shalt  }
0x52: {  	_ =	shalt  }
0x53: {  	_ =	shalt  }
0x54: {  	_ =	shalt  }
0x55: {  	_ =	shalt  }
0x56: {  	_ =	shalt  }
0x57: {  	_ =	shalt  }
0x58: {  	_ =	shalt  }
0x59: {  	_ =	shalt  }
0x5a: {  	_ =	shalt  }
0x5b: {  	_ =	shalt  }
0x5c: {  	_ =	shalt  }
0x5d: {  	_ =	shalt  }
0x5e: {  	_ =	shalt  }
0x5f: {  	_ =	shalt  }
0x60: {  	_ =	shalt  }
0x61: {  	_ =	shalt  }
0x62: {  	_ =	shalt  }
0x63: {  	_ =	shalt  }
0x64: {  	_ =	shalt  }
0x65: {  	_ =	shalt  }
0x66: {  	_ =	shalt  }
0x67: {  	_ =	shalt  }
0x68: {  	_ =	shalt  }
0x69: {  	_ =	shalt  }
0x6a: {  	_ =	shalt  }
0x6b: {  	_ =	shalt  }
0x6c: {  	_ =	shalt  }
0x6d: {  	_ =	shalt  }
0x6e: {  	_ =	shalt  }
0x6f: {  	_ =	shalt  }
0x70: {  	_ =	shalt  }
0x71: {  	_ =	shalt  }
0x72: {  	_ =	shalt  }
0x73: {  	_ =	shalt  }
0x74: {  	_ =	shalt  }
0x75: {  	_ =	shalt  }
0x76: {  	_ =	shalt  }
0x77: {  	_ =	shalt  }
0x78: {  	_ =	shalt  }
0x79: {  	_ =	shalt  }
0x7a: {  	_ =	shalt  }
0x7b: {  	_ =	shalt  }
0x7c: {  	_ =	shalt  }
0x7d: {  	_ =	shalt  }
0x7e: {  	_ =	shalt  }
0x7f: {  	_ =	shalt  }
0x80: {  	_ =	shalt  }
0x81: {  	_ =	shalt  }
0x82: {  	_ =	shalt  }
0x83: {  	_ =	shalt  }
0x84: {  	_ =	shalt  }
0x85: {  	_ =	shalt  }
0x86: {  	_ =	shalt  }
0x87: {  	_ =	shalt  }
.Lfunc_end0:
.L_simem_size_0:
called_computation.1_lowered:
.L_overlay_start_0:
0x88: {  	s2 =	sld [smem:$0x3FD9]  }
0x89: {  	s3 =	sld [smem:$0x3FFE];
	_ =	sdelay $0x1  }
0x8a: {  	s1 =	srdreg.scid  }
0x8b: {  	s0 =	sand.u32 $0x1, s1  }
0x8c: {  	s15 =	sshll.u32 s0, $0xA;
	s2 =	sadd.s32 s3, s2  }
0x8d: {  	s2 =	sadd.s32 s2, s15  }
0x8e: {  	[smem:$0x3FBF] =	sst s2  }
0x8f: {  	_ = 	snop  }
0x90: {  	s2 =	sld [smem:$0x3FD0];
	_ =	sdelay $0x2  }
0x91: {  	s5 =	simm.s32 $0xB;
	s16 =	simm.s32 $0x10  }
0x92: {  	[smem:s16], [sflag:s5] =	dma.local [hbm:s2], $0x1  }
0x93: {  	_ =	swait.eq [sflag:s5], $0x1  }
0x94: {  	s17 =	sld [smem:$0x10];
	[sflag:s5] =	ssyncset.done $0x0  }
0x95: {  	s4 =	sld [smem:$0x11];
	[sflag:s5] =	ssyncadd.s32 $0xFFFFFFFF  }
0x96: {  	s18 =	sld [smem:$0x12];
	(tm) =	ssettm $0x1  }
0x97: {  	s19 =	sld [smem:$0x3FFB];
	_ =	sdelay $0x3  }
0x98: {  	_ =	strace s19  }
0x99: {  	s2 =	sld [smem:$0x3FFC];
	_ =	sdelay $0x3  }
0x9a: {  	_ =	strace s2  }
0x9b: {  	s2 =	sld [smem:$0x3FFD];
	_ =	sdelay $0x3  }
0x9c: {  	_ =	strace s2  }
0x9d: {  	_ =	strace $0x8FFFFFFF  }
0x9e: {  	s20 =	sld [smem:$0x3FDB];
	_ =	sdelay $0x1  }
0x9f: {  	s6 =	simm.s32 $_scs_section_size  }
0xa0: {  	s7 =	simm.s32 $_size__tile_overlayer_lowered;
	s8 =	simm.s32 $_tile_overlayer_lowered  }
0xa1: {  	s9 =	simm.s32 $0x1BFF;
	s21 =	sshll.u32 s8, $0x1;
	s6 =	sadd.s32 s6, s20  }
0xa2: {  	s22 =	simm.s32 $0x0;
	s7 =	sshll.u32 s7, $0x1;
	s8 =	sadd.s32 s21, s6  }
0xa3: {  	[timem:s22], [sflag:s9] =	dma.local [hbm:s8], s7  }
0xa4: {  	_ =	swait.ge [sflag:s9], s7  }
0xa5: {  	s7 =	ssub.s32 $0x0, s7;
	[sflag:s9] =	ssyncset.done $0x0  }
0xa6: {  	[sflag:s9] =	ssyncadd.s32 s7;
	_ =	sdelay $0x1  }
0xa7: {  	s23 =	simm.s32 $0x1B8B  }
0xa8: {  	_ =	swait.ge [sflag:s23], $0x1  }
0xa9: {  	[sflag:s23] =	ssyncset.done $0x0  }
0xaa: {  	[sflag:s23] =	ssyncadd.s32 $0xFFFFFFFF  }
0xab: {  	s7 =	sld [smem:$0x0]  }
0xac: {  	s8 =	sand.u32 $0xFFFFFFFE, s1  }
0xad: {  	p0 =	sne.s32 s1, s8  }
0xae: {  	s8 =	sshll.u32 @p0 s8, $0xE  }
0xaf: {  	s8 =	sadd.s32 @p0 $0x11B8D, s8;
	s9 =	sshll.u32 @p0 s7, $0x11  }
0xb0: {  	s8 =	sor.u32 @p0 s9, s8  }
0xb1: {  	[sflag:s8] =	ssyncadd.remote.s32 @p0 $0x1;
	_ =	sdelay $0x1  }
0xb2: {  	s8 =	simm.s32 @p0 $0x1B8D  }
0xb3: {  	_ =	swait.eq @p0 [sflag:s8], $0x1  }
0xb4: {  	[sflag:s8] =	ssyncadd.s32 @p0 $0xFFFFFFFF  }
0xb5: {  	s9 =	sshll.u32 @!p0 s1, $0xE  }
0xb6: {  	s9 =	sor.u32 @!p0 $0x4000, s9;
	s8 =	simm.s32 @!p0 $0x1B8D  }
0xb7: {  	s7 =	sshll.u32 @!p0 s7, $0x11;
	s9 =	sadd.s32 @!p0 $0x11B8D, s9;
	_ =	swait.eq @!p0 [sflag:s8], $0x1  }
0xb8: {  	s7 =	sor.u32 @!p0 s7, s9;
	[sflag:s8] =	ssyncadd.s32 @!p0 $0xFFFFFFFF  }
0xb9: {  	s25 =	simm.s32 $0x1B8E;
	s24 =	sld [smem:$0x3FFE];
	[sflag:s7] =	ssyncadd.remote.s32 @!p0 $0x1  }
0xba: {  	s26 =	simm.s32 $execute0_lowered;
	[smem:$0x3FD2] =	sst s25  }
0xbb: {  	s8 =	sshll.u32 s26, $0x1;
	_ =	strace $0x80000049;
	[dreg:$0x1] =	wrdreg $0xFFFFFFFF  }
0xbc: {  	s28 =	simm.s32 $_size_execute0_lowered;
	s6 =	sadd.s32 s6, s8;
	[dreg:$0x0] =	wrdreg $0x0  }
0xbd: {  	s8 =	sshll.u32 s28, $0x1;
	[dreg:$0x2] =	wrdreg s6  }
0xbe: {  	[dreg:$0x3] =	wrdreg s8  }
0xbf: {  	[dreg:$0x4] =	wrdreg $0xC0  }
0xc0: {  	_ =	task [dreg:s22], $0x5FFFF  }
0xc1: {  	[dreg:$0x1] =	wrdreg $0xFFFFFFFF  }
0xc2: {  	[dreg:$0x0] =	wrdreg $0x60  }
0xc3: {  	[dreg:$0x2] =	wrdreg s4  }
0xc4: {  	[dreg:$0x3] =	wrdreg s18  }
0xc5: {  	[dreg:$0x4] =	wrdreg s24  }
0xc6: {  	[dreg:$0x5] =	wrdreg s17  }
0xc7: {  	[dreg:$0x6] =	wrdreg $0xA  }
0xc8: {  	_ =	task.clear_ibuf [dreg:s22], $0x7FFFF;
	_ =	strace $0x90000049  }
0xc9: {  	s29 =	simm.s32 $0xA;
	_ =	strace $0x8000004B  }
0xca: {  	_ =	swait.ge [sflag:s29], $0x1  }
0xcb: {  	[sflag:s29] =	ssyncadd.s32 $0xFFFFFFFF  }
0xcc: {  	_ =	strace $0x9000004B  }
0xcd: {  	_ =	sfence  }
0xce: {  	s30 =	sld [smem:$0x0];
	_ =	sdelay $0x2  }
0xcf: {  	s31 =	sshll.u32 s1, $0xD;
	s1 =	sshrl.u32 s1, $0x2  }
0xd0: {  	s4 =	sand.u32 $0x4000, s31;
	s1 =	sadd.s32 s1, s30  }
0xd1: {  	s0 =	sor.u32 s4, s0;
	s1 =	sshll.u32 s1, $0x11  }
0xd2: {  	s0 =	sor.u32 s1, s0  }
0xd3: {  	s0 =	sadd.s32 $0x8F2B, s0  }
0xd4: {  	[sflag:s0] =	ssyncadd.remote.s32 $0x1  }
0xd5: {  	_ =	sfence.sel $0xFFFF  }
0xd6: {  	[dreg:$0x0] =	wrdreg $0xFFFFFFFF;
	(pc) =	sbr.abs _section_cstart, $3  }
0xd7: {  	[dreg:$0x1] =	wrdreg $0xFFFFFFFF  }
0xd8: {  	_ =	task.clear_ibuf [dreg:s22], $0x2FFFF;
	_ =	strace $0x9FFFFFFF  }
0xd9: {  	(tm) =	ssettm $0x7FFFFFFF  }
tec
execute0_lowered:
.L_overlay_start_1:
0x0: {  	(tag) =	ssettag $0x1  }
0x1: {  	s1 =	rddreg [dreg:$0x0]  }
0x2: {  	s2 =	rddreg [dreg:$0x1]  }
0x3: {  	s5 =	rddreg [dreg:$0x2];
	s0 =	srdreg.scid  }
0x4: {  	s7 =	rddreg [dreg:$0x3];
	s3 =	stileid.u32  }
0x5: {  	s4 =	simm.s32 $0x0;
	s13 =	simm.s32 $0x680;
	s6 =	sand.u32 $0x1, s0  }
0x6: {  	s14 =	simm.s32 $0x0;
	s0 =	rddreg [dreg:$0x4];
	s8 =	sshll.u32 s6, $0x4  }
0x7: {  	s9 =	smul.u32 $0x5E0, s3;
	s10 =	ssub.s32 $0x2, s6;
	s8 =	sor.u32 s3, s8  }
0x8: {  	[smem:$0x7FF] =	sst s4;
	s11 =	sshrl.u32 s10, $0x1;
	s8 =	smul.u32 $0x5E0, s8  }
0x9: {  	_ =	strace $0x8000004A;
	s9 =	sadd.s32 s9, s5;
	s10 =	ssub.s32 s10, s11  }
0xa: {  	s11 =	simm.s32 $0x1;
	s12 =	sadd.s32 s8, s5;
	s5 =	smul.u32 $0x27100, s6  }
0xb: {  	v1 =	vlaneseq.u32;
	s6 =	sadd.s32 $0x5400, s9;
	s7 =	sadd.s32 s7, s8;
	s9 =	smax.u32 s10, $0x1  }
0xc: {  	v0 =	vmov s3;
	v1 =	vmul.u32 $0x2F0, v1;
	s10 =	simm.s32 $0xD00;
	s8 =	sadd.s32 $0xB200, s12;
	s12 =	simm.s32 $0x3C00  }
.LBB2_1:
0xd: {  	[tilespmem:s10], [sflag:$0x1] =	stream.linear.gather [hbm4b:s6+s4], $0x2F00, $0x38;
	[tilespmem:$0x6B00] =	vst v63  }
0xe: {  	_ =	swait.ge [sflag:s11], $0x2F00  }
0xf: {  	[sflag:s11] =	ssyncset.done $0x0  }
0x10: {  	[sflag:s11] =	ssyncadd.s32 $0xFFFFD100  }
0x11: {  	[tilespmem:s12], [sflag:$0x1] =	stream.linear.gather [hbm4b:s6+s4], $0x2F00, $0x38;
	[tilespmem:$0x6B00] =	vst v63  }
0x12: {  	_ =	swait.ge [sflag:s11], $0x2F00  }
0x13: {  	[sflag:s11] =	ssyncset.done $0x0  }
0x14: {  	v2 =	vimm.s32 $0x0;
	s15 =	simm.s32 $0x0;
	[sflag:s11] =	ssyncadd.s32 $0xFFFFD100  }
.LBB2_2:
0x15: {  	s16 =	smul.u32 $0x640, s15;
	_ =	sdelay $0x1  }
0x16: {  	s16 =	sadd.s32 s5, s16  }
0x17: {  	s17 =	sshrl.u32 s16, $0x3  }
0x18: {  	s16 =	simm.s32 $0x0;
	s18 =	sadd.s32 s1, s17  }
0x19: {  	[tilespmem:s16], [sflag:$0x1] =	stream.linear.gather [hbm4b:s18+s16], $0x640, $0x38;
	[tilespmem:$0x6B00] =	vst v63  }
0x1a: {  	_ =	swait.ge [sflag:s11], $0x640  }
0x1b: {  	[sflag:s11] =	ssyncset.done $0x0  }
0x1c: {  	s17 =	sadd.s32 s2, s17;
	[sflag:s11] =	ssyncadd.s32 $0xFFFFF9C0  }
0x1d: {  	[tilespmem:s13], [sflag:$0x1] =	stream.linear.gather [hbm4b:s17+s16], $0x640, $0x38;
	[tilespmem:$0x6B00] =	vst v63  }
0x1e: {  	_ =	swait.ge [sflag:s11], $0x640  }
0x1f: {  	[sflag:s11] =	ssyncset.done $0x0  }
0x20: {  	[sflag:s11] =	ssyncadd.s32 $0xFFFFF9C0  }
.LBB2_3:
0x21: {  	s17 =	sshra.s32 s16, $0x2  }
0x22: {  	v3 =	vld [tilespmem:s17+$0x680];
	_ =	sdelay $0x4  }
0x23: {  	v4 =	vand.u32 $0xF, v3  }
0x24: {  	vm0 =	veq.s32 v4, v0  }
0x25: {  	v5 =	vadd.s32 v1, v2  }
0x26: {  	v6 =	vld [tilespmem:s17+$0x0];
	_ =	sdelay $0x3  }
0x27: {  	[tilespmem:v5+s12+$0x0] =	vst.idx.msk vm0, v3  }
0x28: {  	[tilespmem:v5+s10+$0x0] =	vst.idx.msk vm0, v6  }
0x29: {  	v3 =	vld [tilespmem:s17+$0x690]  }
0x2a: {  	v4 =	vxor.u32 v0, v4  }
0x2b: {  	v4 =	vmin.u32 v4, $0x1  }
0x2c: {  	v2 =	vsub.s32 v2, v4  }
0x2d: {  	v2 =	vadd.s32 $0x1, v2  }
0x2e: {  	vm10 =	vlt.s32 v2, $0x2EF;
	v58 =	vand.u32 $0xF, v3  }
0x2f: {  	v2 =	vnsel vm10, $0x2EF, v2;
	vm11 =	veq.s32 v58, v0  }
0x30: {  	v59 =	vadd.s32 v1, v2  }
0x31: {  	v6 =	vld [tilespmem:s17+$0x10];
	_ =	sdelay $0x3  }
0x32: {  	[tilespmem:v59+s12+$0x0] =	vst.idx.msk vm11, v3  }
0x33: {  	[tilespmem:v59+s10+$0x0] =	vst.idx.msk vm11, v6  }
0x34: {  	v3 =	vld [tilespmem:s17+$0x6A0]  }
0x35: {  	v4 =	vxor.u32 v0, v58  }
0x36: {  	v4 =	vmin.u32 v4, $0x1  }
0x37: {  	v2 =	vsub.s32 v2, v4  }
0x38: {  	v2 =	vadd.s32 $0x1, v2  }
0x39: {  	vm12 =	vlt.s32 v2, $0x2EF;
	v60 =	vand.u32 $0xF, v3  }
0x3a: {  	v2 =	vnsel vm12, $0x2EF, v2;
	vm13 =	veq.s32 v60, v0  }
0x3b: {  	v61 =	vadd.s32 v1, v2  }
0x3c: {  	v6 =	vld [tilespmem:s17+$0x20];
	_ =	sdelay $0x3  }
0x3d: {  	[tilespmem:v61+s12+$0x0] =	vst.idx.msk vm13, v3  }
0x3e: {  	[tilespmem:v61+s10+$0x0] =	vst.idx.msk vm13, v6  }
0x3f: {  	v3 =	vld [tilespmem:s17+$0x6B0]  }
0x40: {  	v4 =	vxor.u32 v0, v60  }
0x41: {  	v4 =	vmin.u32 v4, $0x1  }
0x42: {  	v2 =	vsub.s32 v2, v4  }
0x43: {  	v2 =	vadd.s32 $0x1, v2  }
0x44: {  	vm14 =	vlt.s32 v2, $0x2EF;
	v62 =	vand.u32 $0xF, v3  }
0x45: {  	v2 =	vnsel vm14, $0x2EF, v2;
	vm15 =	veq.s32 v62, v0  }
0x46: {  	v63 =	vadd.s32 v1, v2  }
0x47: {  	p0 =	sne.s32 s16, $0x1800;
	v6 =	vld [tilespmem:s17+$0x30];
	v4 =	vxor.u32 v0, v62  }
.Ltmp0:
0x48: {  	v4 =	vmin.u32 v4, $0x1;
	(pc) =	sbr.rel @p0 .LBB2_3-.Ltmp0, $4  }
0x49: {  	v2 =	vsub.s32 v2, v4  }
0x4a: {  	v2 =	vadd.s32 $0x1, v2  }
0x4b: {  	vm1 =	vlt.s32 v2, $0x2EF;
	[tilespmem:v63+s12+$0x0] =	vst.idx.msk vm15, v3  }
0x4c: {  	s16 =	sadd.s32 $0x100, s16;
	v2 =	vnsel vm1, $0x2EF, v2;
	[tilespmem:v63+s10+$0x0] =	vst.idx.msk vm15, v6  }
0x4d: {  	s15 =	sadd.s32 $0x1, s15  }
0x4e: {  	p0 =	sne.s32 s15, $0x64  }
.Ltmp1:
0x4f: {  	_ = 	snop;
	(pc) =	sbr.rel @p0 .LBB2_2-.Ltmp1, $1  }
0x50: {  	_ =	sdelay $0x3  }
0x51: {  	[hbm4b:s7+s4] =	stream.linear.scatter [tilespmem:s10], [sflag:$0x1], $0x2F00, $0x38;
	[tilespmem:$0x6B00] =	vst v63  }
0x52: {  	s14 =	sadd.s32 $0x1, s14;
	_ =	swait.ge [sflag:s11], $0x2F00  }
0x53: {  	p0 =	sne.s32 s14, s9;
	[sflag:s11] =	ssyncset.done $0x0  }
.Ltmp2:
0x54: {  	[sflag:s11] =	ssyncadd.s32 $0xFFFFD100;
	(pc) =	sbr.rel @p0 .LBB2_1-.Ltmp2, $4  }
0x55: {  	[hbm4b:s8+s4] =	stream.linear.scatter [tilespmem:s12], [sflag:$0x1], $0x2F00, $0x38;
	[tilespmem:$0x6B00] =	vst v63  }
0x56: {  	_ =	swait.ge [sflag:s11], $0x2F00  }
0x57: {  	[sflag:s11] =	ssyncset.done $0x0  }
0x58: {  	[sflag:s11] =	ssyncadd.s32 $0xFFFFD100  }
0x59: {  	_ =	sfence.sel $0x180000  }
0x5a: {  	[bflag:$0x0] =	sbarrier.arrive $0xFFFF  }
0x5b: {  	p0 =	sne.s32 s3, $0x0;
	_ =	strace $0x9000004A  }
0x5c: {  	s0 =	sadd.s32 @!p0 $0x100000, s0;
	[bflag:$0x2] =	sbarrier.arrive $0xFFFF  }
0x5d: {  	[sflag:s0] =	ssyncadd.tile.s32 @!p0 $0x1;
	_ =	shalt  }
.Lfunc_end2:
_tile_overlayer_lowered:
.L_overlay_start_2:
0x5e: {  	(tag) =	ssettag $0x2  }
0x5f: {  	s0 =	rddreg [dreg:$0x0];
	s2 =	stileid.u32  }
0x60: {  	s1 =	rddreg [dreg:$0x1];
	p0 =	sne.s32 s2, $0x0  }
0x61: {  	s3 =	rddreg [dreg:$0x2];
	[bflag:$0x3] =	sbarrier.arrive $0xFFFF;
	s2 =	simm.s32 @!p0 $0x1C01  }
0x62: {  	[timem:s3], [sflag:s2] =	dma.local @!p0 [hbm:s0], s1  }
0x63: {  	s0 =	simm.s32 @!p0 $0x1  }
0x64: {  	_ =	swait.ge @!p0 [sflag:s0], s1  }
0x65: {  	s1 =	ssub.s32 @!p0 $0x0, s1;
	[sflag:s0] =	ssyncset.done @!p0 $0x0  }
0x66: {  	[sflag:s0] =	ssyncadd.s32 @!p0 s1  }
0x67: {  	[bflag:$0x3] =	sbarrier.arrive $0xFFFF  }
0x68: {  	_ =	shalt  }

// kernel: kernel.17.cloned.1.call-start
scs
__scs_entry_jumppad:
0x0: {  	(pc) =	sbr.rel $0x88, $3  }
0x1: {  	(tag) =	ssettag $0x0;
	lr =	simm.s32 $0x1  }
0x2: {  	[smem:$0x3F98] =	sst lr;
	_ =	strace $0xD0000000  }
0x3: {  	_ = 	snop  }
0x4: {  	_ = 	snop  }
0x5: {  	_ = 	snop  }
0x6: {  	_ = 	snop  }
0x7: {  	_ = 	snop  }
__scs_overlays_trampoline_lowered:
0x8: {  	[smem:$0x3FA7] =	sst s0  }
0x9: {  	[smem:$0x3FA8] =	sst s1  }
0xa: {  	[smem:$0x3FA9] =	sst s2  }
0xb: {  	[smem:$0x3FAA] =	sst s3  }
0xc: {  	[smem:$0x3FAB] =	sst s4  }
0xd: {  	[smem:$0x3FAC] =	sst s5  }
0xe: {  	[smem:$0x3FAD] =	sst s6  }
0xf: {  	[smem:$0x3FAE] =	sst s7  }
0x10: {  	[smem:$0x3FAF] =	sst s8  }
0x11: {  	[smem:$0x3FB0] =	sst s9;
	s0 =	simm.s32 @!p0 $0x0  }
0x12: {  	s1 =	sld [smem:$0x3F96];
	s0 =	simm.s32 @p0 $0x1  }
0x13: {  	[smem:$0x3FB1] =	sst s0;
	s0 =	simm.s32 @!p1 $0x0  }
0x14: {  	s2 =	sld [smem:$0x3F95];
	s0 =	simm.s32 @p1 $0x1  }
0x15: {  	[smem:$0x3FB2] =	sst s0;
	s0 =	simm.s32 @!p2 $0x0  }
0x16: {  	s3 =	sld [smem:$0x3FDB];
	s0 =	simm.s32 @p2 $0x1  }
0x17: {  	s4 =	simm.s32 $0x1BF5;
	[smem:$0x3FB4] =	sst s0  }
0x18: {  	s0 =	sld [smem:$0x3F97];
	_ =	swait.ge [sflag:s4], $0x0  }
0x19: {  	s7 =	sld [smem:$0x3F98]  }
0x1a: {  	s8 =	sadd.s32 $0xFFFFE003, lr  }
0x1b: {  	s9 =	sadd.s32 $0xFFFFFEF7, lr;
	s5 =	simm.s32 $0xFFFFFFFF;
	p2 =	slt.u32 s8, $0xFFFFF086  }
0x1c: {  	p1 =	slt.u32 s9, $0xF7A;
	s5 =	simm.s32 @!p2 $0x0  }
0x1d: {  	s5 =	simm.s32 @p1 $0x1;
	p0 =	seq.s32 s7, s2  }
0x1e: {  	s7 =	smul.u32 @!p0 $0xF7A, s2;
	p2 =	seq.s32 @!p0 s5, $0x0  }
0x1f: {  	s9 =	smul.u32 $0xF7A, s1;
	s8 =	simm.s32 @!p0 $0x1BF5;
	p2 =	por !p2, p0  }
0x20: {  	[sflag:s8] =	ssyncset.s32 @!p0 $0xFFFFF086;
	s6 =	sadd.s32 @!p0 s3, s7;
	s7 =	simm.s32 @!p0 $0x108  }
0x21: {  	s3 =	sadd.s32 s3, s9;
	s6 =	sadd.s32 @!p0 $0x88, s6;
	s7 =	simm.s32 @p2 $0x1082  }
0x22: {  	[simem:s7], [sflag:s8] =	dma.local @!p0 [hbm:s6], $0xF7A  }
0x23: {  	s9 =	sor.u32 $0xD0000000, s2;
	s6 =	simm.s32 $0x108;
	_ =	swait.ge @!p0 [sflag:s8], $0x0  }
0x24: {  	s3 =	sadd.s32 $0x88, s3;
	s6 =	simm.s32 @!p1 $0x1082;
	[sflag:s4] =	ssyncset.s32 $0xFFFFF086  }
0x25: {  	[simem:s6], [sflag:s4] =	dma.local [hbm:s3], $0xF7A  }
0x26: {  	[smem:$0x3F98] =	sst s1;
	(tag) =	ssettag s2;
	_ =	strace s9  }
0x27: {  	s1 =	sld [smem:$0x3FA8]  }
0x28: {  	s2 =	sld [smem:$0x3FA9]  }
0x29: {  	s4 =	sld [smem:$0x3FAB]  }
0x2a: {  	p0 =	seq.s32 s5, $0x0;
	s5 =	sld [smem:$0x3FAC]  }
0x2b: {  	s6 =	sld [smem:$0x3FAD]  }
0x2c: {  	s7 =	sld [smem:$0x3FAE]  }
0x2d: {  	s3 =	simm.s32 $0x108;
	s8 =	sld [smem:$0x3FAF]  }
0x2e: {  	s3 =	simm.s32 @!p0 $0x1082;
	s9 =	sld [smem:$0x3FB0]  }
0x2f: {  	lr =	sadd.s32 s0, s3;
	s0 =	sld [smem:$0x3FA7]  }
0x30: {  	s3 =	sld [smem:$0x3FAA]  }
0x31: {  	[smem:$0x3FB3] =	sst s10  }
0x32: {  	s10 =	sld [smem:$0x3FB1];
	_ =	sdelay $0x3  }
0x33: {  	p0 =	seq.s32 s10, $0x1;
	s10 =	sld [smem:$0x3FB3];
	_ =	sdelay $0x3  }
0x34: {  	[smem:$0x3FB3] =	sst s10  }
0x35: {  	s10 =	sld [smem:$0x3FB2];
	_ =	sdelay $0x3  }
0x36: {  	p1 =	seq.s32 s10, $0x1;
	s10 =	sld [smem:$0x3FB3];
	_ =	sdelay $0x3  }
0x37: {  	[smem:$0x3FB3] =	sst s10  }
0x38: {  	s10 =	sld [smem:$0x3FB4]  }
0x39: {  	_ = 	snop;
	(pc) =	sbr.ind lr, $3  }
0x3a: {  	_ = 	snop  }
0x3b: {  	_ = 	snop  }
0x3c: {  	p2 =	seq.s32 s10, $0x1;
	s10 =	sld [smem:$0x3FB3]  }
0x3d: {  	_ =	shalt  }
0x3e: {  	_ =	shalt  }
0x3f: {  	_ =	shalt  }
0x40: {  	_ =	shalt  }
0x41: {  	_ =	shalt  }
0x42: {  	_ =	shalt  }
0x43: {  	_ =	shalt  }
0x44: {  	_ =	shalt  }
0x45: {  	_ =	shalt  }
0x46: {  	_ =	shalt  }
0x47: {  	_ =	shalt  }
0x48: {  	_ =	shalt  }
0x49: {  	_ =	shalt  }
0x4a: {  	_ =	shalt  }
0x4b: {  	_ =	shalt  }
0x4c: {  	_ =	shalt  }
0x4d: {  	_ =	shalt  }
0x4e: {  	_ =	shalt  }
0x4f: {  	_ =	shalt  }
0x50: {  	_ =	shalt  }
0x51: {  	_ =	shalt  }
0x52: {  	_ =	shalt  }
0x53: {  	_ =	shalt  }
0x54: {  	_ =	shalt  }
0x55: {  	_ =	shalt  }
0x56: {  	_ =	shalt  }
0x57: {  	_ =	shalt  }
0x58: {  	_ =	shalt  }
0x59: {  	_ =	shalt  }
0x5a: {  	_ =	shalt  }
0x5b: {  	_ =	shalt  }
0x5c: {  	_ =	shalt  }
0x5d: {  	_ =	shalt  }
0x5e: {  	_ =	shalt  }
0x5f: {  	_ =	shalt  }
0x60: {  	_ =	shalt  }
0x61: {  	_ =	shalt  }
0x62: {  	_ =	shalt  }
0x63: {  	_ =	shalt  }
0x64: {  	_ =	shalt  }
0x65: {  	_ =	shalt  }
0x66: {  	_ =	shalt  }
0x67: {  	_ =	shalt  }
0x68: {  	_ =	shalt  }
0x69: {  	_ =	shalt  }
0x6a: {  	_ =	shalt  }
0x6b: {  	_ =	shalt  }
0x6c: {  	_ =	shalt  }
0x6d: {  	_ =	shalt  }
0x6e: {  	_ =	shalt  }
0x6f: {  	_ =	shalt  }
0x70: {  	_ =	shalt  }
0x71: {  	_ =	shalt  }
0x72: {  	_ =	shalt  }
0x73: {  	_ =	shalt  }
0x74: {  	_ =	shalt  }
0x75: {  	_ =	shalt  }
0x76: {  	_ =	shalt  }
0x77: {  	_ =	shalt  }
0x78: {  	_ =	shalt  }
0x79: {  	_ =	shalt  }
0x7a: {  	_ =	shalt  }
0x7b: {  	_ =	shalt  }
0x7c: {  	_ =	shalt  }
0x7d: {  	_ =	shalt  }
0x7e: {  	_ =	shalt  }
0x7f: {  	_ =	shalt  }
0x80: {  	_ =	shalt  }
0x81: {  	_ =	shalt  }
0x82: {  	_ =	shalt  }
0x83: {  	_ =	shalt  }
0x84: {  	_ =	shalt  }
0x85: {  	_ =	shalt  }
0x86: {  	_ =	shalt  }
0x87: {  	_ =	shalt  }
.Lfunc_end0:
.L_simem_size_0:
called_computation.2_lowered:
.L_overlay_start_0:
0x88: {  	s2 =	sld [smem:$0x3FD9]  }
0x89: {  	s3 =	sld [smem:$0x3FFE];
	_ =	sdelay $0x1  }
0x8a: {  	s1 =	srdreg.scid  }
0x8b: {  	s0 =	sand.u32 $0x1, s1  }
0x8c: {  	s14 =	sshll.u32 s0, $0xA;
	s2 =	sadd.s32 s3, s2  }
0x8d: {  	s2 =	sadd.s32 s2, s14  }
0x8e: {  	[smem:$0x3FBF] =	sst s2  }
0x8f: {  	_ = 	snop  }
0x90: {  	s2 =	sld [smem:$0x3FD0];
	_ =	sdelay $0x2  }
0x91: {  	s15 =	simm.s32 $0xB;
	s4 =	simm.s32 $0x10  }
0x92: {  	[smem:s4], [sflag:s15] =	dma.local [hbm:s2], $0x1  }
0x93: {  	_ =	swait.eq [sflag:s15], $0x1  }
0x94: {  	[sflag:s15] =	ssyncset.done $0x0  }
0x95: {  	[sflag:s15] =	ssyncadd.s32 $0xFFFFFFFF  }
0x96: {  	s16 =	sld [smem:$0x10];
	(tm) =	ssettm $0x1  }
0x97: {  	s17 =	sld [smem:$0x3FFB];
	_ =	sdelay $0x3  }
0x98: {  	_ =	strace s17  }
0x99: {  	s3 =	sld [smem:$0x3FFC];
	_ =	sdelay $0x3  }
0x9a: {  	_ =	strace s3  }
0x9b: {  	s3 =	sld [smem:$0x3FFD];
	_ =	sdelay $0x3  }
0x9c: {  	_ =	strace s3  }
0x9d: {  	_ =	strace $0x8FFFFFFF  }
0x9e: {  	s18 =	sld [smem:$0x3FDB];
	_ =	sdelay $0x1  }
0x9f: {  	s19 =	simm.s32 $_scs_section_size  }
0xa0: {  	s5 =	simm.s32 $_size__tile_overlayer_lowered;
	s6 =	simm.s32 $_tile_overlayer_lowered  }
0xa1: {  	s22 =	simm.s32 $0x1BFF;
	s21 =	sshll.u32 s6, $0x1;
	s3 =	sadd.s32 s19, s18  }
0xa2: {  	s7 =	simm.s32 $0x0;
	s20 =	sshll.u32 s5, $0x1;
	s5 =	sadd.s32 s21, s3  }
0xa3: {  	[timem:s7], [sflag:s22] =	dma.local [hbm:s5], s20  }
0xa4: {  	_ =	swait.ge [sflag:s22], s20  }
0xa5: {  	s4 =	ssub.s32 $0x0, s20;
	[sflag:s22] =	ssyncset.done $0x0  }
0xa6: {  	[sflag:s22] =	ssyncadd.s32 s4;
	_ =	sdelay $0x1  }
0xa7: {  	s23 =	simm.s32 $0x1B8B  }
0xa8: {  	_ =	swait.ge [sflag:s23], $0x1  }
0xa9: {  	[sflag:s23] =	ssyncset.done $0x0  }
0xaa: {  	s25 =	simm.s32 $0x1B8E;
	s24 =	sld [smem:$0x3FFE];
	[sflag:s23] =	ssyncadd.s32 $0xFFFFFFFF  }
0xab: {  	s26 =	simm.s32 $execute0_lowered;
	[smem:$0x3FD2] =	sst s25  }
0xac: {  	s5 =	sshll.u32 s26, $0x1;
	_ =	strace $0x8000004C;
	[dreg:$0x1] =	wrdreg $0xFFFFFFFF  }
0xad: {  	s28 =	simm.s32 $_size_execute0_lowered;
	s3 =	sadd.s32 s3, s5;
	[dreg:$0x0] =	wrdreg $0x0  }
0xae: {  	s5 =	sshll.u32 s28, $0x1;
	[dreg:$0x2] =	wrdreg s3  }
0xaf: {  	[dreg:$0x3] =	wrdreg s5  }
0xb0: {  	[dreg:$0x4] =	wrdreg $0xC0  }
0xb1: {  	_ =	task [dreg:s7], $0x5FFFF  }
0xb2: {  	[dreg:$0x1] =	wrdreg $0xFFFFFFFF  }
0xb3: {  	[dreg:$0x0] =	wrdreg $0x60  }
0xb4: {  	[dreg:$0x2] =	wrdreg s24  }
0xb5: {  	[dreg:$0x3] =	wrdreg s16  }
0xb6: {  	[dreg:$0x4] =	wrdreg $0xA2000  }
0xb7: {  	[dreg:$0x5] =	wrdreg $0x9  }
0xb8: {  	_ =	task.clear_ibuf [dreg:s7], $0x6FFFF;
	_ =	strace $0x9000004C  }
0xb9: {  	s29 =	simm.s32 $0x9;
	_ =	strace $0x8000004E  }
0xba: {  	_ =	swait.ge [sflag:s29], $0x1  }
0xbb: {  	[sflag:s29] =	ssyncadd.s32 $0xFFFFFFFF  }
0xbc: {  	_ =	strace $0x9000004E  }
0xbd: {  	_ =	sfence  }
0xbe: {  	s30 =	sld [smem:$0x0];
	_ =	sdelay $0x2  }
0xbf: {  	s31 =	sshll.u32 s1, $0xD;
	s1 =	sshrl.u32 s1, $0x2  }
0xc0: {  	s3 =	sand.u32 $0x4000, s31;
	s1 =	sadd.s32 s1, s30  }
0xc1: {  	s0 =	sor.u32 s3, s0;
	s1 =	sshll.u32 s1, $0x11  }
0xc2: {  	s0 =	sor.u32 s1, s0  }
0xc3: {  	s0 =	sadd.s32 $0x8F2B, s0  }
0xc4: {  	[sflag:s0] =	ssyncadd.remote.s32 $0x1  }
0xc5: {  	_ =	sfence.sel $0xFFFF  }
0xc6: {  	[dreg:$0x0] =	wrdreg $0xFFFFFFFF;
	(pc) =	sbr.abs _section_cstart, $3  }
0xc7: {  	[dreg:$0x1] =	wrdreg $0xFFFFFFFF  }
0xc8: {  	_ =	task.clear_ibuf [dreg:s7], $0x2FFFF;
	_ =	strace $0x9FFFFFFF  }
0xc9: {  	(tm) =	ssettm $0x7FFFFFFF  }
tec
execute0_lowered:
.L_overlay_start_1:
0x0: {  	(tag) =	ssettag $0x1  }
0x1: {  	s0 =	srdreg.scid;
	s19 =	stileid.u32  }
0x2: {  	s4 =	rddreg [dreg:$0x0];
	s1 =	simm.s32 $0x0;
	s5 =	smul.u32 $0x14000, s19  }
0x3: {  	s28 =	simm.s32 $0x200;
	s2 =	sand.u32 $0x1, s0;
	s18 =	smul.u32 $0x2F00, s19  }
0x4: {  	s29 =	simm.s32 $0x180;
	[smem:$0x7FF] =	sst s1;
	s3 =	smul.u32 $0x140000, s2  }
0x5: {  	s6 =	sadd.s32 $0x66E00, s4;
	s7 =	ssub.s32 $0x2, s2;
	s17 =	smul.u32 $0x2F000, s2  }
0x6: {  	s2 =	sshll.u32 s2, $0x4;
	s0 =	sor.u32 $0x2000, s5;
	s9 =	sshrl.u32 s7, $0x1  }
0x7: {  	s12 =	sadd.s32 $0x8000, s5;
	s20 =	sadd.s32 $0xE000, s5;
	s21 =	sadd.s32 $0x10000, s5  }
0x8: {  	s2 =	sor.u32 s19, s2;
	s8 =	sadd.s32 s3, s5;
	s10 =	sadd.s32 s3, s0  }
0x9: {  	s7 =	ssub.s32 s7, s9;
	s9 =	sadd.s32 $0x6000, s5;
	s13 =	sadd.s32 s3, s12  }
0xa: {  	s15 =	sadd.s32 s3, s20;
	s16 =	sadd.s32 s3, s21;
	s8 =	sshrl.u32 s8, $0x3  }
0xb: {  	s2 =	smul.u32 $0x2F00, s2;
	s22 =	sshrl.u32 s10, $0x3;
	s8 =	sadd.s32 s6, s8  }
0xc: {  	s11 =	sadd.s32 s3, s9;
	[dreg:$0x4] =	wrdreg s8;
	s8 =	sadd.s32 s6, s22  }
0xd: {  	s25 =	sshrl.u32 s13, $0x3;
	[dreg:$0x5] =	wrdreg s8;
	s8 =	sadd.s32 $0x4000, s5  }
0xe: {  	s15 =	sshrl.u32 s15, $0x3;
	s11 =	sshrl.u32 s11, $0x3;
	s23 =	sadd.s32 s3, s8  }
0xf: {  	s2 =	sshrl.u32 s2, $0x3;
	s24 =	sadd.s32 s6, s11;
	s10 =	sshrl.u32 s23, $0x3  }
0x10: {  	s11 =	sadd.s32 $0xC000, s5;
	[dreg:$0x7] =	wrdreg s24;
	s10 =	sadd.s32 s6, s10  }
0x11: {  	s14 =	sadd.s32 s3, s11;
	[dreg:$0x6] =	wrdreg s10;
	s10 =	sadd.s32 s6, s25  }
0x12: {  	s14 =	sshrl.u32 s14, $0x3;
	[dreg:$0x8] =	wrdreg s10;
	s10 =	sadd.s32 $0xA000, s5  }
0x13: {  	s14 =	sadd.s32 s6, s14;
	s5 =	sadd.s32 $0x12000, s5;
	s26 =	sadd.s32 s3, s10  }
0x14: {  	[dreg:$0xa] =	wrdreg s14;
	s3 =	sadd.s32 s3, s5;
	s13 =	sshrl.u32 s26, $0x3  }
0x15: {  	s14 =	rddreg [dreg:$0x2];
	s3 =	sshrl.u32 s3, $0x3;
	s13 =	sadd.s32 s6, s13  }
0x16: {  	s22 =	smul.u32 $0x50000, s19;
	s3 =	sadd.s32 s6, s3;
	[dreg:$0x9] =	wrdreg s13  }
0x17: {  	s25 =	sor.u32 $0x10, s2;
	s13 =	sadd.s32 s6, s15;
	[dreg:$0xd] =	wrdreg s3  }
0x18: {  	s15 =	sadd.s32 $0x16E00, s4;
	[dreg:$0xb] =	wrdreg s13;
	s13 =	sshrl.u32 s16, $0x3  }
0x19: {  	s3 =	sshrl.u32 s22, $0x2;
	s16 =	sadd.s32 $0xB200, s4;
	s13 =	sadd.s32 s6, s13  }
0x1a: {  	s6 =	sadd.s32 s18, s17;
	s17 =	sadd.s32 $0x3C00, s4;
	[dreg:$0xc] =	wrdreg s13  }
0x1b: {  	s18 =	sadd.s32 s3, s14;
	s3 =	sadd.s32 s16, s25;
	s13 =	rddreg [dreg:$0x1]  }
0x1c: {  	s4 =	smax.u32 s7, $0x1;
	_ =	strace $0x8000004D;
	[dreg:$0x11] =	wrdreg s3  }
0x1d: {  	s30 =	simm.s32 $0x4;
	s0 =	sadd.s32 s0, s14;
	[dreg:$0x12] =	wrdreg s4  }
0x1e: {  	s31 =	simm.s32 $0x6;
	s7 =	sadd.s32 s8, s14;
	[dreg:$0x13] =	wrdreg s0  }
0x1f: {  	s23 =	sshll.u32 s19, $0x6;
	s8 =	sadd.s32 s9, s14;
	[dreg:$0x14] =	wrdreg s7  }
0x20: {  	s19 =	sor.u32 $0x1C07, s23;
	s9 =	sadd.s32 s12, s14;
	[dreg:$0x15] =	wrdreg s8  }
0x21: {  	s23 =	sadd.s32 s20, s14;
	s12 =	sadd.s32 s10, s14;
	[dreg:$0x16] =	wrdreg s9  }
0x22: {  	s22 =	sadd.s32 s11, s14;
	s10 =	sadd.s32 $0x8000, s18;
	[dreg:$0x17] =	wrdreg s12  }
0x23: {  	s11 =	sadd.s32 $0xA000, s18;
	s24 =	sadd.s32 s13, s2;
	[dreg:$0x18] =	wrdreg s22  }
0x24: {  	s2 =	sadd.s32 s16, s2;
	s26 =	sadd.s32 s13, s25;
	[dreg:$0x19] =	wrdreg s23  }
0x25: {  	s25 =	sadd.s32 s21, s14;
	s7 =	sadd.s32 $0x6000, s18;
	[dreg:$0xe] =	wrdreg s24  }
0x26: {  	s12 =	sadd.s32 $0xC000, s18;
	s20 =	sshrl.u32 s11, $0x3;
	[dreg:$0xf] =	wrdreg s2  }
0x27: {  	s22 =	sadd.s32 $0xE000, s18;
	s23 =	sadd.s32 $0x10000, s18;
	[dreg:$0x10] =	wrdreg s26  }
0x28: {  	s11 =	simm.s32 $0x4200;
	s24 =	sadd.s32 $0x180, s6;
	[dreg:$0x1a] =	wrdreg s25  }
0x29: {  	s26 =	sadd.s32 s5, s14;
	s5 =	sadd.s32 $0x100, s6;
	s2 =	sadd.s32 $0x2000, s18  }
0x2a: {  	s6 =	sadd.s32 $0x4000, s18;
	s9 =	sshrl.u32 s7, $0x3;
	[smem:$0x7F9] =	sst s20  }
0x2b: {  	s21 =	sshrl.u32 s12, $0x3;
	s25 =	sshrl.u32 s23, $0x3;
	[dreg:$0x1b] =	wrdreg s26  }
0x2c: {  	s23 =	simm.s32 $0x7;
	s7 =	simm.s32 $0x2;
	[dreg:$0x1e] =	wrdreg s9  }
0x2d: {  	s0 =	sshrl.u32 s24, $0x3;
	s8 =	sshrl.u32 s6, $0x3;
	[smem:$0x7FA] =	sst s21  }
0x2e: {  	s24 =	sadd.s32 $0x12000, s18;
	[smem:$0x7FC] =	sst s25;
	s25 =	simm.s32 $0x100  }
0x2f: {  	s6 =	simm.s32 $0x5;
	s9 =	simm.s32 $0x0;
	s3 =	sadd.s32 s0, s16  }
0x30: {  	s4 =	sadd.s32 s0, s13;
	s0 =	sshrl.u32 s2, $0x3;
	[dreg:$0x1d] =	wrdreg s8  }
0x31: {  	s26 =	sshrl.u32 s24, $0x3;
	s24 =	simm.s32 $0x8;
	[dreg:$0x1c] =	wrdreg s0  }
0x32: {  	s2 =	simm.s32 $0x3;
	s0 =	sshrl.u32 s10, $0x3;
	[smem:$0x7FD] =	sst s26  }
0x33: {  	s8 =	simm.s32 $0x8200;
	[dreg:$0x1f] =	wrdreg s0;
	s0 =	sshrl.u32 s22, $0x3  }
0x34: {  	s26 =	simm.s32 $0x80;
	[smem:$0x7FB] =	sst s0;
	s0 =	simm.s32 $0x1  }
.LBB2_1:
0x35: {  	s10 =	sshrl.u32 s18, $0x3  }
0x36: {  	[spmem:s10], [sflag:s19] =	dma.local [hbm:s17], $0x400  }
0x37: {  	s10 =	rddreg [dreg:$0x1c]  }
0x38: {  	[spmem:s10], [sflag:s19] =	dma.local [hbm:s17], $0x400  }
0x39: {  	s10 =	rddreg [dreg:$0x1d]  }
0x3a: {  	[spmem:s10], [sflag:s19] =	dma.local [hbm:s17], $0x400  }
0x3b: {  	s10 =	rddreg [dreg:$0x1e]  }
0x3c: {  	[spmem:s10], [sflag:s19] =	dma.local [hbm:s17], $0x400  }
0x3d: {  	s10 =	rddreg [dreg:$0x1f]  }
0x3e: {  	[spmem:s10], [sflag:s19] =	dma.local [hbm:s17], $0x400  }
0x3f: {  	s10 =	sld [smem:$0x7F9];
	_ =	sdelay $0x2  }
0x40: {  	[spmem:s10], [sflag:s19] =	dma.local [hbm:s17], $0x400  }
0x41: {  	s10 =	sld [smem:$0x7FA];
	_ =	sdelay $0x2  }
0x42: {  	[spmem:s10], [sflag:s19] =	dma.local [hbm:s17], $0x400  }
0x43: {  	s10 =	sld [smem:$0x7FB];
	_ =	sdelay $0x2  }
0x44: {  	[spmem:s10], [sflag:s19] =	dma.local [hbm:s17], $0x400  }
0x45: {  	s10 =	sld [smem:$0x7FC];
	_ =	sdelay $0x2  }
0x46: {  	[spmem:s10], [sflag:s19] =	dma.local [hbm:s17], $0x400  }
0x47: {  	s10 =	sld [smem:$0x7FD];
	_ =	sdelay $0x2  }
0x48: {  	[spmem:s10], [sflag:s19] =	dma.local [hbm:s17], $0x400  }
0x49: {  	_ =	swait.ge [sflag:s23], $0x400  }
0x4a: {  	[sflag:s23] =	ssyncset.done $0x0  }
0x4b: {  	[sflag:s23] =	ssyncadd.s32 $0xFFFFFC00  }
0x4c: {  	_ =	swait.ge [sflag:s23], $0x400  }
0x4d: {  	[sflag:s23] =	ssyncset.done $0x0  }
0x4e: {  	[sflag:s23] =	ssyncadd.s32 $0xFFFFFC00  }
0x4f: {  	_ =	swait.ge [sflag:s23], $0x400  }
0x50: {  	[sflag:s23] =	ssyncset.done $0x0  }
0x51: {  	[sflag:s23] =	ssyncadd.s32 $0xFFFFFC00  }
0x52: {  	_ =	swait.ge [sflag:s23], $0x400  }
0x53: {  	[sflag:s23] =	ssyncset.done $0x0  }
0x54: {  	[sflag:s23] =	ssyncadd.s32 $0xFFFFFC00  }
0x55: {  	_ =	swait.ge [sflag:s23], $0x400  }
0x56: {  	[sflag:s23] =	ssyncset.done $0x0  }
0x57: {  	[sflag:s23] =	ssyncadd.s32 $0xFFFFFC00  }
0x58: {  	_ =	swait.ge [sflag:s23], $0x400  }
0x59: {  	[sflag:s23] =	ssyncset.done $0x0  }
0x5a: {  	[sflag:s23] =	ssyncadd.s32 $0xFFFFFC00  }
0x5b: {  	_ =	swait.ge [sflag:s23], $0x400  }
0x5c: {  	[sflag:s23] =	ssyncset.done $0x0  }
0x5d: {  	[sflag:s23] =	ssyncadd.s32 $0xFFFFFC00  }
0x5e: {  	_ =	swait.ge [sflag:s23], $0x400  }
0x5f: {  	[sflag:s23] =	ssyncset.done $0x0  }
0x60: {  	[sflag:s23] =	ssyncadd.s32 $0xFFFFFC00  }
0x61: {  	_ =	swait.ge [sflag:s23], $0x400  }
0x62: {  	[sflag:s23] =	ssyncset.done $0x0  }
0x63: {  	[sflag:s23] =	ssyncadd.s32 $0xFFFFFC00  }
0x64: {  	_ =	swait.ge [sflag:s23], $0x400  }
0x65: {  	[sflag:s23] =	ssyncset.done $0x0  }
0x66: {  	[sflag:s23] =	ssyncadd.s32 $0xFFFFFC00  }
0x67: {  	[bflag:$0x0] =	sbarrier.arrive $0xFFFF  }
0x68: {  	s21 =	rddreg [dreg:$0xe]  }
0x69: {  	[tilespmem:s1], [sflag:$0x8] =	stream.linear.gather [hbm4b:s21+s1], $0x80, $0x38;
	[tilespmem:$0x1E200] =	vst v63  }
0x6a: {  	_ =	swait.ge [sflag:s24], $0x80  }
0x6b: {  	[sflag:s24] =	ssyncset.done $0x0  }
0x6c: {  	s22 =	rddreg [dreg:$0xf];
	[sflag:s24] =	ssyncadd.s32 $0xFFFFFF80  }
0x6d: {  	[tilespmem:s25], [sflag:$0x8] =	stream.linear.gather [hbm4b:s22+s1], $0x80, $0x38;
	[tilespmem:$0x1E200] =	vst v63  }
0x6e: {  	_ =	swait.ge [sflag:s24], $0x80  }
0x6f: {  	[sflag:s24] =	ssyncset.done $0x0  }
0x70: {  	[sflag:s24] =	ssyncadd.s32 $0xFFFFFF80  }
0x71: {  	[tilespmem:s28], [sflag:$0x1] =	stream.indirect.gather [hbm4b:s15+s26], $0x80, s1, s26, $0xb8;
	[tilespmem:$0x1E200] =	vst v63  }
0x72: {  	s12 =	rddreg [dreg:$0x10]  }
0x73: {  	[tilespmem:s26], [sflag:$0x4] =	stream.linear.gather [hbm4b:s12+s1], $0x80, $0x38;
	[tilespmem:$0x1E200] =	vst v63  }
0x74: {  	s20 =	rddreg [dreg:$0x11]  }
0x75: {  	[tilespmem:s29], [sflag:$0x6] =	stream.linear.gather [hbm4b:s20+s1], $0x80, $0x38;
	[tilespmem:$0x1E200] =	vst v63  }
0x76: {  	_ =	swait.ge [sflag:s30], $0x80  }
0x77: {  	[sflag:s30] =	ssyncset.done $0x0  }
0x78: {  	[sflag:s30] =	ssyncadd.s32 $0xFFFFFF80  }
0x79: {  	_ =	swait.ge [sflag:s31], $0x80  }
0x7a: {  	[sflag:s31] =	ssyncset.done $0x0  }
0x7b: {  	[sflag:s31] =	ssyncadd.s32 $0xFFFFFF80  }
0x7c: {  	[tilespmem:s11], [sflag:$0x2] =	stream.indirect.gather [hbm4b:s15+s26], $0x80, s26, s26, $0xb8;
	[tilespmem:$0x1E200] =	vst v63  }
0x7d: {  	_ =	swait.ge [sflag:s0], $0x4000  }
0x7e: {  	[sflag:s0] =	ssyncset.done $0x0  }
0x7f: {  	[sflag:s0] =	ssyncadd.s32 $0xFFFFC000  }
0x80: {  	[spmem:s14] =	stream.indirect.scatter.add.f32 [tilespmem:s28], [sflag:$0x8], $0x80, s25, s26, $0xb8;
	[tilespmem:$0x1E200] =	vst v63  }
0x81: {  	_ =	swait.ge [sflag:s24], $0x4000  }
0x82: {  	s21 =	sshrl.u32 s5, $0x3;
	[sflag:s24] =	ssyncset.done $0x0  }
0x83: {  	s12 =	sadd.s32 s13, s21;
	[sflag:s24] =	ssyncadd.s32 $0xFFFFC000  }
0x84: {  	[tilespmem:s1], [sflag:$0x3] =	stream.linear.gather [hbm4b:s12+s1], $0x80, $0x38;
	[tilespmem:$0x1E200] =	vst v63  }
0x85: {  	s10 =	sadd.s32 s16, s21  }
0x86: {  	[tilespmem:s25], [sflag:$0x5] =	stream.linear.gather [hbm4b:s10+s1], $0x80, $0x38;
	[tilespmem:$0x1E200] =	vst v63  }
0x87: {  	_ =	swait.ge [sflag:s2], $0x80  }
0x88: {  	[sflag:s2] =	ssyncset.done $0x0  }
0x89: {  	[sflag:s2] =	ssyncadd.s32 $0xFFFFFF80  }
0x8a: {  	_ =	swait.ge [sflag:s6], $0x80  }
0x8b: {  	[sflag:s6] =	ssyncset.done $0x0  }
0x8c: {  	[sflag:s6] =	ssyncadd.s32 $0xFFFFFF80  }
0x8d: {  	[tilespmem:s28], [sflag:$0x1] =	stream.indirect.gather [hbm4b:s15+s26], $0x80, s1, s26, $0xb8;
	[tilespmem:$0x1E200] =	vst v63  }
0x8e: {  	_ =	swait.ge [sflag:s7], $0x4000  }
0x8f: {  	[sflag:s7] =	ssyncset.done $0x0  }
0x90: {  	[sflag:s7] =	ssyncadd.s32 $0xFFFFC000  }
0x91: {  	[spmem:s14] =	stream.indirect.scatter.add.f32 [tilespmem:s11], [sflag:$0x8], $0x80, s29, s26, $0xb8;
	[tilespmem:$0x1E200] =	vst v63  }
0x92: {  	_ =	swait.ge [sflag:s24], $0x4000  }
0x93: {  	s22 =	sadd.s32 $0x0, s4;
	s20 =	sadd.s32 $0x0, s3;
	[sflag:s24] =	ssyncset.done $0x0  }
0x94: {  	s12 =	sadd.s32 $0x100, s5;
	s10 =	simm.s32 $0x20;
	[sflag:s24] =	ssyncadd.s32 $0xFFFFC000  }
0x95: {  	[tilespmem:s26], [sflag:$0x4] =	stream.linear.gather [hbm4b:s22+s1], $0x80, $0x38;
	[tilespmem:$0x1E200] =	vst v63  }
.LBB2_2:
0x96: {  	[tilespmem:s29], [sflag:$0x6] =	stream.linear.gather [hbm4b:s20+s1], $0x80, $0x38;
	[tilespmem:$0x1E200] =	vst v63  }
0x97: {  	s20 =	smov.u32 s10  }
0x98: {  	p0 =	sne.s32 s10, $0x5A0;
	s10 =	sadd.s32 $0x20, s10;
	_ =	swait.ge [sflag:s30], $0x80  }
0x99: {  	[sflag:s30] =	ssyncset.done $0x0  }
0x9a: {  	[sflag:s30] =	ssyncadd.s32 $0xFFFFFF80  }
0x9b: {  	_ =	swait.ge [sflag:s31], $0x80  }
0x9c: {  	[sflag:s31] =	ssyncset.done $0x0  }
0x9d: {  	[sflag:s31] =	ssyncadd.s32 $0xFFFFFF80  }
0x9e: {  	[tilespmem:s11], [sflag:$0x2] =	stream.indirect.gather [hbm4b:s15+s26], $0x80, s26, s26, $0xb8;
	[tilespmem:$0x1E200] =	vst v63  }
0x9f: {  	_ =	swait.ge [sflag:s0], $0x4000  }
0xa0: {  	[sflag:s0] =	ssyncset.done $0x0  }
0xa1: {  	[sflag:s0] =	ssyncadd.s32 $0xFFFFC000  }
0xa2: {  	[spmem:s14] =	stream.indirect.scatter.add.f32 [tilespmem:s28], [sflag:$0x8], $0x80, s25, s26, $0xb8;
	[tilespmem:$0x1E200] =	vst v63  }
0xa3: {  	_ =	swait.ge [sflag:s24], $0x4000  }
0xa4: {  	s21 =	sshrl.u32 s12, $0x3;
	[sflag:s24] =	ssyncset.done $0x0  }
0xa5: {  	s22 =	sadd.s32 s13, s21;
	[sflag:s24] =	ssyncadd.s32 $0xFFFFC000  }
0xa6: {  	[tilespmem:s1], [sflag:$0x3] =	stream.linear.gather [hbm4b:s22+s1], $0x80, $0x38;
	[tilespmem:$0x1E200] =	vst v63  }
0xa7: {  	s21 =	sadd.s32 s16, s21  }
0xa8: {  	[tilespmem:s25], [sflag:$0x5] =	stream.linear.gather [hbm4b:s21+s1], $0x80, $0x38;
	[tilespmem:$0x1E200] =	vst v63  }
0xa9: {  	_ =	swait.ge [sflag:s2], $0x80  }
0xaa: {  	[sflag:s2] =	ssyncset.done $0x0  }
0xab: {  	[sflag:s2] =	ssyncadd.s32 $0xFFFFFF80  }
0xac: {  	_ =	swait.ge [sflag:s6], $0x80  }
0xad: {  	[sflag:s6] =	ssyncset.done $0x0  }
0xae: {  	[sflag:s6] =	ssyncadd.s32 $0xFFFFFF80  }
0xaf: {  	[tilespmem:s28], [sflag:$0x1] =	stream.indirect.gather [hbm4b:s15+s26], $0x80, s1, s26, $0xb8;
	[tilespmem:$0x1E200] =	vst v63  }
0xb0: {  	_ =	swait.ge [sflag:s7], $0x4000  }
0xb1: {  	[sflag:s7] =	ssyncset.done $0x0  }
0xb2: {  	[sflag:s7] =	ssyncadd.s32 $0xFFFFC000  }
0xb3: {  	[spmem:s14] =	stream.indirect.scatter.add.f32 [tilespmem:s11], [sflag:$0x8], $0x80, s29, s26, $0xb8;
	[tilespmem:$0x1E200] =	vst v63  }
.Ltmp0:
0xb4: {  	_ =	swait.ge [sflag:s24], $0x4000;
	(pc) =	sbr.rel @p0 .LBB2_2-.Ltmp0, $4  }
0xb5: {  	[sflag:s24] =	ssyncset.done $0x0  }
0xb6: {  	s21 =	sadd.s32 s20, s4;
	[sflag:s24] =	ssyncadd.s32 $0xFFFFC000  }
0xb7: {  	[tilespmem:s26], [sflag:$0x4] =	stream.linear.gather [hbm4b:s21+s1], $0x80, $0x38;
	[tilespmem:$0x1E200] =	vst v63  }
0xb8: {  	s12 =	sadd.s32 $0x100, s12;
	s20 =	sadd.s32 s20, s3  }
0xb9: {  	[tilespmem:s29], [sflag:$0x6] =	stream.linear.gather [hbm4b:s20+s1], $0x80, $0x38;
	[tilespmem:$0x1E200] =	vst v63  }
0xba: {  	_ =	swait.ge [sflag:s30], $0x80  }
0xbb: {  	[sflag:s30] =	ssyncset.done $0x0  }
0xbc: {  	[sflag:s30] =	ssyncadd.s32 $0xFFFFFF80  }
0xbd: {  	_ =	swait.ge [sflag:s31], $0x80  }
0xbe: {  	[sflag:s31] =	ssyncset.done $0x0  }
0xbf: {  	[sflag:s31] =	ssyncadd.s32 $0xFFFFFF80  }
0xc0: {  	[tilespmem:s11], [sflag:$0x2] =	stream.indirect.gather [hbm4b:s15+s26], $0x80, s26, s26, $0xb8;
	[tilespmem:$0x1E200] =	vst v63  }
0xc1: {  	_ =	swait.ge [sflag:s0], $0x4000  }
0xc2: {  	[sflag:s0] =	ssyncset.done $0x0  }
0xc3: {  	[sflag:s0] =	ssyncadd.s32 $0xFFFFC000  }
0xc4: {  	[spmem:s14] =	stream.indirect.scatter.add.f32 [tilespmem:s28], [sflag:$0x8], $0x80, s25, s26, $0xb8;
	[tilespmem:$0x1E200] =	vst v63  }
0xc5: {  	_ =	swait.ge [sflag:s24], $0x4000  }
0xc6: {  	[sflag:s24] =	ssyncset.done $0x0  }
0xc7: {  	[sflag:s24] =	ssyncadd.s32 $0xFFFFC000  }
0xc8: {  	_ =	swait.ge [sflag:s7], $0x4000  }
0xc9: {  	[sflag:s7] =	ssyncset.done $0x0  }
0xca: {  	[sflag:s7] =	ssyncadd.s32 $0xFFFFC000  }
0xcb: {  	[spmem:s14] =	stream.indirect.scatter.add.f32 [tilespmem:s11], [sflag:$0x8], $0x80, s29, s26, $0xb8;
	[tilespmem:$0x1E200] =	vst v63  }
0xcc: {  	_ =	swait.ge [sflag:s24], $0x4000  }
0xcd: {  	[sflag:s24] =	ssyncset.done $0x0  }
0xce: {  	[sflag:s24] =	ssyncadd.s32 $0xFFFFC000  }
0xcf: {  	[bflag:$0x0] =	sbarrier.arrive $0xFFFF  }
0xd0: {  	[tilespmem:s8], [sflag:$0x8] =	stream.linear.gather [spmem:s18], $0x2000, $0x38;
	[tilespmem:$0x1E200] =	vst v63  }
0xd1: {  	_ =	swait.ge [sflag:s24], $0x2000  }
0xd2: {  	[sflag:s24] =	ssyncset.done $0x0  }
0xd3: {  	s10 =	rddreg [dreg:$0x4];
	[sflag:s24] =	ssyncadd.s32 $0xFFFFE000  }
0xd4: {  	[hbm4b:s10+s1] =	stream.linear.scatter [tilespmem:s8], [sflag:$0x8], $0x2000, $0x38;
	[tilespmem:$0x1E200] =	vst v63  }
0xd5: {  	_ =	swait.ge [sflag:s24], $0x2000  }
0xd6: {  	[sflag:s24] =	ssyncset.done $0x0  }
0xd7: {  	s20 =	rddreg [dreg:$0x13];
	[sflag:s24] =	ssyncadd.s32 $0xFFFFE000  }
0xd8: {  	[tilespmem:s8], [sflag:$0x8] =	stream.linear.gather [spmem:s20], $0x2000, $0x38;
	[tilespmem:$0x1E200] =	vst v63  }
0xd9: {  	_ =	swait.ge [sflag:s24], $0x2000  }
0xda: {  	[sflag:s24] =	ssyncset.done $0x0  }
0xdb: {  	s21 =	rddreg [dreg:$0x5];
	[sflag:s24] =	ssyncadd.s32 $0xFFFFE000  }
0xdc: {  	[hbm4b:s21+s1] =	stream.linear.scatter [tilespmem:s8], [sflag:$0x8], $0x2000, $0x38;
	[tilespmem:$0x1E200] =	vst v63  }
0xdd: {  	_ =	swait.ge [sflag:s24], $0x2000  }
0xde: {  	[sflag:s24] =	ssyncset.done $0x0  }
0xdf: {  	s22 =	rddreg [dreg:$0x14];
	[sflag:s24] =	ssyncadd.s32 $0xFFFFE000  }
0xe0: {  	[tilespmem:s8], [sflag:$0x8] =	stream.linear.gather [spmem:s22], $0x2000, $0x38;
	[tilespmem:$0x1E200] =	vst v63  }
0xe1: {  	_ =	swait.ge [sflag:s24], $0x2000  }
0xe2: {  	[sflag:s24] =	ssyncset.done $0x0  }
0xe3: {  	s12 =	rddreg [dreg:$0x6];
	[sflag:s24] =	ssyncadd.s32 $0xFFFFE000  }
0xe4: {  	[hbm4b:s12+s1] =	stream.linear.scatter [tilespmem:s8], [sflag:$0x8], $0x2000, $0x38;
	[tilespmem:$0x1E200] =	vst v63  }
0xe5: {  	_ =	swait.ge [sflag:s24], $0x2000  }
0xe6: {  	[sflag:s24] =	ssyncset.done $0x0  }
0xe7: {  	s20 =	rddreg [dreg:$0x15];
	[sflag:s24] =	ssyncadd.s32 $0xFFFFE000  }
0xe8: {  	[tilespmem:s8], [sflag:$0x8] =	stream.linear.gather [spmem:s20], $0x2000, $0x38;
	[tilespmem:$0x1E200] =	vst v63  }
0xe9: {  	_ =	swait.ge [sflag:s24], $0x2000  }
0xea: {  	[sflag:s24] =	ssyncset.done $0x0  }
0xeb: {  	s21 =	rddreg [dreg:$0x7];
	[sflag:s24] =	ssyncadd.s32 $0xFFFFE000  }
0xec: {  	[hbm4b:s21+s1] =	stream.linear.scatter [tilespmem:s8], [sflag:$0x8], $0x2000, $0x38;
	[tilespmem:$0x1E200] =	vst v63  }
0xed: {  	_ =	swait.ge [sflag:s24], $0x2000  }
0xee: {  	[sflag:s24] =	ssyncset.done $0x0  }
0xef: {  	s22 =	rddreg [dreg:$0x16];
	[sflag:s24] =	ssyncadd.s32 $0xFFFFE000  }
0xf0: {  	[tilespmem:s8], [sflag:$0x8] =	stream.linear.gather [spmem:s22], $0x2000, $0x38;
	[tilespmem:$0x1E200] =	vst v63  }
0xf1: {  	_ =	swait.ge [sflag:s24], $0x2000  }
0xf2: {  	[sflag:s24] =	ssyncset.done $0x0  }
0xf3: {  	s12 =	rddreg [dreg:$0x8];
	[sflag:s24] =	ssyncadd.s32 $0xFFFFE000  }
0xf4: {  	[hbm4b:s12+s1] =	stream.linear.scatter [tilespmem:s8], [sflag:$0x8], $0x2000, $0x38;
	[tilespmem:$0x1E200] =	vst v63  }
0xf5: {  	_ =	swait.ge [sflag:s24], $0x2000  }
0xf6: {  	[sflag:s24] =	ssyncset.done $0x0  }
0xf7: {  	s20 =	rddreg [dreg:$0x17];
	[sflag:s24] =	ssyncadd.s32 $0xFFFFE000  }
0xf8: {  	[tilespmem:s8], [sflag:$0x8] =	stream.linear.gather [spmem:s20], $0x2000, $0x38;
	[tilespmem:$0x1E200] =	vst v63  }
0xf9: {  	_ =	swait.ge [sflag:s24], $0x2000  }
0xfa: {  	[sflag:s24] =	ssyncset.done $0x0  }
0xfb: {  	s21 =	rddreg [dreg:$0x9];
	[sflag:s24] =	ssyncadd.s32 $0xFFFFE000  }
0xfc: {  	[hbm4b:s21+s1] =	stream.linear.scatter [tilespmem:s8], [sflag:$0x8], $0x2000, $0x38;
	[tilespmem:$0x1E200] =	vst v63  }
0xfd: {  	_ =	swait.ge [sflag:s24], $0x2000  }
0xfe: {  	[sflag:s24] =	ssyncset.done $0x0  }
0xff: {  	s22 =	rddreg [dreg:$0x18];
	[sflag:s24] =	ssyncadd.s32 $0xFFFFE000  }
0x100: {  	[tilespmem:s8], [sflag:$0x8] =	stream.linear.gather [spmem:s22], $0x2000, $0x38;
	[tilespmem:$0x1E200] =	vst v63  }
0x101: {  	_ =	swait.ge [sflag:s24], $0x2000  }
0x102: {  	[sflag:s24] =	ssyncset.done $0x0  }
0x103: {  	s12 =	rddreg [dreg:$0xa];
	[sflag:s24] =	ssyncadd.s32 $0xFFFFE000  }
0x104: {  	[hbm4b:s12+s1] =	stream.linear.scatter [tilespmem:s8], [sflag:$0x8], $0x2000, $0x38;
	[tilespmem:$0x1E200] =	vst v63  }
0x105: {  	_ =	swait.ge [sflag:s24], $0x2000  }
0x106: {  	[sflag:s24] =	ssyncset.done $0x0  }
0x107: {  	s20 =	rddreg [dreg:$0x19];
	[sflag:s24] =	ssyncadd.s32 $0xFFFFE000  }
0x108: {  	[tilespmem:s8], [sflag:$0x8] =	stream.linear.gather [spmem:s20], $0x2000, $0x38;
	[tilespmem:$0x1E200] =	vst v63  }
0x109: {  	_ =	swait.ge [sflag:s24], $0x2000  }
0x10a: {  	[sflag:s24] =	ssyncset.done $0x0  }
0x10b: {  	s21 =	rddreg [dreg:$0xb];
	[sflag:s24] =	ssyncadd.s32 $0xFFFFE000  }
0x10c: {  	[hbm4b:s21+s1] =	stream.linear.scatter [tilespmem:s8], [sflag:$0x8], $0x2000, $0x38;
	[tilespmem:$0x1E200] =	vst v63  }
0x10d: {  	_ =	swait.ge [sflag:s24], $0x2000  }
0x10e: {  	[sflag:s24] =	ssyncset.done $0x0  }
0x10f: {  	s22 =	rddreg [dreg:$0x1a];
	[sflag:s24] =	ssyncadd.s32 $0xFFFFE000  }
0x110: {  	[tilespmem:s8], [sflag:$0x8] =	stream.linear.gather [spmem:s22], $0x2000, $0x38;
	[tilespmem:$0x1E200] =	vst v63  }
0x111: {  	_ =	swait.ge [sflag:s24], $0x2000  }
0x112: {  	[sflag:s24] =	ssyncset.done $0x0  }
0x113: {  	s12 =	rddreg [dreg:$0xc];
	[sflag:s24] =	ssyncadd.s32 $0xFFFFE000  }
0x114: {  	[hbm4b:s12+s1] =	stream.linear.scatter [tilespmem:s8], [sflag:$0x8], $0x2000, $0x38;
	[tilespmem:$0x1E200] =	vst v63  }
0x115: {  	_ =	swait.ge [sflag:s24], $0x2000  }
0x116: {  	[sflag:s24] =	ssyncset.done $0x0  }
0x117: {  	s20 =	rddreg [dreg:$0x1b];
	[sflag:s24] =	ssyncadd.s32 $0xFFFFE000  }
0x118: {  	[tilespmem:s8], [sflag:$0x8] =	stream.linear.gather [spmem:s20], $0x2000, $0x38;
	[tilespmem:$0x1E200] =	vst v63  }
0x119: {  	_ =	swait.ge [sflag:s24], $0x2000  }
0x11a: {  	[sflag:s24] =	ssyncset.done $0x0  }
0x11b: {  	s21 =	rddreg [dreg:$0xd];
	[sflag:s24] =	ssyncadd.s32 $0xFFFFE000  }
0x11c: {  	[hbm4b:s21+s1] =	stream.linear.scatter [tilespmem:s8], [sflag:$0x8], $0x2000, $0x38;
	[tilespmem:$0x1E200] =	vst v63  }
0x11d: {  	_ =	swait.ge [sflag:s24], $0x2000  }
0x11e: {  	s9 =	sadd.s32 $0x1, s9;
	s22 =	rddreg [dreg:$0x12]  }
0x11f: {  	p0 =	sne.s32 s9, s22  }
.Ltmp1:
0x120: {  	_ = 	snop;
	(pc) =	sbr.rel @p0 .LBB2_1-.Ltmp1, $3  }
0x121: {  	_ =	sdelay $0x1  }
0x122: {  	[sflag:s24] =	ssyncset.done $0x0  }
0x123: {  	[sflag:s24] =	ssyncadd.s32 $0xFFFFE000  }
0x124: {  	_ =	sfence.sel $0x180000  }
0x125: {  	[bflag:$0x0] =	sbarrier.arrive $0xFFFF  }
0x126: {  	_ =	strace $0x9000004D  }
0x127: {  	s0 =	stileid.u32;
	[bflag:$0x2] =	sbarrier.arrive $0xFFFF  }
0x128: {  	p0 =	sne.s32 s0, $0x0;
	s0 =	rddreg [dreg:$0x3]  }
0x129: {  	s0 =	sadd.s32 @!p0 $0x100000, s0  }
0x12a: {  	[sflag:s0] =	ssyncadd.tile.s32 @!p0 $0x1;
	_ =	shalt  }
.Lfunc_end2:
_tile_overlayer_lowered:
.L_overlay_start_2:
0x12b: {  	(tag) =	ssettag $0x2  }
0x12c: {  	s0 =	rddreg [dreg:$0x0];
	s2 =	stileid.u32  }
0x12d: {  	s1 =	rddreg [dreg:$0x1];
	p0 =	sne.s32 s2, $0x0  }
0x12e: {  	s3 =	rddreg [dreg:$0x2];
	[bflag:$0x3] =	sbarrier.arrive $0xFFFF;
	s2 =	simm.s32 @!p0 $0x1C08  }
0x12f: {  	[timem:s3], [sflag:s2] =	dma.local @!p0 [hbm:s0], s1  }
0x130: {  	s0 =	simm.s32 @!p0 $0x8  }
0x131: {  	_ =	swait.ge @!p0 [sflag:s0], s1  }
0x132: {  	s1 =	ssub.s32 @!p0 $0x0, s1;
	[sflag:s0] =	ssyncset.done @!p0 $0x0  }
0x133: {  	[sflag:s0] =	ssyncadd.s32 @!p0 s1  }
0x134: {  	[bflag:$0x3] =	sbarrier.arrive $0xFFFF  }
0x135: {  	_ =	shalt  }

// kernel: kernel.20.cloned.1.call-start
scs
__scs_entry_jumppad:
0x0: {  	(pc) =	sbr.rel $0x88, $3  }
0x1: {  	(tag) =	ssettag $0x0;
	lr =	simm.s32 $0x1  }
0x2: {  	[smem:$0x3F98] =	sst lr;
	_ =	strace $0xD0000000  }
0x3: {  	_ = 	snop  }
0x4: {  	_ = 	snop  }
0x5: {  	_ = 	snop  }
0x6: {  	_ = 	snop  }
0x7: {  	_ = 	snop  }
__scs_overlays_trampoline_lowered:
0x8: {  	[smem:$0x3FA7] =	sst s0  }
0x9: {  	[smem:$0x3FA8] =	sst s1  }
0xa: {  	[smem:$0x3FA9] =	sst s2  }
0xb: {  	[smem:$0x3FAA] =	sst s3  }
0xc: {  	[smem:$0x3FAB] =	sst s4  }
0xd: {  	[smem:$0x3FAC] =	sst s5  }
0xe: {  	[smem:$0x3FAD] =	sst s6  }
0xf: {  	[smem:$0x3FAE] =	sst s7  }
0x10: {  	[smem:$0x3FAF] =	sst s8  }
0x11: {  	[smem:$0x3FB0] =	sst s9;
	s0 =	simm.s32 @!p0 $0x0  }
0x12: {  	s1 =	sld [smem:$0x3F96];
	s0 =	simm.s32 @p0 $0x1  }
0x13: {  	[smem:$0x3FB1] =	sst s0;
	s0 =	simm.s32 @!p1 $0x0  }
0x14: {  	s2 =	sld [smem:$0x3F95];
	s0 =	simm.s32 @p1 $0x1  }
0x15: {  	[smem:$0x3FB2] =	sst s0;
	s0 =	simm.s32 @!p2 $0x0  }
0x16: {  	s3 =	sld [smem:$0x3FDB];
	s0 =	simm.s32 @p2 $0x1  }
0x17: {  	s4 =	simm.s32 $0x1BF5;
	[smem:$0x3FB4] =	sst s0  }
0x18: {  	s0 =	sld [smem:$0x3F97];
	_ =	swait.ge [sflag:s4], $0x0  }
0x19: {  	s7 =	sld [smem:$0x3F98]  }
0x1a: {  	s8 =	sadd.s32 $0xFFFFE003, lr  }
0x1b: {  	s9 =	sadd.s32 $0xFFFFFEF7, lr;
	s5 =	simm.s32 $0xFFFFFFFF;
	p2 =	slt.u32 s8, $0xFFFFF086  }
0x1c: {  	p1 =	slt.u32 s9, $0xF7A;
	s5 =	simm.s32 @!p2 $0x0  }
0x1d: {  	s5 =	simm.s32 @p1 $0x1;
	p0 =	seq.s32 s7, s2  }
0x1e: {  	s7 =	smul.u32 @!p0 $0xF7A, s2;
	p2 =	seq.s32 @!p0 s5, $0x0  }
0x1f: {  	s9 =	smul.u32 $0xF7A, s1;
	s8 =	simm.s32 @!p0 $0x1BF5;
	p2 =	por !p2, p0  }
0x20: {  	[sflag:s8] =	ssyncset.s32 @!p0 $0xFFFFF086;
	s6 =	sadd.s32 @!p0 s3, s7;
	s7 =	simm.s32 @!p0 $0x108  }
0x21: {  	s3 =	sadd.s32 s3, s9;
	s6 =	sadd.s32 @!p0 $0x88, s6;
	s7 =	simm.s32 @p2 $0x1082  }
0x22: {  	[simem:s7], [sflag:s8] =	dma.local @!p0 [hbm:s6], $0xF7A  }
0x23: {  	s9 =	sor.u32 $0xD0000000, s2;
	s6 =	simm.s32 $0x108;
	_ =	swait.ge @!p0 [sflag:s8], $0x0  }
0x24: {  	s3 =	sadd.s32 $0x88, s3;
	s6 =	simm.s32 @!p1 $0x1082;
	[sflag:s4] =	ssyncset.s32 $0xFFFFF086  }
0x25: {  	[simem:s6], [sflag:s4] =	dma.local [hbm:s3], $0xF7A  }
0x26: {  	[smem:$0x3F98] =	sst s1;
	(tag) =	ssettag s2;
	_ =	strace s9  }
0x27: {  	s1 =	sld [smem:$0x3FA8]  }
0x28: {  	s2 =	sld [smem:$0x3FA9]  }
0x29: {  	s4 =	sld [smem:$0x3FAB]  }
0x2a: {  	p0 =	seq.s32 s5, $0x0;
	s5 =	sld [smem:$0x3FAC]  }
0x2b: {  	s6 =	sld [smem:$0x3FAD]  }
0x2c: {  	s7 =	sld [smem:$0x3FAE]  }
0x2d: {  	s3 =	simm.s32 $0x108;
	s8 =	sld [smem:$0x3FAF]  }
0x2e: {  	s3 =	simm.s32 @!p0 $0x1082;
	s9 =	sld [smem:$0x3FB0]  }
0x2f: {  	lr =	sadd.s32 s0, s3;
	s0 =	sld [smem:$0x3FA7]  }
0x30: {  	s3 =	sld [smem:$0x3FAA]  }
0x31: {  	[smem:$0x3FB3] =	sst s10  }
0x32: {  	s10 =	sld [smem:$0x3FB1];
	_ =	sdelay $0x3  }
0x33: {  	p0 =	seq.s32 s10, $0x1;
	s10 =	sld [smem:$0x3FB3];
	_ =	sdelay $0x3  }
0x34: {  	[smem:$0x3FB3] =	sst s10  }
0x35: {  	s10 =	sld [smem:$0x3FB2];
	_ =	sdelay $0x3  }
0x36: {  	p1 =	seq.s32 s10, $0x1;
	s10 =	sld [smem:$0x3FB3];
	_ =	sdelay $0x3  }
0x37: {  	[smem:$0x3FB3] =	sst s10  }
0x38: {  	s10 =	sld [smem:$0x3FB4]  }
0x39: {  	_ = 	snop;
	(pc) =	sbr.ind lr, $3  }
0x3a: {  	_ = 	snop  }
0x3b: {  	_ = 	snop  }
0x3c: {  	p2 =	seq.s32 s10, $0x1;
	s10 =	sld [smem:$0x3FB3]  }
0x3d: {  	_ =	shalt  }
0x3e: {  	_ =	shalt  }
0x3f: {  	_ =	shalt  }
0x40: {  	_ =	shalt  }
0x41: {  	_ =	shalt  }
0x42: {  	_ =	shalt  }
0x43: {  	_ =	shalt  }
0x44: {  	_ =	shalt  }
0x45: {  	_ =	shalt  }
0x46: {  	_ =	shalt  }
0x47: {  	_ =	shalt  }
0x48: {  	_ =	shalt  }
0x49: {  	_ =	shalt  }
0x4a: {  	_ =	shalt  }
0x4b: {  	_ =	shalt  }
0x4c: {  	_ =	shalt  }
0x4d: {  	_ =	shalt  }
0x4e: {  	_ =	shalt  }
0x4f: {  	_ =	shalt  }
0x50: {  	_ =	shalt  }
0x51: {  	_ =	shalt  }
0x52: {  	_ =	shalt  }
0x53: {  	_ =	shalt  }
0x54: {  	_ =	shalt  }
0x55: {  	_ =	shalt  }
0x56: {  	_ =	shalt  }
0x57: {  	_ =	shalt  }
0x58: {  	_ =	shalt  }
0x59: {  	_ =	shalt  }
0x5a: {  	_ =	shalt  }
0x5b: {  	_ =	shalt  }
0x5c: {  	_ =	shalt  }
0x5d: {  	_ =	shalt  }
0x5e: {  	_ =	shalt  }
0x5f: {  	_ =	shalt  }
0x60: {  	_ =	shalt  }
0x61: {  	_ =	shalt  }
0x62: {  	_ =	shalt  }
0x63: {  	_ =	shalt  }
0x64: {  	_ =	shalt  }
0x65: {  	_ =	shalt  }
0x66: {  	_ =	shalt  }
0x67: {  	_ =	shalt  }
0x68: {  	_ =	shalt  }
0x69: {  	_ =	shalt  }
0x6a: {  	_ =	shalt  }
0x6b: {  	_ =	shalt  }
0x6c: {  	_ =	shalt  }
0x6d: {  	_ =	shalt  }
0x6e: {  	_ =	shalt  }
0x6f: {  	_ =	shalt  }
0x70: {  	_ =	shalt  }
0x71: {  	_ =	shalt  }
0x72: {  	_ =	shalt  }
0x73: {  	_ =	shalt  }
0x74: {  	_ =	shalt  }
0x75: {  	_ =	shalt  }
0x76: {  	_ =	shalt  }
0x77: {  	_ =	shalt  }
0x78: {  	_ =	shalt  }
0x79: {  	_ =	shalt  }
0x7a: {  	_ =	shalt  }
0x7b: {  	_ =	shalt  }
0x7c: {  	_ =	shalt  }
0x7d: {  	_ =	shalt  }
0x7e: {  	_ =	shalt  }
0x7f: {  	_ =	shalt  }
0x80: {  	_ =	shalt  }
0x81: {  	_ =	shalt  }
0x82: {  	_ =	shalt  }
0x83: {  	_ =	shalt  }
0x84: {  	_ =	shalt  }
0x85: {  	_ =	shalt  }
0x86: {  	_ =	shalt  }
0x87: {  	_ =	shalt  }
.Lfunc_end0:
.L_simem_size_0:
called_computation.3_lowered:
.L_overlay_start_0:
0x88: {  	s2 =	sld [smem:$0x3FD9]  }
0x89: {  	s3 =	sld [smem:$0x3FFE];
	_ =	sdelay $0x1  }
0x8a: {  	s1 =	srdreg.scid  }
0x8b: {  	s0 =	sand.u32 $0x1, s1  }
0x8c: {  	s14 =	sshll.u32 s0, $0xA;
	s2 =	sadd.s32 s3, s2  }
0x8d: {  	s2 =	sadd.s32 s2, s14  }
0x8e: {  	[smem:$0x3FBF] =	sst s2  }
0x8f: {  	_ = 	snop  }
0x90: {  	s2 =	sld [smem:$0x3FD0];
	_ =	sdelay $0x2  }
0x91: {  	s15 =	simm.s32 $0xB;
	s4 =	simm.s32 $0x10  }
0x92: {  	[smem:s4], [sflag:s15] =	dma.local [hbm:s2], $0x1  }
0x93: {  	_ =	swait.eq [sflag:s15], $0x1  }
0x94: {  	[sflag:s15] =	ssyncset.done $0x0  }
0x95: {  	[sflag:s15] =	ssyncadd.s32 $0xFFFFFFFF  }
0x96: {  	s16 =	sld [smem:$0x10];
	(tm) =	ssettm $0x1  }
0x97: {  	s17 =	sld [smem:$0x3FFB];
	_ =	sdelay $0x3  }
0x98: {  	_ =	strace s17  }
0x99: {  	s3 =	sld [smem:$0x3FFC];
	_ =	sdelay $0x3  }
0x9a: {  	_ =	strace s3  }
0x9b: {  	s3 =	sld [smem:$0x3FFD];
	_ =	sdelay $0x3  }
0x9c: {  	_ =	strace s3  }
0x9d: {  	_ =	strace $0x8FFFFFFF  }
0x9e: {  	s18 =	sld [smem:$0x3FDB];
	_ =	sdelay $0x1  }
0x9f: {  	s19 =	simm.s32 $_scs_section_size  }
0xa0: {  	s5 =	simm.s32 $_size__tile_overlayer_lowered;
	s6 =	simm.s32 $_tile_overlayer_lowered  }
0xa1: {  	s22 =	simm.s32 $0x1BFF;
	s21 =	sshll.u32 s6, $0x1;
	s3 =	sadd.s32 s19, s18  }
0xa2: {  	s7 =	simm.s32 $0x0;
	s20 =	sshll.u32 s5, $0x1;
	s5 =	sadd.s32 s21, s3  }
0xa3: {  	[timem:s7], [sflag:s22] =	dma.local [hbm:s5], s20  }
0xa4: {  	_ =	swait.ge [sflag:s22], s20  }
0xa5: {  	s4 =	ssub.s32 $0x0, s20;
	[sflag:s22] =	ssyncset.done $0x0  }
0xa6: {  	[sflag:s22] =	ssyncadd.s32 s4;
	_ =	sdelay $0x1  }
0xa7: {  	s23 =	simm.s32 $0x1B8B  }
0xa8: {  	_ =	swait.ge [sflag:s23], $0x1  }
0xa9: {  	[sflag:s23] =	ssyncset.done $0x0  }
0xaa: {  	s25 =	simm.s32 $0x1B8E;
	s24 =	sld [smem:$0x3FFE];
	[sflag:s23] =	ssyncadd.s32 $0xFFFFFFFF  }
0xab: {  	s26 =	simm.s32 $execute0_lowered;
	[smem:$0x3FD2] =	sst s25  }
0xac: {  	s5 =	sshll.u32 s26, $0x1;
	_ =	strace $0x8000004F;
	[dreg:$0x1] =	wrdreg $0xFFFFFFFF  }
0xad: {  	s28 =	simm.s32 $_size_execute0_lowered;
	s3 =	sadd.s32 s3, s5;
	[dreg:$0x0] =	wrdreg $0x0  }
0xae: {  	s5 =	sshll.u32 s28, $0x1;
	[dreg:$0x2] =	wrdreg s3  }
0xaf: {  	[dreg:$0x3] =	wrdreg s5  }
0xb0: {  	[dreg:$0x4] =	wrdreg $0xC0  }
0xb1: {  	_ =	task [dreg:s7], $0x5FFFF  }
0xb2: {  	[dreg:$0x1] =	wrdreg $0xFFFFFFFF  }
0xb3: {  	[dreg:$0x0] =	wrdreg $0x60  }
0xb4: {  	[dreg:$0x2] =	wrdreg s24  }
0xb5: {  	[dreg:$0x3] =	wrdreg s16  }
0xb6: {  	[dreg:$0x4] =	wrdreg $0xA2000  }
0xb7: {  	[dreg:$0x5] =	wrdreg $0x9  }
0xb8: {  	_ =	task.clear_ibuf [dreg:s7], $0x6FFFF;
	_ =	strace $0x9000004F  }
0xb9: {  	s29 =	simm.s32 $0x9;
	_ =	strace $0x80000051  }
0xba: {  	_ =	swait.ge [sflag:s29], $0x1  }
0xbb: {  	[sflag:s29] =	ssyncadd.s32 $0xFFFFFFFF  }
0xbc: {  	_ =	strace $0x90000051  }
0xbd: {  	_ =	sfence  }
0xbe: {  	s30 =	sld [smem:$0x0];
	_ =	sdelay $0x2  }
0xbf: {  	s31 =	sshll.u32 s1, $0xD;
	s1 =	sshrl.u32 s1, $0x2  }
0xc0: {  	s3 =	sand.u32 $0x4000, s31;
	s1 =	sadd.s32 s1, s30  }
0xc1: {  	s0 =	sor.u32 s3, s0;
	s1 =	sshll.u32 s1, $0x11  }
0xc2: {  	s0 =	sor.u32 s1, s0  }
0xc3: {  	s0 =	sadd.s32 $0x8F2B, s0  }
0xc4: {  	[sflag:s0] =	ssyncadd.remote.s32 $0x1  }
0xc5: {  	_ =	sfence.sel $0xFFFF  }
0xc6: {  	[dreg:$0x0] =	wrdreg $0xFFFFFFFF;
	(pc) =	sbr.abs _section_cstart, $3  }
0xc7: {  	[dreg:$0x1] =	wrdreg $0xFFFFFFFF  }
0xc8: {  	_ =	task.clear_ibuf [dreg:s7], $0x2FFFF;
	_ =	strace $0x9FFFFFFF  }
0xc9: {  	(tm) =	ssettm $0x7FFFFFFF  }
tec
execute0_lowered:
.L_overlay_start_1:
0x0: {  	(tag) =	ssettag $0x1  }
0x1: {  	s0 =	srdreg.scid;
	s19 =	stileid.u32  }
0x2: {  	s4 =	rddreg [dreg:$0x0];
	s1 =	simm.s32 $0x0;
	s5 =	smul.u32 $0x14000, s19  }
0x3: {  	s28 =	simm.s32 $0x200;
	s2 =	sand.u32 $0x1, s0;
	s18 =	smul.u32 $0x2F00, s19  }
0x4: {  	s29 =	simm.s32 $0x180;
	[smem:$0x7FF] =	sst s1;
	s3 =	smul.u32 $0x140000, s2  }
0x5: {  	s6 =	sadd.s32 $0x66E00, s4;
	s7 =	ssub.s32 $0x2, s2;
	s17 =	smul.u32 $0x2F000, s2  }
0x6: {  	s2 =	sshll.u32 s2, $0x4;
	s0 =	sor.u32 $0x2000, s5;
	s9 =	sshrl.u32 s7, $0x1  }
0x7: {  	s12 =	sadd.s32 $0x8000, s5;
	s20 =	sadd.s32 $0xE000, s5;
	s21 =	sadd.s32 $0x10000, s5  }
0x8: {  	s2 =	sor.u32 s19, s2;
	s8 =	sadd.s32 s3, s5;
	s10 =	sadd.s32 s3, s0  }
0x9: {  	s7 =	ssub.s32 s7, s9;
	s9 =	sadd.s32 $0x6000, s5;
	s13 =	sadd.s32 s3, s12  }
0xa: {  	s15 =	sadd.s32 s3, s20;
	s16 =	sadd.s32 s3, s21;
	s8 =	sshrl.u32 s8, $0x3  }
0xb: {  	s2 =	smul.u32 $0x2F00, s2;
	s22 =	sshrl.u32 s10, $0x3;
	s8 =	sadd.s32 s6, s8  }
0xc: {  	s11 =	sadd.s32 s3, s9;
	[dreg:$0x4] =	wrdreg s8;
	s8 =	sadd.s32 s6, s22  }
0xd: {  	s25 =	sshrl.u32 s13, $0x3;
	[dreg:$0x5] =	wrdreg s8;
	s8 =	sadd.s32 $0x4000, s5  }
0xe: {  	s15 =	sshrl.u32 s15, $0x3;
	s11 =	sshrl.u32 s11, $0x3;
	s23 =	sadd.s32 s3, s8  }
0xf: {  	s2 =	sshrl.u32 s2, $0x3;
	s24 =	sadd.s32 s6, s11;
	s10 =	sshrl.u32 s23, $0x3  }
0x10: {  	s11 =	sadd.s32 $0xC000, s5;
	[dreg:$0x7] =	wrdreg s24;
	s10 =	sadd.s32 s6, s10  }
0x11: {  	s14 =	sadd.s32 s3, s11;
	[dreg:$0x6] =	wrdreg s10;
	s10 =	sadd.s32 s6, s25  }
0x12: {  	s14 =	sshrl.u32 s14, $0x3;
	[dreg:$0x8] =	wrdreg s10;
	s10 =	sadd.s32 $0xA000, s5  }
0x13: {  	s14 =	sadd.s32 s6, s14;
	s5 =	sadd.s32 $0x12000, s5;
	s26 =	sadd.s32 s3, s10  }
0x14: {  	[dreg:$0xa] =	wrdreg s14;
	s3 =	sadd.s32 s3, s5;
	s13 =	sshrl.u32 s26, $0x3  }
0x15: {  	s14 =	rddreg [dreg:$0x2];
	s3 =	sshrl.u32 s3, $0x3;
	s13 =	sadd.s32 s6, s13  }
0x16: {  	s22 =	smul.u32 $0x50000, s19;
	s3 =	sadd.s32 s6, s3;
	[dreg:$0x9] =	wrdreg s13  }
0x17: {  	s25 =	sor.u32 $0x10, s2;
	s13 =	sadd.s32 s6, s15;
	[dreg:$0xd] =	wrdreg s3  }
0x18: {  	s15 =	sadd.s32 $0x16E00, s4;
	[dreg:$0xb] =	wrdreg s13;
	s13 =	sshrl.u32 s16, $0x3  }
0x19: {  	s3 =	sshrl.u32 s22, $0x2;
	s16 =	sadd.s32 $0xB200, s4;
	s13 =	sadd.s32 s6, s13  }
0x1a: {  	s6 =	sadd.s32 s18, s17;
	s17 =	sadd.s32 $0x3C00, s4;
	[dreg:$0xc] =	wrdreg s13  }
0x1b: {  	s18 =	sadd.s32 s3, s14;
	s3 =	sadd.s32 s16, s25;
	s13 =	rddreg [dreg:$0x1]  }
0x1c: {  	s4 =	smax.u32 s7, $0x1;
	_ =	strace $0x80000050;
	[dreg:$0x11] =	wrdreg s3  }
0x1d: {  	s30 =	simm.s32 $0x4;
	s0 =	sadd.s32 s0, s14;
	[dreg:$0x12] =	wrdreg s4  }
0x1e: {  	s31 =	simm.s32 $0x6;
	s7 =	sadd.s32 s8, s14;
	[dreg:$0x13] =	wrdreg s0  }
0x1f: {  	s23 =	sshll.u32 s19, $0x6;
	s8 =	sadd.s32 s9, s14;
	[dreg:$0x14] =	wrdreg s7  }
0x20: {  	s19 =	sor.u32 $0x1C07, s23;
	s9 =	sadd.s32 s12, s14;
	[dreg:$0x15] =	wrdreg s8  }
0x21: {  	s23 =	sadd.s32 s20, s14;
	s12 =	sadd.s32 s10, s14;
	[dreg:$0x16] =	wrdreg s9  }
0x22: {  	s22 =	sadd.s32 s11, s14;
	s10 =	sadd.s32 $0x8000, s18;
	[dreg:$0x17] =	wrdreg s12  }
0x23: {  	s11 =	sadd.s32 $0xA000, s18;
	s24 =	sadd.s32 s13, s2;
	[dreg:$0x18] =	wrdreg s22  }
0x24: {  	s2 =	sadd.s32 s16, s2;
	s26 =	sadd.s32 s13, s25;
	[dreg:$0x19] =	wrdreg s23  }
0x25: {  	s25 =	sadd.s32 s21, s14;
	s7 =	sadd.s32 $0x6000, s18;
	[dreg:$0xe] =	wrdreg s24  }
0x26: {  	s12 =	sadd.s32 $0xC000, s18;
	s20 =	sshrl.u32 s11, $0x3;
	[dreg:$0xf] =	wrdreg s2  }
0x27: {  	s22 =	sadd.s32 $0xE000, s18;
	s23 =	sadd.s32 $0x10000, s18;
	[dreg:$0x10] =	wrdreg s26  }
0x28: {  	s11 =	simm.s32 $0x4200;
	s24 =	sadd.s32 $0x180, s6;
	[dreg:$0x1a] =	wrdreg s25  }
0x29: {  	s26 =	sadd.s32 s5, s14;
	s5 =	sadd.s32 $0x100, s6;
	s2 =	sadd.s32 $0x2000, s18  }
0x2a: {  	s6 =	sadd.s32 $0x4000, s18;
	s9 =	sshrl.u32 s7, $0x3;
	[smem:$0x7F9] =	sst s20  }
0x2b: {  	s21 =	sshrl.u32 s12, $0x3;
	s25 =	sshrl.u32 s23, $0x3;
	[dreg:$0x1b] =	wrdreg s26  }
0x2c: {  	s23 =	simm.s32 $0x7;
	s7 =	simm.s32 $0x2;
	[dreg:$0x1e] =	wrdreg s9  }
0x2d: {  	s0 =	sshrl.u32 s24, $0x3;
	s8 =	sshrl.u32 s6, $0x3;
	[smem:$0x7FA] =	sst s21  }
0x2e: {  	s24 =	sadd.s32 $0x12000, s18;
	[smem:$0x7FC] =	sst s25;
	s25 =	simm.s32 $0x100  }
0x2f: {  	s6 =	simm.s32 $0x5;
	s9 =	simm.s32 $0x0;
	s3 =	sadd.s32 s0, s16  }
0x30: {  	s4 =	sadd.s32 s0, s13;
	s0 =	sshrl.u32 s2, $0x3;
	[dreg:$0x1d] =	wrdreg s8  }
0x31: {  	s26 =	sshrl.u32 s24, $0x3;
	s24 =	simm.s32 $0x8;
	[dreg:$0x1c] =	wrdreg s0  }
0x32: {  	s2 =	simm.s32 $0x3;
	s0 =	sshrl.u32 s10, $0x3;
	[smem:$0x7FD] =	sst s26  }
0x33: {  	s8 =	simm.s32 $0x8200;
	[dreg:$0x1f] =	wrdreg s0;
	s0 =	sshrl.u32 s22, $0x3  }
0x34: {  	s26 =	simm.s32 $0x80;
	[smem:$0x7FB] =	sst s0;
	s0 =	simm.s32 $0x1  }
.LBB2_1:
0x35: {  	s10 =	sshrl.u32 s18, $0x3  }
0x36: {  	[spmem:s10], [sflag:s19] =	dma.local [hbm:s17], $0x400  }
0x37: {  	s10 =	rddreg [dreg:$0x1c]  }
0x38: {  	[spmem:s10], [sflag:s19] =	dma.local [hbm:s17], $0x400  }
0x39: {  	s10 =	rddreg [dreg:$0x1d]  }
0x3a: {  	[spmem:s10], [sflag:s19] =	dma.local [hbm:s17], $0x400  }
0x3b: {  	s10 =	rddreg [dreg:$0x1e]  }
0x3c: {  	[spmem:s10], [sflag:s19] =	dma.local [hbm:s17], $0x400  }
0x3d: {  	s10 =	rddreg [dreg:$0x1f]  }
0x3e: {  	[spmem:s10], [sflag:s19] =	dma.local [hbm:s17], $0x400  }
0x3f: {  	s10 =	sld [smem:$0x7F9];
	_ =	sdelay $0x2  }
0x40: {  	[spmem:s10], [sflag:s19] =	dma.local [hbm:s17], $0x400  }
0x41: {  	s10 =	sld [smem:$0x7FA];
	_ =	sdelay $0x2  }
0x42: {  	[spmem:s10], [sflag:s19] =	dma.local [hbm:s17], $0x400  }
0x43: {  	s10 =	sld [smem:$0x7FB];
	_ =	sdelay $0x2  }
0x44: {  	[spmem:s10], [sflag:s19] =	dma.local [hbm:s17], $0x400  }
0x45: {  	s10 =	sld [smem:$0x7FC];
	_ =	sdelay $0x2  }
0x46: {  	[spmem:s10], [sflag:s19] =	dma.local [hbm:s17], $0x400  }
0x47: {  	s10 =	sld [smem:$0x7FD];
	_ =	sdelay $0x2  }
0x48: {  	[spmem:s10], [sflag:s19] =	dma.local [hbm:s17], $0x400  }
0x49: {  	_ =	swait.ge [sflag:s23], $0x400  }
0x4a: {  	[sflag:s23] =	ssyncset.done $0x0  }
0x4b: {  	[sflag:s23] =	ssyncadd.s32 $0xFFFFFC00  }
0x4c: {  	_ =	swait.ge [sflag:s23], $0x400  }
0x4d: {  	[sflag:s23] =	ssyncset.done $0x0  }
0x4e: {  	[sflag:s23] =	ssyncadd.s32 $0xFFFFFC00  }
0x4f: {  	_ =	swait.ge [sflag:s23], $0x400  }
0x50: {  	[sflag:s23] =	ssyncset.done $0x0  }
0x51: {  	[sflag:s23] =	ssyncadd.s32 $0xFFFFFC00  }
0x52: {  	_ =	swait.ge [sflag:s23], $0x400  }
0x53: {  	[sflag:s23] =	ssyncset.done $0x0  }
0x54: {  	[sflag:s23] =	ssyncadd.s32 $0xFFFFFC00  }
0x55: {  	_ =	swait.ge [sflag:s23], $0x400  }
0x56: {  	[sflag:s23] =	ssyncset.done $0x0  }
0x57: {  	[sflag:s23] =	ssyncadd.s32 $0xFFFFFC00  }
0x58: {  	_ =	swait.ge [sflag:s23], $0x400  }
0x59: {  	[sflag:s23] =	ssyncset.done $0x0  }
0x5a: {  	[sflag:s23] =	ssyncadd.s32 $0xFFFFFC00  }
0x5b: {  	_ =	swait.ge [sflag:s23], $0x400  }
0x5c: {  	[sflag:s23] =	ssyncset.done $0x0  }
0x5d: {  	[sflag:s23] =	ssyncadd.s32 $0xFFFFFC00  }
0x5e: {  	_ =	swait.ge [sflag:s23], $0x400  }
0x5f: {  	[sflag:s23] =	ssyncset.done $0x0  }
0x60: {  	[sflag:s23] =	ssyncadd.s32 $0xFFFFFC00  }
0x61: {  	_ =	swait.ge [sflag:s23], $0x400  }
0x62: {  	[sflag:s23] =	ssyncset.done $0x0  }
0x63: {  	[sflag:s23] =	ssyncadd.s32 $0xFFFFFC00  }
0x64: {  	_ =	swait.ge [sflag:s23], $0x400  }
0x65: {  	[sflag:s23] =	ssyncset.done $0x0  }
0x66: {  	[sflag:s23] =	ssyncadd.s32 $0xFFFFFC00  }
0x67: {  	[bflag:$0x0] =	sbarrier.arrive $0xFFFF  }
0x68: {  	s21 =	rddreg [dreg:$0xe]  }
0x69: {  	[tilespmem:s1], [sflag:$0x8] =	stream.linear.gather [hbm4b:s21+s1], $0x80, $0x38;
	[tilespmem:$0x1E200] =	vst v63  }
0x6a: {  	_ =	swait.ge [sflag:s24], $0x80  }
0x6b: {  	[sflag:s24] =	ssyncset.done $0x0  }
0x6c: {  	s22 =	rddreg [dreg:$0xf];
	[sflag:s24] =	ssyncadd.s32 $0xFFFFFF80  }
0x6d: {  	[tilespmem:s25], [sflag:$0x8] =	stream.linear.gather [hbm4b:s22+s1], $0x80, $0x38;
	[tilespmem:$0x1E200] =	vst v63  }
0x6e: {  	_ =	swait.ge [sflag:s24], $0x80  }
0x6f: {  	[sflag:s24] =	ssyncset.done $0x0  }
0x70: {  	[sflag:s24] =	ssyncadd.s32 $0xFFFFFF80  }
0x71: {  	[tilespmem:s28], [sflag:$0x1] =	stream.indirect.gather [hbm4b:s15+s26], $0x80, s1, s26, $0xb8;
	[tilespmem:$0x1E200] =	vst v63  }
0x72: {  	s12 =	rddreg [dreg:$0x10]  }
0x73: {  	[tilespmem:s26], [sflag:$0x4] =	stream.linear.gather [hbm4b:s12+s1], $0x80, $0x38;
	[tilespmem:$0x1E200] =	vst v63  }
0x74: {  	s20 =	rddreg [dreg:$0x11]  }
0x75: {  	[tilespmem:s29], [sflag:$0x6] =	stream.linear.gather [hbm4b:s20+s1], $0x80, $0x38;
	[tilespmem:$0x1E200] =	vst v63  }
0x76: {  	_ =	swait.ge [sflag:s30], $0x80  }
0x77: {  	[sflag:s30] =	ssyncset.done $0x0  }
0x78: {  	[sflag:s30] =	ssyncadd.s32 $0xFFFFFF80  }
0x79: {  	_ =	swait.ge [sflag:s31], $0x80  }
0x7a: {  	[sflag:s31] =	ssyncset.done $0x0  }
0x7b: {  	[sflag:s31] =	ssyncadd.s32 $0xFFFFFF80  }
0x7c: {  	[tilespmem:s11], [sflag:$0x2] =	stream.indirect.gather [hbm4b:s15+s26], $0x80, s26, s26, $0xb8;
	[tilespmem:$0x1E200] =	vst v63  }
0x7d: {  	_ =	swait.ge [sflag:s0], $0x4000  }
0x7e: {  	[sflag:s0] =	ssyncset.done $0x0  }
0x7f: {  	[sflag:s0] =	ssyncadd.s32 $0xFFFFC000  }
0x80: {  	[spmem:s14] =	stream.indirect.scatter.add.f32 [tilespmem:s28], [sflag:$0x8], $0x80, s25, s26, $0xb8;
	[tilespmem:$0x1E200] =	vst v63  }
0x81: {  	_ =	swait.ge [sflag:s24], $0x4000  }
0x82: {  	s21 =	sshrl.u32 s5, $0x3;
	[sflag:s24] =	ssyncset.done $0x0  }
0x83: {  	s12 =	sadd.s32 s13, s21;
	[sflag:s24] =	ssyncadd.s32 $0xFFFFC000  }
0x84: {  	[tilespmem:s1], [sflag:$0x3] =	stream.linear.gather [hbm4b:s12+s1], $0x80, $0x38;
	[tilespmem:$0x1E200] =	vst v63  }
0x85: {  	s10 =	sadd.s32 s16, s21  }
0x86: {  	[tilespmem:s25], [sflag:$0x5] =	stream.linear.gather [hbm4b:s10+s1], $0x80, $0x38;
	[tilespmem:$0x1E200] =	vst v63  }
0x87: {  	_ =	swait.ge [sflag:s2], $0x80  }
0x88: {  	[sflag:s2] =	ssyncset.done $0x0  }
0x89: {  	[sflag:s2] =	ssyncadd.s32 $0xFFFFFF80  }
0x8a: {  	_ =	swait.ge [sflag:s6], $0x80  }
0x8b: {  	[sflag:s6] =	ssyncset.done $0x0  }
0x8c: {  	[sflag:s6] =	ssyncadd.s32 $0xFFFFFF80  }
0x8d: {  	[tilespmem:s28], [sflag:$0x1] =	stream.indirect.gather [hbm4b:s15+s26], $0x80, s1, s26, $0xb8;
	[tilespmem:$0x1E200] =	vst v63  }
0x8e: {  	_ =	swait.ge [sflag:s7], $0x4000  }
0x8f: {  	[sflag:s7] =	ssyncset.done $0x0  }
0x90: {  	[sflag:s7] =	ssyncadd.s32 $0xFFFFC000  }
0x91: {  	[spmem:s14] =	stream.indirect.scatter.add.f32 [tilespmem:s11], [sflag:$0x8], $0x80, s29, s26, $0xb8;
	[tilespmem:$0x1E200] =	vst v63  }
0x92: {  	_ =	swait.ge [sflag:s24], $0x4000  }
0x93: {  	s22 =	sadd.s32 $0x0, s4;
	s20 =	sadd.s32 $0x0, s3;
	[sflag:s24] =	ssyncset.done $0x0  }
0x94: {  	s12 =	sadd.s32 $0x100, s5;
	s10 =	simm.s32 $0x20;
	[sflag:s24] =	ssyncadd.s32 $0xFFFFC000  }
0x95: {  	[tilespmem:s26], [sflag:$0x4] =	stream.linear.gather [hbm4b:s22+s1], $0x80, $0x38;
	[tilespmem:$0x1E200] =	vst v63  }
.LBB2_2:
0x96: {  	[tilespmem:s29], [sflag:$0x6] =	stream.linear.gather [hbm4b:s20+s1], $0x80, $0x38;
	[tilespmem:$0x1E200] =	vst v63  }
0x97: {  	s20 =	smov.u32 s10  }
0x98: {  	p0 =	sne.s32 s10, $0x5A0;
	s10 =	sadd.s32 $0x20, s10;
	_ =	swait.ge [sflag:s30], $0x80  }
0x99: {  	[sflag:s30] =	ssyncset.done $0x0  }
0x9a: {  	[sflag:s30] =	ssyncadd.s32 $0xFFFFFF80  }
0x9b: {  	_ =	swait.ge [sflag:s31], $0x80  }
0x9c: {  	[sflag:s31] =	ssyncset.done $0x0  }
0x9d: {  	[sflag:s31] =	ssyncadd.s32 $0xFFFFFF80  }
0x9e: {  	[tilespmem:s11], [sflag:$0x2] =	stream.indirect.gather [hbm4b:s15+s26], $0x80, s26, s26, $0xb8;
	[tilespmem:$0x1E200] =	vst v63  }
0x9f: {  	_ =	swait.ge [sflag:s0], $0x4000  }
0xa0: {  	[sflag:s0] =	ssyncset.done $0x0  }
0xa1: {  	[sflag:s0] =	ssyncadd.s32 $0xFFFFC000  }
0xa2: {  	[spmem:s14] =	stream.indirect.scatter.add.f32 [tilespmem:s28], [sflag:$0x8], $0x80, s25, s26, $0xb8;
	[tilespmem:$0x1E200] =	vst v63  }
0xa3: {  	_ =	swait.ge [sflag:s24], $0x4000  }
0xa4: {  	s21 =	sshrl.u32 s12, $0x3;
	[sflag:s24] =	ssyncset.done $0x0  }
0xa5: {  	s22 =	sadd.s32 s13, s21;
	[sflag:s24] =	ssyncadd.s32 $0xFFFFC000  }
0xa6: {  	[tilespmem:s1], [sflag:$0x3] =	stream.linear.gather [hbm4b:s22+s1], $0x80, $0x38;
	[tilespmem:$0x1E200] =	vst v63  }
0xa7: {  	s21 =	sadd.s32 s16, s21  }
0xa8: {  	[tilespmem:s25], [sflag:$0x5] =	stream.linear.gather [hbm4b:s21+s1], $0x80, $0x38;
	[tilespmem:$0x1E200] =	vst v63  }
0xa9: {  	_ =	swait.ge [sflag:s2], $0x80  }
0xaa: {  	[sflag:s2] =	ssyncset.done $0x0  }
0xab: {  	[sflag:s2] =	ssyncadd.s32 $0xFFFFFF80  }
0xac: {  	_ =	swait.ge [sflag:s6], $0x80  }
0xad: {  	[sflag:s6] =	ssyncset.done $0x0  }
0xae: {  	[sflag:s6] =	ssyncadd.s32 $0xFFFFFF80  }
0xaf: {  	[tilespmem:s28], [sflag:$0x1] =	stream.indirect.gather [hbm4b:s15+s26], $0x80, s1, s26, $0xb8;
	[tilespmem:$0x1E200] =	vst v63  }
0xb0: {  	_ =	swait.ge [sflag:s7], $0x4000  }
0xb1: {  	[sflag:s7] =	ssyncset.done $0x0  }
0xb2: {  	[sflag:s7] =	ssyncadd.s32 $0xFFFFC000  }
0xb3: {  	[spmem:s14] =	stream.indirect.scatter.add.f32 [tilespmem:s11], [sflag:$0x8], $0x80, s29, s26, $0xb8;
	[tilespmem:$0x1E200] =	vst v63  }
.Ltmp0:
0xb4: {  	_ =	swait.ge [sflag:s24], $0x4000;
	(pc) =	sbr.rel @p0 .LBB2_2-.Ltmp0, $4  }
0xb5: {  	[sflag:s24] =	ssyncset.done $0x0  }
0xb6: {  	s21 =	sadd.s32 s20, s4;
	[sflag:s24] =	ssyncadd.s32 $0xFFFFC000  }
0xb7: {  	[tilespmem:s26], [sflag:$0x4] =	stream.linear.gather [hbm4b:s21+s1], $0x80, $0x38;
	[tilespmem:$0x1E200] =	vst v63  }
0xb8: {  	s12 =	sadd.s32 $0x100, s12;
	s20 =	sadd.s32 s20, s3  }
0xb9: {  	[tilespmem:s29], [sflag:$0x6] =	stream.linear.gather [hbm4b:s20+s1], $0x80, $0x38;
	[tilespmem:$0x1E200] =	vst v63  }
0xba: {  	_ =	swait.ge [sflag:s30], $0x80  }
0xbb: {  	[sflag:s30] =	ssyncset.done $0x0  }
0xbc: {  	[sflag:s30] =	ssyncadd.s32 $0xFFFFFF80  }
0xbd: {  	_ =	swait.ge [sflag:s31], $0x80  }
0xbe: {  	[sflag:s31] =	ssyncset.done $0x0  }
0xbf: {  	[sflag:s31] =	ssyncadd.s32 $0xFFFFFF80  }
0xc0: {  	[tilespmem:s11], [sflag:$0x2] =	stream.indirect.gather [hbm4b:s15+s26], $0x80, s26, s26, $0xb8;
	[tilespmem:$0x1E200] =	vst v63  }
0xc1: {  	_ =	swait.ge [sflag:s0], $0x4000  }
0xc2: {  	[sflag:s0] =	ssyncset.done $0x0  }
0xc3: {  	[sflag:s0] =	ssyncadd.s32 $0xFFFFC000  }
0xc4: {  	[spmem:s14] =	stream.indirect.scatter.add.f32 [tilespmem:s28], [sflag:$0x8], $0x80, s25, s26, $0xb8;
	[tilespmem:$0x1E200] =	vst v63  }
0xc5: {  	_ =	swait.ge [sflag:s24], $0x4000  }
0xc6: {  	[sflag:s24] =	ssyncset.done $0x0  }
0xc7: {  	[sflag:s24] =	ssyncadd.s32 $0xFFFFC000  }
0xc8: {  	_ =	swait.ge [sflag:s7], $0x4000  }
0xc9: {  	[sflag:s7] =	ssyncset.done $0x0  }
0xca: {  	[sflag:s7] =	ssyncadd.s32 $0xFFFFC000  }
0xcb: {  	[spmem:s14] =	stream.indirect.scatter.add.f32 [tilespmem:s11], [sflag:$0x8], $0x80, s29, s26, $0xb8;
	[tilespmem:$0x1E200] =	vst v63  }
0xcc: {  	_ =	swait.ge [sflag:s24], $0x4000  }
0xcd: {  	[sflag:s24] =	ssyncset.done $0x0  }
0xce: {  	[sflag:s24] =	ssyncadd.s32 $0xFFFFC000  }
0xcf: {  	[bflag:$0x0] =	sbarrier.arrive $0xFFFF  }
0xd0: {  	[tilespmem:s8], [sflag:$0x8] =	stream.linear.gather [spmem:s18], $0x2000, $0x38;
	[tilespmem:$0x1E200] =	vst v63  }
0xd1: {  	_ =	swait.ge [sflag:s24], $0x2000  }
0xd2: {  	[sflag:s24] =	ssyncset.done $0x0  }
0xd3: {  	s10 =	rddreg [dreg:$0x4];
	[sflag:s24] =	ssyncadd.s32 $0xFFFFE000  }
0xd4: {  	[hbm4b:s10+s1] =	stream.linear.scatter [tilespmem:s8], [sflag:$0x8], $0x2000, $0x38;
	[tilespmem:$0x1E200] =	vst v63  }
0xd5: {  	_ =	swait.ge [sflag:s24], $0x2000  }
0xd6: {  	[sflag:s24] =	ssyncset.done $0x0  }
0xd7: {  	s20 =	rddreg [dreg:$0x13];
	[sflag:s24] =	ssyncadd.s32 $0xFFFFE000  }
0xd8: {  	[tilespmem:s8], [sflag:$0x8] =	stream.linear.gather [spmem:s20], $0x2000, $0x38;
	[tilespmem:$0x1E200] =	vst v63  }
0xd9: {  	_ =	swait.ge [sflag:s24], $0x2000  }
0xda: {  	[sflag:s24] =	ssyncset.done $0x0  }
0xdb: {  	s21 =	rddreg [dreg:$0x5];
	[sflag:s24] =	ssyncadd.s32 $0xFFFFE000  }
0xdc: {  	[hbm4b:s21+s1] =	stream.linear.scatter [tilespmem:s8], [sflag:$0x8], $0x2000, $0x38;
	[tilespmem:$0x1E200] =	vst v63  }
0xdd: {  	_ =	swait.ge [sflag:s24], $0x2000  }
0xde: {  	[sflag:s24] =	ssyncset.done $0x0  }
0xdf: {  	s22 =	rddreg [dreg:$0x14];
	[sflag:s24] =	ssyncadd.s32 $0xFFFFE000  }
0xe0: {  	[tilespmem:s8], [sflag:$0x8] =	stream.linear.gather [spmem:s22], $0x2000, $0x38;
	[tilespmem:$0x1E200] =	vst v63  }
0xe1: {  	_ =	swait.ge [sflag:s24], $0x2000  }
0xe2: {  	[sflag:s24] =	ssyncset.done $0x0  }
0xe3: {  	s12 =	rddreg [dreg:$0x6];
	[sflag:s24] =	ssyncadd.s32 $0xFFFFE000  }
0xe4: {  	[hbm4b:s12+s1] =	stream.linear.scatter [tilespmem:s8], [sflag:$0x8], $0x2000, $0x38;
	[tilespmem:$0x1E200] =	vst v63  }
0xe5: {  	_ =	swait.ge [sflag:s24], $0x2000  }
0xe6: {  	[sflag:s24] =	ssyncset.done $0x0  }
0xe7: {  	s20 =	rddreg [dreg:$0x15];
	[sflag:s24] =	ssyncadd.s32 $0xFFFFE000  }
0xe8: {  	[tilespmem:s8], [sflag:$0x8] =	stream.linear.gather [spmem:s20], $0x2000, $0x38;
	[tilespmem:$0x1E200] =	vst v63  }
0xe9: {  	_ =	swait.ge [sflag:s24], $0x2000  }
0xea: {  	[sflag:s24] =	ssyncset.done $0x0  }
0xeb: {  	s21 =	rddreg [dreg:$0x7];
	[sflag:s24] =	ssyncadd.s32 $0xFFFFE000  }
0xec: {  	[hbm4b:s21+s1] =	stream.linear.scatter [tilespmem:s8], [sflag:$0x8], $0x2000, $0x38;
	[tilespmem:$0x1E200] =	vst v63  }
0xed: {  	_ =	swait.ge [sflag:s24], $0x2000  }
0xee: {  	[sflag:s24] =	ssyncset.done $0x0  }
0xef: {  	s22 =	rddreg [dreg:$0x16];
	[sflag:s24] =	ssyncadd.s32 $0xFFFFE000  }
0xf0: {  	[tilespmem:s8], [sflag:$0x8] =	stream.linear.gather [spmem:s22], $0x2000, $0x38;
	[tilespmem:$0x1E200] =	vst v63  }
0xf1: {  	_ =	swait.ge [sflag:s24], $0x2000  }
0xf2: {  	[sflag:s24] =	ssyncset.done $0x0  }
0xf3: {  	s12 =	rddreg [dreg:$0x8];
	[sflag:s24] =	ssyncadd.s32 $0xFFFFE000  }
0xf4: {  	[hbm4b:s12+s1] =	stream.linear.scatter [tilespmem:s8], [sflag:$0x8], $0x2000, $0x38;
	[tilespmem:$0x1E200] =	vst v63  }
0xf5: {  	_ =	swait.ge [sflag:s24], $0x2000  }
0xf6: {  	[sflag:s24] =	ssyncset.done $0x0  }
0xf7: {  	s20 =	rddreg [dreg:$0x17];
	[sflag:s24] =	ssyncadd.s32 $0xFFFFE000  }
0xf8: {  	[tilespmem:s8], [sflag:$0x8] =	stream.linear.gather [spmem:s20], $0x2000, $0x38;
	[tilespmem:$0x1E200] =	vst v63  }
0xf9: {  	_ =	swait.ge [sflag:s24], $0x2000  }
0xfa: {  	[sflag:s24] =	ssyncset.done $0x0  }
0xfb: {  	s21 =	rddreg [dreg:$0x9];
	[sflag:s24] =	ssyncadd.s32 $0xFFFFE000  }
0xfc: {  	[hbm4b:s21+s1] =	stream.linear.scatter [tilespmem:s8], [sflag:$0x8], $0x2000, $0x38;
	[tilespmem:$0x1E200] =	vst v63  }
0xfd: {  	_ =	swait.ge [sflag:s24], $0x2000  }
0xfe: {  	[sflag:s24] =	ssyncset.done $0x0  }
0xff: {  	s22 =	rddreg [dreg:$0x18];
	[sflag:s24] =	ssyncadd.s32 $0xFFFFE000  }
0x100: {  	[tilespmem:s8], [sflag:$0x8] =	stream.linear.gather [spmem:s22], $0x2000, $0x38;
	[tilespmem:$0x1E200] =	vst v63  }
0x101: {  	_ =	swait.ge [sflag:s24], $0x2000  }
0x102: {  	[sflag:s24] =	ssyncset.done $0x0  }
0x103: {  	s12 =	rddreg [dreg:$0xa];
	[sflag:s24] =	ssyncadd.s32 $0xFFFFE000  }
0x104: {  	[hbm4b:s12+s1] =	stream.linear.scatter [tilespmem:s8], [sflag:$0x8], $0x2000, $0x38;
	[tilespmem:$0x1E200] =	vst v63  }
0x105: {  	_ =	swait.ge [sflag:s24], $0x2000  }
0x106: {  	[sflag:s24] =	ssyncset.done $0x0  }
0x107: {  	s20 =	rddreg [dreg:$0x19];
	[sflag:s24] =	ssyncadd.s32 $0xFFFFE000  }
0x108: {  	[tilespmem:s8], [sflag:$0x8] =	stream.linear.gather [spmem:s20], $0x2000, $0x38;
	[tilespmem:$0x1E200] =	vst v63  }
0x109: {  	_ =	swait.ge [sflag:s24], $0x2000  }
0x10a: {  	[sflag:s24] =	ssyncset.done $0x0  }
0x10b: {  	s21 =	rddreg [dreg:$0xb];
	[sflag:s24] =	ssyncadd.s32 $0xFFFFE000  }
0x10c: {  	[hbm4b:s21+s1] =	stream.linear.scatter [tilespmem:s8], [sflag:$0x8], $0x2000, $0x38;
	[tilespmem:$0x1E200] =	vst v63  }
0x10d: {  	_ =	swait.ge [sflag:s24], $0x2000  }
0x10e: {  	[sflag:s24] =	ssyncset.done $0x0  }
0x10f: {  	s22 =	rddreg [dreg:$0x1a];
	[sflag:s24] =	ssyncadd.s32 $0xFFFFE000  }
0x110: {  	[tilespmem:s8], [sflag:$0x8] =	stream.linear.gather [spmem:s22], $0x2000, $0x38;
	[tilespmem:$0x1E200] =	vst v63  }
0x111: {  	_ =	swait.ge [sflag:s24], $0x2000  }
0x112: {  	[sflag:s24] =	ssyncset.done $0x0  }
0x113: {  	s12 =	rddreg [dreg:$0xc];
	[sflag:s24] =	ssyncadd.s32 $0xFFFFE000  }
0x114: {  	[hbm4b:s12+s1] =	stream.linear.scatter [tilespmem:s8], [sflag:$0x8], $0x2000, $0x38;
	[tilespmem:$0x1E200] =	vst v63  }
0x115: {  	_ =	swait.ge [sflag:s24], $0x2000  }
0x116: {  	[sflag:s24] =	ssyncset.done $0x0  }
0x117: {  	s20 =	rddreg [dreg:$0x1b];
	[sflag:s24] =	ssyncadd.s32 $0xFFFFE000  }
0x118: {  	[tilespmem:s8], [sflag:$0x8] =	stream.linear.gather [spmem:s20], $0x2000, $0x38;
	[tilespmem:$0x1E200] =	vst v63  }
0x119: {  	_ =	swait.ge [sflag:s24], $0x2000  }
0x11a: {  	[sflag:s24] =	ssyncset.done $0x0  }
0x11b: {  	s21 =	rddreg [dreg:$0xd];
	[sflag:s24] =	ssyncadd.s32 $0xFFFFE000  }
0x11c: {  	[hbm4b:s21+s1] =	stream.linear.scatter [tilespmem:s8], [sflag:$0x8], $0x2000, $0x38;
	[tilespmem:$0x1E200] =	vst v63  }
0x11d: {  	_ =	swait.ge [sflag:s24], $0x2000  }
0x11e: {  	s9 =	sadd.s32 $0x1, s9;
	s22 =	rddreg [dreg:$0x12]  }
0x11f: {  	p0 =	sne.s32 s9, s22  }
.Ltmp1:
0x120: {  	_ = 	snop;
	(pc) =	sbr.rel @p0 .LBB2_1-.Ltmp1, $3  }
0x121: {  	_ =	sdelay $0x1  }
0x122: {  	[sflag:s24] =	ssyncset.done $0x0  }
0x123: {  	[sflag:s24] =	ssyncadd.s32 $0xFFFFE000  }
0x124: {  	_ =	sfence.sel $0x180000  }
0x125: {  	[bflag:$0x0] =	sbarrier.arrive $0xFFFF  }
0x126: {  	_ =	strace $0x90000050  }
0x127: {  	s0 =	stileid.u32;
	[bflag:$0x2] =	sbarrier.arrive $0xFFFF  }
0x128: {  	p0 =	sne.s32 s0, $0x0;
	s0 =	rddreg [dreg:$0x3]  }
0x129: {  	s0 =	sadd.s32 @!p0 $0x100000, s0  }
0x12a: {  	[sflag:s0] =	ssyncadd.tile.s32 @!p0 $0x1;
	_ =	shalt  }
.Lfunc_end2:
_tile_overlayer_lowered:
.L_overlay_start_2:
0x12b: {  	(tag) =	ssettag $0x2  }
0x12c: {  	s0 =	rddreg [dreg:$0x0];
	s2 =	stileid.u32  }
0x12d: {  	s1 =	rddreg [dreg:$0x1];
	p0 =	sne.s32 s2, $0x0  }
0x12e: {  	s3 =	rddreg [dreg:$0x2];
	[bflag:$0x3] =	sbarrier.arrive $0xFFFF;
	s2 =	simm.s32 @!p0 $0x1C08  }
0x12f: {  	[timem:s3], [sflag:s2] =	dma.local @!p0 [hbm:s0], s1  }
0x130: {  	s0 =	simm.s32 @!p0 $0x8  }
0x131: {  	_ =	swait.ge @!p0 [sflag:s0], s1  }
0x132: {  	s1 =	ssub.s32 @!p0 $0x0, s1;
	[sflag:s0] =	ssyncset.done @!p0 $0x0  }
0x133: {  	[sflag:s0] =	ssyncadd.s32 @!p0 s1  }
0x134: {  	[bflag:$0x3] =	sbarrier.arrive $0xFFFF  }
0x135: {  	_ =	shalt  }

// kernel: kernel.23.cloned.1.call-start
scs
__scs_entry_jumppad:
0x0: {  	(pc) =	sbr.rel $0x88, $3  }
0x1: {  	(tag) =	ssettag $0x0;
	lr =	simm.s32 $0x1  }
0x2: {  	[smem:$0x3F98] =	sst lr;
	_ =	strace $0xD0000000  }
0x3: {  	_ = 	snop  }
0x4: {  	_ = 	snop  }
0x5: {  	_ = 	snop  }
0x6: {  	_ = 	snop  }
0x7: {  	_ = 	snop  }
__scs_overlays_trampoline_lowered:
0x8: {  	[smem:$0x3FA7] =	sst s0  }
0x9: {  	[smem:$0x3FA8] =	sst s1  }
0xa: {  	[smem:$0x3FA9] =	sst s2  }
0xb: {  	[smem:$0x3FAA] =	sst s3  }
0xc: {  	[smem:$0x3FAB] =	sst s4  }
0xd: {  	[smem:$0x3FAC] =	sst s5  }
0xe: {  	[smem:$0x3FAD] =	sst s6  }
0xf: {  	[smem:$0x3FAE] =	sst s7  }
0x10: {  	[smem:$0x3FAF] =	sst s8  }
0x11: {  	[smem:$0x3FB0] =	sst s9;
	s0 =	simm.s32 @!p0 $0x0  }
0x12: {  	s1 =	sld [smem:$0x3F96];
	s0 =	simm.s32 @p0 $0x1  }
0x13: {  	[smem:$0x3FB1] =	sst s0;
	s0 =	simm.s32 @!p1 $0x0  }
0x14: {  	s2 =	sld [smem:$0x3F95];
	s0 =	simm.s32 @p1 $0x1  }
0x15: {  	[smem:$0x3FB2] =	sst s0;
	s0 =	simm.s32 @!p2 $0x0  }
0x16: {  	s3 =	sld [smem:$0x3FDB];
	s0 =	simm.s32 @p2 $0x1  }
0x17: {  	s4 =	simm.s32 $0x1BF5;
	[smem:$0x3FB4] =	sst s0  }
0x18: {  	s0 =	sld [smem:$0x3F97];
	_ =	swait.ge [sflag:s4], $0x0  }
0x19: {  	s7 =	sld [smem:$0x3F98]  }
0x1a: {  	s8 =	sadd.s32 $0xFFFFE003, lr  }
0x1b: {  	s9 =	sadd.s32 $0xFFFFFEF7, lr;
	s5 =	simm.s32 $0xFFFFFFFF;
	p2 =	slt.u32 s8, $0xFFFFF086  }
0x1c: {  	p1 =	slt.u32 s9, $0xF7A;
	s5 =	simm.s32 @!p2 $0x0  }
0x1d: {  	s5 =	simm.s32 @p1 $0x1;
	p0 =	seq.s32 s7, s2  }
0x1e: {  	s7 =	smul.u32 @!p0 $0xF7A, s2;
	p2 =	seq.s32 @!p0 s5, $0x0  }
0x1f: {  	s9 =	smul.u32 $0xF7A, s1;
	s8 =	simm.s32 @!p0 $0x1BF5;
	p2 =	por !p2, p0  }
0x20: {  	[sflag:s8] =	ssyncset.s32 @!p0 $0xFFFFF086;
	s6 =	sadd.s32 @!p0 s3, s7;
	s7 =	simm.s32 @!p0 $0x108  }
0x21: {  	s3 =	sadd.s32 s3, s9;
	s6 =	sadd.s32 @!p0 $0x88, s6;
	s7 =	simm.s32 @p2 $0x1082  }
0x22: {  	[simem:s7], [sflag:s8] =	dma.local @!p0 [hbm:s6], $0xF7A  }
0x23: {  	s9 =	sor.u32 $0xD0000000, s2;
	s6 =	simm.s32 $0x108;
	_ =	swait.ge @!p0 [sflag:s8], $0x0  }
0x24: {  	s3 =	sadd.s32 $0x88, s3;
	s6 =	simm.s32 @!p1 $0x1082;
	[sflag:s4] =	ssyncset.s32 $0xFFFFF086  }
0x25: {  	[simem:s6], [sflag:s4] =	dma.local [hbm:s3], $0xF7A  }
0x26: {  	[smem:$0x3F98] =	sst s1;
	(tag) =	ssettag s2;
	_ =	strace s9  }
0x27: {  	s1 =	sld [smem:$0x3FA8]  }
0x28: {  	s2 =	sld [smem:$0x3FA9]  }
0x29: {  	s4 =	sld [smem:$0x3FAB]  }
0x2a: {  	p0 =	seq.s32 s5, $0x0;
	s5 =	sld [smem:$0x3FAC]  }
0x2b: {  	s6 =	sld [smem:$0x3FAD]  }
0x2c: {  	s7 =	sld [smem:$0x3FAE]  }
0x2d: {  	s3 =	simm.s32 $0x108;
	s8 =	sld [smem:$0x3FAF]  }
0x2e: {  	s3 =	simm.s32 @!p0 $0x1082;
	s9 =	sld [smem:$0x3FB0]  }
0x2f: {  	lr =	sadd.s32 s0, s3;
	s0 =	sld [smem:$0x3FA7]  }
0x30: {  	s3 =	sld [smem:$0x3FAA]  }
0x31: {  	[smem:$0x3FB3] =	sst s10  }
0x32: {  	s10 =	sld [smem:$0x3FB1];
	_ =	sdelay $0x3  }
0x33: {  	p0 =	seq.s32 s10, $0x1;
	s10 =	sld [smem:$0x3FB3];
	_ =	sdelay $0x3  }
0x34: {  	[smem:$0x3FB3] =	sst s10  }
0x35: {  	s10 =	sld [smem:$0x3FB2];
	_ =	sdelay $0x3  }
0x36: {  	p1 =	seq.s32 s10, $0x1;
	s10 =	sld [smem:$0x3FB3];
	_ =	sdelay $0x3  }
0x37: {  	[smem:$0x3FB3] =	sst s10  }
0x38: {  	s10 =	sld [smem:$0x3FB4]  }
0x39: {  	_ = 	snop;
	(pc) =	sbr.ind lr, $3  }
0x3a: {  	_ = 	snop  }
0x3b: {  	_ = 	snop  }
0x3c: {  	p2 =	seq.s32 s10, $0x1;
	s10 =	sld [smem:$0x3FB3]  }
0x3d: {  	_ =	shalt  }
0x3e: {  	_ =	shalt  }
0x3f: {  	_ =	shalt  }
0x40: {  	_ =	shalt  }
0x41: {  	_ =	shalt  }
0x42: {  	_ =	shalt  }
0x43: {  	_ =	shalt  }
0x44: {  	_ =	shalt  }
0x45: {  	_ =	shalt  }
0x46: {  	_ =	shalt  }
0x47: {  	_ =	shalt  }
0x48: {  	_ =	shalt  }
0x49: {  	_ =	shalt  }
0x4a: {  	_ =	shalt  }
0x4b: {  	_ =	shalt  }
0x4c: {  	_ =	shalt  }
0x4d: {  	_ =	shalt  }
0x4e: {  	_ =	shalt  }
0x4f: {  	_ =	shalt  }
0x50: {  	_ =	shalt  }
0x51: {  	_ =	shalt  }
0x52: {  	_ =	shalt  }
0x53: {  	_ =	shalt  }
0x54: {  	_ =	shalt  }
0x55: {  	_ =	shalt  }
0x56: {  	_ =	shalt  }
0x57: {  	_ =	shalt  }
0x58: {  	_ =	shalt  }
0x59: {  	_ =	shalt  }
0x5a: {  	_ =	shalt  }
0x5b: {  	_ =	shalt  }
0x5c: {  	_ =	shalt  }
0x5d: {  	_ =	shalt  }
0x5e: {  	_ =	shalt  }
0x5f: {  	_ =	shalt  }
0x60: {  	_ =	shalt  }
0x61: {  	_ =	shalt  }
0x62: {  	_ =	shalt  }
0x63: {  	_ =	shalt  }
0x64: {  	_ =	shalt  }
0x65: {  	_ =	shalt  }
0x66: {  	_ =	shalt  }
0x67: {  	_ =	shalt  }
0x68: {  	_ =	shalt  }
0x69: {  	_ =	shalt  }
0x6a: {  	_ =	shalt  }
0x6b: {  	_ =	shalt  }
0x6c: {  	_ =	shalt  }
0x6d: {  	_ =	shalt  }
0x6e: {  	_ =	shalt  }
0x6f: {  	_ =	shalt  }
0x70: {  	_ =	shalt  }
0x71: {  	_ =	shalt  }
0x72: {  	_ =	shalt  }
0x73: {  	_ =	shalt  }
0x74: {  	_ =	shalt  }
0x75: {  	_ =	shalt  }
0x76: {  	_ =	shalt  }
0x77: {  	_ =	shalt  }
0x78: {  	_ =	shalt  }
0x79: {  	_ =	shalt  }
0x7a: {  	_ =	shalt  }
0x7b: {  	_ =	shalt  }
0x7c: {  	_ =	shalt  }
0x7d: {  	_ =	shalt  }
0x7e: {  	_ =	shalt  }
0x7f: {  	_ =	shalt  }
0x80: {  	_ =	shalt  }
0x81: {  	_ =	shalt  }
0x82: {  	_ =	shalt  }
0x83: {  	_ =	shalt  }
0x84: {  	_ =	shalt  }
0x85: {  	_ =	shalt  }
0x86: {  	_ =	shalt  }
0x87: {  	_ =	shalt  }
.Lfunc_end0:
.L_simem_size_0:
called_computation.4_lowered:
.L_overlay_start_0:
0x88: {  	s2 =	sld [smem:$0x3FD9]  }
0x89: {  	s3 =	sld [smem:$0x3FFE];
	_ =	sdelay $0x1  }
0x8a: {  	s1 =	srdreg.scid  }
0x8b: {  	s0 =	sand.u32 $0x1, s1  }
0x8c: {  	s14 =	sshll.u32 s0, $0xA;
	s2 =	sadd.s32 s3, s2  }
0x8d: {  	s2 =	sadd.s32 s2, s14  }
0x8e: {  	[smem:$0x3FBF] =	sst s2  }
0x8f: {  	_ = 	snop  }
0x90: {  	s2 =	sld [smem:$0x3FD0];
	_ =	sdelay $0x2  }
0x91: {  	s15 =	simm.s32 $0xB;
	s4 =	simm.s32 $0x10  }
0x92: {  	[smem:s4], [sflag:s15] =	dma.local [hbm:s2], $0x1  }
0x93: {  	_ =	swait.eq [sflag:s15], $0x1  }
0x94: {  	[sflag:s15] =	ssyncset.done $0x0  }
0x95: {  	[sflag:s15] =	ssyncadd.s32 $0xFFFFFFFF  }
0x96: {  	s16 =	sld [smem:$0x10];
	(tm) =	ssettm $0x1  }
0x97: {  	s17 =	sld [smem:$0x3FFB];
	_ =	sdelay $0x3  }
0x98: {  	_ =	strace s17  }
0x99: {  	s3 =	sld [smem:$0x3FFC];
	_ =	sdelay $0x3  }
0x9a: {  	_ =	strace s3  }
0x9b: {  	s3 =	sld [smem:$0x3FFD];
	_ =	sdelay $0x3  }
0x9c: {  	_ =	strace s3  }
0x9d: {  	_ =	strace $0x8FFFFFFF  }
0x9e: {  	s18 =	sld [smem:$0x3FDB];
	_ =	sdelay $0x1  }
0x9f: {  	s19 =	simm.s32 $_scs_section_size  }
0xa0: {  	s5 =	simm.s32 $_size__tile_overlayer_lowered;
	s6 =	simm.s32 $_tile_overlayer_lowered  }
0xa1: {  	s22 =	simm.s32 $0x1BFF;
	s21 =	sshll.u32 s6, $0x1;
	s3 =	sadd.s32 s19, s18  }
0xa2: {  	s7 =	simm.s32 $0x0;
	s20 =	sshll.u32 s5, $0x1;
	s5 =	sadd.s32 s21, s3  }
0xa3: {  	[timem:s7], [sflag:s22] =	dma.local [hbm:s5], s20  }
0xa4: {  	_ =	swait.ge [sflag:s22], s20  }
0xa5: {  	s4 =	ssub.s32 $0x0, s20;
	[sflag:s22] =	ssyncset.done $0x0  }
0xa6: {  	[sflag:s22] =	ssyncadd.s32 s4;
	_ =	sdelay $0x1  }
0xa7: {  	s23 =	simm.s32 $0x1B8B  }
0xa8: {  	_ =	swait.ge [sflag:s23], $0x1  }
0xa9: {  	[sflag:s23] =	ssyncset.done $0x0  }
0xaa: {  	s25 =	simm.s32 $0x1B8E;
	s24 =	sld [smem:$0x3FFE];
	[sflag:s23] =	ssyncadd.s32 $0xFFFFFFFF  }
0xab: {  	s26 =	simm.s32 $execute0_lowered;
	[smem:$0x3FD2] =	sst s25  }
0xac: {  	s5 =	sshll.u32 s26, $0x1;
	_ =	strace $0x80000052;
	[dreg:$0x1] =	wrdreg $0xFFFFFFFF  }
0xad: {  	s28 =	simm.s32 $_size_execute0_lowered;
	s3 =	sadd.s32 s3, s5;
	[dreg:$0x0] =	wrdreg $0x0  }
0xae: {  	s5 =	sshll.u32 s28, $0x1;
	[dreg:$0x2] =	wrdreg s3  }
0xaf: {  	[dreg:$0x3] =	wrdreg s5  }
0xb0: {  	[dreg:$0x4] =	wrdreg $0xC0  }
0xb1: {  	_ =	task [dreg:s7], $0x5FFFF  }
0xb2: {  	[dreg:$0x1] =	wrdreg $0xFFFFFFFF  }
0xb3: {  	[dreg:$0x0] =	wrdreg $0x60  }
0xb4: {  	[dreg:$0x2] =	wrdreg s24  }
0xb5: {  	[dreg:$0x3] =	wrdreg s16  }
0xb6: {  	[dreg:$0x4] =	wrdreg $0xA2000  }
0xb7: {  	[dreg:$0x5] =	wrdreg $0x9  }
0xb8: {  	_ =	task.clear_ibuf [dreg:s7], $0x6FFFF;
	_ =	strace $0x90000052  }
0xb9: {  	s29 =	simm.s32 $0x9;
	_ =	strace $0x80000054  }
0xba: {  	_ =	swait.ge [sflag:s29], $0x1  }
0xbb: {  	[sflag:s29] =	ssyncadd.s32 $0xFFFFFFFF  }
0xbc: {  	_ =	strace $0x90000054  }
0xbd: {  	_ =	sfence  }
0xbe: {  	s30 =	sld [smem:$0x0];
	_ =	sdelay $0x2  }
0xbf: {  	s31 =	sshll.u32 s1, $0xD;
	s1 =	sshrl.u32 s1, $0x2  }
0xc0: {  	s3 =	sand.u32 $0x4000, s31;
	s1 =	sadd.s32 s1, s30  }
0xc1: {  	s0 =	sor.u32 s3, s0;
	s1 =	sshll.u32 s1, $0x11  }
0xc2: {  	s0 =	sor.u32 s1, s0  }
0xc3: {  	s0 =	sadd.s32 $0x8F2B, s0  }
0xc4: {  	[sflag:s0] =	ssyncadd.remote.s32 $0x1  }
0xc5: {  	_ =	sfence.sel $0xFFFF  }
0xc6: {  	[dreg:$0x0] =	wrdreg $0xFFFFFFFF;
	(pc) =	sbr.abs _section_cstart, $3  }
0xc7: {  	[dreg:$0x1] =	wrdreg $0xFFFFFFFF  }
0xc8: {  	_ =	task.clear_ibuf [dreg:s7], $0x2FFFF;
	_ =	strace $0x9FFFFFFF  }
0xc9: {  	(tm) =	ssettm $0x7FFFFFFF  }
tec
execute0_lowered:
.L_overlay_start_1:
0x0: {  	(tag) =	ssettag $0x1  }
0x1: {  	s0 =	srdreg.scid;
	s19 =	stileid.u32  }
0x2: {  	s4 =	rddreg [dreg:$0x0];
	s1 =	simm.s32 $0x0;
	s5 =	smul.u32 $0x14000, s19  }
0x3: {  	s28 =	simm.s32 $0x200;
	s2 =	sand.u32 $0x1, s0;
	s18 =	smul.u32 $0x2F00, s19  }
0x4: {  	s29 =	simm.s32 $0x180;
	[smem:$0x7FF] =	sst s1;
	s3 =	smul.u32 $0x140000, s2  }
0x5: {  	s6 =	sadd.s32 $0x3EE00, s4;
	s7 =	ssub.s32 $0x2, s2;
	s17 =	smul.u32 $0x2F000, s2  }
0x6: {  	s2 =	sshll.u32 s2, $0x4;
	s0 =	sor.u32 $0x2000, s5;
	s9 =	sshrl.u32 s7, $0x1  }
0x7: {  	s12 =	sadd.s32 $0x8000, s5;
	s20 =	sadd.s32 $0xE000, s5;
	s21 =	sadd.s32 $0x10000, s5  }
0x8: {  	s2 =	sor.u32 s19, s2;
	s8 =	sadd.s32 s3, s5;
	s10 =	sadd.s32 s3, s0  }
0x9: {  	s7 =	ssub.s32 s7, s9;
	s9 =	sadd.s32 $0x6000, s5;
	s13 =	sadd.s32 s3, s12  }
0xa: {  	s15 =	sadd.s32 s3, s20;
	s16 =	sadd.s32 s3, s21;
	s8 =	sshrl.u32 s8, $0x3  }
0xb: {  	s2 =	smul.u32 $0x2F00, s2;
	s22 =	sshrl.u32 s10, $0x3;
	s8 =	sadd.s32 s6, s8  }
0xc: {  	s11 =	sadd.s32 s3, s9;
	[dreg:$0x4] =	wrdreg s8;
	s8 =	sadd.s32 s6, s22  }
0xd: {  	s25 =	sshrl.u32 s13, $0x3;
	[dreg:$0x5] =	wrdreg s8;
	s8 =	sadd.s32 $0x4000, s5  }
0xe: {  	s15 =	sshrl.u32 s15, $0x3;
	s11 =	sshrl.u32 s11, $0x3;
	s23 =	sadd.s32 s3, s8  }
0xf: {  	s2 =	sshrl.u32 s2, $0x3;
	s24 =	sadd.s32 s6, s11;
	s10 =	sshrl.u32 s23, $0x3  }
0x10: {  	s11 =	sadd.s32 $0xC000, s5;
	[dreg:$0x7] =	wrdreg s24;
	s10 =	sadd.s32 s6, s10  }
0x11: {  	s14 =	sadd.s32 s3, s11;
	[dreg:$0x6] =	wrdreg s10;
	s10 =	sadd.s32 s6, s25  }
0x12: {  	s14 =	sshrl.u32 s14, $0x3;
	[dreg:$0x8] =	wrdreg s10;
	s10 =	sadd.s32 $0xA000, s5  }
0x13: {  	s14 =	sadd.s32 s6, s14;
	s5 =	sadd.s32 $0x12000, s5;
	s26 =	sadd.s32 s3, s10  }
0x14: {  	[dreg:$0xa] =	wrdreg s14;
	s3 =	sadd.s32 s3, s5;
	s13 =	sshrl.u32 s26, $0x3  }
0x15: {  	s14 =	rddreg [dreg:$0x2];
	s3 =	sshrl.u32 s3, $0x3;
	s13 =	sadd.s32 s6, s13  }
0x16: {  	s22 =	smul.u32 $0x50000, s19;
	s3 =	sadd.s32 s6, s3;
	[dreg:$0x9] =	wrdreg s13  }
0x17: {  	s25 =	sor.u32 $0x10, s2;
	s13 =	sadd.s32 s6, s15;
	[dreg:$0xd] =	wrdreg s3  }
0x18: {  	s15 =	sadd.s32 $0x16E00, s4;
	[dreg:$0xb] =	wrdreg s13;
	s13 =	sshrl.u32 s16, $0x3  }
0x19: {  	s3 =	sshrl.u32 s22, $0x2;
	s16 =	sadd.s32 $0xB200, s4;
	s13 =	sadd.s32 s6, s13  }
0x1a: {  	s6 =	sadd.s32 s18, s17;
	s17 =	sadd.s32 $0x3C00, s4;
	[dreg:$0xc] =	wrdreg s13  }
0x1b: {  	s18 =	sadd.s32 s3, s14;
	s3 =	sadd.s32 s16, s25;
	s13 =	rddreg [dreg:$0x1]  }
0x1c: {  	s4 =	smax.u32 s7, $0x1;
	_ =	strace $0x80000053;
	[dreg:$0x11] =	wrdreg s3  }
0x1d: {  	s30 =	simm.s32 $0x4;
	s0 =	sadd.s32 s0, s14;
	[dreg:$0x12] =	wrdreg s4  }
0x1e: {  	s31 =	simm.s32 $0x6;
	s7 =	sadd.s32 s8, s14;
	[dreg:$0x13] =	wrdreg s0  }
0x1f: {  	s23 =	sshll.u32 s19, $0x6;
	s8 =	sadd.s32 s9, s14;
	[dreg:$0x14] =	wrdreg s7  }
0x20: {  	s19 =	sor.u32 $0x1C07, s23;
	s9 =	sadd.s32 s12, s14;
	[dreg:$0x15] =	wrdreg s8  }
0x21: {  	s23 =	sadd.s32 s20, s14;
	s12 =	sadd.s32 s10, s14;
	[dreg:$0x16] =	wrdreg s9  }
0x22: {  	s22 =	sadd.s32 s11, s14;
	s10 =	sadd.s32 $0x8000, s18;
	[dreg:$0x17] =	wrdreg s12  }
0x23: {  	s11 =	sadd.s32 $0xA000, s18;
	s24 =	sadd.s32 s13, s2;
	[dreg:$0x18] =	wrdreg s22  }
0x24: {  	s2 =	sadd.s32 s16, s2;
	s26 =	sadd.s32 s13, s25;
	[dreg:$0x19] =	wrdreg s23  }
0x25: {  	s25 =	sadd.s32 s21, s14;
	s7 =	sadd.s32 $0x6000, s18;
	[dreg:$0xe] =	wrdreg s24  }
0x26: {  	s12 =	sadd.s32 $0xC000, s18;
	s20 =	sshrl.u32 s11, $0x3;
	[dreg:$0xf] =	wrdreg s2  }
0x27: {  	s22 =	sadd.s32 $0xE000, s18;
	s23 =	sadd.s32 $0x10000, s18;
	[dreg:$0x10] =	wrdreg s26  }
0x28: {  	s11 =	simm.s32 $0x4200;
	s24 =	sadd.s32 $0x180, s6;
	[dreg:$0x1a] =	wrdreg s25  }
0x29: {  	s26 =	sadd.s32 s5, s14;
	s5 =	sadd.s32 $0x100, s6;
	s2 =	sadd.s32 $0x2000, s18  }
0x2a: {  	s6 =	sadd.s32 $0x4000, s18;
	s9 =	sshrl.u32 s7, $0x3;
	[smem:$0x7F9] =	sst s20  }
0x2b: {  	s21 =	sshrl.u32 s12, $0x3;
	s25 =	sshrl.u32 s23, $0x3;
	[dreg:$0x1b] =	wrdreg s26  }
0x2c: {  	s23 =	simm.s32 $0x7;
	s7 =	simm.s32 $0x2;
	[dreg:$0x1e] =	wrdreg s9  }
0x2d: {  	s0 =	sshrl.u32 s24, $0x3;
	s8 =	sshrl.u32 s6, $0x3;
	[smem:$0x7FA] =	sst s21  }
0x2e: {  	s24 =	sadd.s32 $0x12000, s18;
	[smem:$0x7FC] =	sst s25;
	s25 =	simm.s32 $0x100  }
0x2f: {  	s6 =	simm.s32 $0x5;
	s9 =	simm.s32 $0x0;
	s3 =	sadd.s32 s0, s16  }
0x30: {  	s4 =	sadd.s32 s0, s13;
	s0 =	sshrl.u32 s2, $0x3;
	[dreg:$0x1d] =	wrdreg s8  }
0x31: {  	s26 =	sshrl.u32 s24, $0x3;
	s24 =	simm.s32 $0x8;
	[dreg:$0x1c] =	wrdreg s0  }
0x32: {  	s2 =	simm.s32 $0x3;
	s0 =	sshrl.u32 s10, $0x3;
	[smem:$0x7FD] =	sst s26  }
0x33: {  	s8 =	simm.s32 $0x8200;
	[dreg:$0x1f] =	wrdreg s0;
	s0 =	sshrl.u32 s22, $0x3  }
0x34: {  	s26 =	simm.s32 $0x80;
	[smem:$0x7FB] =	sst s0;
	s0 =	simm.s32 $0x1  }
.LBB2_1:
0x35: {  	s10 =	sshrl.u32 s18, $0x3  }
0x36: {  	[spmem:s10], [sflag:s19] =	dma.local [hbm:s17], $0x400  }
0x37: {  	s10 =	rddreg [dreg:$0x1c]  }
0x38: {  	[spmem:s10], [sflag:s19] =	dma.local [hbm:s17], $0x400  }
0x39: {  	s10 =	rddreg [dreg:$0x1d]  }
0x3a: {  	[spmem:s10], [sflag:s19] =	dma.local [hbm:s17], $0x400  }
0x3b: {  	s10 =	rddreg [dreg:$0x1e]  }
0x3c: {  	[spmem:s10], [sflag:s19] =	dma.local [hbm:s17], $0x400  }
0x3d: {  	s10 =	rddreg [dreg:$0x1f]  }
0x3e: {  	[spmem:s10], [sflag:s19] =	dma.local [hbm:s17], $0x400  }
0x3f: {  	s10 =	sld [smem:$0x7F9];
	_ =	sdelay $0x2  }
0x40: {  	[spmem:s10], [sflag:s19] =	dma.local [hbm:s17], $0x400  }
0x41: {  	s10 =	sld [smem:$0x7FA];
	_ =	sdelay $0x2  }
0x42: {  	[spmem:s10], [sflag:s19] =	dma.local [hbm:s17], $0x400  }
0x43: {  	s10 =	sld [smem:$0x7FB];
	_ =	sdelay $0x2  }
0x44: {  	[spmem:s10], [sflag:s19] =	dma.local [hbm:s17], $0x400  }
0x45: {  	s10 =	sld [smem:$0x7FC];
	_ =	sdelay $0x2  }
0x46: {  	[spmem:s10], [sflag:s19] =	dma.local [hbm:s17], $0x400  }
0x47: {  	s10 =	sld [smem:$0x7FD];
	_ =	sdelay $0x2  }
0x48: {  	[spmem:s10], [sflag:s19] =	dma.local [hbm:s17], $0x400  }
0x49: {  	_ =	swait.ge [sflag:s23], $0x400  }
0x4a: {  	[sflag:s23] =	ssyncset.done $0x0  }
0x4b: {  	[sflag:s23] =	ssyncadd.s32 $0xFFFFFC00  }
0x4c: {  	_ =	swait.ge [sflag:s23], $0x400  }
0x4d: {  	[sflag:s23] =	ssyncset.done $0x0  }
0x4e: {  	[sflag:s23] =	ssyncadd.s32 $0xFFFFFC00  }
0x4f: {  	_ =	swait.ge [sflag:s23], $0x400  }
0x50: {  	[sflag:s23] =	ssyncset.done $0x0  }
0x51: {  	[sflag:s23] =	ssyncadd.s32 $0xFFFFFC00  }
0x52: {  	_ =	swait.ge [sflag:s23], $0x400  }
0x53: {  	[sflag:s23] =	ssyncset.done $0x0  }
0x54: {  	[sflag:s23] =	ssyncadd.s32 $0xFFFFFC00  }
0x55: {  	_ =	swait.ge [sflag:s23], $0x400  }
0x56: {  	[sflag:s23] =	ssyncset.done $0x0  }
0x57: {  	[sflag:s23] =	ssyncadd.s32 $0xFFFFFC00  }
0x58: {  	_ =	swait.ge [sflag:s23], $0x400  }
0x59: {  	[sflag:s23] =	ssyncset.done $0x0  }
0x5a: {  	[sflag:s23] =	ssyncadd.s32 $0xFFFFFC00  }
0x5b: {  	_ =	swait.ge [sflag:s23], $0x400  }
0x5c: {  	[sflag:s23] =	ssyncset.done $0x0  }
0x5d: {  	[sflag:s23] =	ssyncadd.s32 $0xFFFFFC00  }
0x5e: {  	_ =	swait.ge [sflag:s23], $0x400  }
0x5f: {  	[sflag:s23] =	ssyncset.done $0x0  }
0x60: {  	[sflag:s23] =	ssyncadd.s32 $0xFFFFFC00  }
0x61: {  	_ =	swait.ge [sflag:s23], $0x400  }
0x62: {  	[sflag:s23] =	ssyncset.done $0x0  }
0x63: {  	[sflag:s23] =	ssyncadd.s32 $0xFFFFFC00  }
0x64: {  	_ =	swait.ge [sflag:s23], $0x400  }
0x65: {  	[sflag:s23] =	ssyncset.done $0x0  }
0x66: {  	[sflag:s23] =	ssyncadd.s32 $0xFFFFFC00  }
0x67: {  	[bflag:$0x0] =	sbarrier.arrive $0xFFFF  }
0x68: {  	s21 =	rddreg [dreg:$0xe]  }
0x69: {  	[tilespmem:s1], [sflag:$0x8] =	stream.linear.gather [hbm4b:s21+s1], $0x80, $0x38;
	[tilespmem:$0x1E200] =	vst v63  }
0x6a: {  	_ =	swait.ge [sflag:s24], $0x80  }
0x6b: {  	[sflag:s24] =	ssyncset.done $0x0  }
0x6c: {  	s22 =	rddreg [dreg:$0xf];
	[sflag:s24] =	ssyncadd.s32 $0xFFFFFF80  }
0x6d: {  	[tilespmem:s25], [sflag:$0x8] =	stream.linear.gather [hbm4b:s22+s1], $0x80, $0x38;
	[tilespmem:$0x1E200] =	vst v63  }
0x6e: {  	_ =	swait.ge [sflag:s24], $0x80  }
0x6f: {  	[sflag:s24] =	ssyncset.done $0x0  }
0x70: {  	[sflag:s24] =	ssyncadd.s32 $0xFFFFFF80  }
0x71: {  	[tilespmem:s28], [sflag:$0x1] =	stream.indirect.gather [hbm4b:s15+s26], $0x80, s1, s26, $0xb8;
	[tilespmem:$0x1E200] =	vst v63  }
0x72: {  	s12 =	rddreg [dreg:$0x10]  }
0x73: {  	[tilespmem:s26], [sflag:$0x4] =	stream.linear.gather [hbm4b:s12+s1], $0x80, $0x38;
	[tilespmem:$0x1E200] =	vst v63  }
0x74: {  	s20 =	rddreg [dreg:$0x11]  }
0x75: {  	[tilespmem:s29], [sflag:$0x6] =	stream.linear.gather [hbm4b:s20+s1], $0x80, $0x38;
	[tilespmem:$0x1E200] =	vst v63  }
0x76: {  	_ =	swait.ge [sflag:s30], $0x80  }
0x77: {  	[sflag:s30] =	ssyncset.done $0x0  }
0x78: {  	[sflag:s30] =	ssyncadd.s32 $0xFFFFFF80  }
0x79: {  	_ =	swait.ge [sflag:s31], $0x80  }
0x7a: {  	[sflag:s31] =	ssyncset.done $0x0  }
0x7b: {  	[sflag:s31] =	ssyncadd.s32 $0xFFFFFF80  }
0x7c: {  	[tilespmem:s11], [sflag:$0x2] =	stream.indirect.gather [hbm4b:s15+s26], $0x80, s26, s26, $0xb8;
	[tilespmem:$0x1E200] =	vst v63  }
0x7d: {  	_ =	swait.ge [sflag:s0], $0x4000  }
0x7e: {  	[sflag:s0] =	ssyncset.done $0x0  }
0x7f: {  	[sflag:s0] =	ssyncadd.s32 $0xFFFFC000  }
0x80: {  	[spmem:s14] =	stream.indirect.scatter.add.f32 [tilespmem:s28], [sflag:$0x8], $0x80, s25, s26, $0xb8;
	[tilespmem:$0x1E200] =	vst v63  }
0x81: {  	_ =	swait.ge [sflag:s24], $0x4000  }
0x82: {  	s21 =	sshrl.u32 s5, $0x3;
	[sflag:s24] =	ssyncset.done $0x0  }
0x83: {  	s12 =	sadd.s32 s13, s21;
	[sflag:s24] =	ssyncadd.s32 $0xFFFFC000  }
0x84: {  	[tilespmem:s1], [sflag:$0x3] =	stream.linear.gather [hbm4b:s12+s1], $0x80, $0x38;
	[tilespmem:$0x1E200] =	vst v63  }
0x85: {  	s10 =	sadd.s32 s16, s21  }
0x86: {  	[tilespmem:s25], [sflag:$0x5] =	stream.linear.gather [hbm4b:s10+s1], $0x80, $0x38;
	[tilespmem:$0x1E200] =	vst v63  }
0x87: {  	_ =	swait.ge [sflag:s2], $0x80  }
0x88: {  	[sflag:s2] =	ssyncset.done $0x0  }
0x89: {  	[sflag:s2] =	ssyncadd.s32 $0xFFFFFF80  }
0x8a: {  	_ =	swait.ge [sflag:s6], $0x80  }
0x8b: {  	[sflag:s6] =	ssyncset.done $0x0  }
0x8c: {  	[sflag:s6] =	ssyncadd.s32 $0xFFFFFF80  }
0x8d: {  	[tilespmem:s28], [sflag:$0x1] =	stream.indirect.gather [hbm4b:s15+s26], $0x80, s1, s26, $0xb8;
	[tilespmem:$0x1E200] =	vst v63  }
0x8e: {  	_ =	swait.ge [sflag:s7], $0x4000  }
0x8f: {  	[sflag:s7] =	ssyncset.done $0x0  }
0x90: {  	[sflag:s7] =	ssyncadd.s32 $0xFFFFC000  }
0x91: {  	[spmem:s14] =	stream.indirect.scatter.add.f32 [tilespmem:s11], [sflag:$0x8], $0x80, s29, s26, $0xb8;
	[tilespmem:$0x1E200] =	vst v63  }
0x92: {  	_ =	swait.ge [sflag:s24], $0x4000  }
0x93: {  	s22 =	sadd.s32 $0x0, s4;
	s20 =	sadd.s32 $0x0, s3;
	[sflag:s24] =	ssyncset.done $0x0  }
0x94: {  	s12 =	sadd.s32 $0x100, s5;
	s10 =	simm.s32 $0x20;
	[sflag:s24] =	ssyncadd.s32 $0xFFFFC000  }
0x95: {  	[tilespmem:s26], [sflag:$0x4] =	stream.linear.gather [hbm4b:s22+s1], $0x80, $0x38;
	[tilespmem:$0x1E200] =	vst v63  }
.LBB2_2:
0x96: {  	[tilespmem:s29], [sflag:$0x6] =	stream.linear.gather [hbm4b:s20+s1], $0x80, $0x38;
	[tilespmem:$0x1E200] =	vst v63  }
0x97: {  	s20 =	smov.u32 s10  }
0x98: {  	p0 =	sne.s32 s10, $0x5A0;
	s10 =	sadd.s32 $0x20, s10;
	_ =	swait.ge [sflag:s30], $0x80  }
0x99: {  	[sflag:s30] =	ssyncset.done $0x0  }
0x9a: {  	[sflag:s30] =	ssyncadd.s32 $0xFFFFFF80  }
0x9b: {  	_ =	swait.ge [sflag:s31], $0x80  }
0x9c: {  	[sflag:s31] =	ssyncset.done $0x0  }
0x9d: {  	[sflag:s31] =	ssyncadd.s32 $0xFFFFFF80  }
0x9e: {  	[tilespmem:s11], [sflag:$0x2] =	stream.indirect.gather [hbm4b:s15+s26], $0x80, s26, s26, $0xb8;
	[tilespmem:$0x1E200] =	vst v63  }
0x9f: {  	_ =	swait.ge [sflag:s0], $0x4000  }
0xa0: {  	[sflag:s0] =	ssyncset.done $0x0  }
0xa1: {  	[sflag:s0] =	ssyncadd.s32 $0xFFFFC000  }
0xa2: {  	[spmem:s14] =	stream.indirect.scatter.add.f32 [tilespmem:s28], [sflag:$0x8], $0x80, s25, s26, $0xb8;
	[tilespmem:$0x1E200] =	vst v63  }
0xa3: {  	_ =	swait.ge [sflag:s24], $0x4000  }
0xa4: {  	s21 =	sshrl.u32 s12, $0x3;
	[sflag:s24] =	ssyncset.done $0x0  }
0xa5: {  	s22 =	sadd.s32 s13, s21;
	[sflag:s24] =	ssyncadd.s32 $0xFFFFC000  }
0xa6: {  	[tilespmem:s1], [sflag:$0x3] =	stream.linear.gather [hbm4b:s22+s1], $0x80, $0x38;
	[tilespmem:$0x1E200] =	vst v63  }
0xa7: {  	s21 =	sadd.s32 s16, s21  }
0xa8: {  	[tilespmem:s25], [sflag:$0x5] =	stream.linear.gather [hbm4b:s21+s1], $0x80, $0x38;
	[tilespmem:$0x1E200] =	vst v63  }
0xa9: {  	_ =	swait.ge [sflag:s2], $0x80  }
0xaa: {  	[sflag:s2] =	ssyncset.done $0x0  }
0xab: {  	[sflag:s2] =	ssyncadd.s32 $0xFFFFFF80  }
0xac: {  	_ =	swait.ge [sflag:s6], $0x80  }
0xad: {  	[sflag:s6] =	ssyncset.done $0x0  }
0xae: {  	[sflag:s6] =	ssyncadd.s32 $0xFFFFFF80  }
0xaf: {  	[tilespmem:s28], [sflag:$0x1] =	stream.indirect.gather [hbm4b:s15+s26], $0x80, s1, s26, $0xb8;
	[tilespmem:$0x1E200] =	vst v63  }
0xb0: {  	_ =	swait.ge [sflag:s7], $0x4000  }
0xb1: {  	[sflag:s7] =	ssyncset.done $0x0  }
0xb2: {  	[sflag:s7] =	ssyncadd.s32 $0xFFFFC000  }
0xb3: {  	[spmem:s14] =	stream.indirect.scatter.add.f32 [tilespmem:s11], [sflag:$0x8], $0x80, s29, s26, $0xb8;
	[tilespmem:$0x1E200] =	vst v63  }
.Ltmp0:
0xb4: {  	_ =	swait.ge [sflag:s24], $0x4000;
	(pc) =	sbr.rel @p0 .LBB2_2-.Ltmp0, $4  }
0xb5: {  	[sflag:s24] =	ssyncset.done $0x0  }
0xb6: {  	s21 =	sadd.s32 s20, s4;
	[sflag:s24] =	ssyncadd.s32 $0xFFFFC000  }
0xb7: {  	[tilespmem:s26], [sflag:$0x4] =	stream.linear.gather [hbm4b:s21+s1], $0x80, $0x38;
	[tilespmem:$0x1E200] =	vst v63  }
0xb8: {  	s12 =	sadd.s32 $0x100, s12;
	s20 =	sadd.s32 s20, s3  }
0xb9: {  	[tilespmem:s29], [sflag:$0x6] =	stream.linear.gather [hbm4b:s20+s1], $0x80, $0x38;
	[tilespmem:$0x1E200] =	vst v63  }
0xba: {  	_ =	swait.ge [sflag:s30], $0x80  }
0xbb: {  	[sflag:s30] =	ssyncset.done $0x0  }
0xbc: {  	[sflag:s30] =	ssyncadd.s32 $0xFFFFFF80  }
0xbd: {  	_ =	swait.ge [sflag:s31], $0x80  }
0xbe: {  	[sflag:s31] =	ssyncset.done $0x0  }
0xbf: {  	[sflag:s31] =	ssyncadd.s32 $0xFFFFFF80  }
0xc0: {  	[tilespmem:s11], [sflag:$0x2] =	stream.indirect.gather [hbm4b:s15+s26], $0x80, s26, s26, $0xb8;
	[tilespmem:$0x1E200] =	vst v63  }
0xc1: {  	_ =	swait.ge [sflag:s0], $0x4000  }
0xc2: {  	[sflag:s0] =	ssyncset.done $0x0  }
0xc3: {  	[sflag:s0] =	ssyncadd.s32 $0xFFFFC000  }
0xc4: {  	[spmem:s14] =	stream.indirect.scatter.add.f32 [tilespmem:s28], [sflag:$0x8], $0x80, s25, s26, $0xb8;
	[tilespmem:$0x1E200] =	vst v63  }
0xc5: {  	_ =	swait.ge [sflag:s24], $0x4000  }
0xc6: {  	[sflag:s24] =	ssyncset.done $0x0  }
0xc7: {  	[sflag:s24] =	ssyncadd.s32 $0xFFFFC000  }
0xc8: {  	_ =	swait.ge [sflag:s7], $0x4000  }
0xc9: {  	[sflag:s7] =	ssyncset.done $0x0  }
0xca: {  	[sflag:s7] =	ssyncadd.s32 $0xFFFFC000  }
0xcb: {  	[spmem:s14] =	stream.indirect.scatter.add.f32 [tilespmem:s11], [sflag:$0x8], $0x80, s29, s26, $0xb8;
	[tilespmem:$0x1E200] =	vst v63  }
0xcc: {  	_ =	swait.ge [sflag:s24], $0x4000  }
0xcd: {  	[sflag:s24] =	ssyncset.done $0x0  }
0xce: {  	[sflag:s24] =	ssyncadd.s32 $0xFFFFC000  }
0xcf: {  	[bflag:$0x0] =	sbarrier.arrive $0xFFFF  }
0xd0: {  	[tilespmem:s8], [sflag:$0x8] =	stream.linear.gather [spmem:s18], $0x2000, $0x38;
	[tilespmem:$0x1E200] =	vst v63  }
0xd1: {  	_ =	swait.ge [sflag:s24], $0x2000  }
0xd2: {  	[sflag:s24] =	ssyncset.done $0x0  }
0xd3: {  	s10 =	rddreg [dreg:$0x4];
	[sflag:s24] =	ssyncadd.s32 $0xFFFFE000  }
0xd4: {  	[hbm4b:s10+s1] =	stream.linear.scatter [tilespmem:s8], [sflag:$0x8], $0x2000, $0x38;
	[tilespmem:$0x1E200] =	vst v63  }
0xd5: {  	_ =	swait.ge [sflag:s24], $0x2000  }
0xd6: {  	[sflag:s24] =	ssyncset.done $0x0  }
0xd7: {  	s20 =	rddreg [dreg:$0x13];
	[sflag:s24] =	ssyncadd.s32 $0xFFFFE000  }
0xd8: {  	[tilespmem:s8], [sflag:$0x8] =	stream.linear.gather [spmem:s20], $0x2000, $0x38;
	[tilespmem:$0x1E200] =	vst v63  }
0xd9: {  	_ =	swait.ge [sflag:s24], $0x2000  }
0xda: {  	[sflag:s24] =	ssyncset.done $0x0  }
0xdb: {  	s21 =	rddreg [dreg:$0x5];
	[sflag:s24] =	ssyncadd.s32 $0xFFFFE000  }
0xdc: {  	[hbm4b:s21+s1] =	stream.linear.scatter [tilespmem:s8], [sflag:$0x8], $0x2000, $0x38;
	[tilespmem:$0x1E200] =	vst v63  }
0xdd: {  	_ =	swait.ge [sflag:s24], $0x2000  }
0xde: {  	[sflag:s24] =	ssyncset.done $0x0  }
0xdf: {  	s22 =	rddreg [dreg:$0x14];
	[sflag:s24] =	ssyncadd.s32 $0xFFFFE000  }
0xe0: {  	[tilespmem:s8], [sflag:$0x8] =	stream.linear.gather [spmem:s22], $0x2000, $0x38;
	[tilespmem:$0x1E200] =	vst v63  }
0xe1: {  	_ =	swait.ge [sflag:s24], $0x2000  }
0xe2: {  	[sflag:s24] =	ssyncset.done $0x0  }
0xe3: {  	s12 =	rddreg [dreg:$0x6];
	[sflag:s24] =	ssyncadd.s32 $0xFFFFE000  }
0xe4: {  	[hbm4b:s12+s1] =	stream.linear.scatter [tilespmem:s8], [sflag:$0x8], $0x2000, $0x38;
	[tilespmem:$0x1E200] =	vst v63  }
0xe5: {  	_ =	swait.ge [sflag:s24], $0x2000  }
0xe6: {  	[sflag:s24] =	ssyncset.done $0x0  }
0xe7: {  	s20 =	rddreg [dreg:$0x15];
	[sflag:s24] =	ssyncadd.s32 $0xFFFFE000  }
0xe8: {  	[tilespmem:s8], [sflag:$0x8] =	stream.linear.gather [spmem:s20], $0x2000, $0x38;
	[tilespmem:$0x1E200] =	vst v63  }
0xe9: {  	_ =	swait.ge [sflag:s24], $0x2000  }
0xea: {  	[sflag:s24] =	ssyncset.done $0x0  }
0xeb: {  	s21 =	rddreg [dreg:$0x7];
	[sflag:s24] =	ssyncadd.s32 $0xFFFFE000  }
0xec: {  	[hbm4b:s21+s1] =	stream.linear.scatter [tilespmem:s8], [sflag:$0x8], $0x2000, $0x38;
	[tilespmem:$0x1E200] =	vst v63  }
0xed: {  	_ =	swait.ge [sflag:s24], $0x2000  }
0xee: {  	[sflag:s24] =	ssyncset.done $0x0  }
0xef: {  	s22 =	rddreg [dreg:$0x16];
	[sflag:s24] =	ssyncadd.s32 $0xFFFFE000  }
0xf0: {  	[tilespmem:s8], [sflag:$0x8] =	stream.linear.gather [spmem:s22], $0x2000, $0x38;
	[tilespmem:$0x1E200] =	vst v63  }
0xf1: {  	_ =	swait.ge [sflag:s24], $0x2000  }
0xf2: {  	[sflag:s24] =	ssyncset.done $0x0  }
0xf3: {  	s12 =	rddreg [dreg:$0x8];
	[sflag:s24] =	ssyncadd.s32 $0xFFFFE000  }
0xf4: {  	[hbm4b:s12+s1] =	stream.linear.scatter [tilespmem:s8], [sflag:$0x8], $0x2000, $0x38;
	[tilespmem:$0x1E200] =	vst v63  }
0xf5: {  	_ =	swait.ge [sflag:s24], $0x2000  }
0xf6: {  	[sflag:s24] =	ssyncset.done $0x0  }
0xf7: {  	s20 =	rddreg [dreg:$0x17];
	[sflag:s24] =	ssyncadd.s32 $0xFFFFE000  }
0xf8: {  	[tilespmem:s8], [sflag:$0x8] =	stream.linear.gather [spmem:s20], $0x2000, $0x38;
	[tilespmem:$0x1E200] =	vst v63  }
0xf9: {  	_ =	swait.ge [sflag:s24], $0x2000  }
0xfa: {  	[sflag:s24] =	ssyncset.done $0x0  }
0xfb: {  	s21 =	rddreg [dreg:$0x9];
	[sflag:s24] =	ssyncadd.s32 $0xFFFFE000  }
0xfc: {  	[hbm4b:s21+s1] =	stream.linear.scatter [tilespmem:s8], [sflag:$0x8], $0x2000, $0x38;
	[tilespmem:$0x1E200] =	vst v63  }
0xfd: {  	_ =	swait.ge [sflag:s24], $0x2000  }
0xfe: {  	[sflag:s24] =	ssyncset.done $0x0  }
0xff: {  	s22 =	rddreg [dreg:$0x18];
	[sflag:s24] =	ssyncadd.s32 $0xFFFFE000  }
0x100: {  	[tilespmem:s8], [sflag:$0x8] =	stream.linear.gather [spmem:s22], $0x2000, $0x38;
	[tilespmem:$0x1E200] =	vst v63  }
0x101: {  	_ =	swait.ge [sflag:s24], $0x2000  }
0x102: {  	[sflag:s24] =	ssyncset.done $0x0  }
0x103: {  	s12 =	rddreg [dreg:$0xa];
	[sflag:s24] =	ssyncadd.s32 $0xFFFFE000  }
0x104: {  	[hbm4b:s12+s1] =	stream.linear.scatter [tilespmem:s8], [sflag:$0x8], $0x2000, $0x38;
	[tilespmem:$0x1E200] =	vst v63  }
0x105: {  	_ =	swait.ge [sflag:s24], $0x2000  }
0x106: {  	[sflag:s24] =	ssyncset.done $0x0  }
0x107: {  	s20 =	rddreg [dreg:$0x19];
	[sflag:s24] =	ssyncadd.s32 $0xFFFFE000  }
0x108: {  	[tilespmem:s8], [sflag:$0x8] =	stream.linear.gather [spmem:s20], $0x2000, $0x38;
	[tilespmem:$0x1E200] =	vst v63  }
0x109: {  	_ =	swait.ge [sflag:s24], $0x2000  }
0x10a: {  	[sflag:s24] =	ssyncset.done $0x0  }
0x10b: {  	s21 =	rddreg [dreg:$0xb];
	[sflag:s24] =	ssyncadd.s32 $0xFFFFE000  }
0x10c: {  	[hbm4b:s21+s1] =	stream.linear.scatter [tilespmem:s8], [sflag:$0x8], $0x2000, $0x38;
	[tilespmem:$0x1E200] =	vst v63  }
0x10d: {  	_ =	swait.ge [sflag:s24], $0x2000  }
0x10e: {  	[sflag:s24] =	ssyncset.done $0x0  }
0x10f: {  	s22 =	rddreg [dreg:$0x1a];
	[sflag:s24] =	ssyncadd.s32 $0xFFFFE000  }
0x110: {  	[tilespmem:s8], [sflag:$0x8] =	stream.linear.gather [spmem:s22], $0x2000, $0x38;
	[tilespmem:$0x1E200] =	vst v63  }
0x111: {  	_ =	swait.ge [sflag:s24], $0x2000  }
0x112: {  	[sflag:s24] =	ssyncset.done $0x0  }
0x113: {  	s12 =	rddreg [dreg:$0xc];
	[sflag:s24] =	ssyncadd.s32 $0xFFFFE000  }
0x114: {  	[hbm4b:s12+s1] =	stream.linear.scatter [tilespmem:s8], [sflag:$0x8], $0x2000, $0x38;
	[tilespmem:$0x1E200] =	vst v63  }
0x115: {  	_ =	swait.ge [sflag:s24], $0x2000  }
0x116: {  	[sflag:s24] =	ssyncset.done $0x0  }
0x117: {  	s20 =	rddreg [dreg:$0x1b];
	[sflag:s24] =	ssyncadd.s32 $0xFFFFE000  }
0x118: {  	[tilespmem:s8], [sflag:$0x8] =	stream.linear.gather [spmem:s20], $0x2000, $0x38;
	[tilespmem:$0x1E200] =	vst v63  }
0x119: {  	_ =	swait.ge [sflag:s24], $0x2000  }
0x11a: {  	[sflag:s24] =	ssyncset.done $0x0  }
0x11b: {  	s21 =	rddreg [dreg:$0xd];
	[sflag:s24] =	ssyncadd.s32 $0xFFFFE000  }
0x11c: {  	[hbm4b:s21+s1] =	stream.linear.scatter [tilespmem:s8], [sflag:$0x8], $0x2000, $0x38;
	[tilespmem:$0x1E200] =	vst v63  }
0x11d: {  	_ =	swait.ge [sflag:s24], $0x2000  }
0x11e: {  	s9 =	sadd.s32 $0x1, s9;
	s22 =	rddreg [dreg:$0x12]  }
0x11f: {  	p0 =	sne.s32 s9, s22  }
.Ltmp1:
0x120: {  	_ = 	snop;
	(pc) =	sbr.rel @p0 .LBB2_1-.Ltmp1, $3  }
0x121: {  	_ =	sdelay $0x1  }
0x122: {  	[sflag:s24] =	ssyncset.done $0x0  }
0x123: {  	[sflag:s24] =	ssyncadd.s32 $0xFFFFE000  }
0x124: {  	_ =	sfence.sel $0x180000  }
0x125: {  	[bflag:$0x0] =	sbarrier.arrive $0xFFFF  }
0x126: {  	_ =	strace $0x90000053  }
0x127: {  	s0 =	stileid.u32;
	[bflag:$0x2] =	sbarrier.arrive $0xFFFF  }
0x128: {  	p0 =	sne.s32 s0, $0x0;
	s0 =	rddreg [dreg:$0x3]  }
0x129: {  	s0 =	sadd.s32 @!p0 $0x100000, s0  }
0x12a: {  	[sflag:s0] =	ssyncadd.tile.s32 @!p0 $0x1;
	_ =	shalt  }
.Lfunc_end2:
_tile_overlayer_lowered:
.L_overlay_start_2:
0x12b: {  	(tag) =	ssettag $0x2  }
0x12c: {  	s0 =	rddreg [dreg:$0x0];
	s2 =	stileid.u32  }
0x12d: {  	s1 =	rddreg [dreg:$0x1];
	p0 =	sne.s32 s2, $0x0  }
0x12e: {  	s3 =	rddreg [dreg:$0x2];
	[bflag:$0x3] =	sbarrier.arrive $0xFFFF;
	s2 =	simm.s32 @!p0 $0x1C08  }
0x12f: {  	[timem:s3], [sflag:s2] =	dma.local @!p0 [hbm:s0], s1  }
0x130: {  	s0 =	simm.s32 @!p0 $0x8  }
0x131: {  	_ =	swait.ge @!p0 [sflag:s0], s1  }
0x132: {  	s1 =	ssub.s32 @!p0 $0x0, s1;
	[sflag:s0] =	ssyncset.done @!p0 $0x0  }
0x133: {  	[sflag:s0] =	ssyncadd.s32 @!p0 s1  }
0x134: {  	[bflag:$0x3] =	sbarrier.arrive $0xFFFF  }
0x135: {  	_ =	shalt  }

</sc_bundles>
